<compile_context>
chip_gen: v7x
topology: tpu7x:2x2x1
jax: 0.10.2.dev20260603
libtpu: 0.0.44.dev20260713+nightly
codegen_flags: <defaults>
</compile_context>

<pallas_src>
import functools

import jax
import jax.numpy as jnp
from jax import lax
from jax.experimental import pallas as pl
from jax.experimental.pallas import tpu as pltpu
from jax.experimental.pallas import tpu_sc as plsc

VOCAB = 100000
D = 64
NSTATE = 4
B = 4096
S = 200
TOKENS = B * S

NC = 2
NSUB = 16
L = 16
NW = NC * NSUB
TPW = TOKENS // NW
CH = 128
NCHUNK = TPW // CH

_F32 = jnp.float32
_I32 = jnp.int32


def _rsqrt(x):
    i = plsc.bitcast(x, _I32)
    i = jnp.int32(0x5F3759DF) - lax.shift_right_logical(i, 1)
    y = plsc.bitcast(i, _F32)
    for _ in range(2):
        y = y * (1.5 - 0.5 * x * y * y)
    return y


def _body(ids, table, sm, pos, tte, gamma, beta, out_emb, out_unc,
          padd_v, sm_v, tte_v, gam_v, bet_v,
          idx0_v, idx1_v, rows0_v, rows1_v, emb0_v, emb1_v, sbuf_v,
          unc0_v, unc1_v, tbuf_v, t2buf_v, mu_v, rstd_v,
          gsem0, gsem1, isem0, isem1, osem0, osem1, usem0, usem1):
    cid = lax.axis_index("c")
    sid = lax.axis_index("s")
    wid = sid * NC + cid
    t0 = wid * TPW

    pltpu.sync_copy(pos, padd_v)
    pltpu.sync_copy(sm, sm_v)
    pltpu.sync_copy(tte, tte_v)
    pltpu.sync_copy(gamma, gam_v)
    pltpu.sync_copy(beta, bet_v)

    iota = lax.iota(_I32, L)
    lm = lax.rem(iota, 4)
    smv = sm_v[...]
    zeros = jnp.zeros((L,), _F32)
    w = [jnp.full((L,), jnp.sum(jnp.where(lm == j, smv, zeros)) * 0.25, _F32)
         for j in range(4)]
    ttek = [tte_v[pl.ds(L * k, L)] for k in range(4)]
    gk = [gam_v[pl.ds(L * k, L)] for k in range(4)]
    bk = [bet_v[pl.ds(L * k, L)] for k in range(4)]
    lane0 = iota == 0

    def prow(s_, carry):
        for k in range(4):
            o = s_ * D + k * L
            padd_v[pl.ds(o, L)] = padd_v[pl.ds(o, L)] + ttek[k]
        return carry

    lax.fori_loop(0, S, prow, 0)

    idx_b = (idx0_v, idx1_v)
    rows_b = (rows0_v, rows1_v)
    emb_b = (emb0_v, emb1_v)
    unc_b = (unc0_v, unc1_v)
    gsem_b = (gsem0, gsem1)
    isem_b = (isem0, isem1)
    osem_b = (osem0, osem1)
    usem_b = (usem0, usem1)

    for b in (0, 1):
        pltpu.sync_copy(ids.at[pl.ds(t0 + b * CH, CH)], idx_b[b])
        pltpu.async_copy(table.at[idx_b[b]], rows_b[b], gsem_b[b])

    def run_chunk(b, c):
        tb = t0 + c * CH
        rows_v = rows_b[b]
        emb_v = emb_b[b]
        unc_v = unc_b[b]
        pltpu.make_async_copy(table.at[idx_b[b]], rows_v, gsem_b[b]).wait()

        @pl.when(c + 2 < NCHUNK)
        def _():
            pltpu.async_copy(ids.at[pl.ds(tb + 2 * CH, CH)], idx_b[b],
                             isem_b[b])

        @pl.when(c >= 2)
        def _():
            pltpu.make_async_copy(
                emb_v, out_emb.at[pl.ds(tb - 2 * CH, CH)], osem_b[b]).wait()
            pltpu.make_async_copy(
                unc_v, out_unc.at[pl.ds(tb - 2 * CH, CH)], usem_b[b]).wait()

        @plsc.parallel_loop(0, CH, unroll=8)
        def tok(i):
            s = lax.rem(tb + i, S)
            T = zeros
            T2 = zeros
            U = zeros
            for k in range(4):
                xs = [rows_v[i, pl.ds(j * D + k * L, L)] for j in range(4)]
                word = xs[0] * w[0] + xs[1] * w[1] + xs[2] * w[2] + xs[3] * w[3]
                sm4 = xs[0] + xs[1] + xs[2] + xs[3]
                ss4 = xs[0] * xs[0] + xs[1] * xs[1] + xs[2] * xs[2] + xs[3] * xs[3]
                var = ss4 * (1.0 / 3.0) - sm4 * sm4 * (1.0 / 12.0)
                U = U + var * var
                e = word + padd_v[pl.ds(s * D + k * L, L)]
                emb_v[i, pl.ds(k * L, L)] = e
                T = T + e
                T2 = T2 + e * e
            ifull = jnp.full((L,), i, _I32)
            plsc.store_scatter(tbuf_v, [ifull],
                               jnp.full((L,), jnp.sum(T), _F32), mask=lane0)
            plsc.store_scatter(t2buf_v, [ifull],
                               jnp.full((L,), jnp.sum(T2), _F32), mask=lane0)
            plsc.store_scatter(sbuf_v, [ifull],
                               jnp.full((L,), jnp.sum(U), _F32), mask=lane0)

        @plsc.parallel_loop(0, CH // L, unroll=2)
        def stat_pass(g):
            Tv = tbuf_v[pl.ds(g * L, L)]
            T2v = t2buf_v[pl.ds(g * L, L)]
            mu = Tv * (1.0 / 64.0)
            varln = jnp.maximum(T2v * (1.0 / 64.0) - mu * mu, 0.0) + 1e-12
            mu_v[pl.ds(g * L, L)] = mu
            rstd_v[pl.ds(g * L, L)] = _rsqrt(varln)
            v = sbuf_v[pl.ds(g * L, L)]
            unc_v[pl.ds(g * L, L)] = v * _rsqrt(jnp.maximum(v, 1e-30))

        @plsc.parallel_loop(0, CH, unroll=8)
        def tok_norm(i):
            ifull = jnp.full((L,), i, _I32)
            musp = plsc.load_gather(mu_v, [ifull])
            rssp = plsc.load_gather(rstd_v, [ifull])
            for k in range(4):
                e = emb_v[i, pl.ds(k * L, L)]
                emb_v[i, pl.ds(k * L, L)] = (e - musp) * (rssp * gk[k]) + bk[k]

        pltpu.async_copy(emb_v, out_emb.at[pl.ds(tb, CH)], osem_b[b])
        pltpu.async_copy(unc_v, out_unc.at[pl.ds(tb, CH)], usem_b[b])

        @pl.when(c + 2 < NCHUNK)
        def _():
            pltpu.make_async_copy(ids.at[pl.ds(tb + 2 * CH, CH)], idx_b[b],
                                  isem_b[b]).wait()
            pltpu.async_copy(table.at[idx_b[b]], rows_b[b], gsem_b[b])

    def pair_body(p, carry):
        for b in (0, 1):
            run_chunk(b, 2 * p + b)
        return carry

    lax.fori_loop(0, NCHUNK // 2, pair_body, 0)

    for b in (0, 1):
        tl = t0 + (NCHUNK - 2 + b) * CH
        pltpu.make_async_copy(
            emb_b[b], out_emb.at[pl.ds(tl, CH)], osem_b[b]).wait()
        pltpu.make_async_copy(
            unc_b[b], out_unc.at[pl.ds(tl, CH)], usem_b[b]).wait()


@jax.jit
def _run(ids, table, sm_flat, pos_flat, tte0, ln_gamma, ln_beta):
    mesh = plsc.VectorSubcoreMesh(core_axis_name="c", subcore_axis_name="s",
                                  num_cores=NC, num_subcores=NSUB)
    kern = pl.kernel(
        _body,
        out_type=[
            jax.ShapeDtypeStruct((TOKENS, D), _F32),
            jax.ShapeDtypeStruct((TOKENS,), _F32),
        ],
        mesh=mesh,
        compiler_params=pltpu.CompilerParams(needs_layout_passes=False),
        scratch_types=[
            pltpu.VMEM((S * D,), _F32),
            pltpu.VMEM((16,), _F32),
            pltpu.VMEM((D,), _F32),
            pltpu.VMEM((D,), _F32),
            pltpu.VMEM((D,), _F32),
            pltpu.VMEM((CH,), _I32),
            pltpu.VMEM((CH,), _I32),
            pltpu.VMEM((CH, NSTATE * D), _F32),
            pltpu.VMEM((CH, NSTATE * D), _F32),
            pltpu.VMEM((CH, D), _F32),
            pltpu.VMEM((CH, D), _F32),
            pltpu.VMEM((CH,), _F32),
            pltpu.VMEM((CH,), _F32),
            pltpu.VMEM((CH,), _F32),
            pltpu.VMEM((CH,), _F32),
            pltpu.VMEM((CH,), _F32),
            pltpu.VMEM((CH,), _F32),
            pltpu.VMEM((CH,), _F32),
        ] + [pltpu.SemaphoreType.DMA] * 8,
    )
    return kern(ids, table, sm_flat, pos_flat, tte0, ln_gamma, ln_beta)


def kernel(input_ids, state_embeddings, superposition_matrix,
           position_embeddings, token_type_embeddings, ln_gamma, ln_beta):
    ids = input_ids.reshape(-1)
    table = state_embeddings.reshape(VOCAB, NSTATE * D)
    sm_flat = superposition_matrix.reshape(-1)
    pos_flat = position_embeddings[:S].reshape(-1)
    tte0 = token_type_embeddings[0]
    emb, unc = _run(ids, table, sm_flat, pos_flat, tte0, ln_gamma, ln_beta)
    return emb.reshape(B, S, D), unc.reshape(B, S)

# --- scband reference (transcript-rebuilt; emitter-appended) ---
"""Pipeline reference for scband-quantum-embeddings-37211596653369 (READ-ONLY COPY).

The authoritative reference and input builder live on the scoring server;
editing this copy changes nothing except your own understanding.
"""

import jax, jax.numpy as jnp
import numpy as np

VOCAB = 100000
D = 64
NS = 4
MAXPOS = 512
TYPES = 2
B = 4096
S = 200


def setup_inputs(seed: int = 0) -> dict:
    key = jax.random.key(seed)
    k1, k2, k3, k4, k5 = jax.random.split(key, 5)
    input_ids = jax.random.randint(k1, (B, S), 0, VOCAB, dtype=jnp.int32)
    state_embeddings = jax.random.normal(k2, (VOCAB, NS, D), dtype=jnp.float32) * 0.1
    sm = jnp.eye(NS, dtype=jnp.float32) + jax.random.normal(k3, (NS, NS), dtype=jnp.float32) * 0.5
    sm = sm / jnp.linalg.norm(sm, axis=1, keepdims=True)
    position_embeddings = jax.random.normal(k4, (MAXPOS, D), dtype=jnp.float32)
    token_type_embeddings = jax.random.normal(k5, (TYPES, D), dtype=jnp.float32)
    ln_gamma = jnp.ones((D,), dtype=jnp.float32)
    ln_beta = jnp.zeros((D,), dtype=jnp.float32)
    return {
        "input_ids": input_ids,
        "state_embeddings": state_embeddings,
        "superposition_matrix": sm,
        "position_embeddings": position_embeddings,
        "token_type_embeddings": token_type_embeddings,
        "ln_gamma": ln_gamma,
        "ln_beta": ln_beta,
    }


def reference(input_ids, state_embeddings, superposition_matrix, position_embeddings, token_type_embeddings, ln_gamma, ln_beta):
    b, s = input_ids.shape
    # gather per-token quantum states: [B, S, NS, D]
    state_embeds = jnp.take(state_embeddings, input_ids, axis=0)
    # superposition: mix states with superposition matrix, then uniform-weight sum (== mean)
    mixed = jnp.einsum('ij,bsjd->bsid', superposition_matrix, state_embeds)
    word_embeddings = jnp.mean(mixed, axis=2)
    # uncertainty: norm of unbiased variance over states (torch.var default unbiased=True)
    variance = jnp.var(state_embeds, axis=2, ddof=1)
    uncertainty = jnp.linalg.norm(variance, axis=-1)
    # position + token type (token_type_ids default zeros)
    pos = jnp.take(position_embeddings, jnp.arange(s), axis=0)
    tte = token_type_embeddings[0]
    embeddings = word_embeddings + pos[None, :, :] + tte[None, None, :]
    # LayerNorm eps=1e-12 (biased variance)
    mu = jnp.mean(embeddings, axis=-1, keepdims=True)
    var = jnp.var(embeddings, axis=-1, keepdims=True)
    embeddings = (embeddings - mu) / jnp.sqrt(var + 1e-12) * ln_gamma + ln_beta
    # dropout is identity in eval mode
    return embeddings, uncertainty

if __name__ == "__main__":
    import jax
    _d = setup_inputs()
    print(jax.jit(kernel)(*tuple(_d.values())))

</pallas_src>

<mosaic_0001>
#map = affine_map<(d0, d1) -> (0)>
#map1 = affine_map<(d0, d1) -> (0, 0)>
module attributes {stable_mosaic.version = 14 : i64} {
  func.func @_body(%arg0: i32, %arg1: i32, %arg2: memref<819200xi32, #tpu.memory_space<hbm>>, %arg3: memref<100000x256xf32, #tpu.memory_space<hbm>>, %arg4: memref<16xf32, #tpu.memory_space<hbm>>, %arg5: memref<12800xf32, #tpu.memory_space<hbm>>, %arg6: memref<64xf32, #tpu.memory_space<hbm>>, %arg7: memref<64xf32, #tpu.memory_space<hbm>>, %arg8: memref<64xf32, #tpu.memory_space<hbm>>, %arg9: memref<819200x64xf32, #tpu.memory_space<hbm>>, %arg10: memref<819200xf32, #tpu.memory_space<hbm>>, %arg11: memref<12800xf32, #tpu.memory_space<vmem>>, %arg12: memref<16xf32, #tpu.memory_space<vmem>>, %arg13: memref<64xf32, #tpu.memory_space<vmem>>, %arg14: memref<64xf32, #tpu.memory_space<vmem>>, %arg15: memref<64xf32, #tpu.memory_space<vmem>>, %arg16: memref<128xi32, #tpu.memory_space<vmem>>, %arg17: memref<128xi32, #tpu.memory_space<vmem>>, %arg18: memref<128x256xf32, #tpu.memory_space<vmem>>, %arg19: memref<128x256xf32, #tpu.memory_space<vmem>>, %arg20: memref<128x64xf32, #tpu.memory_space<vmem>>, %arg21: memref<128x64xf32, #tpu.memory_space<vmem>>, %arg22: memref<128xf32, #tpu.memory_space<vmem>>, %arg23: memref<128xf32, #tpu.memory_space<vmem>>, %arg24: memref<128xf32, #tpu.memory_space<vmem>>, %arg25: memref<128xf32, #tpu.memory_space<vmem>>, %arg26: memref<128xf32, #tpu.memory_space<vmem>>, %arg27: memref<128xf32, #tpu.memory_space<vmem>>, %arg28: memref<128xf32, #tpu.memory_space<vmem>>, %arg29: memref<!tpu.dma_semaphore, #tpu.memory_space<semaphore_mem>>, %arg30: memref<!tpu.dma_semaphore, #tpu.memory_space<semaphore_mem>>, %arg31: memref<!tpu.dma_semaphore, #tpu.memory_space<semaphore_mem>>, %arg32: memref<!tpu.dma_semaphore, #tpu.memory_space<semaphore_mem>>, %arg33: memref<!tpu.dma_semaphore, #tpu.memory_space<semaphore_mem>>, %arg34: memref<!tpu.dma_semaphore, #tpu.memory_space<semaphore_mem>>, %arg35: memref<!tpu.dma_semaphore, #tpu.memory_space<semaphore_mem>>, %arg36: memref<!tpu.dma_semaphore, #tpu.memory_space<semaphore_mem>>) attributes {dimension_semantics = [#tpu.dimension_semantics<core_parallel>, #tpu.dimension_semantics<subcore_parallel>], iteration_bounds = array<i64: 2, 16>, scalar_prefetch = 0 : i64, scratch_operands = 26 : i64, tpu.core_type = #tpu.core_type<sc_vector_subcore>, window_params = [{transform_indices = #map}, {transform_indices = #map1}, {transform_indices = #map}, {transform_indices = #map}, {transform_indices = #map}, {transform_indices = #map}, {transform_indices = #map}, {transform_indices = #map1}, {transform_indices = #map}]} {
    %mul3A = arith.constant 2 : i32
    %mul3A_0 = arith.muli %arg1, %mul3A : i32
    %add3A = arith.addi %mul3A_0, %arg0 : i32
    %mul3A_1 = arith.constant 25600 : i32
    %mul3A_2 = arith.muli %add3A, %mul3A_1 : i32
    "tpu.region"() ({
      %run_scoped3A = tpu.sem_alloc : memref<!tpu.dma_semaphore, #tpu.memory_space<semaphore_mem>>
      tpu.enqueue_dma source(%arg5 : memref<12800xf32, #tpu.memory_space<hbm>>) target(%arg11 : memref<12800xf32, #tpu.memory_space<vmem>>) target_semaphore(%run_scoped3A : memref<!tpu.dma_semaphore, #tpu.memory_space<semaphore_mem>>)
      tpu.wait_dma2 semaphore(%run_scoped3A : memref<!tpu.dma_semaphore, #tpu.memory_space<semaphore_mem>>) src(%arg5 : memref<12800xf32, #tpu.memory_space<hbm>>) dst(%arg11 : memref<12800xf32, #tpu.memory_space<vmem>>)
      tpu.yield
    }) : () -> ()
    "tpu.region"() ({
      %run_scoped3A = tpu.sem_alloc : memref<!tpu.dma_semaphore, #tpu.memory_space<semaphore_mem>>
      tpu.enqueue_dma source(%arg4 : memref<16xf32, #tpu.memory_space<hbm>>) target(%arg12 : memref<16xf32, #tpu.memory_space<vmem>>) target_semaphore(%run_scoped3A : memref<!tpu.dma_semaphore, #tpu.memory_space<semaphore_mem>>)
      tpu.wait_dma2 semaphore(%run_scoped3A : memref<!tpu.dma_semaphore, #tpu.memory_space<semaphore_mem>>) src(%arg4 : memref<16xf32, #tpu.memory_space<hbm>>) dst(%arg12 : memref<16xf32, #tpu.memory_space<vmem>>)
      tpu.yield
    }) : () -> ()
    "tpu.region"() ({
      %run_scoped3A = tpu.sem_alloc : memref<!tpu.dma_semaphore, #tpu.memory_space<semaphore_mem>>
      tpu.enqueue_dma source(%arg6 : memref<64xf32, #tpu.memory_space<hbm>>) target(%arg13 : memref<64xf32, #tpu.memory_space<vmem>>) target_semaphore(%run_scoped3A : memref<!tpu.dma_semaphore, #tpu.memory_space<semaphore_mem>>)
      tpu.wait_dma2 semaphore(%run_scoped3A : memref<!tpu.dma_semaphore, #tpu.memory_space<semaphore_mem>>) src(%arg6 : memref<64xf32, #tpu.memory_space<hbm>>) dst(%arg13 : memref<64xf32, #tpu.memory_space<vmem>>)
      tpu.yield
    }) : () -> ()
    "tpu.region"() ({
      %run_scoped3A = tpu.sem_alloc : memref<!tpu.dma_semaphore, #tpu.memory_space<semaphore_mem>>
      tpu.enqueue_dma source(%arg7 : memref<64xf32, #tpu.memory_space<hbm>>) target(%arg14 : memref<64xf32, #tpu.memory_space<vmem>>) target_semaphore(%run_scoped3A : memref<!tpu.dma_semaphore, #tpu.memory_space<semaphore_mem>>)
      tpu.wait_dma2 semaphore(%run_scoped3A : memref<!tpu.dma_semaphore, #tpu.memory_space<semaphore_mem>>) src(%arg7 : memref<64xf32, #tpu.memory_space<hbm>>) dst(%arg14 : memref<64xf32, #tpu.memory_space<vmem>>)
      tpu.yield
    }) : () -> ()
    "tpu.region"() ({
      %run_scoped3A = tpu.sem_alloc : memref<!tpu.dma_semaphore, #tpu.memory_space<semaphore_mem>>
      tpu.enqueue_dma source(%arg8 : memref<64xf32, #tpu.memory_space<hbm>>) target(%arg15 : memref<64xf32, #tpu.memory_space<vmem>>) target_semaphore(%run_scoped3A : memref<!tpu.dma_semaphore, #tpu.memory_space<semaphore_mem>>)
      tpu.wait_dma2 semaphore(%run_scoped3A : memref<!tpu.dma_semaphore, #tpu.memory_space<semaphore_mem>>) src(%arg8 : memref<64xf32, #tpu.memory_space<hbm>>) dst(%arg15 : memref<64xf32, #tpu.memory_space<vmem>>)
      tpu.yield
    }) : () -> ()
    %iota3A = tpu.iota {dimensions = array<i32: 0>} : vector<16xi32>
    %rem3A = arith.constant 4 : i32
    %rem3A_3 = vector.broadcast %rem3A : i32 to vector<16xi32>
    %rem3A_4 = arith.remsi %iota3A, %rem3A_3 : vector<16xi32>
    %get3A = arith.constant 0 : index
    %get3A_5 = tpu.vector_load %arg12[%get3A] {strides = array<i32>} : memref<16xf32, #tpu.memory_space<vmem>>, vector<16xf32>,
    %broadcast_in_dim3A = arith.constant 0.000000e+00 : f32
    %broadcast_in_dim3A_6 = vector.broadcast %broadcast_in_dim3A : f32 to vector<16xf32>
    %eq3A = arith.constant 0 : i32
    %eq3A_7 = vector.broadcast %eq3A : i32 to vector<16xi32>
    %eq3A_8 = arith.cmpi eq, %rem3A_4, %eq3A_7 : vector<16xi32>
    %select_n3A = arith.select %eq3A_8, %get3A_5, %broadcast_in_dim3A_6 : vector<16xi1>, vector<16xf32>
    %reduce_sum3A = arith.constant true
    %reduce_sum3A_9 = vector.broadcast %reduce_sum3A : i1 to vector<16xi1>
    %reduce_sum3A_10 = tpu.scan <sum>, %select_n3A masked %reduce_sum3A_9 : vector<16xf32>, vector<16xi1> -> vector<16xf32>
    %reduce_sum3A_11 = vector.extract %reduce_sum3A_10[15] : f32 from vector<16xf32>
    %mul3A_12 = arith.constant 2.500000e-01 : f32
    %mul3A_13 = arith.mulf %reduce_sum3A_11, %mul3A_12 : f32
    %broadcast_in_dim3A_14 = vector.broadcast %mul3A_13 : f32 to vector<16xf32>
    %eq3A_15 = arith.constant 1 : i32
    %eq3A_16 = vector.broadcast %eq3A_15 : i32 to vector<16xi32>
    %eq3A_17 = arith.cmpi eq, %rem3A_4, %eq3A_16 : vector<16xi32>
    %select_n3A_18 = arith.select %eq3A_17, %get3A_5, %broadcast_in_dim3A_6 : vector<16xi1>, vector<16xf32>
    %reduce_sum3A_19 = arith.constant true
    %reduce_sum3A_20 = vector.broadcast %reduce_sum3A_19 : i1 to vector<16xi1>
    %reduce_sum3A_21 = tpu.scan <sum>, %select_n3A_18 masked %reduce_sum3A_20 : vector<16xf32>, vector<16xi1> -> vector<16xf32>
    %reduce_sum3A_22 = vector.extract %reduce_sum3A_21[15] : f32 from vector<16xf32>
    %mul3A_23 = arith.constant 2.500000e-01 : f32
    %mul3A_24 = arith.mulf %reduce_sum3A_22, %mul3A_23 : f32
    %broadcast_in_dim3A_25 = vector.broadcast %mul3A_24 : f32 to vector<16xf32>
    %eq3A_26 = arith.constant 2 : i32
    %eq3A_27 = vector.broadcast %eq3A_26 : i32 to vector<16xi32>
    %eq3A_28 = arith.cmpi eq, %rem3A_4, %eq3A_27 : vector<16xi32>
    %select_n3A_29 = arith.select %eq3A_28, %get3A_5, %broadcast_in_dim3A_6 : vector<16xi1>, vector<16xf32>
    %reduce_sum3A_30 = arith.constant true
    %reduce_sum3A_31 = vector.broadcast %reduce_sum3A_30 : i1 to vector<16xi1>
    %reduce_sum3A_32 = tpu.scan <sum>, %select_n3A_29 masked %reduce_sum3A_31 : vector<16xf32>, vector<16xi1> -> vector<16xf32>
    %reduce_sum3A_33 = vector.extract %reduce_sum3A_32[15] : f32 from vector<16xf32>
    %mul3A_34 = arith.constant 2.500000e-01 : f32
    %mul3A_35 = arith.mulf %reduce_sum3A_33, %mul3A_34 : f32
    %broadcast_in_dim3A_36 = vector.broadcast %mul3A_35 : f32 to vector<16xf32>
    %eq3A_37 = arith.constant 3 : i32
    %eq3A_38 = vector.broadcast %eq3A_37 : i32 to vector<16xi32>
    %eq3A_39 = arith.cmpi eq, %rem3A_4, %eq3A_38 : vector<16xi32>
    %select_n3A_40 = arith.select %eq3A_39, %get3A_5, %broadcast_in_dim3A_6 : vector<16xi1>, vector<16xf32>
    %reduce_sum3A_41 = arith.constant true
    %reduce_sum3A_42 = vector.broadcast %reduce_sum3A_41 : i1 to vector<16xi1>
    %reduce_sum3A_43 = tpu.scan <sum>, %select_n3A_40 masked %reduce_sum3A_42 : vector<16xf32>, vector<16xi1> -> vector<16xf32>
    %reduce_sum3A_44 = vector.extract %reduce_sum3A_43[15] : f32 from vector<16xf32>
    %mul3A_45 = arith.constant 2.500000e-01 : f32
    %mul3A_46 = arith.mulf %reduce_sum3A_44, %mul3A_45 : f32
    %broadcast_in_dim3A_47 = vector.broadcast %mul3A_46 : f32 to vector<16xf32>
    %get3A_48 = arith.constant 0 : index
    %get3A_49 = tpu.vector_load %arg13[%get3A_48] {strides = array<i32>} : memref<64xf32, #tpu.memory_space<vmem>>, vector<16xf32>,
    %get3A_50 = arith.constant 16 : index
    %get3A_51 = tpu.vector_load %arg13[%get3A_50] {strides = array<i32>} : memref<64xf32, #tpu.memory_space<vmem>>, vector<16xf32>,
    %get3A_52 = arith.constant 32 : index
    %get3A_53 = tpu.vector_load %arg13[%get3A_52] {strides = array<i32>} : memref<64xf32, #tpu.memory_space<vmem>>, vector<16xf32>,
    %get3A_54 = arith.constant 48 : index
    %get3A_55 = tpu.vector_load %arg13[%get3A_54] {strides = array<i32>} : memref<64xf32, #tpu.memory_space<vmem>>, vector<16xf32>,
    %get3A_56 = arith.constant 0 : index
    %get3A_57 = tpu.vector_load %arg14[%get3A_56] {strides = array<i32>} : memref<64xf32, #tpu.memory_space<vmem>>, vector<16xf32>,
    %get3A_58 = arith.constant 16 : index
    %get3A_59 = tpu.vector_load %arg14[%get3A_58] {strides = array<i32>} : memref<64xf32, #tpu.memory_space<vmem>>, vector<16xf32>,
    %get3A_60 = arith.constant 32 : index
    %get3A_61 = tpu.vector_load %arg14[%get3A_60] {strides = array<i32>} : memref<64xf32, #tpu.memory_space<vmem>>, vector<16xf32>,
    %get3A_62 = arith.constant 48 : index
    %get3A_63 = tpu.vector_load %arg14[%get3A_62] {strides = array<i32>} : memref<64xf32, #tpu.memory_space<vmem>>, vector<16xf32>,
    %get3A_64 = arith.constant 0 : index
    %get3A_65 = tpu.vector_load %arg15[%get3A_64] {strides = array<i32>} : memref<64xf32, #tpu.memory_space<vmem>>, vector<16xf32>,
    %get3A_66 = arith.constant 16 : index
    %get3A_67 = tpu.vector_load %arg15[%get3A_66] {strides = array<i32>} : memref<64xf32, #tpu.memory_space<vmem>>, vector<16xf32>,
    %get3A_68 = arith.constant 32 : index
    %get3A_69 = tpu.vector_load %arg15[%get3A_68] {strides = array<i32>} : memref<64xf32, #tpu.memory_space<vmem>>, vector<16xf32>,
    %get3A_70 = arith.constant 48 : index
    %get3A_71 = tpu.vector_load %arg15[%get3A_70] {strides = array<i32>} : memref<64xf32, #tpu.memory_space<vmem>>, vector<16xf32>,
    %eq3A_72 = arith.constant 0 : i32
    %eq3A_73 = vector.broadcast %eq3A_72 : i32 to vector<16xi32>
    %eq3A_74 = arith.cmpi eq, %iota3A, %eq3A_73 : vector<16xi32>
    %scan3A = arith.constant 0 : i32
    %scan3A_75 = arith.constant 0 : i32
    %scan3A_76 = arith.constant 200 : i32
    %scan3A_77 = arith.addi %scan3A_75, %scan3A_76 : i32
    %scan3A_78 = arith.constant 1 : i32
    scf.for %scan3A_110 = %scan3A_75 to %scan3A_77 step %scan3A_78  : i32 {
      %mul3A_111 = arith.constant 64 : i32
      %mul3A_112 = arith.muli %scan3A_110, %mul3A_111 : i32
      %add3A_113 = arith.constant 0 : i32
      %add3A_114 = arith.addi %mul3A_112, %add3A_113 : i32
      %get3A_115 = arith.index_cast %add3A_114 : i32 to index
      %get3A_116 = tpu.vector_load %arg11[%get3A_115] {strides = array<i32>} : memref<12800xf32, #tpu.memory_space<vmem>>, vector<16xf32>,
      %add3A_117 = arith.addf %get3A_116, %get3A_49 : vector<16xf32>
      %swap3A = arith.index_cast %add3A_114 : i32 to index
      %swap3A_118 = tpu.vector_load %arg11[%swap3A] {strides = array<i32>} : memref<12800xf32, #tpu.memory_space<vmem>>, vector<16xf32>,
      tpu.vector_store %arg11[%swap3A], %add3A_117 {strides = array<i32>} : memref<12800xf32, #tpu.memory_space<vmem>>, vector<16xf32>,
      %mul3A_119 = arith.constant 64 : i32
      %mul3A_120 = arith.muli %scan3A_110, %mul3A_119 : i32
      %add3A_121 = arith.constant 16 : i32
      %add3A_122 = arith.addi %mul3A_120, %add3A_121 : i32
      %get3A_123 = arith.index_cast %add3A_122 : i32 to index
      %get3A_124 = tpu.vector_load %arg11[%get3A_123] {strides = array<i32>} : memref<12800xf32, #tpu.memory_space<vmem>>, vector<16xf32>,
      %add3A_125 = arith.addf %get3A_124, %get3A_51 : vector<16xf32>
      %swap3A_126 = arith.index_cast %add3A_122 : i32 to index
      %swap3A_127 = tpu.vector_load %arg11[%swap3A_126] {strides = array<i32>} : memref<12800xf32, #tpu.memory_space<vmem>>, vector<16xf32>,
      tpu.vector_store %arg11[%swap3A_126], %add3A_125 {strides = array<i32>} : memref<12800xf32, #tpu.memory_space<vmem>>, vector<16xf32>,
      %mul3A_128 = arith.constant 64 : i32
      %mul3A_129 = arith.muli %scan3A_110, %mul3A_128 : i32
      %add3A_130 = arith.constant 32 : i32
      %add3A_131 = arith.addi %mul3A_129, %add3A_130 : i32
      %get3A_132 = arith.index_cast %add3A_131 : i32 to index
      %get3A_133 = tpu.vector_load %arg11[%get3A_132] {strides = array<i32>} : memref<12800xf32, #tpu.memory_space<vmem>>, vector<16xf32>,
      %add3A_134 = arith.addf %get3A_133, %get3A_53 : vector<16xf32>
      %swap3A_135 = arith.index_cast %add3A_131 : i32 to index
      %swap3A_136 = tpu.vector_load %arg11[%swap3A_135] {strides = array<i32>} : memref<12800xf32, #tpu.memory_space<vmem>>, vector<16xf32>,
      tpu.vector_store %arg11[%swap3A_135], %add3A_134 {strides = array<i32>} : memref<12800xf32, #tpu.memory_space<vmem>>, vector<16xf32>,
      %mul3A_137 = arith.constant 64 : i32
      %mul3A_138 = arith.muli %scan3A_110, %mul3A_137 : i32
      %add3A_139 = arith.constant 48 : i32
      %add3A_140 = arith.addi %mul3A_138, %add3A_139 : i32
      %get3A_141 = arith.index_cast %add3A_140 : i32 to index
      %get3A_142 = tpu.vector_load %arg11[%get3A_141] {strides = array<i32>} : memref<12800xf32, #tpu.memory_space<vmem>>, vector<16xf32>,
      %add3A_143 = arith.addf %get3A_142, %get3A_55 : vector<16xf32>
      %swap3A_144 = arith.index_cast %add3A_140 : i32 to index
      %swap3A_145 = tpu.vector_load %arg11[%swap3A_144] {strides = array<i32>} : memref<12800xf32, #tpu.memory_space<vmem>>, vector<16xf32>,
      tpu.vector_store %arg11[%swap3A_144], %add3A_143 {strides = array<i32>} : memref<12800xf32, #tpu.memory_space<vmem>>, vector<16xf32>,
    }
    %scan3A_79 = arith.constant 200 : i32
    %add3A_80 = arith.constant 0 : i32
    %add3A_81 = arith.addi %mul3A_2, %add3A_80 : i32
    "tpu.region"() ({
      %run_scoped3A = tpu.sem_alloc : memref<!tpu.dma_semaphore, #tpu.memory_space<semaphore_mem>>
      %dma_start3A_110 = tpu.memref_slice %arg2[%add3A_81] : memref<819200xi32, #tpu.memory_space<hbm>> -> memref<128xi32, #tpu.memory_space<hbm>>
      %dma_start3A_111 = tpu.memref_slice %arg2[%add3A_81] : memref<819200xi32, #tpu.memory_space<hbm>> -> memref<128xi32, #tpu.memory_space<hbm>>
      tpu.enqueue_dma source(%dma_start3A_111 : memref<128xi32, #tpu.memory_space<hbm>>) target(%arg16 : memref<128xi32, #tpu.memory_space<vmem>>) target_semaphore(%run_scoped3A : memref<!tpu.dma_semaphore, #tpu.memory_space<semaphore_mem>>)
      %dma_wait3A_112 = tpu.memref_slice %arg2[%add3A_81] : memref<819200xi32, #tpu.memory_space<hbm>> -> memref<128xi32, #tpu.memory_space<hbm>>
      %dma_wait3A_113 = tpu.memref_slice %arg2[%add3A_81] : memref<819200xi32, #tpu.memory_space<hbm>> -> memref<128xi32, #tpu.memory_space<hbm>>
      tpu.wait_dma2 semaphore(%run_scoped3A : memref<!tpu.dma_semaphore, #tpu.memory_space<semaphore_mem>>) src(%dma_wait3A_113 : memref<128xi32, #tpu.memory_space<hbm>>) dst(%arg16 : memref<128xi32, #tpu.memory_space<vmem>>)
      tpu.yield
    }) : () -> ()
    %dma_start3A = arith.constant 0 : i32
    %dma_start3A_82 = arith.constant 0 : i32
    %dma_start3A_83 = tpu.memref_slice %arg3[%dma_start3A, %dma_start3A_82] : memref<100000x256xf32, #tpu.memory_space<hbm>> -> memref<100000x256xf32, #tpu.memory_space<hbm>>
    tpu.enqueue_indirect_dma source(%dma_start3A_83 : memref<100000x256xf32, #tpu.memory_space<hbm>>) target(%arg18 : memref<128x256xf32, #tpu.memory_space<vmem>>) offsets(%arg16 : memref<128xi32, #tpu.memory_space<vmem>>) semaphore(%arg29 : memref<!tpu.dma_semaphore, #tpu.memory_space<semaphore_mem>>)
    %add3A_84 = arith.constant 128 : i32
    %add3A_85 = arith.addi %mul3A_2, %add3A_84 : i32
    "tpu.region"() ({
      %run_scoped3A = tpu.sem_alloc : memref<!tpu.dma_semaphore, #tpu.memory_space<semaphore_mem>>
      %dma_start3A_110 = tpu.memref_slice %arg2[%add3A_85] : memref<819200xi32, #tpu.memory_space<hbm>> -> memref<128xi32, #tpu.memory_space<hbm>>
      %dma_start3A_111 = tpu.memref_slice %arg2[%add3A_85] : memref<819200xi32, #tpu.memory_space<hbm>> -> memref<128xi32, #tpu.memory_space<hbm>>
      tpu.enqueue_dma source(%dma_start3A_111 : memref<128xi32, #tpu.memory_space<hbm>>) target(%arg17 : memref<128xi32, #tpu.memory_space<vmem>>) target_semaphore(%run_scoped3A : memref<!tpu.dma_semaphore, #tpu.memory_space<semaphore_mem>>)
      %dma_wait3A_112 = tpu.memref_slice %arg2[%add3A_85] : memref<819200xi32, #tpu.memory_space<hbm>> -> memref<128xi32, #tpu.memory_space<hbm>>
      %dma_wait3A_113 = tpu.memref_slice %arg2[%add3A_85] : memref<819200xi32, #tpu.memory_space<hbm>> -> memref<128xi32, #tpu.memory_space<hbm>>
      tpu.wait_dma2 semaphore(%run_scoped3A : memref<!tpu.dma_semaphore, #tpu.memory_space<semaphore_mem>>) src(%dma_wait3A_113 : memref<128xi32, #tpu.memory_space<hbm>>) dst(%arg17 : memref<128xi32, #tpu.memory_space<vmem>>)
      tpu.yield
    }) : () -> ()
    %dma_start3A_86 = arith.constant 0 : i32
    %dma_start3A_87 = arith.constant 0 : i32
    %dma_start3A_88 = tpu.memref_slice %arg3[%dma_start3A_86, %dma_start3A_87] : memref<100000x256xf32, #tpu.memory_space<hbm>> -> memref<100000x256xf32, #tpu.memory_space<hbm>>
    tpu.enqueue_indirect_dma source(%dma_start3A_88 : memref<100000x256xf32, #tpu.memory_space<hbm>>) target(%arg19 : memref<128x256xf32, #tpu.memory_space<vmem>>) offsets(%arg17 : memref<128xi32, #tpu.memory_space<vmem>>) semaphore(%arg30 : memref<!tpu.dma_semaphore, #tpu.memory_space<semaphore_mem>>)
    %scan3A_89 = arith.constant 0 : i32
    %scan3A_90 = arith.constant 0 : i32
    %scan3A_91 = arith.constant 100 : i32
    %scan3A_92 = arith.addi %scan3A_90, %scan3A_91 : i32
    %scan3A_93 = arith.constant 1 : i32
    scf.for %scan3A_110 = %scan3A_90 to %scan3A_92 step %scan3A_93  : i32 {
      %mul3A_111 = arith.constant 2 : i32
      %mul3A_112 = arith.muli %mul3A_111, %scan3A_110 : i32
      %add3A_113 = arith.constant 0 : i32
      %add3A_114 = arith.addi %mul3A_112, %add3A_113 : i32
      %mul3A_115 = arith.constant 128 : i32
      %mul3A_116 = arith.muli %add3A_114, %mul3A_115 : i32
      %add3A_117 = arith.addi %mul3A_2, %mul3A_116 : i32
      %dma_wait3A_118 = arith.constant 0 : i32
      %dma_wait3A_119 = arith.constant 0 : i32
      %dma_wait3A_120 = tpu.memref_slice %arg3[%dma_wait3A_118, %dma_wait3A_119] : memref<100000x256xf32, #tpu.memory_space<hbm>> -> memref<100000x256xf32, #tpu.memory_space<hbm>>
      tpu.wait_indirect_dma semaphore(%arg29 : memref<!tpu.dma_semaphore, #tpu.memory_space<semaphore_mem>>) src(%dma_wait3A_120 : memref<100000x256xf32, #tpu.memory_space<hbm>>) dst(%arg18 : memref<128x256xf32, #tpu.memory_space<vmem>>)
      %add3A_121 = arith.constant 2 : i32
      %add3A_122 = arith.addi %add3A_114, %add3A_121 : i32
      %lt3A = arith.constant 200 : i32
      %lt3A_123 = arith.cmpi slt, %add3A_122, %lt3A : i32
      %convert_element_type3A = arith.extui %lt3A_123 : i1 to i32
      %cond3A = arith.constant 0 : i32
      %cond3A_124 = arith.cmpi ne, %convert_element_type3A, %cond3A : i32
      scf.if %cond3A_124 {
        %add3A_194 = arith.constant 256 : i32
        %add3A_195 = arith.addi %add3A_117, %add3A_194 : i32
        %dma_start3A_196 = tpu.memref_slice %arg2[%add3A_195] : memref<819200xi32, #tpu.memory_space<hbm>> -> memref<128xi32, #tpu.memory_space<hbm>>
        %dma_start3A_197 = tpu.memref_slice %arg2[%add3A_195] : memref<819200xi32, #tpu.memory_space<hbm>> -> memref<128xi32, #tpu.memory_space<hbm>>
        tpu.enqueue_dma source(%dma_start3A_197 : memref<128xi32, #tpu.memory_space<hbm>>) target(%arg16 : memref<128xi32, #tpu.memory_space<vmem>>) target_semaphore(%arg31 : memref<!tpu.dma_semaphore, #tpu.memory_space<semaphore_mem>>)
      } else {
      }
      %ge3A = arith.constant 2 : i32
      %ge3A_125 = arith.cmpi sge, %add3A_114, %ge3A : i32
      %convert_element_type3A_126 = arith.extui %ge3A_125 : i1 to i32
      %cond3A_127 = arith.constant 0 : i32
      %cond3A_128 = arith.cmpi ne, %convert_element_type3A_126, %cond3A_127 : i32
      scf.if %cond3A_128 {
        %sub3A = arith.constant 256 : i32
        %sub3A_194 = arith.subi %add3A_117, %sub3A : i32
        %dma_wait3A_195 = arith.constant 0 : i32
        %dma_wait3A_196 = tpu.memref_slice %arg9[%sub3A_194, %dma_wait3A_195] : memref<819200x64xf32, #tpu.memory_space<hbm>> -> memref<128x64xf32, #tpu.memory_space<hbm>>
        %dma_wait3A_197 = arith.constant 0 : i32
        %dma_wait3A_198 = tpu.memref_slice %arg9[%sub3A_194, %dma_wait3A_197] : memref<819200x64xf32, #tpu.memory_space<hbm>> -> memref<128x64xf32, #tpu.memory_space<hbm>>
        tpu.wait_dma2 semaphore(%arg33 : memref<!tpu.dma_semaphore, #tpu.memory_space<semaphore_mem>>) src(%arg20 : memref<128x64xf32, #tpu.memory_space<vmem>>) dst(%dma_wait3A_198 : memref<128x64xf32, #tpu.memory_space<hbm>>)
        %sub3A_199 = arith.constant 256 : i32
        %sub3A_200 = arith.subi %add3A_117, %sub3A_199 : i32
        %dma_wait3A_201 = tpu.memref_slice %arg10[%sub3A_200] : memref<819200xf32, #tpu.memory_space<hbm>> -> memref<128xf32, #tpu.memory_space<hbm>>
        %dma_wait3A_202 = tpu.memref_slice %arg10[%sub3A_200] : memref<819200xf32, #tpu.memory_space<hbm>> -> memref<128xf32, #tpu.memory_space<hbm>>
        tpu.wait_dma2 semaphore(%arg35 : memref<!tpu.dma_semaphore, #tpu.memory_space<semaphore_mem>>) src(%arg23 : memref<128xf32, #tpu.memory_space<vmem>>) dst(%dma_wait3A_202 : memref<128xf32, #tpu.memory_space<hbm>>)
      } else {
      }
      %parallel_loop3A = arith.constant 0 : i32
      %parallel_loop3A_129 = arith.constant 128 : i32
      %parallel_loop3A_130 = arith.constant 1 : i32
      scf.for %parallel_loop3A_194 = %parallel_loop3A to %parallel_loop3A_129 step %parallel_loop3A_130  : i32 {
        %parallel_loop3A_195 = arith.addi %add3A_117, %parallel_loop3A_194 : i32
        %parallel_loop3A_196 = arith.constant 200 : i32
        %parallel_loop3A_197 = arith.remsi %parallel_loop3A_195, %parallel_loop3A_196 : i32
        %parallel_loop3A_198 = arith.index_cast %parallel_loop3A_194 : i32 to index
        %parallel_loop3A_199 = arith.constant 0 : index
        %parallel_loop3A_200 = tpu.vector_load %arg18[%parallel_loop3A_198, %parallel_loop3A_199] {strides = array<i32>} : memref<128x256xf32, #tpu.memory_space<vmem>>, vector<16xf32>,
        %parallel_loop3A_201 = arith.index_cast %parallel_loop3A_194 : i32 to index
        %parallel_loop3A_202 = arith.constant 64 : index
        %parallel_loop3A_203 = tpu.vector_load %arg18[%parallel_loop3A_201, %parallel_loop3A_202] {strides = array<i32>} : memref<128x256xf32, #tpu.memory_space<vmem>>, vector<16xf32>,
        %parallel_loop3A_204 = arith.index_cast %parallel_loop3A_194 : i32 to index
        %parallel_loop3A_205 = arith.constant 128 : index
        %parallel_loop3A_206 = tpu.vector_load %arg18[%parallel_loop3A_204, %parallel_loop3A_205] {strides = array<i32>} : memref<128x256xf32, #tpu.memory_space<vmem>>, vector<16xf32>,
        %parallel_loop3A_207 = arith.index_cast %parallel_loop3A_194 : i32 to index
        %parallel_loop3A_208 = arith.constant 192 : index
        %parallel_loop3A_209 = tpu.vector_load %arg18[%parallel_loop3A_207, %parallel_loop3A_208] {strides = array<i32>} : memref<128x256xf32, #tpu.memory_space<vmem>>, vector<16xf32>,
        %parallel_loop3A_210 = arith.mulf %parallel_loop3A_200, %broadcast_in_dim3A_14 : vector<16xf32>
        %parallel_loop3A_211 = arith.mulf %parallel_loop3A_203, %broadcast_in_dim3A_25 : vector<16xf32>
        %parallel_loop3A_212 = arith.addf %parallel_loop3A_210, %parallel_loop3A_211 : vector<16xf32>
        %parallel_loop3A_213 = arith.mulf %parallel_loop3A_206, %broadcast_in_dim3A_36 : vector<16xf32>
        %parallel_loop3A_214 = arith.addf %parallel_loop3A_212, %parallel_loop3A_213 : vector<16xf32>
        %parallel_loop3A_215 = arith.mulf %parallel_loop3A_209, %broadcast_in_dim3A_47 : vector<16xf32>
        %parallel_loop3A_216 = arith.addf %parallel_loop3A_214, %parallel_loop3A_215 : vector<16xf32>
        %parallel_loop3A_217 = arith.addf %parallel_loop3A_200, %parallel_loop3A_203 : vector<16xf32>
        %parallel_loop3A_218 = arith.addf %parallel_loop3A_217, %parallel_loop3A_206 : vector<16xf32>
        %parallel_loop3A_219 = arith.addf %parallel_loop3A_218, %parallel_loop3A_209 : vector<16xf32>
        %parallel_loop3A_220 = arith.mulf %parallel_loop3A_200, %parallel_loop3A_200 : vector<16xf32>
        %parallel_loop3A_221 = arith.mulf %parallel_loop3A_203, %parallel_loop3A_203 : vector<16xf32>
        %parallel_loop3A_222 = arith.addf %parallel_loop3A_220, %parallel_loop3A_221 : vector<16xf32>
        %parallel_loop3A_223 = arith.mulf %parallel_loop3A_206, %parallel_loop3A_206 : vector<16xf32>
        %parallel_loop3A_224 = arith.addf %parallel_loop3A_222, %parallel_loop3A_223 : vector<16xf32>
        %parallel_loop3A_225 = arith.mulf %parallel_loop3A_209, %parallel_loop3A_209 : vector<16xf32>
        %parallel_loop3A_226 = arith.addf %parallel_loop3A_224, %parallel_loop3A_225 : vector<16xf32>
        %parallel_loop3A_227 = arith.constant 0.333333343 : f32
        %parallel_loop3A_228 = vector.broadcast %parallel_loop3A_227 : f32 to vector<16xf32>
        %parallel_loop3A_229 = arith.mulf %parallel_loop3A_226, %parallel_loop3A_228 : vector<16xf32>
        %parallel_loop3A_230 = arith.mulf %parallel_loop3A_219, %parallel_loop3A_219 : vector<16xf32>
        %parallel_loop3A_231 = arith.constant 0.0833333358 : f32
        %parallel_loop3A_232 = vector.broadcast %parallel_loop3A_231 : f32 to vector<16xf32>
        %parallel_loop3A_233 = arith.mulf %parallel_loop3A_230, %parallel_loop3A_232 : vector<16xf32>
        %parallel_loop3A_234 = arith.subf %parallel_loop3A_229, %parallel_loop3A_233 : vector<16xf32>
        %parallel_loop3A_235 = arith.mulf %parallel_loop3A_234, %parallel_loop3A_234 : vector<16xf32>
        %parallel_loop3A_236 = arith.addf %broadcast_in_dim3A_6, %parallel_loop3A_235 : vector<16xf32>
        %parallel_loop3A_237 = arith.constant 64 : i32
        %parallel_loop3A_238 = arith.muli %parallel_loop3A_197, %parallel_loop3A_237 : i32
        %parallel_loop3A_239 = arith.constant 0 : i32
        %parallel_loop3A_240 = arith.addi %parallel_loop3A_238, %parallel_loop3A_239 : i32
        %parallel_loop3A_241 = arith.index_cast %parallel_loop3A_240 : i32 to index
        %parallel_loop3A_242 = tpu.vector_load %arg11[%parallel_loop3A_241] {strides = array<i32>} : memref<12800xf32, #tpu.memory_space<vmem>>, vector<16xf32>,
        %parallel_loop3A_243 = arith.addf %parallel_loop3A_216, %parallel_loop3A_242 : vector<16xf32>
        %parallel_loop3A_244 = arith.index_cast %parallel_loop3A_194 : i32 to index
        %parallel_loop3A_245 = arith.constant 0 : index
        %parallel_loop3A_246 = tpu.vector_load %arg20[%parallel_loop3A_244, %parallel_loop3A_245] {strides = array<i32>} : memref<128x64xf32, #tpu.memory_space<vmem>>, vector<16xf32>,
        tpu.vector_store %arg20[%parallel_loop3A_244, %parallel_loop3A_245], %parallel_loop3A_243 {strides = array<i32>} : memref<128x64xf32, #tpu.memory_space<vmem>>, vector<16xf32>,
        %parallel_loop3A_247 = arith.addf %broadcast_in_dim3A_6, %parallel_loop3A_243 : vector<16xf32>
        %parallel_loop3A_248 = arith.mulf %parallel_loop3A_243, %parallel_loop3A_243 : vector<16xf32>
        %parallel_loop3A_249 = arith.addf %broadcast_in_dim3A_6, %parallel_loop3A_248 : vector<16xf32>
        %parallel_loop3A_250 = arith.index_cast %parallel_loop3A_194 : i32 to index
        %parallel_loop3A_251 = arith.constant 16 : index
        %parallel_loop3A_252 = tpu.vector_load %arg18[%parallel_loop3A_250, %parallel_loop3A_251] {strides = array<i32>} : memref<128x256xf32, #tpu.memory_space<vmem>>, vector<16xf32>,
        %parallel_loop3A_253 = arith.index_cast %parallel_loop3A_194 : i32 to index
        %parallel_loop3A_254 = arith.constant 80 : index
        %parallel_loop3A_255 = tpu.vector_load %arg18[%parallel_loop3A_253, %parallel_loop3A_254] {strides = array<i32>} : memref<128x256xf32, #tpu.memory_space<vmem>>, vector<16xf32>,
        %parallel_loop3A_256 = arith.index_cast %parallel_loop3A_194 : i32 to index
        %parallel_loop3A_257 = arith.constant 144 : index
        %parallel_loop3A_258 = tpu.vector_load %arg18[%parallel_loop3A_256, %parallel_loop3A_257] {strides = array<i32>} : memref<128x256xf32, #tpu.memory_space<vmem>>, vector<16xf32>,
        %parallel_loop3A_259 = arith.index_cast %parallel_loop3A_194 : i32 to index
        %parallel_loop3A_260 = arith.constant 208 : index
        %parallel_loop3A_261 = tpu.vector_load %arg18[%parallel_loop3A_259, %parallel_loop3A_260] {strides = array<i32>} : memref<128x256xf32, #tpu.memory_space<vmem>>, vector<16xf32>,
        %parallel_loop3A_262 = arith.mulf %parallel_loop3A_252, %broadcast_in_dim3A_14 : vector<16xf32>
        %parallel_loop3A_263 = arith.mulf %parallel_loop3A_255, %broadcast_in_dim3A_25 : vector<16xf32>
        %parallel_loop3A_264 = arith.addf %parallel_loop3A_262, %parallel_loop3A_263 : vector<16xf32>
        %parallel_loop3A_265 = arith.mulf %parallel_loop3A_258, %broadcast_in_dim3A_36 : vector<16xf32>
        %parallel_loop3A_266 = arith.addf %parallel_loop3A_264, %parallel_loop3A_265 : vector<16xf32>
        %parallel_loop3A_267 = arith.mulf %parallel_loop3A_261, %broadcast_in_dim3A_47 : vector<16xf32>
        %parallel_loop3A_268 = arith.addf %parallel_loop3A_266, %parallel_loop3A_267 : vector<16xf32>
        %parallel_loop3A_269 = arith.addf %parallel_loop3A_252, %parallel_loop3A_255 : vector<16xf32>
        %parallel_loop3A_270 = arith.addf %parallel_loop3A_269, %parallel_loop3A_258 : vector<16xf32>
        %parallel_loop3A_271 = arith.addf %parallel_loop3A_270, %parallel_loop3A_261 : vector<16xf32>
        %parallel_loop3A_272 = arith.mulf %parallel_loop3A_252, %parallel_loop3A_252 : vector<16xf32>
        %parallel_loop3A_273 = arith.mulf %parallel_loop3A_255, %parallel_loop3A_255 : vector<16xf32>
        %parallel_loop3A_274 = arith.addf %parallel_loop3A_272, %parallel_loop3A_273 : vector<16xf32>
        %parallel_loop3A_275 = arith.mulf %parallel_loop3A_258, %parallel_loop3A_258 : vector<16xf32>
        %parallel_loop3A_276 = arith.addf %parallel_loop3A_274, %parallel_loop3A_275 : vector<16xf32>
        %parallel_loop3A_277 = arith.mulf %parallel_loop3A_261, %parallel_loop3A_261 : vector<16xf32>
        %parallel_loop3A_278 = arith.addf %parallel_loop3A_276, %parallel_loop3A_277 : vector<16xf32>
        %parallel_loop3A_279 = arith.constant 0.333333343 : f32
        %parallel_loop3A_280 = vector.broadcast %parallel_loop3A_279 : f32 to vector<16xf32>
        %parallel_loop3A_281 = arith.mulf %parallel_loop3A_278, %parallel_loop3A_280 : vector<16xf32>
        %parallel_loop3A_282 = arith.mulf %parallel_loop3A_271, %parallel_loop3A_271 : vector<16xf32>
        %parallel_loop3A_283 = arith.constant 0.0833333358 : f32
        %parallel_loop3A_284 = vector.broadcast %parallel_loop3A_283 : f32 to vector<16xf32>
        %parallel_loop3A_285 = arith.mulf %parallel_loop3A_282, %parallel_loop3A_284 : vector<16xf32>
        %parallel_loop3A_286 = arith.subf %parallel_loop3A_281, %parallel_loop3A_285 : vector<16xf32>
        %parallel_loop3A_287 = arith.mulf %parallel_loop3A_286, %parallel_loop3A_286 : vector<16xf32>
        %parallel_loop3A_288 = arith.addf %parallel_loop3A_236, %parallel_loop3A_287 : vector<16xf32>
        %parallel_loop3A_289 = arith.constant 64 : i32
        %parallel_loop3A_290 = arith.muli %parallel_loop3A_197, %parallel_loop3A_289 : i32
        %parallel_loop3A_291 = arith.constant 16 : i32
        %parallel_loop3A_292 = arith.addi %parallel_loop3A_290, %parallel_loop3A_291 : i32
        %parallel_loop3A_293 = arith.index_cast %parallel_loop3A_292 : i32 to index
        %parallel_loop3A_294 = tpu.vector_load %arg11[%parallel_loop3A_293] {strides = array<i32>} : memref<12800xf32, #tpu.memory_space<vmem>>, vector<16xf32>,
        %parallel_loop3A_295 = arith.addf %parallel_loop3A_268, %parallel_loop3A_294 : vector<16xf32>
        %parallel_loop3A_296 = arith.index_cast %parallel_loop3A_194 : i32 to index
        %parallel_loop3A_297 = arith.constant 16 : index
        %parallel_loop3A_298 = tpu.vector_load %arg20[%parallel_loop3A_296, %parallel_loop3A_297] {strides = array<i32>} : memref<128x64xf32, #tpu.memory_space<vmem>>, vector<16xf32>,
        tpu.vector_store %arg20[%parallel_loop3A_296, %parallel_loop3A_297], %parallel_loop3A_295 {strides = array<i32>} : memref<128x64xf32, #tpu.memory_space<vmem>>, vector<16xf32>,
        %parallel_loop3A_299 = arith.addf %parallel_loop3A_247, %parallel_loop3A_295 : vector<16xf32>
        %parallel_loop3A_300 = arith.mulf %parallel_loop3A_295, %parallel_loop3A_295 : vector<16xf32>
        %parallel_loop3A_301 = arith.addf %parallel_loop3A_249, %parallel_loop3A_300 : vector<16xf32>
        %parallel_loop3A_302 = arith.index_cast %parallel_loop3A_194 : i32 to index
        %parallel_loop3A_303 = arith.constant 32 : index
        %parallel_loop3A_304 = tpu.vector_load %arg18[%parallel_loop3A_302, %parallel_loop3A_303] {strides = array<i32>} : memref<128x256xf32, #tpu.memory_space<vmem>>, vector<16xf32>,
        %parallel_loop3A_305 = arith.index_cast %parallel_loop3A_194 : i32 to index
        %parallel_loop3A_306 = arith.constant 96 : index
        %parallel_loop3A_307 = tpu.vector_load %arg18[%parallel_loop3A_305, %parallel_loop3A_306] {strides = array<i32>} : memref<128x256xf32, #tpu.memory_space<vmem>>, vector<16xf32>,
        %parallel_loop3A_308 = arith.index_cast %parallel_loop3A_194 : i32 to index
        %parallel_loop3A_309 = arith.constant 160 : index
        %parallel_loop3A_310 = tpu.vector_load %arg18[%parallel_loop3A_308, %parallel_loop3A_309] {strides = array<i32>} : memref<128x256xf32, #tpu.memory_space<vmem>>, vector<16xf32>,
        %parallel_loop3A_311 = arith.index_cast %parallel_loop3A_194 : i32 to index
        %parallel_loop3A_312 = arith.constant 224 : index
        %parallel_loop3A_313 = tpu.vector_load %arg18[%parallel_loop3A_311, %parallel_loop3A_312] {strides = array<i32>} : memref<128x256xf32, #tpu.memory_space<vmem>>, vector<16xf32>,
        %parallel_loop3A_314 = arith.mulf %parallel_loop3A_304, %broadcast_in_dim3A_14 : vector<16xf32>
        %parallel_loop3A_315 = arith.mulf %parallel_loop3A_307, %broadcast_in_dim3A_25 : vector<16xf32>
        %parallel_loop3A_316 = arith.addf %parallel_loop3A_314, %parallel_loop3A_315 : vector<16xf32>
        %parallel_loop3A_317 = arith.mulf %parallel_loop3A_310, %broadcast_in_dim3A_36 : vector<16xf32>
        %parallel_loop3A_318 = arith.addf %parallel_loop3A_316, %parallel_loop3A_317 : vector<16xf32>
        %parallel_loop3A_319 = arith.mulf %parallel_loop3A_313, %broadcast_in_dim3A_47 : vector<16xf32>
        %parallel_loop3A_320 = arith.addf %parallel_loop3A_318, %parallel_loop3A_319 : vector<16xf32>
        %parallel_loop3A_321 = arith.addf %parallel_loop3A_304, %parallel_loop3A_307 : vector<16xf32>
        %parallel_loop3A_322 = arith.addf %parallel_loop3A_321, %parallel_loop3A_310 : vector<16xf32>
        %parallel_loop3A_323 = arith.addf %parallel_loop3A_322, %parallel_loop3A_313 : vector<16xf32>
        %parallel_loop3A_324 = arith.mulf %parallel_loop3A_304, %parallel_loop3A_304 : vector<16xf32>
        %parallel_loop3A_325 = arith.mulf %parallel_loop3A_307, %parallel_loop3A_307 : vector<16xf32>
        %parallel_loop3A_326 = arith.addf %parallel_loop3A_324, %parallel_loop3A_325 : vector<16xf32>
        %parallel_loop3A_327 = arith.mulf %parallel_loop3A_310, %parallel_loop3A_310 : vector<16xf32>
        %parallel_loop3A_328 = arith.addf %parallel_loop3A_326, %parallel_loop3A_327 : vector<16xf32>
        %parallel_loop3A_329 = arith.mulf %parallel_loop3A_313, %parallel_loop3A_313 : vector<16xf32>
        %parallel_loop3A_330 = arith.addf %parallel_loop3A_328, %parallel_loop3A_329 : vector<16xf32>
        %parallel_loop3A_331 = arith.constant 0.333333343 : f32
        %parallel_loop3A_332 = vector.broadcast %parallel_loop3A_331 : f32 to vector<16xf32>
        %parallel_loop3A_333 = arith.mulf %parallel_loop3A_330, %parallel_loop3A_332 : vector<16xf32>
        %parallel_loop3A_334 = arith.mulf %parallel_loop3A_323, %parallel_loop3A_323 : vector<16xf32>
        %parallel_loop3A_335 = arith.constant 0.0833333358 : f32
        %parallel_loop3A_336 = vector.broadcast %parallel_loop3A_335 : f32 to vector<16xf32>
        %parallel_loop3A_337 = arith.mulf %parallel_loop3A_334, %parallel_loop3A_336 : vector<16xf32>
        %parallel_loop3A_338 = arith.subf %parallel_loop3A_333, %parallel_loop3A_337 : vector<16xf32>
        %parallel_loop3A_339 = arith.mulf %parallel_loop3A_338, %parallel_loop3A_338 : vector<16xf32>
        %parallel_loop3A_340 = arith.addf %parallel_loop3A_288, %parallel_loop3A_339 : vector<16xf32>
        %parallel_loop3A_341 = arith.constant 64 : i32
        %parallel_loop3A_342 = arith.muli %parallel_loop3A_197, %parallel_loop3A_341 : i32
        %parallel_loop3A_343 = arith.constant 32 : i32
        %parallel_loop3A_344 = arith.addi %parallel_loop3A_342, %parallel_loop3A_343 : i32
        %parallel_loop3A_345 = arith.index_cast %parallel_loop3A_344 : i32 to index
        %parallel_loop3A_346 = tpu.vector_load %arg11[%parallel_loop3A_345] {strides = array<i32>} : memref<12800xf32, #tpu.memory_space<vmem>>, vector<16xf32>,
        %parallel_loop3A_347 = arith.addf %parallel_loop3A_320, %parallel_loop3A_346 : vector<16xf32>
        %parallel_loop3A_348 = arith.index_cast %parallel_loop3A_194 : i32 to index
        %parallel_loop3A_349 = arith.constant 32 : index
        %parallel_loop3A_350 = tpu.vector_load %arg20[%parallel_loop3A_348, %parallel_loop3A_349] {strides = array<i32>} : memref<128x64xf32, #tpu.memory_space<vmem>>, vector<16xf32>,
        tpu.vector_store %arg20[%parallel_loop3A_348, %parallel_loop3A_349], %parallel_loop3A_347 {strides = array<i32>} : memref<128x64xf32, #tpu.memory_space<vmem>>, vector<16xf32>,
        %parallel_loop3A_351 = arith.addf %parallel_loop3A_299, %parallel_loop3A_347 : vector<16xf32>
        %parallel_loop3A_352 = arith.mulf %parallel_loop3A_347, %parallel_loop3A_347 : vector<16xf32>
        %parallel_loop3A_353 = arith.addf %parallel_loop3A_301, %parallel_loop3A_352 : vector<16xf32>
        %parallel_loop3A_354 = arith.index_cast %parallel_loop3A_194 : i32 to index
        %parallel_loop3A_355 = arith.constant 48 : index
        %parallel_loop3A_356 = tpu.vector_load %arg18[%parallel_loop3A_354, %parallel_loop3A_355] {strides = array<i32>} : memref<128x256xf32, #tpu.memory_space<vmem>>, vector<16xf32>,
        %parallel_loop3A_357 = arith.index_cast %parallel_loop3A_194 : i32 to index
        %parallel_loop3A_358 = arith.constant 112 : index
        %parallel_loop3A_359 = tpu.vector_load %arg18[%parallel_loop3A_357, %parallel_loop3A_358] {strides = array<i32>} : memref<128x256xf32, #tpu.memory_space<vmem>>, vector<16xf32>,
        %parallel_loop3A_360 = arith.index_cast %parallel_loop3A_194 : i32 to index
        %parallel_loop3A_361 = arith.constant 176 : index
        %parallel_loop3A_362 = tpu.vector_load %arg18[%parallel_loop3A_360, %parallel_loop3A_361] {strides = array<i32>} : memref<128x256xf32, #tpu.memory_space<vmem>>, vector<16xf32>,
        %parallel_loop3A_363 = arith.index_cast %parallel_loop3A_194 : i32 to index
        %parallel_loop3A_364 = arith.constant 240 : index
        %parallel_loop3A_365 = tpu.vector_load %arg18[%parallel_loop3A_363, %parallel_loop3A_364] {strides = array<i32>} : memref<128x256xf32, #tpu.memory_space<vmem>>, vector<16xf32>,
        %parallel_loop3A_366 = arith.mulf %parallel_loop3A_356, %broadcast_in_dim3A_14 : vector<16xf32>
        %parallel_loop3A_367 = arith.mulf %parallel_loop3A_359, %broadcast_in_dim3A_25 : vector<16xf32>
        %parallel_loop3A_368 = arith.addf %parallel_loop3A_366, %parallel_loop3A_367 : vector<16xf32>
        %parallel_loop3A_369 = arith.mulf %parallel_loop3A_362, %broadcast_in_dim3A_36 : vector<16xf32>
        %parallel_loop3A_370 = arith.addf %parallel_loop3A_368, %parallel_loop3A_369 : vector<16xf32>
        %parallel_loop3A_371 = arith.mulf %parallel_loop3A_365, %broadcast_in_dim3A_47 : vector<16xf32>
        %parallel_loop3A_372 = arith.addf %parallel_loop3A_370, %parallel_loop3A_371 : vector<16xf32>
        %parallel_loop3A_373 = arith.addf %parallel_loop3A_356, %parallel_loop3A_359 : vector<16xf32>
        %parallel_loop3A_374 = arith.addf %parallel_loop3A_373, %parallel_loop3A_362 : vector<16xf32>
        %parallel_loop3A_375 = arith.addf %parallel_loop3A_374, %parallel_loop3A_365 : vector<16xf32>
        %parallel_loop3A_376 = arith.mulf %parallel_loop3A_356, %parallel_loop3A_356 : vector<16xf32>
        %parallel_loop3A_377 = arith.mulf %parallel_loop3A_359, %parallel_loop3A_359 : vector<16xf32>
        %parallel_loop3A_378 = arith.addf %parallel_loop3A_376, %parallel_loop3A_377 : vector<16xf32>
        %parallel_loop3A_379 = arith.mulf %parallel_loop3A_362, %parallel_loop3A_362 : vector<16xf32>
        %parallel_loop3A_380 = arith.addf %parallel_loop3A_378, %parallel_loop3A_379 : vector<16xf32>
        %parallel_loop3A_381 = arith.mulf %parallel_loop3A_365, %parallel_loop3A_365 : vector<16xf32>
        %parallel_loop3A_382 = arith.addf %parallel_loop3A_380, %parallel_loop3A_381 : vector<16xf32>
        %parallel_loop3A_383 = arith.constant 0.333333343 : f32
        %parallel_loop3A_384 = vector.broadcast %parallel_loop3A_383 : f32 to vector<16xf32>
        %parallel_loop3A_385 = arith.mulf %parallel_loop3A_382, %parallel_loop3A_384 : vector<16xf32>
        %parallel_loop3A_386 = arith.mulf %parallel_loop3A_375, %parallel_loop3A_375 : vector<16xf32>
        %parallel_loop3A_387 = arith.constant 0.0833333358 : f32
        %parallel_loop3A_388 = vector.broadcast %parallel_loop3A_387 : f32 to vector<16xf32>
        %parallel_loop3A_389 = arith.mulf %parallel_loop3A_386, %parallel_loop3A_388 : vector<16xf32>
        %parallel_loop3A_390 = arith.subf %parallel_loop3A_385, %parallel_loop3A_389 : vector<16xf32>
        %parallel_loop3A_391 = arith.mulf %parallel_loop3A_390, %parallel_loop3A_390 : vector<16xf32>
        %parallel_loop3A_392 = arith.addf %parallel_loop3A_340, %parallel_loop3A_391 : vector<16xf32>
        %parallel_loop3A_393 = arith.constant 64 : i32
        %parallel_loop3A_394 = arith.muli %parallel_loop3A_197, %parallel_loop3A_393 : i32
        %parallel_loop3A_395 = arith.constant 48 : i32
        %parallel_loop3A_396 = arith.addi %parallel_loop3A_394, %parallel_loop3A_395 : i32
        %parallel_loop3A_397 = arith.index_cast %parallel_loop3A_396 : i32 to index
        %parallel_loop3A_398 = tpu.vector_load %arg11[%parallel_loop3A_397] {strides = array<i32>} : memref<12800xf32, #tpu.memory_space<vmem>>, vector<16xf32>,
        %parallel_loop3A_399 = arith.addf %parallel_loop3A_372, %parallel_loop3A_398 : vector<16xf32>
        %parallel_loop3A_400 = arith.index_cast %parallel_loop3A_194 : i32 to index
        %parallel_loop3A_401 = arith.constant 48 : index
        %parallel_loop3A_402 = tpu.vector_load %arg20[%parallel_loop3A_400, %parallel_loop3A_401] {strides = array<i32>} : memref<128x64xf32, #tpu.memory_space<vmem>>, vector<16xf32>,
        tpu.vector_store %arg20[%parallel_loop3A_400, %parallel_loop3A_401], %parallel_loop3A_399 {strides = array<i32>} : memref<128x64xf32, #tpu.memory_space<vmem>>, vector<16xf32>,
        %parallel_loop3A_403 = arith.addf %parallel_loop3A_351, %parallel_loop3A_399 : vector<16xf32>
        %parallel_loop3A_404 = arith.mulf %parallel_loop3A_399, %parallel_loop3A_399 : vector<16xf32>
        %parallel_loop3A_405 = arith.addf %parallel_loop3A_353, %parallel_loop3A_404 : vector<16xf32>
        %parallel_loop3A_406 = vector.broadcast %parallel_loop3A_194 : i32 to vector<16xi32>
        %parallel_loop3A_407 = arith.constant true
        %parallel_loop3A_408 = vector.broadcast %parallel_loop3A_407 : i1 to vector<16xi1>
        %parallel_loop3A_409 = tpu.scan <sum>, %parallel_loop3A_403 masked %parallel_loop3A_408 : vector<16xf32>, vector<16xi1> -> vector<16xf32>
        %parallel_loop3A_410 = vector.extract %parallel_loop3A_409[15] : f32 from vector<16xf32>
        %parallel_loop3A_411 = vector.broadcast %parallel_loop3A_410 : f32 to vector<16xf32>
        tpu.vector_store_idx %arg25[%parallel_loop3A_406], %parallel_loop3A_411 masked %eq3A_74 : memref<128xf32, #tpu.memory_space<vmem>>[vector<16xi32>], vector<16xf32>, vector<16xi1>
        %parallel_loop3A_412 = arith.constant true
        %parallel_loop3A_413 = vector.broadcast %parallel_loop3A_412 : i1 to vector<16xi1>
        %parallel_loop3A_414 = tpu.scan <sum>, %parallel_loop3A_405 masked %parallel_loop3A_413 : vector<16xf32>, vector<16xi1> -> vector<16xf32>
        %parallel_loop3A_415 = vector.extract %parallel_loop3A_414[15] : f32 from vector<16xf32>
        %parallel_loop3A_416 = vector.broadcast %parallel_loop3A_415 : f32 to vector<16xf32>
        tpu.vector_store_idx %arg26[%parallel_loop3A_406], %parallel_loop3A_416 masked %eq3A_74 : memref<128xf32, #tpu.memory_space<vmem>>[vector<16xi32>], vector<16xf32>, vector<16xi1>
        %parallel_loop3A_417 = arith.constant true
        %parallel_loop3A_418 = vector.broadcast %parallel_loop3A_417 : i1 to vector<16xi1>
        %parallel_loop3A_419 = tpu.scan <sum>, %parallel_loop3A_392 masked %parallel_loop3A_418 : vector<16xf32>, vector<16xi1> -> vector<16xf32>
        %parallel_loop3A_420 = vector.extract %parallel_loop3A_419[15] : f32 from vector<16xf32>
        %parallel_loop3A_421 = vector.broadcast %parallel_loop3A_420 : f32 to vector<16xf32>
        tpu.vector_store_idx %arg22[%parallel_loop3A_406], %parallel_loop3A_421 masked %eq3A_74 : memref<128xf32, #tpu.memory_space<vmem>>[vector<16xi32>], vector<16xf32>, vector<16xi1>
      } {sc.loop_unroll_factor = 8 : i64, sc.parallel_access}
      %parallel_loop3A_131 = arith.constant 0 : i32
      %parallel_loop3A_132 = arith.constant 8 : i32
      %parallel_loop3A_133 = arith.constant 1 : i32
      scf.for %parallel_loop3A_194 = %parallel_loop3A_131 to %parallel_loop3A_132 step %parallel_loop3A_133  : i32 {
        %parallel_loop3A_195 = arith.constant 16 : i32
        %parallel_loop3A_196 = arith.muli %parallel_loop3A_194, %parallel_loop3A_195 : i32
        %parallel_loop3A_197 = arith.index_cast %parallel_loop3A_196 : i32 to index
        %parallel_loop3A_198 = tpu.vector_load %arg25[%parallel_loop3A_197] {strides = array<i32>} : memref<128xf32, #tpu.memory_space<vmem>>, vector<16xf32>,
        %parallel_loop3A_199 = arith.constant 16 : i32
        %parallel_loop3A_200 = arith.muli %parallel_loop3A_194, %parallel_loop3A_199 : i32
        %parallel_loop3A_201 = arith.index_cast %parallel_loop3A_200 : i32 to index
        %parallel_loop3A_202 = tpu.vector_load %arg26[%parallel_loop3A_201] {strides = array<i32>} : memref<128xf32, #tpu.memory_space<vmem>>, vector<16xf32>,
        %parallel_loop3A_203 = arith.constant 1.562500e-02 : f32
        %parallel_loop3A_204 = vector.broadcast %parallel_loop3A_203 : f32 to vector<16xf32>
        %parallel_loop3A_205 = arith.mulf %parallel_loop3A_198, %parallel_loop3A_204 : vector<16xf32>
        %parallel_loop3A_206 = arith.constant 1.562500e-02 : f32
        %parallel_loop3A_207 = vector.broadcast %parallel_loop3A_206 : f32 to vector<16xf32>
        %parallel_loop3A_208 = arith.mulf %parallel_loop3A_202, %parallel_loop3A_207 : vector<16xf32>
        %parallel_loop3A_209 = arith.mulf %parallel_loop3A_205, %parallel_loop3A_205 : vector<16xf32>
        %parallel_loop3A_210 = arith.subf %parallel_loop3A_208, %parallel_loop3A_209 : vector<16xf32>
        %parallel_loop3A_211 = arith.constant 0.000000e+00 : f32
        %parallel_loop3A_212 = vector.broadcast %parallel_loop3A_211 : f32 to vector<16xf32>
        %parallel_loop3A_213 = arith.maximumf %parallel_loop3A_210, %parallel_loop3A_212 : vector<16xf32>
        %parallel_loop3A_214 = arith.constant 9.99999996E-13 : f32
        %parallel_loop3A_215 = vector.broadcast %parallel_loop3A_214 : f32 to vector<16xf32>
        %parallel_loop3A_216 = arith.addf %parallel_loop3A_213, %parallel_loop3A_215 : vector<16xf32>
        %parallel_loop3A_217 = arith.constant 16 : i32
        %parallel_loop3A_218 = arith.muli %parallel_loop3A_194, %parallel_loop3A_217 : i32
        %parallel_loop3A_219 = arith.index_cast %parallel_loop3A_218 : i32 to index
        %parallel_loop3A_220 = tpu.vector_load %arg27[%parallel_loop3A_219] {strides = array<i32>} : memref<128xf32, #tpu.memory_space<vmem>>, vector<16xf32>,
        tpu.vector_store %arg27[%parallel_loop3A_219], %parallel_loop3A_205 {strides = array<i32>} : memref<128xf32, #tpu.memory_space<vmem>>, vector<16xf32>,
        %parallel_loop3A_221 = vector.bitcast %parallel_loop3A_216 : vector<16xf32> to vector<16xi32>
        %parallel_loop3A_222 = arith.constant 1 : i32
        %parallel_loop3A_223 = vector.broadcast %parallel_loop3A_222 : i32 to vector<16xi32>
        %parallel_loop3A_224 = arith.shrui %parallel_loop3A_221, %parallel_loop3A_223 : vector<16xi32>
        %parallel_loop3A_225 = arith.constant 1597463007 : i32
        %parallel_loop3A_226 = vector.broadcast %parallel_loop3A_225 : i32 to vector<16xi32>
        %parallel_loop3A_227 = arith.subi %parallel_loop3A_226, %parallel_loop3A_224 : vector<16xi32>
        %parallel_loop3A_228 = vector.bitcast %parallel_loop3A_227 : vector<16xi32> to vector<16xf32>
        %parallel_loop3A_229 = arith.constant 5.000000e-01 : f32
        %parallel_loop3A_230 = vector.broadcast %parallel_loop3A_229 : f32 to vector<16xf32>
        %parallel_loop3A_231 = arith.mulf %parallel_loop3A_230, %parallel_loop3A_216 : vector<16xf32>
        %parallel_loop3A_232 = arith.mulf %parallel_loop3A_231, %parallel_loop3A_228 : vector<16xf32>
        %parallel_loop3A_233 = arith.mulf %parallel_loop3A_232, %parallel_loop3A_228 : vector<16xf32>
        %parallel_loop3A_234 = arith.constant 1.500000e+00 : f32
        %parallel_loop3A_235 = vector.broadcast %parallel_loop3A_234 : f32 to vector<16xf32>
        %parallel_loop3A_236 = arith.subf %parallel_loop3A_235, %parallel_loop3A_233 : vector<16xf32>
        %parallel_loop3A_237 = arith.mulf %parallel_loop3A_228, %parallel_loop3A_236 : vector<16xf32>
        %parallel_loop3A_238 = arith.constant 5.000000e-01 : f32
        %parallel_loop3A_239 = vector.broadcast %parallel_loop3A_238 : f32 to vector<16xf32>
        %parallel_loop3A_240 = arith.mulf %parallel_loop3A_239, %parallel_loop3A_216 : vector<16xf32>
        %parallel_loop3A_241 = arith.mulf %parallel_loop3A_240, %parallel_loop3A_237 : vector<16xf32>
        %parallel_loop3A_242 = arith.mulf %parallel_loop3A_241, %parallel_loop3A_237 : vector<16xf32>
        %parallel_loop3A_243 = arith.constant 1.500000e+00 : f32
        %parallel_loop3A_244 = vector.broadcast %parallel_loop3A_243 : f32 to vector<16xf32>
        %parallel_loop3A_245 = arith.subf %parallel_loop3A_244, %parallel_loop3A_242 : vector<16xf32>
        %parallel_loop3A_246 = arith.mulf %parallel_loop3A_237, %parallel_loop3A_245 : vector<16xf32>
        %parallel_loop3A_247 = arith.constant 16 : i32
        %parallel_loop3A_248 = arith.muli %parallel_loop3A_194, %parallel_loop3A_247 : i32
        %parallel_loop3A_249 = arith.index_cast %parallel_loop3A_248 : i32 to index
        %parallel_loop3A_250 = tpu.vector_load %arg28[%parallel_loop3A_249] {strides = array<i32>} : memref<128xf32, #tpu.memory_space<vmem>>, vector<16xf32>,
        tpu.vector_store %arg28[%parallel_loop3A_249], %parallel_loop3A_246 {strides = array<i32>} : memref<128xf32, #tpu.memory_space<vmem>>, vector<16xf32>,
        %parallel_loop3A_251 = arith.constant 16 : i32
        %parallel_loop3A_252 = arith.muli %parallel_loop3A_194, %parallel_loop3A_251 : i32
        %parallel_loop3A_253 = arith.index_cast %parallel_loop3A_252 : i32 to index
        %parallel_loop3A_254 = tpu.vector_load %arg22[%parallel_loop3A_253] {strides = array<i32>} : memref<128xf32, #tpu.memory_space<vmem>>, vector<16xf32>,
        %parallel_loop3A_255 = arith.constant 1.000000e-30 : f32
        %parallel_loop3A_256 = vector.broadcast %parallel_loop3A_255 : f32 to vector<16xf32>
        %parallel_loop3A_257 = arith.maximumf %parallel_loop3A_254, %parallel_loop3A_256 : vector<16xf32>
        %parallel_loop3A_258 = vector.bitcast %parallel_loop3A_257 : vector<16xf32> to vector<16xi32>
        %parallel_loop3A_259 = arith.constant 1 : i32
        %parallel_loop3A_260 = vector.broadcast %parallel_loop3A_259 : i32 to vector<16xi32>
        %parallel_loop3A_261 = arith.shrui %parallel_loop3A_258, %parallel_loop3A_260 : vector<16xi32>
        %parallel_loop3A_262 = arith.constant 1597463007 : i32
        %parallel_loop3A_263 = vector.broadcast %parallel_loop3A_262 : i32 to vector<16xi32>
        %parallel_loop3A_264 = arith.subi %parallel_loop3A_263, %parallel_loop3A_261 : vector<16xi32>
        %parallel_loop3A_265 = vector.bitcast %parallel_loop3A_264 : vector<16xi32> to vector<16xf32>
        %parallel_loop3A_266 = arith.constant 5.000000e-01 : f32
        %parallel_loop3A_267 = vector.broadcast %parallel_loop3A_266 : f32 to vector<16xf32>
        %parallel_loop3A_268 = arith.mulf %parallel_loop3A_267, %parallel_loop3A_257 : vector<16xf32>
        %parallel_loop3A_269 = arith.mulf %parallel_loop3A_268, %parallel_loop3A_265 : vector<16xf32>
        %parallel_loop3A_270 = arith.mulf %parallel_loop3A_269, %parallel_loop3A_265 : vector<16xf32>
        %parallel_loop3A_271 = arith.constant 1.500000e+00 : f32
        %parallel_loop3A_272 = vector.broadcast %parallel_loop3A_271 : f32 to vector<16xf32>
        %parallel_loop3A_273 = arith.subf %parallel_loop3A_272, %parallel_loop3A_270 : vector<16xf32>
        %parallel_loop3A_274 = arith.mulf %parallel_loop3A_265, %parallel_loop3A_273 : vector<16xf32>
        %parallel_loop3A_275 = arith.constant 5.000000e-01 : f32
        %parallel_loop3A_276 = vector.broadcast %parallel_loop3A_275 : f32 to vector<16xf32>
        %parallel_loop3A_277 = arith.mulf %parallel_loop3A_276, %parallel_loop3A_257 : vector<16xf32>
        %parallel_loop3A_278 = arith.mulf %parallel_loop3A_277, %parallel_loop3A_274 : vector<16xf32>
        %parallel_loop3A_279 = arith.mulf %parallel_loop3A_278, %parallel_loop3A_274 : vector<16xf32>
        %parallel_loop3A_280 = arith.constant 1.500000e+00 : f32
        %parallel_loop3A_281 = vector.broadcast %parallel_loop3A_280 : f32 to vector<16xf32>
        %parallel_loop3A_282 = arith.subf %parallel_loop3A_281, %parallel_loop3A_279 : vector<16xf32>
        %parallel_loop3A_283 = arith.mulf %parallel_loop3A_274, %parallel_loop3A_282 : vector<16xf32>
        %parallel_loop3A_284 = arith.mulf %parallel_loop3A_254, %parallel_loop3A_283 : vector<16xf32>
        %parallel_loop3A_285 = arith.constant 16 : i32
        %parallel_loop3A_286 = arith.muli %parallel_loop3A_194, %parallel_loop3A_285 : i32
        %parallel_loop3A_287 = arith.index_cast %parallel_loop3A_286 : i32 to index
        %parallel_loop3A_288 = tpu.vector_load %arg23[%parallel_loop3A_287] {strides = array<i32>} : memref<128xf32, #tpu.memory_space<vmem>>, vector<16xf32>,
        tpu.vector_store %arg23[%parallel_loop3A_287], %parallel_loop3A_284 {strides = array<i32>} : memref<128xf32, #tpu.memory_space<vmem>>, vector<16xf32>,
      } {sc.loop_unroll_factor = 2 : i64, sc.parallel_access}
      %parallel_loop3A_134 = arith.constant 0 : i32
      %parallel_loop3A_135 = arith.constant 128 : i32
      %parallel_loop3A_136 = arith.constant 1 : i32
      scf.for %parallel_loop3A_194 = %parallel_loop3A_134 to %parallel_loop3A_135 step %parallel_loop3A_136  : i32 {
        %parallel_loop3A_195 = vector.broadcast %parallel_loop3A_194 : i32 to vector<16xi32>
        %parallel_loop3A_196 = tpu.vector_load_idx %arg27[%parallel_loop3A_195] : memref<128xf32, #tpu.memory_space<vmem>>[vector<16xi32>], vector<16xf32>,
        %parallel_loop3A_197 = tpu.vector_load_idx %arg28[%parallel_loop3A_195] : memref<128xf32, #tpu.memory_space<vmem>>[vector<16xi32>], vector<16xf32>,
        %parallel_loop3A_198 = arith.index_cast %parallel_loop3A_194 : i32 to index
        %parallel_loop3A_199 = arith.constant 0 : index
        %parallel_loop3A_200 = tpu.vector_load %arg20[%parallel_loop3A_198, %parallel_loop3A_199] {strides = array<i32>} : memref<128x64xf32, #tpu.memory_space<vmem>>, vector<16xf32>,
        %parallel_loop3A_201 = arith.subf %parallel_loop3A_200, %parallel_loop3A_196 : vector<16xf32>
        %parallel_loop3A_202 = arith.mulf %parallel_loop3A_197, %get3A_57 : vector<16xf32>
        %parallel_loop3A_203 = arith.mulf %parallel_loop3A_201, %parallel_loop3A_202 : vector<16xf32>
        %parallel_loop3A_204 = arith.addf %parallel_loop3A_203, %get3A_65 : vector<16xf32>
        %parallel_loop3A_205 = arith.index_cast %parallel_loop3A_194 : i32 to index
        %parallel_loop3A_206 = arith.constant 0 : index
        %parallel_loop3A_207 = tpu.vector_load %arg20[%parallel_loop3A_205, %parallel_loop3A_206] {strides = array<i32>} : memref<128x64xf32, #tpu.memory_space<vmem>>, vector<16xf32>,
        tpu.vector_store %arg20[%parallel_loop3A_205, %parallel_loop3A_206], %parallel_loop3A_204 {strides = array<i32>} : memref<128x64xf32, #tpu.memory_space<vmem>>, vector<16xf32>,
        %parallel_loop3A_208 = arith.index_cast %parallel_loop3A_194 : i32 to index
        %parallel_loop3A_209 = arith.constant 16 : index
        %parallel_loop3A_210 = tpu.vector_load %arg20[%parallel_loop3A_208, %parallel_loop3A_209] {strides = array<i32>} : memref<128x64xf32, #tpu.memory_space<vmem>>, vector<16xf32>,
        %parallel_loop3A_211 = arith.subf %parallel_loop3A_210, %parallel_loop3A_196 : vector<16xf32>
        %parallel_loop3A_212 = arith.mulf %parallel_loop3A_197, %get3A_59 : vector<16xf32>
        %parallel_loop3A_213 = arith.mulf %parallel_loop3A_211, %parallel_loop3A_212 : vector<16xf32>
        %parallel_loop3A_214 = arith.addf %parallel_loop3A_213, %get3A_67 : vector<16xf32>
        %parallel_loop3A_215 = arith.index_cast %parallel_loop3A_194 : i32 to index
        %parallel_loop3A_216 = arith.constant 16 : index
        %parallel_loop3A_217 = tpu.vector_load %arg20[%parallel_loop3A_215, %parallel_loop3A_216] {strides = array<i32>} : memref<128x64xf32, #tpu.memory_space<vmem>>, vector<16xf32>,
        tpu.vector_store %arg20[%parallel_loop3A_215, %parallel_loop3A_216], %parallel_loop3A_214 {strides = array<i32>} : memref<128x64xf32, #tpu.memory_space<vmem>>, vector<16xf32>,
        %parallel_loop3A_218 = arith.index_cast %parallel_loop3A_194 : i32 to index
        %parallel_loop3A_219 = arith.constant 32 : index
        %parallel_loop3A_220 = tpu.vector_load %arg20[%parallel_loop3A_218, %parallel_loop3A_219] {strides = array<i32>} : memref<128x64xf32, #tpu.memory_space<vmem>>, vector<16xf32>,
        %parallel_loop3A_221 = arith.subf %parallel_loop3A_220, %parallel_loop3A_196 : vector<16xf32>
        %parallel_loop3A_222 = arith.mulf %parallel_loop3A_197, %get3A_61 : vector<16xf32>
        %parallel_loop3A_223 = arith.mulf %parallel_loop3A_221, %parallel_loop3A_222 : vector<16xf32>
        %parallel_loop3A_224 = arith.addf %parallel_loop3A_223, %get3A_69 : vector<16xf32>
        %parallel_loop3A_225 = arith.index_cast %parallel_loop3A_194 : i32 to index
        %parallel_loop3A_226 = arith.constant 32 : index
        %parallel_loop3A_227 = tpu.vector_load %arg20[%parallel_loop3A_225, %parallel_loop3A_226] {strides = array<i32>} : memref<128x64xf32, #tpu.memory_space<vmem>>, vector<16xf32>,
        tpu.vector_store %arg20[%parallel_loop3A_225, %parallel_loop3A_226], %parallel_loop3A_224 {strides = array<i32>} : memref<128x64xf32, #tpu.memory_space<vmem>>, vector<16xf32>,
        %parallel_loop3A_228 = arith.index_cast %parallel_loop3A_194 : i32 to index
        %parallel_loop3A_229 = arith.constant 48 : index
        %parallel_loop3A_230 = tpu.vector_load %arg20[%parallel_loop3A_228, %parallel_loop3A_229] {strides = array<i32>} : memref<128x64xf32, #tpu.memory_space<vmem>>, vector<16xf32>,
        %parallel_loop3A_231 = arith.subf %parallel_loop3A_230, %parallel_loop3A_196 : vector<16xf32>
        %parallel_loop3A_232 = arith.mulf %parallel_loop3A_197, %get3A_63 : vector<16xf32>
        %parallel_loop3A_233 = arith.mulf %parallel_loop3A_231, %parallel_loop3A_232 : vector<16xf32>
        %parallel_loop3A_234 = arith.addf %parallel_loop3A_233, %get3A_71 : vector<16xf32>
        %parallel_loop3A_235 = arith.index_cast %parallel_loop3A_194 : i32 to index
        %parallel_loop3A_236 = arith.constant 48 : index
        %parallel_loop3A_237 = tpu.vector_load %arg20[%parallel_loop3A_235, %parallel_loop3A_236] {strides = array<i32>} : memref<128x64xf32, #tpu.memory_space<vmem>>, vector<16xf32>,
        tpu.vector_store %arg20[%parallel_loop3A_235, %parallel_loop3A_236], %parallel_loop3A_234 {strides = array<i32>} : memref<128x64xf32, #tpu.memory_space<vmem>>, vector<16xf32>,
      } {sc.loop_unroll_factor = 8 : i64, sc.parallel_access}
      %dma_start3A_137 = arith.constant 0 : i32
      %dma_start3A_138 = tpu.memref_slice %arg9[%add3A_117, %dma_start3A_137] : memref<819200x64xf32, #tpu.memory_space<hbm>> -> memref<128x64xf32, #tpu.memory_space<hbm>>
      %dma_start3A_139 = arith.constant 0 : i32
      %dma_start3A_140 = tpu.memref_slice %arg9[%add3A_117, %dma_start3A_139] : memref<819200x64xf32, #tpu.memory_space<hbm>> -> memref<128x64xf32, #tpu.memory_space<hbm>>
      tpu.enqueue_dma source(%arg20 : memref<128x64xf32, #tpu.memory_space<vmem>>) target(%dma_start3A_140 : memref<128x64xf32, #tpu.memory_space<hbm>>) target_semaphore(%arg33 : memref<!tpu.dma_semaphore, #tpu.memory_space<semaphore_mem>>)
      %dma_start3A_141 = tpu.memref_slice %arg10[%add3A_117] : memref<819200xf32, #tpu.memory_space<hbm>> -> memref<128xf32, #tpu.memory_space<hbm>>
      %dma_start3A_142 = tpu.memref_slice %arg10[%add3A_117] : memref<819200xf32, #tpu.memory_space<hbm>> -> memref<128xf32, #tpu.memory_space<hbm>>
      tpu.enqueue_dma source(%arg23 : memref<128xf32, #tpu.memory_space<vmem>>) target(%dma_start3A_142 : memref<128xf32, #tpu.memory_space<hbm>>) target_semaphore(%arg35 : memref<!tpu.dma_semaphore, #tpu.memory_space<semaphore_mem>>)
      %add3A_143 = arith.constant 2 : i32
      %add3A_144 = arith.addi %add3A_114, %add3A_143 : i32
      %lt3A_145 = arith.constant 200 : i32
      %lt3A_146 = arith.cmpi slt, %add3A_144, %lt3A_145 : i32
      %convert_element_type3A_147 = arith.extui %lt3A_146 : i1 to i32
      %cond3A_148 = arith.constant 0 : i32
      %cond3A_149 = arith.cmpi ne, %convert_element_type3A_147, %cond3A_148 : i32
      scf.if %cond3A_149 {
        %add3A_194 = arith.constant 256 : i32
        %add3A_195 = arith.addi %add3A_117, %add3A_194 : i32
        %dma_wait3A_196 = tpu.memref_slice %arg2[%add3A_195] : memref<819200xi32, #tpu.memory_space<hbm>> -> memref<128xi32, #tpu.memory_space<hbm>>
        %dma_wait3A_197 = tpu.memref_slice %arg2[%add3A_195] : memref<819200xi32, #tpu.memory_space<hbm>> -> memref<128xi32, #tpu.memory_space<hbm>>
        tpu.wait_dma2 semaphore(%arg31 : memref<!tpu.dma_semaphore, #tpu.memory_space<semaphore_mem>>) src(%dma_wait3A_197 : memref<128xi32, #tpu.memory_space<hbm>>) dst(%arg16 : memref<128xi32, #tpu.memory_space<vmem>>)
        %dma_start3A_198 = arith.constant 0 : i32
        %dma_start3A_199 = arith.constant 0 : i32
        %dma_start3A_200 = tpu.memref_slice %arg3[%dma_start3A_198, %dma_start3A_199] : memref<100000x256xf32, #tpu.memory_space<hbm>> -> memref<100000x256xf32, #tpu.memory_space<hbm>>
        tpu.enqueue_indirect_dma source(%dma_start3A_200 : memref<100000x256xf32, #tpu.memory_space<hbm>>) target(%arg18 : memref<128x256xf32, #tpu.memory_space<vmem>>) offsets(%arg16 : memref<128xi32, #tpu.memory_space<vmem>>) semaphore(%arg29 : memref<!tpu.dma_semaphore, #tpu.memory_space<semaphore_mem>>)
      } else {
      }
      %mul3A_150 = arith.constant 2 : i32
      %mul3A_151 = arith.muli %mul3A_150, %scan3A_110 : i32
      %add3A_152 = arith.constant 1 : i32
      %add3A_153 = arith.addi %mul3A_151, %add3A_152 : i32
      %mul3A_154 = arith.constant 128 : i32
      %mul3A_155 = arith.muli %add3A_153, %mul3A_154 : i32
      %add3A_156 = arith.addi %mul3A_2, %mul3A_155 : i32
      %dma_wait3A_157 = arith.constant 0 : i32
      %dma_wait3A_158 = arith.constant 0 : i32
      %dma_wait3A_159 = tpu.memref_slice %arg3[%dma_wait3A_157, %dma_wait3A_158] : memref<100000x256xf32, #tpu.memory_space<hbm>> -> memref<100000x256xf32, #tpu.memory_space<hbm>>
      tpu.wait_indirect_dma semaphore(%arg30 : memref<!tpu.dma_semaphore, #tpu.memory_space<semaphore_mem>>) src(%dma_wait3A_159 : memref<100000x256xf32, #tpu.memory_space<hbm>>) dst(%arg19 : memref<128x256xf32, #tpu.memory_space<vmem>>)
      %add3A_160 = arith.constant 2 : i32
      %add3A_161 = arith.addi %add3A_153, %add3A_160 : i32
      %lt3A_162 = arith.constant 200 : i32
      %lt3A_163 = arith.cmpi slt, %add3A_161, %lt3A_162 : i32
      %convert_element_type3A_164 = arith.extui %lt3A_163 : i1 to i32
      %cond3A_165 = arith.constant 0 : i32
      %cond3A_166 = arith.cmpi ne, %convert_element_type3A_164, %cond3A_165 : i32
      scf.if %cond3A_166 {
        %add3A_194 = arith.constant 256 : i32
        %add3A_195 = arith.addi %add3A_156, %add3A_194 : i32
        %dma_start3A_196 = tpu.memref_slice %arg2[%add3A_195] : memref<819200xi32, #tpu.memory_space<hbm>> -> memref<128xi32, #tpu.memory_space<hbm>>
        %dma_start3A_197 = tpu.memref_slice %arg2[%add3A_195] : memref<819200xi32, #tpu.memory_space<hbm>> -> memref<128xi32, #tpu.memory_space<hbm>>
        tpu.enqueue_dma source(%dma_start3A_197 : memref<128xi32, #tpu.memory_space<hbm>>) target(%arg17 : memref<128xi32, #tpu.memory_space<vmem>>) target_semaphore(%arg32 : memref<!tpu.dma_semaphore, #tpu.memory_space<semaphore_mem>>)
      } else {
      }
      %ge3A_167 = arith.constant 2 : i32
      %ge3A_168 = arith.cmpi sge, %add3A_153, %ge3A_167 : i32
      %convert_element_type3A_169 = arith.extui %ge3A_168 : i1 to i32
      %cond3A_170 = arith.constant 0 : i32
      %cond3A_171 = arith.cmpi ne, %convert_element_type3A_169, %cond3A_170 : i32
      scf.if %cond3A_171 {
        %sub3A = arith.constant 256 : i32
        %sub3A_194 = arith.subi %add3A_156, %sub3A : i32
        %dma_wait3A_195 = arith.constant 0 : i32
        %dma_wait3A_196 = tpu.memref_slice %arg9[%sub3A_194, %dma_wait3A_195] : memref<819200x64xf32, #tpu.memory_space<hbm>> -> memref<128x64xf32, #tpu.memory_space<hbm>>
        %dma_wait3A_197 = arith.constant 0 : i32
        %dma_wait3A_198 = tpu.memref_slice %arg9[%sub3A_194, %dma_wait3A_197] : memref<819200x64xf32, #tpu.memory_space<hbm>> -> memref<128x64xf32, #tpu.memory_space<hbm>>
        tpu.wait_dma2 semaphore(%arg34 : memref<!tpu.dma_semaphore, #tpu.memory_space<semaphore_mem>>) src(%arg21 : memref<128x64xf32, #tpu.memory_space<vmem>>) dst(%dma_wait3A_198 : memref<128x64xf32, #tpu.memory_space<hbm>>)
        %sub3A_199 = arith.constant 256 : i32
        %sub3A_200 = arith.subi %add3A_156, %sub3A_199 : i32
        %dma_wait3A_201 = tpu.memref_slice %arg10[%sub3A_200] : memref<819200xf32, #tpu.memory_space<hbm>> -> memref<128xf32, #tpu.memory_space<hbm>>
        %dma_wait3A_202 = tpu.memref_slice %arg10[%sub3A_200] : memref<819200xf32, #tpu.memory_space<hbm>> -> memref<128xf32, #tpu.memory_space<hbm>>
        tpu.wait_dma2 semaphore(%arg36 : memref<!tpu.dma_semaphore, #tpu.memory_space<semaphore_mem>>) src(%arg24 : memref<128xf32, #tpu.memory_space<vmem>>) dst(%dma_wait3A_202 : memref<128xf32, #tpu.memory_space<hbm>>)
      } else {
      }
      %parallel_loop3A_172 = arith.constant 0 : i32
      %parallel_loop3A_173 = arith.constant 128 : i32
      %parallel_loop3A_174 = arith.constant 1 : i32
      scf.for %parallel_loop3A_194 = %parallel_loop3A_172 to %parallel_loop3A_173 step %parallel_loop3A_174  : i32 {
        %parallel_loop3A_195 = arith.addi %add3A_156, %parallel_loop3A_194 : i32
        %parallel_loop3A_196 = arith.constant 200 : i32
        %parallel_loop3A_197 = arith.remsi %parallel_loop3A_195, %parallel_loop3A_196 : i32
        %parallel_loop3A_198 = arith.index_cast %parallel_loop3A_194 : i32 to index
        %parallel_loop3A_199 = arith.constant 0 : index
        %parallel_loop3A_200 = tpu.vector_load %arg19[%parallel_loop3A_198, %parallel_loop3A_199] {strides = array<i32>} : memref<128x256xf32, #tpu.memory_space<vmem>>, vector<16xf32>,
        %parallel_loop3A_201 = arith.index_cast %parallel_loop3A_194 : i32 to index
        %parallel_loop3A_202 = arith.constant 64 : index
        %parallel_loop3A_203 = tpu.vector_load %arg19[%parallel_loop3A_201, %parallel_loop3A_202] {strides = array<i32>} : memref<128x256xf32, #tpu.memory_space<vmem>>, vector<16xf32>,
        %parallel_loop3A_204 = arith.index_cast %parallel_loop3A_194 : i32 to index
        %parallel_loop3A_205 = arith.constant 128 : index
        %parallel_loop3A_206 = tpu.vector_load %arg19[%parallel_loop3A_204, %parallel_loop3A_205] {strides = array<i32>} : memref<128x256xf32, #tpu.memory_space<vmem>>, vector<16xf32>,
        %parallel_loop3A_207 = arith.index_cast %parallel_loop3A_194 : i32 to index
        %parallel_loop3A_208 = arith.constant 192 : index
        %parallel_loop3A_209 = tpu.vector_load %arg19[%parallel_loop3A_207, %parallel_loop3A_208] {strides = array<i32>} : memref<128x256xf32, #tpu.memory_space<vmem>>, vector<16xf32>,
        %parallel_loop3A_210 = arith.mulf %parallel_loop3A_200, %broadcast_in_dim3A_14 : vector<16xf32>
        %parallel_loop3A_211 = arith.mulf %parallel_loop3A_203, %broadcast_in_dim3A_25 : vector<16xf32>
        %parallel_loop3A_212 = arith.addf %parallel_loop3A_210, %parallel_loop3A_211 : vector<16xf32>
        %parallel_loop3A_213 = arith.mulf %parallel_loop3A_206, %broadcast_in_dim3A_36 : vector<16xf32>
        %parallel_loop3A_214 = arith.addf %parallel_loop3A_212, %parallel_loop3A_213 : vector<16xf32>
        %parallel_loop3A_215 = arith.mulf %parallel_loop3A_209, %broadcast_in_dim3A_47 : vector<16xf32>
        %parallel_loop3A_216 = arith.addf %parallel_loop3A_214, %parallel_loop3A_215 : vector<16xf32>
        %parallel_loop3A_217 = arith.addf %parallel_loop3A_200, %parallel_loop3A_203 : vector<16xf32>
        %parallel_loop3A_218 = arith.addf %parallel_loop3A_217, %parallel_loop3A_206 : vector<16xf32>
        %parallel_loop3A_219 = arith.addf %parallel_loop3A_218, %parallel_loop3A_209 : vector<16xf32>
        %parallel_loop3A_220 = arith.mulf %parallel_loop3A_200, %parallel_loop3A_200 : vector<16xf32>
        %parallel_loop3A_221 = arith.mulf %parallel_loop3A_203, %parallel_loop3A_203 : vector<16xf32>
        %parallel_loop3A_222 = arith.addf %parallel_loop3A_220, %parallel_loop3A_221 : vector<16xf32>
        %parallel_loop3A_223 = arith.mulf %parallel_loop3A_206, %parallel_loop3A_206 : vector<16xf32>
        %parallel_loop3A_224 = arith.addf %parallel_loop3A_222, %parallel_loop3A_223 : vector<16xf32>
        %parallel_loop3A_225 = arith.mulf %parallel_loop3A_209, %parallel_loop3A_209 : vector<16xf32>
        %parallel_loop3A_226 = arith.addf %parallel_loop3A_224, %parallel_loop3A_225 : vector<16xf32>
        %parallel_loop3A_227 = arith.constant 0.333333343 : f32
        %parallel_loop3A_228 = vector.broadcast %parallel_loop3A_227 : f32 to vector<16xf32>
        %parallel_loop3A_229 = arith.mulf %parallel_loop3A_226, %parallel_loop3A_228 : vector<16xf32>
        %parallel_loop3A_230 = arith.mulf %parallel_loop3A_219, %parallel_loop3A_219 : vector<16xf32>
        %parallel_loop3A_231 = arith.constant 0.0833333358 : f32
        %parallel_loop3A_232 = vector.broadcast %parallel_loop3A_231 : f32 to vector<16xf32>
        %parallel_loop3A_233 = arith.mulf %parallel_loop3A_230, %parallel_loop3A_232 : vector<16xf32>
        %parallel_loop3A_234 = arith.subf %parallel_loop3A_229, %parallel_loop3A_233 : vector<16xf32>
        %parallel_loop3A_235 = arith.mulf %parallel_loop3A_234, %parallel_loop3A_234 : vector<16xf32>
        %parallel_loop3A_236 = arith.addf %broadcast_in_dim3A_6, %parallel_loop3A_235 : vector<16xf32>
        %parallel_loop3A_237 = arith.constant 64 : i32
        %parallel_loop3A_238 = arith.muli %parallel_loop3A_197, %parallel_loop3A_237 : i32
        %parallel_loop3A_239 = arith.constant 0 : i32
        %parallel_loop3A_240 = arith.addi %parallel_loop3A_238, %parallel_loop3A_239 : i32
        %parallel_loop3A_241 = arith.index_cast %parallel_loop3A_240 : i32 to index
        %parallel_loop3A_242 = tpu.vector_load %arg11[%parallel_loop3A_241] {strides = array<i32>} : memref<12800xf32, #tpu.memory_space<vmem>>, vector<16xf32>,
        %parallel_loop3A_243 = arith.addf %parallel_loop3A_216, %parallel_loop3A_242 : vector<16xf32>
        %parallel_loop3A_244 = arith.index_cast %parallel_loop3A_194 : i32 to index
        %parallel_loop3A_245 = arith.constant 0 : index
        %parallel_loop3A_246 = tpu.vector_load %arg21[%parallel_loop3A_244, %parallel_loop3A_245] {strides = array<i32>} : memref<128x64xf32, #tpu.memory_space<vmem>>, vector<16xf32>,
        tpu.vector_store %arg21[%parallel_loop3A_244, %parallel_loop3A_245], %parallel_loop3A_243 {strides = array<i32>} : memref<128x64xf32, #tpu.memory_space<vmem>>, vector<16xf32>,
        %parallel_loop3A_247 = arith.addf %broadcast_in_dim3A_6, %parallel_loop3A_243 : vector<16xf32>
        %parallel_loop3A_248 = arith.mulf %parallel_loop3A_243, %parallel_loop3A_243 : vector<16xf32>
        %parallel_loop3A_249 = arith.addf %broadcast_in_dim3A_6, %parallel_loop3A_248 : vector<16xf32>
        %parallel_loop3A_250 = arith.index_cast %parallel_loop3A_194 : i32 to index
        %parallel_loop3A_251 = arith.constant 16 : index
        %parallel_loop3A_252 = tpu.vector_load %arg19[%parallel_loop3A_250, %parallel_loop3A_251] {strides = array<i32>} : memref<128x256xf32, #tpu.memory_space<vmem>>, vector<16xf32>,
        %parallel_loop3A_253 = arith.index_cast %parallel_loop3A_194 : i32 to index
        %parallel_loop3A_254 = arith.constant 80 : index
        %parallel_loop3A_255 = tpu.vector_load %arg19[%parallel_loop3A_253, %parallel_loop3A_254] {strides = array<i32>} : memref<128x256xf32, #tpu.memory_space<vmem>>, vector<16xf32>,
        %parallel_loop3A_256 = arith.index_cast %parallel_loop3A_194 : i32 to index
        %parallel_loop3A_257 = arith.constant 144 : index
        %parallel_loop3A_258 = tpu.vector_load %arg19[%parallel_loop3A_256, %parallel_loop3A_257] {strides = array<i32>} : memref<128x256xf32, #tpu.memory_space<vmem>>, vector<16xf32>,
        %parallel_loop3A_259 = arith.index_cast %parallel_loop3A_194 : i32 to index
        %parallel_loop3A_260 = arith.constant 208 : index
        %parallel_loop3A_261 = tpu.vector_load %arg19[%parallel_loop3A_259, %parallel_loop3A_260] {strides = array<i32>} : memref<128x256xf32, #tpu.memory_space<vmem>>, vector<16xf32>,
        %parallel_loop3A_262 = arith.mulf %parallel_loop3A_252, %broadcast_in_dim3A_14 : vector<16xf32>
        %parallel_loop3A_263 = arith.mulf %parallel_loop3A_255, %broadcast_in_dim3A_25 : vector<16xf32>
        %parallel_loop3A_264 = arith.addf %parallel_loop3A_262, %parallel_loop3A_263 : vector<16xf32>
        %parallel_loop3A_265 = arith.mulf %parallel_loop3A_258, %broadcast_in_dim3A_36 : vector<16xf32>
        %parallel_loop3A_266 = arith.addf %parallel_loop3A_264, %parallel_loop3A_265 : vector<16xf32>
        %parallel_loop3A_267 = arith.mulf %parallel_loop3A_261, %broadcast_in_dim3A_47 : vector<16xf32>
        %parallel_loop3A_268 = arith.addf %parallel_loop3A_266, %parallel_loop3A_267 : vector<16xf32>
        %parallel_loop3A_269 = arith.addf %parallel_loop3A_252, %parallel_loop3A_255 : vector<16xf32>
        %parallel_loop3A_270 = arith.addf %parallel_loop3A_269, %parallel_loop3A_258 : vector<16xf32>
        %parallel_loop3A_271 = arith.addf %parallel_loop3A_270, %parallel_loop3A_261 : vector<16xf32>
        %parallel_loop3A_272 = arith.mulf %parallel_loop3A_252, %parallel_loop3A_252 : vector<16xf32>
        %parallel_loop3A_273 = arith.mulf %parallel_loop3A_255, %parallel_loop3A_255 : vector<16xf32>
        %parallel_loop3A_274 = arith.addf %parallel_loop3A_272, %parallel_loop3A_273 : vector<16xf32>
        %parallel_loop3A_275 = arith.mulf %parallel_loop3A_258, %parallel_loop3A_258 : vector<16xf32>
        %parallel_loop3A_276 = arith.addf %parallel_loop3A_274, %parallel_loop3A_275 : vector<16xf32>
        %parallel_loop3A_277 = arith.mulf %parallel_loop3A_261, %parallel_loop3A_261 : vector<16xf32>
        %parallel_loop3A_278 = arith.addf %parallel_loop3A_276, %parallel_loop3A_277 : vector<16xf32>
        %parallel_loop3A_279 = arith.constant 0.333333343 : f32
        %parallel_loop3A_280 = vector.broadcast %parallel_loop3A_279 : f32 to vector<16xf32>
        %parallel_loop3A_281 = arith.mulf %parallel_loop3A_278, %parallel_loop3A_280 : vector<16xf32>
        %parallel_loop3A_282 = arith.mulf %parallel_loop3A_271, %parallel_loop3A_271 : vector<16xf32>
        %parallel_loop3A_283 = arith.constant 0.0833333358 : f32
        %parallel_loop3A_284 = vector.broadcast %parallel_loop3A_283 : f32 to vector<16xf32>
        %parallel_loop3A_285 = arith.mulf %parallel_loop3A_282, %parallel_loop3A_284 : vector<16xf32>
        %parallel_loop3A_286 = arith.subf %parallel_loop3A_281, %parallel_loop3A_285 : vector<16xf32>
        %parallel_loop3A_287 = arith.mulf %parallel_loop3A_286, %parallel_loop3A_286 : vector<16xf32>
        %parallel_loop3A_288 = arith.addf %parallel_loop3A_236, %parallel_loop3A_287 : vector<16xf32>
        %parallel_loop3A_289 = arith.constant 64 : i32
        %parallel_loop3A_290 = arith.muli %parallel_loop3A_197, %parallel_loop3A_289 : i32
        %parallel_loop3A_291 = arith.constant 16 : i32
        %parallel_loop3A_292 = arith.addi %parallel_loop3A_290, %parallel_loop3A_291 : i32
        %parallel_loop3A_293 = arith.index_cast %parallel_loop3A_292 : i32 to index
        %parallel_loop3A_294 = tpu.vector_load %arg11[%parallel_loop3A_293] {strides = array<i32>} : memref<12800xf32, #tpu.memory_space<vmem>>, vector<16xf32>,
        %parallel_loop3A_295 = arith.addf %parallel_loop3A_268, %parallel_loop3A_294 : vector<16xf32>
        %parallel_loop3A_296 = arith.index_cast %parallel_loop3A_194 : i32 to index
        %parallel_loop3A_297 = arith.constant 16 : index
        %parallel_loop3A_298 = tpu.vector_load %arg21[%parallel_loop3A_296, %parallel_loop3A_297] {strides = array<i32>} : memref<128x64xf32, #tpu.memory_space<vmem>>, vector<16xf32>,
        tpu.vector_store %arg21[%parallel_loop3A_296, %parallel_loop3A_297], %parallel_loop3A_295 {strides = array<i32>} : memref<128x64xf32, #tpu.memory_space<vmem>>, vector<16xf32>,
        %parallel_loop3A_299 = arith.addf %parallel_loop3A_247, %parallel_loop3A_295 : vector<16xf32>
        %parallel_loop3A_300 = arith.mulf %parallel_loop3A_295, %parallel_loop3A_295 : vector<16xf32>
        %parallel_loop3A_301 = arith.addf %parallel_loop3A_249, %parallel_loop3A_300 : vector<16xf32>
        %parallel_loop3A_302 = arith.index_cast %parallel_loop3A_194 : i32 to index
        %parallel_loop3A_303 = arith.constant 32 : index
        %parallel_loop3A_304 = tpu.vector_load %arg19[%parallel_loop3A_302, %parallel_loop3A_303] {strides = array<i32>} : memref<128x256xf32, #tpu.memory_space<vmem>>, vector<16xf32>,
        %parallel_loop3A_305 = arith.index_cast %parallel_loop3A_194 : i32 to index
        %parallel_loop3A_306 = arith.constant 96 : index
        %parallel_loop3A_307 = tpu.vector_load %arg19[%parallel_loop3A_305, %parallel_loop3A_306] {strides = array<i32>} : memref<128x256xf32, #tpu.memory_space<vmem>>, vector<16xf32>,
        %parallel_loop3A_308 = arith.index_cast %parallel_loop3A_194 : i32 to index
        %parallel_loop3A_309 = arith.constant 160 : index
        %parallel_loop3A_310 = tpu.vector_load %arg19[%parallel_loop3A_308, %parallel_loop3A_309] {strides = array<i32>} : memref<128x256xf32, #tpu.memory_space<vmem>>, vector<16xf32>,
        %parallel_loop3A_311 = arith.index_cast %parallel_loop3A_194 : i32 to index
        %parallel_loop3A_312 = arith.constant 224 : index
        %parallel_loop3A_313 = tpu.vector_load %arg19[%parallel_loop3A_311, %parallel_loop3A_312] {strides = array<i32>} : memref<128x256xf32, #tpu.memory_space<vmem>>, vector<16xf32>,
        %parallel_loop3A_314 = arith.mulf %parallel_loop3A_304, %broadcast_in_dim3A_14 : vector<16xf32>
        %parallel_loop3A_315 = arith.mulf %parallel_loop3A_307, %broadcast_in_dim3A_25 : vector<16xf32>
        %parallel_loop3A_316 = arith.addf %parallel_loop3A_314, %parallel_loop3A_315 : vector<16xf32>
        %parallel_loop3A_317 = arith.mulf %parallel_loop3A_310, %broadcast_in_dim3A_36 : vector<16xf32>
        %parallel_loop3A_318 = arith.addf %parallel_loop3A_316, %parallel_loop3A_317 : vector<16xf32>
        %parallel_loop3A_319 = arith.mulf %parallel_loop3A_313, %broadcast_in_dim3A_47 : vector<16xf32>
        %parallel_loop3A_320 = arith.addf %parallel_loop3A_318, %parallel_loop3A_319 : vector<16xf32>
        %parallel_loop3A_321 = arith.addf %parallel_loop3A_304, %parallel_loop3A_307 : vector<16xf32>
        %parallel_loop3A_322 = arith.addf %parallel_loop3A_321, %parallel_loop3A_310 : vector<16xf32>
        %parallel_loop3A_323 = arith.addf %parallel_loop3A_322, %parallel_loop3A_313 : vector<16xf32>
        %parallel_loop3A_324 = arith.mulf %parallel_loop3A_304, %parallel_loop3A_304 : vector<16xf32>
        %parallel_loop3A_325 = arith.mulf %parallel_loop3A_307, %parallel_loop3A_307 : vector<16xf32>
        %parallel_loop3A_326 = arith.addf %parallel_loop3A_324, %parallel_loop3A_325 : vector<16xf32>
        %parallel_loop3A_327 = arith.mulf %parallel_loop3A_310, %parallel_loop3A_310 : vector<16xf32>
        %parallel_loop3A_328 = arith.addf %parallel_loop3A_326, %parallel_loop3A_327 : vector<16xf32>
        %parallel_loop3A_329 = arith.mulf %parallel_loop3A_313, %parallel_loop3A_313 : vector<16xf32>
        %parallel_loop3A_330 = arith.addf %parallel_loop3A_328, %parallel_loop3A_329 : vector<16xf32>
        %parallel_loop3A_331 = arith.constant 0.333333343 : f32
        %parallel_loop3A_332 = vector.broadcast %parallel_loop3A_331 : f32 to vector<16xf32>
        %parallel_loop3A_333 = arith.mulf %parallel_loop3A_330, %parallel_loop3A_332 : vector<16xf32>
        %parallel_loop3A_334 = arith.mulf %parallel_loop3A_323, %parallel_loop3A_323 : vector<16xf32>
        %parallel_loop3A_335 = arith.constant 0.0833333358 : f32
        %parallel_loop3A_336 = vector.broadcast %parallel_loop3A_335 : f32 to vector<16xf32>
        %parallel_loop3A_337 = arith.mulf %parallel_loop3A_334, %parallel_loop3A_336 : vector<16xf32>
        %parallel_loop3A_338 = arith.subf %parallel_loop3A_333, %parallel_loop3A_337 : vector<16xf32>
        %parallel_loop3A_339 = arith.mulf %parallel_loop3A_338, %parallel_loop3A_338 : vector<16xf32>
        %parallel_loop3A_340 = arith.addf %parallel_loop3A_288, %parallel_loop3A_339 : vector<16xf32>
        %parallel_loop3A_341 = arith.constant 64 : i32
        %parallel_loop3A_342 = arith.muli %parallel_loop3A_197, %parallel_loop3A_341 : i32
        %parallel_loop3A_343 = arith.constant 32 : i32
        %parallel_loop3A_344 = arith.addi %parallel_loop3A_342, %parallel_loop3A_343 : i32
        %parallel_loop3A_345 = arith.index_cast %parallel_loop3A_344 : i32 to index
        %parallel_loop3A_346 = tpu.vector_load %arg11[%parallel_loop3A_345] {strides = array<i32>} : memref<12800xf32, #tpu.memory_space<vmem>>, vector<16xf32>,
        %parallel_loop3A_347 = arith.addf %parallel_loop3A_320, %parallel_loop3A_346 : vector<16xf32>
        %parallel_loop3A_348 = arith.index_cast %parallel_loop3A_194 : i32 to index
        %parallel_loop3A_349 = arith.constant 32 : index
        %parallel_loop3A_350 = tpu.vector_load %arg21[%parallel_loop3A_348, %parallel_loop3A_349] {strides = array<i32>} : memref<128x64xf32, #tpu.memory_space<vmem>>, vector<16xf32>,
        tpu.vector_store %arg21[%parallel_loop3A_348, %parallel_loop3A_349], %parallel_loop3A_347 {strides = array<i32>} : memref<128x64xf32, #tpu.memory_space<vmem>>, vector<16xf32>,
        %parallel_loop3A_351 = arith.addf %parallel_loop3A_299, %parallel_loop3A_347 : vector<16xf32>
        %parallel_loop3A_352 = arith.mulf %parallel_loop3A_347, %parallel_loop3A_347 : vector<16xf32>
        %parallel_loop3A_353 = arith.addf %parallel_loop3A_301, %parallel_loop3A_352 : vector<16xf32>
        %parallel_loop3A_354 = arith.index_cast %parallel_loop3A_194 : i32 to index
        %parallel_loop3A_355 = arith.constant 48 : index
        %parallel_loop3A_356 = tpu.vector_load %arg19[%parallel_loop3A_354, %parallel_loop3A_355] {strides = array<i32>} : memref<128x256xf32, #tpu.memory_space<vmem>>, vector<16xf32>,
        %parallel_loop3A_357 = arith.index_cast %parallel_loop3A_194 : i32 to index
        %parallel_loop3A_358 = arith.constant 112 : index
        %parallel_loop3A_359 = tpu.vector_load %arg19[%parallel_loop3A_357, %parallel_loop3A_358] {strides = array<i32>} : memref<128x256xf32, #tpu.memory_space<vmem>>, vector<16xf32>,
        %parallel_loop3A_360 = arith.index_cast %parallel_loop3A_194 : i32 to index
        %parallel_loop3A_361 = arith.constant 176 : index
        %parallel_loop3A_362 = tpu.vector_load %arg19[%parallel_loop3A_360, %parallel_loop3A_361] {strides = array<i32>} : memref<128x256xf32, #tpu.memory_space<vmem>>, vector<16xf32>,
        %parallel_loop3A_363 = arith.index_cast %parallel_loop3A_194 : i32 to index
        %parallel_loop3A_364 = arith.constant 240 : index
        %parallel_loop3A_365 = tpu.vector_load %arg19[%parallel_loop3A_363, %parallel_loop3A_364] {strides = array<i32>} : memref<128x256xf32, #tpu.memory_space<vmem>>, vector<16xf32>,
        %parallel_loop3A_366 = arith.mulf %parallel_loop3A_356, %broadcast_in_dim3A_14 : vector<16xf32>
        %parallel_loop3A_367 = arith.mulf %parallel_loop3A_359, %broadcast_in_dim3A_25 : vector<16xf32>
        %parallel_loop3A_368 = arith.addf %parallel_loop3A_366, %parallel_loop3A_367 : vector<16xf32>
        %parallel_loop3A_369 = arith.mulf %parallel_loop3A_362, %broadcast_in_dim3A_36 : vector<16xf32>
        %parallel_loop3A_370 = arith.addf %parallel_loop3A_368, %parallel_loop3A_369 : vector<16xf32>
        %parallel_loop3A_371 = arith.mulf %parallel_loop3A_365, %broadcast_in_dim3A_47 : vector<16xf32>
        %parallel_loop3A_372 = arith.addf %parallel_loop3A_370, %parallel_loop3A_371 : vector<16xf32>
        %parallel_loop3A_373 = arith.addf %parallel_loop3A_356, %parallel_loop3A_359 : vector<16xf32>
        %parallel_loop3A_374 = arith.addf %parallel_loop3A_373, %parallel_loop3A_362 : vector<16xf32>
        %parallel_loop3A_375 = arith.addf %parallel_loop3A_374, %parallel_loop3A_365 : vector<16xf32>
        %parallel_loop3A_376 = arith.mulf %parallel_loop3A_356, %parallel_loop3A_356 : vector<16xf32>
        %parallel_loop3A_377 = arith.mulf %parallel_loop3A_359, %parallel_loop3A_359 : vector<16xf32>
        %parallel_loop3A_378 = arith.addf %parallel_loop3A_376, %parallel_loop3A_377 : vector<16xf32>
        %parallel_loop3A_379 = arith.mulf %parallel_loop3A_362, %parallel_loop3A_362 : vector<16xf32>
        %parallel_loop3A_380 = arith.addf %parallel_loop3A_378, %parallel_loop3A_379 : vector<16xf32>
        %parallel_loop3A_381 = arith.mulf %parallel_loop3A_365, %parallel_loop3A_365 : vector<16xf32>
        %parallel_loop3A_382 = arith.addf %parallel_loop3A_380, %parallel_loop3A_381 : vector<16xf32>
        %parallel_loop3A_383 = arith.constant 0.333333343 : f32
        %parallel_loop3A_384 = vector.broadcast %parallel_loop3A_383 : f32 to vector<16xf32>
        %parallel_loop3A_385 = arith.mulf %parallel_loop3A_382, %parallel_loop3A_384 : vector<16xf32>
        %parallel_loop3A_386 = arith.mulf %parallel_loop3A_375, %parallel_loop3A_375 : vector<16xf32>
        %parallel_loop3A_387 = arith.constant 0.0833333358 : f32
        %parallel_loop3A_388 = vector.broadcast %parallel_loop3A_387 : f32 to vector<16xf32>
        %parallel_loop3A_389 = arith.mulf %parallel_loop3A_386, %parallel_loop3A_388 : vector<16xf32>
        %parallel_loop3A_390 = arith.subf %parallel_loop3A_385, %parallel_loop3A_389 : vector<16xf32>
        %parallel_loop3A_391 = arith.mulf %parallel_loop3A_390, %parallel_loop3A_390 : vector<16xf32>
        %parallel_loop3A_392 = arith.addf %parallel_loop3A_340, %parallel_loop3A_391 : vector<16xf32>
        %parallel_loop3A_393 = arith.constant 64 : i32
        %parallel_loop3A_394 = arith.muli %parallel_loop3A_197, %parallel_loop3A_393 : i32
        %parallel_loop3A_395 = arith.constant 48 : i32
        %parallel_loop3A_396 = arith.addi %parallel_loop3A_394, %parallel_loop3A_395 : i32
        %parallel_loop3A_397 = arith.index_cast %parallel_loop3A_396 : i32 to index
        %parallel_loop3A_398 = tpu.vector_load %arg11[%parallel_loop3A_397] {strides = array<i32>} : memref<12800xf32, #tpu.memory_space<vmem>>, vector<16xf32>,
        %parallel_loop3A_399 = arith.addf %parallel_loop3A_372, %parallel_loop3A_398 : vector<16xf32>
        %parallel_loop3A_400 = arith.index_cast %parallel_loop3A_194 : i32 to index
        %parallel_loop3A_401 = arith.constant 48 : index
        %parallel_loop3A_402 = tpu.vector_load %arg21[%parallel_loop3A_400, %parallel_loop3A_401] {strides = array<i32>} : memref<128x64xf32, #tpu.memory_space<vmem>>, vector<16xf32>,
        tpu.vector_store %arg21[%parallel_loop3A_400, %parallel_loop3A_401], %parallel_loop3A_399 {strides = array<i32>} : memref<128x64xf32, #tpu.memory_space<vmem>>, vector<16xf32>,
        %parallel_loop3A_403 = arith.addf %parallel_loop3A_351, %parallel_loop3A_399 : vector<16xf32>
        %parallel_loop3A_404 = arith.mulf %parallel_loop3A_399, %parallel_loop3A_399 : vector<16xf32>
        %parallel_loop3A_405 = arith.addf %parallel_loop3A_353, %parallel_loop3A_404 : vector<16xf32>
        %parallel_loop3A_406 = vector.broadcast %parallel_loop3A_194 : i32 to vector<16xi32>
        %parallel_loop3A_407 = arith.constant true
        %parallel_loop3A_408 = vector.broadcast %parallel_loop3A_407 : i1 to vector<16xi1>
        %parallel_loop3A_409 = tpu.scan <sum>, %parallel_loop3A_403 masked %parallel_loop3A_408 : vector<16xf32>, vector<16xi1> -> vector<16xf32>
        %parallel_loop3A_410 = vector.extract %parallel_loop3A_409[15] : f32 from vector<16xf32>
        %parallel_loop3A_411 = vector.broadcast %parallel_loop3A_410 : f32 to vector<16xf32>
        tpu.vector_store_idx %arg25[%parallel_loop3A_406], %parallel_loop3A_411 masked %eq3A_74 : memref<128xf32, #tpu.memory_space<vmem>>[vector<16xi32>], vector<16xf32>, vector<16xi1>
        %parallel_loop3A_412 = arith.constant true
        %parallel_loop3A_413 = vector.broadcast %parallel_loop3A_412 : i1 to vector<16xi1>
        %parallel_loop3A_414 = tpu.scan <sum>, %parallel_loop3A_405 masked %parallel_loop3A_413 : vector<16xf32>, vector<16xi1> -> vector<16xf32>
        %parallel_loop3A_415 = vector.extract %parallel_loop3A_414[15] : f32 from vector<16xf32>
        %parallel_loop3A_416 = vector.broadcast %parallel_loop3A_415 : f32 to vector<16xf32>
        tpu.vector_store_idx %arg26[%parallel_loop3A_406], %parallel_loop3A_416 masked %eq3A_74 : memref<128xf32, #tpu.memory_space<vmem>>[vector<16xi32>], vector<16xf32>, vector<16xi1>
        %parallel_loop3A_417 = arith.constant true
        %parallel_loop3A_418 = vector.broadcast %parallel_loop3A_417 : i1 to vector<16xi1>
        %parallel_loop3A_419 = tpu.scan <sum>, %parallel_loop3A_392 masked %parallel_loop3A_418 : vector<16xf32>, vector<16xi1> -> vector<16xf32>
        %parallel_loop3A_420 = vector.extract %parallel_loop3A_419[15] : f32 from vector<16xf32>
        %parallel_loop3A_421 = vector.broadcast %parallel_loop3A_420 : f32 to vector<16xf32>
        tpu.vector_store_idx %arg22[%parallel_loop3A_406], %parallel_loop3A_421 masked %eq3A_74 : memref<128xf32, #tpu.memory_space<vmem>>[vector<16xi32>], vector<16xf32>, vector<16xi1>
      } {sc.loop_unroll_factor = 8 : i64, sc.parallel_access}
      %parallel_loop3A_175 = arith.constant 0 : i32
      %parallel_loop3A_176 = arith.constant 8 : i32
      %parallel_loop3A_177 = arith.constant 1 : i32
      scf.for %parallel_loop3A_194 = %parallel_loop3A_175 to %parallel_loop3A_176 step %parallel_loop3A_177  : i32 {
        %parallel_loop3A_195 = arith.constant 16 : i32
        %parallel_loop3A_196 = arith.muli %parallel_loop3A_194, %parallel_loop3A_195 : i32
        %parallel_loop3A_197 = arith.index_cast %parallel_loop3A_196 : i32 to index
        %parallel_loop3A_198 = tpu.vector_load %arg25[%parallel_loop3A_197] {strides = array<i32>} : memref<128xf32, #tpu.memory_space<vmem>>, vector<16xf32>,
        %parallel_loop3A_199 = arith.constant 16 : i32
        %parallel_loop3A_200 = arith.muli %parallel_loop3A_194, %parallel_loop3A_199 : i32
        %parallel_loop3A_201 = arith.index_cast %parallel_loop3A_200 : i32 to index
        %parallel_loop3A_202 = tpu.vector_load %arg26[%parallel_loop3A_201] {strides = array<i32>} : memref<128xf32, #tpu.memory_space<vmem>>, vector<16xf32>,
        %parallel_loop3A_203 = arith.constant 1.562500e-02 : f32
        %parallel_loop3A_204 = vector.broadcast %parallel_loop3A_203 : f32 to vector<16xf32>
        %parallel_loop3A_205 = arith.mulf %parallel_loop3A_198, %parallel_loop3A_204 : vector<16xf32>
        %parallel_loop3A_206 = arith.constant 1.562500e-02 : f32
        %parallel_loop3A_207 = vector.broadcast %parallel_loop3A_206 : f32 to vector<16xf32>
        %parallel_loop3A_208 = arith.mulf %parallel_loop3A_202, %parallel_loop3A_207 : vector<16xf32>
        %parallel_loop3A_209 = arith.mulf %parallel_loop3A_205, %parallel_loop3A_205 : vector<16xf32>
        %parallel_loop3A_210 = arith.subf %parallel_loop3A_208, %parallel_loop3A_209 : vector<16xf32>
        %parallel_loop3A_211 = arith.constant 0.000000e+00 : f32
        %parallel_loop3A_212 = vector.broadcast %parallel_loop3A_211 : f32 to vector<16xf32>
        %parallel_loop3A_213 = arith.maximumf %parallel_loop3A_210, %parallel_loop3A_212 : vector<16xf32>
        %parallel_loop3A_214 = arith.constant 9.99999996E-13 : f32
        %parallel_loop3A_215 = vector.broadcast %parallel_loop3A_214 : f32 to vector<16xf32>
        %parallel_loop3A_216 = arith.addf %parallel_loop3A_213, %parallel_loop3A_215 : vector<16xf32>
        %parallel_loop3A_217 = arith.constant 16 : i32
        %parallel_loop3A_218 = arith.muli %parallel_loop3A_194, %parallel_loop3A_217 : i32
        %parallel_loop3A_219 = arith.index_cast %parallel_loop3A_218 : i32 to index
        %parallel_loop3A_220 = tpu.vector_load %arg27[%parallel_loop3A_219] {strides = array<i32>} : memref<128xf32, #tpu.memory_space<vmem>>, vector<16xf32>,
        tpu.vector_store %arg27[%parallel_loop3A_219], %parallel_loop3A_205 {strides = array<i32>} : memref<128xf32, #tpu.memory_space<vmem>>, vector<16xf32>,
        %parallel_loop3A_221 = vector.bitcast %parallel_loop3A_216 : vector<16xf32> to vector<16xi32>
        %parallel_loop3A_222 = arith.constant 1 : i32
        %parallel_loop3A_223 = vector.broadcast %parallel_loop3A_222 : i32 to vector<16xi32>
        %parallel_loop3A_224 = arith.shrui %parallel_loop3A_221, %parallel_loop3A_223 : vector<16xi32>
        %parallel_loop3A_225 = arith.constant 1597463007 : i32
        %parallel_loop3A_226 = vector.broadcast %parallel_loop3A_225 : i32 to vector<16xi32>
        %parallel_loop3A_227 = arith.subi %parallel_loop3A_226, %parallel_loop3A_224 : vector<16xi32>
        %parallel_loop3A_228 = vector.bitcast %parallel_loop3A_227 : vector<16xi32> to vector<16xf32>
        %parallel_loop3A_229 = arith.constant 5.000000e-01 : f32
        %parallel_loop3A_230 = vector.broadcast %parallel_loop3A_229 : f32 to vector<16xf32>
        %parallel_loop3A_231 = arith.mulf %parallel_loop3A_230, %parallel_loop3A_216 : vector<16xf32>
        %parallel_loop3A_232 = arith.mulf %parallel_loop3A_231, %parallel_loop3A_228 : vector<16xf32>
        %parallel_loop3A_233 = arith.mulf %parallel_loop3A_232, %parallel_loop3A_228 : vector<16xf32>
        %parallel_loop3A_234 = arith.constant 1.500000e+00 : f32
        %parallel_loop3A_235 = vector.broadcast %parallel_loop3A_234 : f32 to vector<16xf32>
        %parallel_loop3A_236 = arith.subf %parallel_loop3A_235, %parallel_loop3A_233 : vector<16xf32>
        %parallel_loop3A_237 = arith.mulf %parallel_loop3A_228, %parallel_loop3A_236 : vector<16xf32>
        %parallel_loop3A_238 = arith.constant 5.000000e-01 : f32
        %parallel_loop3A_239 = vector.broadcast %parallel_loop3A_238 : f32 to vector<16xf32>
        %parallel_loop3A_240 = arith.mulf %parallel_loop3A_239, %parallel_loop3A_216 : vector<16xf32>
        %parallel_loop3A_241 = arith.mulf %parallel_loop3A_240, %parallel_loop3A_237 : vector<16xf32>
        %parallel_loop3A_242 = arith.mulf %parallel_loop3A_241, %parallel_loop3A_237 : vector<16xf32>
        %parallel_loop3A_243 = arith.constant 1.500000e+00 : f32
        %parallel_loop3A_244 = vector.broadcast %parallel_loop3A_243 : f32 to vector<16xf32>
        %parallel_loop3A_245 = arith.subf %parallel_loop3A_244, %parallel_loop3A_242 : vector<16xf32>
        %parallel_loop3A_246 = arith.mulf %parallel_loop3A_237, %parallel_loop3A_245 : vector<16xf32>
        %parallel_loop3A_247 = arith.constant 16 : i32
        %parallel_loop3A_248 = arith.muli %parallel_loop3A_194, %parallel_loop3A_247 : i32
        %parallel_loop3A_249 = arith.index_cast %parallel_loop3A_248 : i32 to index
        %parallel_loop3A_250 = tpu.vector_load %arg28[%parallel_loop3A_249] {strides = array<i32>} : memref<128xf32, #tpu.memory_space<vmem>>, vector<16xf32>,
        tpu.vector_store %arg28[%parallel_loop3A_249], %parallel_loop3A_246 {strides = array<i32>} : memref<128xf32, #tpu.memory_space<vmem>>, vector<16xf32>,
        %parallel_loop3A_251 = arith.constant 16 : i32
        %parallel_loop3A_252 = arith.muli %parallel_loop3A_194, %parallel_loop3A_251 : i32
        %parallel_loop3A_253 = arith.index_cast %parallel_loop3A_252 : i32 to index
        %parallel_loop3A_254 = tpu.vector_load %arg22[%parallel_loop3A_253] {strides = array<i32>} : memref<128xf32, #tpu.memory_space<vmem>>, vector<16xf32>,
        %parallel_loop3A_255 = arith.constant 1.000000e-30 : f32
        %parallel_loop3A_256 = vector.broadcast %parallel_loop3A_255 : f32 to vector<16xf32>
        %parallel_loop3A_257 = arith.maximumf %parallel_loop3A_254, %parallel_loop3A_256 : vector<16xf32>
        %parallel_loop3A_258 = vector.bitcast %parallel_loop3A_257 : vector<16xf32> to vector<16xi32>
        %parallel_loop3A_259 = arith.constant 1 : i32
        %parallel_loop3A_260 = vector.broadcast %parallel_loop3A_259 : i32 to vector<16xi32>
        %parallel_loop3A_261 = arith.shrui %parallel_loop3A_258, %parallel_loop3A_260 : vector<16xi32>
        %parallel_loop3A_262 = arith.constant 1597463007 : i32
        %parallel_loop3A_263 = vector.broadcast %parallel_loop3A_262 : i32 to vector<16xi32>
        %parallel_loop3A_264 = arith.subi %parallel_loop3A_263, %parallel_loop3A_261 : vector<16xi32>
        %parallel_loop3A_265 = vector.bitcast %parallel_loop3A_264 : vector<16xi32> to vector<16xf32>
        %parallel_loop3A_266 = arith.constant 5.000000e-01 : f32
        %parallel_loop3A_267 = vector.broadcast %parallel_loop3A_266 : f32 to vector<16xf32>
        %parallel_loop3A_268 = arith.mulf %parallel_loop3A_267, %parallel_loop3A_257 : vector<16xf32>
        %parallel_loop3A_269 = arith.mulf %parallel_loop3A_268, %parallel_loop3A_265 : vector<16xf32>
        %parallel_loop3A_270 = arith.mulf %parallel_loop3A_269, %parallel_loop3A_265 : vector<16xf32>
        %parallel_loop3A_271 = arith.constant 1.500000e+00 : f32
        %parallel_loop3A_272 = vector.broadcast %parallel_loop3A_271 : f32 to vector<16xf32>
        %parallel_loop3A_273 = arith.subf %parallel_loop3A_272, %parallel_loop3A_270 : vector<16xf32>
        %parallel_loop3A_274 = arith.mulf %parallel_loop3A_265, %parallel_loop3A_273 : vector<16xf32>
        %parallel_loop3A_275 = arith.constant 5.000000e-01 : f32
        %parallel_loop3A_276 = vector.broadcast %parallel_loop3A_275 : f32 to vector<16xf32>
        %parallel_loop3A_277 = arith.mulf %parallel_loop3A_276, %parallel_loop3A_257 : vector<16xf32>
        %parallel_loop3A_278 = arith.mulf %parallel_loop3A_277, %parallel_loop3A_274 : vector<16xf32>
        %parallel_loop3A_279 = arith.mulf %parallel_loop3A_278, %parallel_loop3A_274 : vector<16xf32>
        %parallel_loop3A_280 = arith.constant 1.500000e+00 : f32
        %parallel_loop3A_281 = vector.broadcast %parallel_loop3A_280 : f32 to vector<16xf32>
        %parallel_loop3A_282 = arith.subf %parallel_loop3A_281, %parallel_loop3A_279 : vector<16xf32>
        %parallel_loop3A_283 = arith.mulf %parallel_loop3A_274, %parallel_loop3A_282 : vector<16xf32>
        %parallel_loop3A_284 = arith.mulf %parallel_loop3A_254, %parallel_loop3A_283 : vector<16xf32>
        %parallel_loop3A_285 = arith.constant 16 : i32
        %parallel_loop3A_286 = arith.muli %parallel_loop3A_194, %parallel_loop3A_285 : i32
        %parallel_loop3A_287 = arith.index_cast %parallel_loop3A_286 : i32 to index
        %parallel_loop3A_288 = tpu.vector_load %arg24[%parallel_loop3A_287] {strides = array<i32>} : memref<128xf32, #tpu.memory_space<vmem>>, vector<16xf32>,
        tpu.vector_store %arg24[%parallel_loop3A_287], %parallel_loop3A_284 {strides = array<i32>} : memref<128xf32, #tpu.memory_space<vmem>>, vector<16xf32>,
      } {sc.loop_unroll_factor = 2 : i64, sc.parallel_access}
      %parallel_loop3A_178 = arith.constant 0 : i32
      %parallel_loop3A_179 = arith.constant 128 : i32
      %parallel_loop3A_180 = arith.constant 1 : i32
      scf.for %parallel_loop3A_194 = %parallel_loop3A_178 to %parallel_loop3A_179 step %parallel_loop3A_180  : i32 {
        %parallel_loop3A_195 = vector.broadcast %parallel_loop3A_194 : i32 to vector<16xi32>
        %parallel_loop3A_196 = tpu.vector_load_idx %arg27[%parallel_loop3A_195] : memref<128xf32, #tpu.memory_space<vmem>>[vector<16xi32>], vector<16xf32>,
        %parallel_loop3A_197 = tpu.vector_load_idx %arg28[%parallel_loop3A_195] : memref<128xf32, #tpu.memory_space<vmem>>[vector<16xi32>], vector<16xf32>,
        %parallel_loop3A_198 = arith.index_cast %parallel_loop3A_194 : i32 to index
        %parallel_loop3A_199 = arith.constant 0 : index
        %parallel_loop3A_200 = tpu.vector_load %arg21[%parallel_loop3A_198, %parallel_loop3A_199] {strides = array<i32>} : memref<128x64xf32, #tpu.memory_space<vmem>>, vector<16xf32>,
        %parallel_loop3A_201 = arith.subf %parallel_loop3A_200, %parallel_loop3A_196 : vector<16xf32>
        %parallel_loop3A_202 = arith.mulf %parallel_loop3A_197, %get3A_57 : vector<16xf32>
        %parallel_loop3A_203 = arith.mulf %parallel_loop3A_201, %parallel_loop3A_202 : vector<16xf32>
        %parallel_loop3A_204 = arith.addf %parallel_loop3A_203, %get3A_65 : vector<16xf32>
        %parallel_loop3A_205 = arith.index_cast %parallel_loop3A_194 : i32 to index
        %parallel_loop3A_206 = arith.constant 0 : index
        %parallel_loop3A_207 = tpu.vector_load %arg21[%parallel_loop3A_205, %parallel_loop3A_206] {strides = array<i32>} : memref<128x64xf32, #tpu.memory_space<vmem>>, vector<16xf32>,
        tpu.vector_store %arg21[%parallel_loop3A_205, %parallel_loop3A_206], %parallel_loop3A_204 {strides = array<i32>} : memref<128x64xf32, #tpu.memory_space<vmem>>, vector<16xf32>,
        %parallel_loop3A_208 = arith.index_cast %parallel_loop3A_194 : i32 to index
        %parallel_loop3A_209 = arith.constant 16 : index
        %parallel_loop3A_210 = tpu.vector_load %arg21[%parallel_loop3A_208, %parallel_loop3A_209] {strides = array<i32>} : memref<128x64xf32, #tpu.memory_space<vmem>>, vector<16xf32>,
        %parallel_loop3A_211 = arith.subf %parallel_loop3A_210, %parallel_loop3A_196 : vector<16xf32>
        %parallel_loop3A_212 = arith.mulf %parallel_loop3A_197, %get3A_59 : vector<16xf32>
        %parallel_loop3A_213 = arith.mulf %parallel_loop3A_211, %parallel_loop3A_212 : vector<16xf32>
        %parallel_loop3A_214 = arith.addf %parallel_loop3A_213, %get3A_67 : vector<16xf32>
        %parallel_loop3A_215 = arith.index_cast %parallel_loop3A_194 : i32 to index
        %parallel_loop3A_216 = arith.constant 16 : index
        %parallel_loop3A_217 = tpu.vector_load %arg21[%parallel_loop3A_215, %parallel_loop3A_216] {strides = array<i32>} : memref<128x64xf32, #tpu.memory_space<vmem>>, vector<16xf32>,
        tpu.vector_store %arg21[%parallel_loop3A_215, %parallel_loop3A_216], %parallel_loop3A_214 {strides = array<i32>} : memref<128x64xf32, #tpu.memory_space<vmem>>, vector<16xf32>,
        %parallel_loop3A_218 = arith.index_cast %parallel_loop3A_194 : i32 to index
        %parallel_loop3A_219 = arith.constant 32 : index
        %parallel_loop3A_220 = tpu.vector_load %arg21[%parallel_loop3A_218, %parallel_loop3A_219] {strides = array<i32>} : memref<128x64xf32, #tpu.memory_space<vmem>>, vector<16xf32>,
        %parallel_loop3A_221 = arith.subf %parallel_loop3A_220, %parallel_loop3A_196 : vector<16xf32>
        %parallel_loop3A_222 = arith.mulf %parallel_loop3A_197, %get3A_61 : vector<16xf32>
        %parallel_loop3A_223 = arith.mulf %parallel_loop3A_221, %parallel_loop3A_222 : vector<16xf32>
        %parallel_loop3A_224 = arith.addf %parallel_loop3A_223, %get3A_69 : vector<16xf32>
        %parallel_loop3A_225 = arith.index_cast %parallel_loop3A_194 : i32 to index
        %parallel_loop3A_226 = arith.constant 32 : index
        %parallel_loop3A_227 = tpu.vector_load %arg21[%parallel_loop3A_225, %parallel_loop3A_226] {strides = array<i32>} : memref<128x64xf32, #tpu.memory_space<vmem>>, vector<16xf32>,
        tpu.vector_store %arg21[%parallel_loop3A_225, %parallel_loop3A_226], %parallel_loop3A_224 {strides = array<i32>} : memref<128x64xf32, #tpu.memory_space<vmem>>, vector<16xf32>,
        %parallel_loop3A_228 = arith.index_cast %parallel_loop3A_194 : i32 to index
        %parallel_loop3A_229 = arith.constant 48 : index
        %parallel_loop3A_230 = tpu.vector_load %arg21[%parallel_loop3A_228, %parallel_loop3A_229] {strides = array<i32>} : memref<128x64xf32, #tpu.memory_space<vmem>>, vector<16xf32>,
        %parallel_loop3A_231 = arith.subf %parallel_loop3A_230, %parallel_loop3A_196 : vector<16xf32>
        %parallel_loop3A_232 = arith.mulf %parallel_loop3A_197, %get3A_63 : vector<16xf32>
        %parallel_loop3A_233 = arith.mulf %parallel_loop3A_231, %parallel_loop3A_232 : vector<16xf32>
        %parallel_loop3A_234 = arith.addf %parallel_loop3A_233, %get3A_71 : vector<16xf32>
        %parallel_loop3A_235 = arith.index_cast %parallel_loop3A_194 : i32 to index
        %parallel_loop3A_236 = arith.constant 48 : index
        %parallel_loop3A_237 = tpu.vector_load %arg21[%parallel_loop3A_235, %parallel_loop3A_236] {strides = array<i32>} : memref<128x64xf32, #tpu.memory_space<vmem>>, vector<16xf32>,
        tpu.vector_store %arg21[%parallel_loop3A_235, %parallel_loop3A_236], %parallel_loop3A_234 {strides = array<i32>} : memref<128x64xf32, #tpu.memory_space<vmem>>, vector<16xf32>,
      } {sc.loop_unroll_factor = 8 : i64, sc.parallel_access}
      %dma_start3A_181 = arith.constant 0 : i32
      %dma_start3A_182 = tpu.memref_slice %arg9[%add3A_156, %dma_start3A_181] : memref<819200x64xf32, #tpu.memory_space<hbm>> -> memref<128x64xf32, #tpu.memory_space<hbm>>
      %dma_start3A_183 = arith.constant 0 : i32
      %dma_start3A_184 = tpu.memref_slice %arg9[%add3A_156, %dma_start3A_183] : memref<819200x64xf32, #tpu.memory_space<hbm>> -> memref<128x64xf32, #tpu.memory_space<hbm>>
      tpu.enqueue_dma source(%arg21 : memref<128x64xf32, #tpu.memory_space<vmem>>) target(%dma_start3A_184 : memref<128x64xf32, #tpu.memory_space<hbm>>) target_semaphore(%arg34 : memref<!tpu.dma_semaphore, #tpu.memory_space<semaphore_mem>>)
      %dma_start3A_185 = tpu.memref_slice %arg10[%add3A_156] : memref<819200xf32, #tpu.memory_space<hbm>> -> memref<128xf32, #tpu.memory_space<hbm>>
      %dma_start3A_186 = tpu.memref_slice %arg10[%add3A_156] : memref<819200xf32, #tpu.memory_space<hbm>> -> memref<128xf32, #tpu.memory_space<hbm>>
      tpu.enqueue_dma source(%arg24 : memref<128xf32, #tpu.memory_space<vmem>>) target(%dma_start3A_186 : memref<128xf32, #tpu.memory_space<hbm>>) target_semaphore(%arg36 : memref<!tpu.dma_semaphore, #tpu.memory_space<semaphore_mem>>)
      %add3A_187 = arith.constant 2 : i32
      %add3A_188 = arith.addi %add3A_153, %add3A_187 : i32
      %lt3A_189 = arith.constant 200 : i32
      %lt3A_190 = arith.cmpi slt, %add3A_188, %lt3A_189 : i32
      %convert_element_type3A_191 = arith.extui %lt3A_190 : i1 to i32
      %cond3A_192 = arith.constant 0 : i32
      %cond3A_193 = arith.cmpi ne, %convert_element_type3A_191, %cond3A_192 : i32
      scf.if %cond3A_193 {
        %add3A_194 = arith.constant 256 : i32
        %add3A_195 = arith.addi %add3A_156, %add3A_194 : i32
        %dma_wait3A_196 = tpu.memref_slice %arg2[%add3A_195] : memref<819200xi32, #tpu.memory_space<hbm>> -> memref<128xi32, #tpu.memory_space<hbm>>
        %dma_wait3A_197 = tpu.memref_slice %arg2[%add3A_195] : memref<819200xi32, #tpu.memory_space<hbm>> -> memref<128xi32, #tpu.memory_space<hbm>>
        tpu.wait_dma2 semaphore(%arg32 : memref<!tpu.dma_semaphore, #tpu.memory_space<semaphore_mem>>) src(%dma_wait3A_197 : memref<128xi32, #tpu.memory_space<hbm>>) dst(%arg17 : memref<128xi32, #tpu.memory_space<vmem>>)
        %dma_start3A_198 = arith.constant 0 : i32
        %dma_start3A_199 = arith.constant 0 : i32
        %dma_start3A_200 = tpu.memref_slice %arg3[%dma_start3A_198, %dma_start3A_199] : memref<100000x256xf32, #tpu.memory_space<hbm>> -> memref<100000x256xf32, #tpu.memory_space<hbm>>
        tpu.enqueue_indirect_dma source(%dma_start3A_200 : memref<100000x256xf32, #tpu.memory_space<hbm>>) target(%arg19 : memref<128x256xf32, #tpu.memory_space<vmem>>) offsets(%arg17 : memref<128xi32, #tpu.memory_space<vmem>>) semaphore(%arg30 : memref<!tpu.dma_semaphore, #tpu.memory_space<semaphore_mem>>)
      } else {
      }
    }
    %scan3A_94 = arith.constant 100 : i32
    %add3A_95 = arith.constant 25344 : i32
    %add3A_96 = arith.addi %mul3A_2, %add3A_95 : i32
    %dma_wait3A = arith.constant 0 : i32
    %dma_wait3A_97 = tpu.memref_slice %arg9[%add3A_96, %dma_wait3A] : memref<819200x64xf32, #tpu.memory_space<hbm>> -> memref<128x64xf32, #tpu.memory_space<hbm>>
    %dma_wait3A_98 = arith.constant 0 : i32
    %dma_wait3A_99 = tpu.memref_slice %arg9[%add3A_96, %dma_wait3A_98] : memref<819200x64xf32, #tpu.memory_space<hbm>> -> memref<128x64xf32, #tpu.memory_space<hbm>>
    tpu.wait_dma2 semaphore(%arg33 : memref<!tpu.dma_semaphore, #tpu.memory_space<semaphore_mem>>) src(%arg20 : memref<128x64xf32, #tpu.memory_space<vmem>>) dst(%dma_wait3A_99 : memref<128x64xf32, #tpu.memory_space<hbm>>)
    %dma_wait3A_100 = tpu.memref_slice %arg10[%add3A_96] : memref<819200xf32, #tpu.memory_space<hbm>> -> memref<128xf32, #tpu.memory_space<hbm>>
    %dma_wait3A_101 = tpu.memref_slice %arg10[%add3A_96] : memref<819200xf32, #tpu.memory_space<hbm>> -> memref<128xf32, #tpu.memory_space<hbm>>
    tpu.wait_dma2 semaphore(%arg35 : memref<!tpu.dma_semaphore, #tpu.memory_space<semaphore_mem>>) src(%arg23 : memref<128xf32, #tpu.memory_space<vmem>>) dst(%dma_wait3A_101 : memref<128xf32, #tpu.memory_space<hbm>>)
    %add3A_102 = arith.constant 25472 : i32
    %add3A_103 = arith.addi %mul3A_2, %add3A_102 : i32
    %dma_wait3A_104 = arith.constant 0 : i32
    %dma_wait3A_105 = tpu.memref_slice %arg9[%add3A_103, %dma_wait3A_104] : memref<819200x64xf32, #tpu.memory_space<hbm>> -> memref<128x64xf32, #tpu.memory_space<hbm>>
    %dma_wait3A_106 = arith.constant 0 : i32
    %dma_wait3A_107 = tpu.memref_slice %arg9[%add3A_103, %dma_wait3A_106] : memref<819200x64xf32, #tpu.memory_space<hbm>> -> memref<128x64xf32, #tpu.memory_space<hbm>>
    tpu.wait_dma2 semaphore(%arg34 : memref<!tpu.dma_semaphore, #tpu.memory_space<semaphore_mem>>) src(%arg21 : memref<128x64xf32, #tpu.memory_space<vmem>>) dst(%dma_wait3A_107 : memref<128x64xf32, #tpu.memory_space<hbm>>)
    %dma_wait3A_108 = tpu.memref_slice %arg10[%add3A_103] : memref<819200xf32, #tpu.memory_space<hbm>> -> memref<128xf32, #tpu.memory_space<hbm>>
    %dma_wait3A_109 = tpu.memref_slice %arg10[%add3A_103] : memref<819200xf32, #tpu.memory_space<hbm>> -> memref<128xf32, #tpu.memory_space<hbm>>
    tpu.wait_dma2 semaphore(%arg36 : memref<!tpu.dma_semaphore, #tpu.memory_space<semaphore_mem>>) src(%arg24 : memref<128xf32, #tpu.memory_space<vmem>>) dst(%dma_wait3A_109 : memref<128xf32, #tpu.memory_space<hbm>>)
    return
  }
}

</mosaic_0001>

<sc_bundles>
// kernel: _run.3.cloned.1.call-start
scs
__scs_entry_jumppad:
0x0: {  	(pc) =	sbr.rel $0x88, $3  }
0x1: {  	(tag) =	ssettag $0x0;
	lr =	simm.s32 $0x1  }
0x2: {  	[smem:$0x3F9A] =	sst lr;
	_ =	strace $0xD0000000  }
0x3: {  	_ = 	snop  }
0x4: {  	_ = 	snop  }
0x5: {  	_ = 	snop  }
0x6: {  	_ = 	snop  }
0x7: {  	_ = 	snop  }
__scs_overlays_trampoline_lowered:
0x8: {  	[smem:$0x3FA9] =	sst s0  }
0x9: {  	[smem:$0x3FAA] =	sst s1  }
0xa: {  	[smem:$0x3FAB] =	sst s2  }
0xb: {  	[smem:$0x3FAC] =	sst s3  }
0xc: {  	[smem:$0x3FAD] =	sst s4  }
0xd: {  	[smem:$0x3FAE] =	sst s5  }
0xe: {  	[smem:$0x3FAF] =	sst s6  }
0xf: {  	[smem:$0x3FB0] =	sst s7  }
0x10: {  	[smem:$0x3FB1] =	sst s8  }
0x11: {  	[smem:$0x3FB2] =	sst s9;
	s0 =	simm.s32 @!p0 $0x0  }
0x12: {  	s1 =	sld [smem:$0x3F98];
	s0 =	simm.s32 @p0 $0x1  }
0x13: {  	[smem:$0x3FB3] =	sst s0;
	s0 =	simm.s32 @!p1 $0x0  }
0x14: {  	s2 =	sld [smem:$0x3F97];
	s0 =	simm.s32 @p1 $0x1  }
0x15: {  	[smem:$0x3FB4] =	sst s0;
	s0 =	simm.s32 @!p2 $0x0  }
0x16: {  	s3 =	sld [smem:$0x3FDB];
	s0 =	simm.s32 @p2 $0x1  }
0x17: {  	s4 =	simm.s32 $0x1BF5;
	[smem:$0x3FB6] =	sst s0  }
0x18: {  	s0 =	sld [smem:$0x3F99];
	_ =	swait.ge [sflag:s4], $0x0  }
0x19: {  	s7 =	sld [smem:$0x3F9A]  }
0x1a: {  	s8 =	sadd.s32 $0xFFFFE003, lr  }
0x1b: {  	s9 =	sadd.s32 $0xFFFFFEF7, lr;
	s5 =	simm.s32 $0xFFFFFFFF;
	p2 =	slt.u32 s8, $0xFFFFF086  }
0x1c: {  	p1 =	slt.u32 s9, $0xF7A;
	s5 =	simm.s32 @!p2 $0x0  }
0x1d: {  	s5 =	simm.s32 @p1 $0x1;
	p0 =	seq.s32 s7, s2  }
0x1e: {  	s7 =	smul.u32 @!p0 $0xF7A, s2;
	p2 =	seq.s32 @!p0 s5, $0x0  }
0x1f: {  	s9 =	smul.u32 $0xF7A, s1;
	s8 =	simm.s32 @!p0 $0x1BF5;
	p2 =	por !p2, p0  }
0x20: {  	[sflag:s8] =	ssyncset.s32 @!p0 $0xFFFFF086;
	s6 =	sadd.s32 @!p0 s3, s7;
	s7 =	simm.s32 @!p0 $0x108  }
0x21: {  	s3 =	sadd.s32 s3, s9;
	s6 =	sadd.s32 @!p0 $0x88, s6;
	s7 =	simm.s32 @p2 $0x1082  }
0x22: {  	[simem:s7], [sflag:s8] =	dma.local @!p0 [hbm:s6], $0xF7A  }
0x23: {  	s9 =	sor.u32 $0xD0000000, s2;
	s6 =	simm.s32 $0x108;
	_ =	swait.ge @!p0 [sflag:s8], $0x0  }
0x24: {  	s3 =	sadd.s32 $0x88, s3;
	s6 =	simm.s32 @!p1 $0x1082;
	[sflag:s4] =	ssyncset.s32 $0xFFFFF086  }
0x25: {  	[simem:s6], [sflag:s4] =	dma.local [hbm:s3], $0xF7A  }
0x26: {  	[smem:$0x3F9A] =	sst s1;
	(tag) =	ssettag s2;
	_ =	strace s9  }
0x27: {  	s1 =	sld [smem:$0x3FAA]  }
0x28: {  	s2 =	sld [smem:$0x3FAB]  }
0x29: {  	s4 =	sld [smem:$0x3FAD]  }
0x2a: {  	p0 =	seq.s32 s5, $0x0;
	s5 =	sld [smem:$0x3FAE]  }
0x2b: {  	s6 =	sld [smem:$0x3FAF]  }
0x2c: {  	s7 =	sld [smem:$0x3FB0]  }
0x2d: {  	s3 =	simm.s32 $0x108;
	s8 =	sld [smem:$0x3FB1]  }
0x2e: {  	s3 =	simm.s32 @!p0 $0x1082;
	s9 =	sld [smem:$0x3FB2]  }
0x2f: {  	lr =	sadd.s32 s0, s3;
	s0 =	sld [smem:$0x3FA9]  }
0x30: {  	s3 =	sld [smem:$0x3FAC]  }
0x31: {  	[smem:$0x3FB5] =	sst s10  }
0x32: {  	s10 =	sld [smem:$0x3FB3];
	_ =	sdelay $0x3  }
0x33: {  	p0 =	seq.s32 s10, $0x1;
	s10 =	sld [smem:$0x3FB5];
	_ =	sdelay $0x3  }
0x34: {  	[smem:$0x3FB5] =	sst s10  }
0x35: {  	s10 =	sld [smem:$0x3FB4];
	_ =	sdelay $0x3  }
0x36: {  	p1 =	seq.s32 s10, $0x1;
	s10 =	sld [smem:$0x3FB5];
	_ =	sdelay $0x3  }
0x37: {  	[smem:$0x3FB5] =	sst s10  }
0x38: {  	s10 =	sld [smem:$0x3FB6]  }
0x39: {  	_ = 	snop;
	(pc) =	sbr.ind lr, $3  }
0x3a: {  	_ = 	snop  }
0x3b: {  	_ = 	snop  }
0x3c: {  	p2 =	seq.s32 s10, $0x1;
	s10 =	sld [smem:$0x3FB5]  }
0x3d: {  	_ =	shalt  }
0x3e: {  	_ =	shalt  }
0x3f: {  	_ =	shalt  }
0x40: {  	_ =	shalt  }
0x41: {  	_ =	shalt  }
0x42: {  	_ =	shalt  }
0x43: {  	_ =	shalt  }
0x44: {  	_ =	shalt  }
0x45: {  	_ =	shalt  }
0x46: {  	_ =	shalt  }
0x47: {  	_ =	shalt  }
0x48: {  	_ =	shalt  }
0x49: {  	_ =	shalt  }
0x4a: {  	_ =	shalt  }
0x4b: {  	_ =	shalt  }
0x4c: {  	_ =	shalt  }
0x4d: {  	_ =	shalt  }
0x4e: {  	_ =	shalt  }
0x4f: {  	_ =	shalt  }
0x50: {  	_ =	shalt  }
0x51: {  	_ =	shalt  }
0x52: {  	_ =	shalt  }
0x53: {  	_ =	shalt  }
0x54: {  	_ =	shalt  }
0x55: {  	_ =	shalt  }
0x56: {  	_ =	shalt  }
0x57: {  	_ =	shalt  }
0x58: {  	_ =	shalt  }
0x59: {  	_ =	shalt  }
0x5a: {  	_ =	shalt  }
0x5b: {  	_ =	shalt  }
0x5c: {  	_ =	shalt  }
0x5d: {  	_ =	shalt  }
0x5e: {  	_ =	shalt  }
0x5f: {  	_ =	shalt  }
0x60: {  	_ =	shalt  }
0x61: {  	_ =	shalt  }
0x62: {  	_ =	shalt  }
0x63: {  	_ =	shalt  }
0x64: {  	_ =	shalt  }
0x65: {  	_ =	shalt  }
0x66: {  	_ =	shalt  }
0x67: {  	_ =	shalt  }
0x68: {  	_ =	shalt  }
0x69: {  	_ =	shalt  }
0x6a: {  	_ =	shalt  }
0x6b: {  	_ =	shalt  }
0x6c: {  	_ =	shalt  }
0x6d: {  	_ =	shalt  }
0x6e: {  	_ =	shalt  }
0x6f: {  	_ =	shalt  }
0x70: {  	_ =	shalt  }
0x71: {  	_ =	shalt  }
0x72: {  	_ =	shalt  }
0x73: {  	_ =	shalt  }
0x74: {  	_ =	shalt  }
0x75: {  	_ =	shalt  }
0x76: {  	_ =	shalt  }
0x77: {  	_ =	shalt  }
0x78: {  	_ =	shalt  }
0x79: {  	_ =	shalt  }
0x7a: {  	_ =	shalt  }
0x7b: {  	_ =	shalt  }
0x7c: {  	_ =	shalt  }
0x7d: {  	_ =	shalt  }
0x7e: {  	_ =	shalt  }
0x7f: {  	_ =	shalt  }
0x80: {  	_ =	shalt  }
0x81: {  	_ =	shalt  }
0x82: {  	_ =	shalt  }
0x83: {  	_ =	shalt  }
0x84: {  	_ =	shalt  }
0x85: {  	_ =	shalt  }
0x86: {  	_ =	shalt  }
0x87: {  	_ =	shalt  }
.Lfunc_end0:
.L_simem_size_0:
called_computation_lowered:
.L_overlay_start_0:
0x88: {  	s2 =	sld [smem:$0x3FD9]  }
0x89: {  	s3 =	sld [smem:$0x3FFE];
	_ =	sdelay $0x1  }
0x8a: {  	s1 =	srdreg.scid  }
0x8b: {  	s0 =	sand.u32 $0x1, s1  }
0x8c: {  	s14 =	sshll.u32 s0, $0xA;
	s2 =	sadd.s32 s3, s2  }
0x8d: {  	s2 =	sadd.s32 s2, s14  }
0x8e: {  	[smem:$0x3FC1] =	sst s2  }
0x8f: {  	_ = 	snop  }
0x90: {  	s2 =	sld [smem:$0x3FC9]  }
0x91: {  	s15 =	sld [smem:$0x3FC8]  }
0x92: {  	s4 =	sld [smem:$0x3FC7]  }
0x93: {  	s5 =	sld [smem:$0x3FC6]  }
0x94: {  	s6 =	sld [smem:$0x3FD0]  }
0x95: {  	s7 =	sld [smem:$0x3FC5]  }
0x96: {  	s8 =	sld [smem:$0x3FC4]  }
0x97: {  	s10 =	simm.s32 $0xA;
	s11 =	simm.s32 $0x10;
	s9 =	sld [smem:$0x3FC3]  }
0x98: {  	[smem:s11], [sflag:s10] =	dma.local [hbm:s6], $0x1  }
0x99: {  	_ =	swait.eq [sflag:s10], $0x1  }
0x9a: {  	[sflag:s10] =	ssyncset.done $0x0  }
0x9b: {  	[sflag:s10] =	ssyncadd.s32 $0xFFFFFFFF  }
0x9c: {  	s16 =	sld [smem:$0x11];
	(tm) =	ssettm $0x1  }
0x9d: {  	s17 =	sld [smem:$0x3FFB];
	_ =	sdelay $0x3  }
0x9e: {  	_ =	strace s17  }
0x9f: {  	s10 =	sld [smem:$0x3FFC];
	_ =	sdelay $0x3  }
0xa0: {  	_ =	strace s10  }
0xa1: {  	s10 =	sld [smem:$0x3FFD];
	_ =	sdelay $0x3  }
0xa2: {  	_ =	strace s10  }
0xa3: {  	_ =	strace $0x8FFFFFFF  }
0xa4: {  	s18 =	sld [smem:$0x3FDB];
	_ =	sdelay $0x1  }
0xa5: {  	s19 =	simm.s32 $_scs_section_size  }
0xa6: {  	s12 =	simm.s32 $_size__tile_overlayer_lowered;
	s13 =	simm.s32 $_tile_overlayer_lowered  }
0xa7: {  	s22 =	simm.s32 $0x1BFF;
	s21 =	sshll.u32 s13, $0x1;
	s10 =	sadd.s32 s19, s18  }
0xa8: {  	s20 =	sshll.u32 s12, $0x1;
	s14 =	simm.s32 $0x0;
	s12 =	sadd.s32 s21, s10  }
0xa9: {  	[timem:s14], [sflag:s22] =	dma.local [hbm:s12], s20  }
0xaa: {  	_ =	swait.ge [sflag:s22], s20  }
0xab: {  	s11 =	ssub.s32 $0x0, s20;
	[sflag:s22] =	ssyncset.done $0x0  }
0xac: {  	[sflag:s22] =	ssyncadd.s32 s11;
	_ =	sdelay $0x1  }
0xad: {  	s23 =	simm.s32 $0x1B8B  }
0xae: {  	_ =	swait.ge [sflag:s23], $0x1  }
0xaf: {  	[sflag:s23] =	ssyncset.done $0x0  }
0xb0: {  	s25 =	simm.s32 $0x1B8E;
	s24 =	sld [smem:$0x3FFE];
	[sflag:s23] =	ssyncadd.s32 $0xFFFFFFFF  }
0xb1: {  	s26 =	simm.s32 $execute0_lowered;
	[smem:$0x3FD2] =	sst s25  }
0xb2: {  	s12 =	sshll.u32 s26, $0x1;
	_ =	strace $0x80000046;
	[dreg:$0x1] =	wrdreg $0xFFFFFFFF  }
0xb3: {  	s28 =	simm.s32 $_size_execute0_lowered;
	s10 =	sadd.s32 s10, s12;
	[dreg:$0x0] =	wrdreg $0x0  }
0xb4: {  	s12 =	sshll.u32 s28, $0x1;
	[dreg:$0x2] =	wrdreg s10  }
0xb5: {  	[dreg:$0x3] =	wrdreg s12  }
0xb6: {  	[dreg:$0x4] =	wrdreg $0xC0  }
0xb7: {  	_ =	task [dreg:s14], $0x5FFFF  }
0xb8: {  	[dreg:$0x1] =	wrdreg $0xFFFFFFFF  }
0xb9: {  	[dreg:$0x0] =	wrdreg $0x60  }
0xba: {  	[dreg:$0x2] =	wrdreg s2  }
0xbb: {  	[dreg:$0x3] =	wrdreg s15  }
0xbc: {  	[dreg:$0x4] =	wrdreg s4  }
0xbd: {  	[dreg:$0x5] =	wrdreg s5  }
0xbe: {  	[dreg:$0x6] =	wrdreg s7  }
0xbf: {  	[dreg:$0x7] =	wrdreg s8  }
0xc0: {  	[dreg:$0x8] =	wrdreg s9  }
0xc1: {  	[dreg:$0x9] =	wrdreg s24  }
0xc2: {  	[dreg:$0xa] =	wrdreg s16  }
0xc3: {  	[dreg:$0xb] =	wrdreg $0x9  }
0xc4: {  	_ =	task.clear_ibuf [dreg:s14], $0xCFFFF;
	_ =	strace $0x90000046  }
0xc5: {  	s29 =	simm.s32 $0x9;
	_ =	strace $0x80000048  }
0xc6: {  	_ =	swait.ge [sflag:s29], $0x1  }
0xc7: {  	[sflag:s29] =	ssyncadd.s32 $0xFFFFFFFF  }
0xc8: {  	_ =	strace $0x90000048  }
0xc9: {  	_ =	sfence  }
0xca: {  	s30 =	sld [smem:$0x0];
	_ =	sdelay $0x2  }
0xcb: {  	s31 =	sshll.u32 s1, $0xD;
	s1 =	sshrl.u32 s1, $0x2  }
0xcc: {  	s3 =	sand.u32 $0x4000, s31;
	s1 =	sadd.s32 s1, s30  }
0xcd: {  	s0 =	sor.u32 s3, s0;
	s1 =	sshll.u32 s1, $0x11  }
0xce: {  	s0 =	sor.u32 s1, s0  }
0xcf: {  	s0 =	sadd.s32 $0x8F2B, s0  }
0xd0: {  	[sflag:s0] =	ssyncadd.remote.s32 $0x1  }
0xd1: {  	_ =	sfence.sel $0xFFFF  }
0xd2: {  	[dreg:$0x0] =	wrdreg $0xFFFFFFFF;
	(pc) =	sbr.abs _section_cstart, $3  }
0xd3: {  	[dreg:$0x1] =	wrdreg $0xFFFFFFFF  }
0xd4: {  	_ =	task.clear_ibuf [dreg:s14], $0x2FFFF;
	_ =	strace $0x9FFFFFFF  }
0xd5: {  	(tm) =	ssettm $0x7FFFFFFF  }
tec
execute0_lowered:
.L_overlay_start_1:
0x0: {  	(tag) =	ssettag $0x1  }
0x1: {  	s17 =	rddreg [dreg:$0x0]  }
0x2: {  	s1 =	rddreg [dreg:$0x1];
	s9 =	stileid.u32  }
0x3: {  	s0 =	srdreg.scid;
	s28 =	smul.u32 $0xC80000, s9  }
0x4: {  	s3 =	rddreg [dreg:$0x7];
	s11 =	simm.s32 $0x0;
	s5 =	smul.u32 $0xC800, s9  }
0x5: {  	vm0 =	vcmask $0x1310;
	vm1 =	vcmask $0x300;
	vm2 =	vcmask $0x338;
	s0 =	sand.u32 $0x1, s0;
	s2 =	sshll.u32 s9, $0x1;
	s9 =	smul.u32 $0x320000, s9  }
0x6: {  	s13 =	simm.s32 $0x9;
	vm3 =	vcmask $0x3330;
	vm4 =	vcmask $0x73C;
	vm5 =	vcmask $0x3328;
	s20 =	simm.s32 $0x1B800;
	s4 =	smul.u32 $0x640000, s0  }
0x7: {  	v2 =	vlaneseq.u32;
	[smem:$0x7FF] =	sst s11;
	s12 =	sadd.s32 $0x800, s3;
	vm0 =	vmor vm1, vm0;
	vm1 =	vcmask $0x2320;
	s6 =	smul.u32 $0x6400, s0  }
0x8: {  	v1 =	vshrl.u32 v2, $0x3;
	v0 =	vand.u32 $0x7, v2;
	v63 =	vor.u32 $0x8, v2;
	s2 =	sor.u32 s0, s2;
	s29 =	ssub.s32 $0x2, s0;
	s0 =	smul.u32 $0x190000, s0  }
0x9: {  	_ =	strace $0x80000047;
	vm0 =	vmor vm0, vm1;
	vm1 =	vcmask $0x1308;
	v62 =	vmul.u32 $0x8, v1;
	s10 =	smul.u32 $0x6400, s2;
	s7 =	sshrl.u32 s29, $0x1  }
0xa: {  	vm1 =	vmor vm2, vm1;
	vm2 =	vcmask $0x2318;
	vm0 =	vmor vm0, vm3;
	s3 =	ssub.s32 s29, s7;
	s2 =	sadd.s32 s4, s28;
	s31 =	sadd.s32 s6, s5  }
0xb: {  	vm3 =	vcmask $0x372C;
	s0 =	sadd.s32 s0, s9;
	vm1 =	vmor vm1, vm2;
	vm2 =	vcmask $0x170C;
	s4 =	simm.s32 $0x1B680;
	[dreg:$0xe] =	wrdreg s31  }
.Ltmp0:
0xc: {  	s3 =	smax.u32 s3, $0x1;
	[dreg:$0xf] =	wrdreg s0;
	vm2 =	vmor vm4, vm2;
	vm4 =	vcmask $0x271C;
	vm1 =	vmor vm1, vm5;
	(pc) =	sbr.rel .LBB2_1-.Ltmp0, $4  }
0xd: {  	s8 =	sshrl.u32 s10, $0x3;
	s2 =	sshrl.u32 s2, $0x2;
	vm5 =	vcmask $0xB00;
	[dreg:$0xc] =	wrdreg s3;
	vm2 =	vmor vm2, vm4;
	vm4 =	vcmask $0x1B10  }
0xe: {  	[tilespmem:$0x1FFD0] =	vst v0;
	s5 =	simm.s32 $0x1B700;
	s30 =	sadd.s32 s17, s8;
	[dreg:$0xd] =	wrdreg s2;
	vm2 =	vmor vm2, vm3;
	vm3 =	vmor vm5, vm4;
	vm4 =	vcmask $0x2B20  }
0xf: {  	[tilespmem:$0x1FFF0] =	vst v63;
	s6 =	simm.s32 $0x1B500;
	[dreg:$0xa] =	wrdreg s30;
	s7 =	sadd.s32 $0x10, s30;
	vm5 =	vcmask $0x3B30;
	vm4 =	vmor vm3, vm4  }
0x10: {  	[tilespmem:$0x1FFE0] =	vst v62;
	s3 =	simm.s32 $0x0;
	[dreg:$0xb] =	wrdreg s7;
	s7 =	simm.s32 $0x1B780;
	vm3 =	vmmov $0xffff;
	vm4 =	vmor vm4, vm5  }
.LBB2_23:
0x11: {  	s0 =	simm.s32 $0x5  }
0x12: {  	_ =	swait.ge [sflag:s0], $0x4000  }
0x13: {  	[sflag:s0] =	ssyncset.done $0x0  }
0x14: {  	s29 =	simm.s32 $0x7;
	[sflag:s0] =	ssyncadd.s32 $0xFFFFC000  }
0x15: {  	_ =	swait.ge [sflag:s29], $0x80  }
0x16: {  	[sflag:s29] =	ssyncset.done $0x0  }
0x17: {  	s30 =	simm.s32 $0x6;
	[sflag:s29] =	ssyncadd.s32 $0xFFFFFF80  }
0x18: {  	_ =	swait.ge [sflag:s30], $0x4000  }
0x19: {  	[sflag:s30] =	ssyncset.done $0x0  }
0x1a: {  	s2 =	simm.s32 $0x8;
	[sflag:s30] =	ssyncadd.s32 $0xFFFFC000  }
0x1b: {  	_ =	swait.ge [sflag:s2], $0x80  }
0x1c: {  	s3 =	rddreg [dreg:$0x10]  }
0x1d: {  	s31 =	rddreg [dreg:$0xc];
	s3 =	sadd.s32 $0x1, s3  }
0x1e: {  	p0 =	sne.s32 s3, s31  }
.Ltmp1:
0x1f: {  	_ = 	snop;
	(pc) =	sbr.rel @!p0 .LBB2_24-.Ltmp1, $3  }
0x20: {  	_ =	sdelay $0x1  }
0x21: {  	[sflag:s2] =	ssyncset.done $0x0  }
0x22: {  	s13 =	simm.s32 $0x9;
	[sflag:s2] =	ssyncadd.s32 $0xFFFFFF80  }
.LBB2_1:
0x23: {  	[dreg:$0x10] =	wrdreg s3  }
0x24: {  	s0 =	rddreg [dreg:$0x3]  }
0x25: {  	[tilespmem:s11], [sflag:$0x9] =	stream.linear.gather [hbm4b:s0+s11], $0x3200, $0x38;
	[tilespmem:$0x1B880] =	vst v63  }
0x26: {  	_ =	swait.ge [sflag:s13], $0x3200  }
0x27: {  	[sflag:s13] =	ssyncset.done $0x0  }
0x28: {  	[sflag:s13] =	ssyncadd.s32 $0xFFFFCE00  }
0x29: {  	s2 =	simm.s32 $0x3200;
	s24 =	rddreg [dreg:$0x2]  }
0x2a: {  	[tilespmem:s2], [sflag:$0x9] =	stream.linear.gather [hbm4b:s24+s11], $0x80, $0x38;
	[tilespmem:$0x1B880] =	vst v63  }
0x2b: {  	_ =	swait.ge [sflag:s13], $0x80  }
0x2c: {  	[sflag:s13] =	ssyncset.done $0x0  }
0x2d: {  	[sflag:s13] =	ssyncadd.s32 $0xFFFFFF80  }
0x2e: {  	s26 =	simm.s32 $0x3280;
	s25 =	rddreg [dreg:$0x4]  }
0x2f: {  	[tilespmem:s26], [sflag:$0x9] =	stream.linear.gather [hbm4b:s25+s11], $0x80, $0x38;
	[tilespmem:$0x1B880] =	vst v63  }
0x30: {  	_ =	swait.ge [sflag:s13], $0x80  }
0x31: {  	[sflag:s13] =	ssyncset.done $0x0  }
0x32: {  	[sflag:s13] =	ssyncadd.s32 $0xFFFFFF80  }
0x33: {  	s29 =	simm.s32 $0x3300;
	s28 =	rddreg [dreg:$0x5]  }
0x34: {  	[tilespmem:s29], [sflag:$0x9] =	stream.linear.gather [hbm4b:s28+s11], $0x80, $0x38;
	[tilespmem:$0x1B880] =	vst v63  }
0x35: {  	_ =	swait.ge [sflag:s13], $0x80  }
0x36: {  	[sflag:s13] =	ssyncset.done $0x0  }
0x37: {  	[sflag:s13] =	ssyncadd.s32 $0xFFFFFF80  }
0x38: {  	s31 =	simm.s32 $0x3380;
	s30 =	rddreg [dreg:$0x6]  }
0x39: {  	[tilespmem:s31], [sflag:$0x9] =	stream.linear.gather [hbm4b:s30+s11], $0x80, $0x38;
	[tilespmem:$0x1B880] =	vst v63  }
0x3a: {  	_ =	swait.ge [sflag:s13], $0x80  }
0x3b: {  	[sflag:s13] =	ssyncset.done $0x0  }
0x3c: {  	[sflag:s13] =	ssyncadd.s32 $0xFFFFFF80  }
0x3d: {  	v15 =	vld [tilespmem:$0x3200]  }
0x3e: {  	v13 =	vld [tilespmem:$0x3280]  }
0x3f: {  	v14 =	vld [tilespmem:$0x3290]  }
0x40: {  	v12 =	vld [tilespmem:$0x32A0]  }
0x41: {  	v11 =	vld [tilespmem:$0x32B0]  }
0x42: {  	v3 =	vld [tilespmem:$0x3300]  }
0x43: {  	v4 =	vld [tilespmem:$0x3310]  }
0x44: {  	v5 =	vld [tilespmem:$0x3320]  }
0x45: {  	v6 =	vld [tilespmem:$0x3330]  }
0x46: {  	v7 =	vld [tilespmem:$0x3380]  }
0x47: {  	v8 =	vld [tilespmem:$0x3390]  }
0x48: {  	v9 =	vld [tilespmem:$0x33A0]  }
0x49: {  	s8 =	simm.s32 $0x0;
	v10 =	vld [tilespmem:$0x33B0]  }
0x4a: {  	v17 =	vld [tilespmem:s8+$0x0]  }
0x4b: {  	v18 =	vld [tilespmem:s8+$0x10]  }
0x4c: {  	s0 =	simm.s32 $0x100;
	v16 =	vld [tilespmem:s8+$0x20]  }
.LBB2_2:
0x4d: {  	p0 =	sne.s32 s0, $0xC700;
	v19 =	vld [tilespmem:s8+$0x30];
	_ =	sdelay $0x1  }
0x4e: {  	v17 =	vadd.f32 v17, v13  }
.Ltmp2:
0x4f: {  	v18 =	vadd.f32 v18, v14;
	(pc) =	sbr.rel @p0 .LBB2_2-.Ltmp2, $4  }
0x50: {  	s2 =	sshra.s32 s0, $0x2;
	[tilespmem:s8+$0x0] =	vst v17;
	v16 =	vadd.f32 v16, v12  }
0x51: {  	v17 =	vld [tilespmem:s2+$0x0];
	[tilespmem:s8+$0x10] =	vst v18;
	v19 =	vadd.f32 v19, v11  }
0x52: {  	v18 =	vld [tilespmem:s2+$0x10];
	[tilespmem:s8+$0x20] =	vst v16  }
0x53: {  	s0 =	sadd.s32 $0x100, s0;
	v16 =	vld [tilespmem:s2+$0x20];
	[tilespmem:s8+$0x30] =	vst v19;
	s8 =	smov.u32 s2  }
0x54: {  	v19 =	vnsel vm0, $0x0, v15  }
0x55: {  	v61 =	vsel vm1, $0x0, v15;
	(xrf2) =	vadd.scan.msk.f32 $0xffff, v19  }
0x56: {  	v62 =	vsel vm2, $0x0, v15;
	(xrf2) =	vadd.scan.msk.f32 $0xffff, v61  }
0x57: {  	v15 =	vsel vm4, $0x0, v15;
	(xrf2) =	vadd.scan.msk.f32 $0xffff, v62  }
0x58: {  	(xrf2) =	vadd.scan.msk.f32 $0xffff, v15;
	_ =	sdelay $0x6  }
0x59: {  	v15, _, _ =	vpop (xrf2)  }
0x5a: {  	v63, _, _ =	vpop (xrf2);
	(v2sf) =	vpush v15, $0xF  }
0x5b: {  	v15, _, _ =	vpop (xrf2);
	(v2sf) =	vpush v63, $0xF  }
0x5c: {  	(v2sf) =	vpush v15, $0xF;
	v15, _, _ =	vpop (xrf2)  }
0x5d: {  	(v2sf) =	vpush v15, $0xF;
	_ =	sdelay $0x2  }
0x5e: {  	v15 =	vld [tilespmem:s8+$0x30];
	_ =	sdelay $0x1  }
0x5f: {  	v13 =	vadd.f32 v17, v13  }
0x60: {  	v14 =	vadd.f32 v18, v14  }
0x61: {  	[tilespmem:s8+$0x0] =	vst v13;
	v12 =	vadd.f32 v16, v12  }
0x62: {  	[tilespmem:s8+$0x10] =	vst v14;
	v11 =	vadd.f32 v15, v11  }
0x63: {  	[tilespmem:s8+$0x20] =	vst v12  }
0x64: {  	s18 =	simm.s32 $0x0;
	s9 =	rddreg [dreg:$0xa];
	s14 =	simm.s32 $0x3400;
	[tilespmem:s8+$0x30] =	vst v11  }
0x65: {  	[tilespmem:s14], [sflag:$0x9] =	stream.linear.gather [hbm4b:s9+s18], $0x80, $0x38;
	[tilespmem:$0x1B880] =	vst v63  }
0x66: {  	s0 =	spop (v2sf)  }
0x67: {  	s2 =	spop (v2sf)  }
0x68: {  	s3 =	spop (v2sf)  }
0x69: {  	s8 =	spop (v2sf)  }
0x6a: {  	_ =	swait.ge [sflag:s13], $0x80  }
0x6b: {  	[sflag:s13] =	ssyncset.done $0x0  }
0x6c: {  	[sflag:s13] =	ssyncadd.s32 $0xFFFFFF80  }
0x6d: {  	v11 =	vld [tilespmem:$0x3400];
	_ =	sdelay $0x2  }
0x6e: {  	v0 =	vld [tilespmem:$0x1FFD0]  }
0x6f: {  	v1 =	vld [tilespmem:$0x1FFE0]  }
0x70: {  	v2 =	vld [tilespmem:$0x1FFF0];
	v12 =	vshll.u32 v11, $0x1  }
0x71: {  	v11 =	vand.u32 $0x7, v11;
	v12 =	vand.u32 $0xFFFFFFF0, v12  }
0x72: {  	v11 =	vor.u32 v11, v12  }
0x73: {  	v12 =	vperm.xlane v11, v0;
	_ =	sdelay $0x1  }
0x74: {  	v11 =	vperm.xlane v11, v2;
	v12 =	vadd.s32 v1, v12;
	_ =	sdelay $0x1  }
0x75: {  	v11 =	vadd.s32 v1, v11;
	_ =	sdelay $0x1  }
0x76: {  	s26 =	simm.s32 $0x3500  }
0x77: {  	[tilespmem:s26], [sflag:$0x1] =	stream.indirect_vreg.gather [hbm4b:s1+s18], $0x80, v12, vm3, $0xb8;
	[tilespmem:$0x1B880] =	vst v63  }
0x78: {  	s28 =	simm.s32 $0x3D00  }
0x79: {  	[tilespmem:s28], [sflag:$0x1] =	stream.indirect_vreg.gather [hbm4b:s1+s18], $0x80, v11, vm3, $0xb8;
	[tilespmem:$0x1B880] =	vst v63  }
0x7a: {  	v11 =	vld [tilespmem:$0x3410];
	_ =	sdelay $0x4  }
0x7b: {  	v12 =	vshll.u32 v11, $0x1  }
0x7c: {  	v11 =	vand.u32 $0x7, v11;
	v12 =	vand.u32 $0xFFFFFFF0, v12  }
0x7d: {  	v11 =	vor.u32 v11, v12  }
0x7e: {  	v12 =	vperm.xlane v11, v0;
	_ =	sdelay $0x1  }
0x7f: {  	v11 =	vperm.xlane v11, v2;
	v12 =	vadd.s32 v1, v12;
	_ =	sdelay $0x1  }
0x80: {  	v11 =	vadd.s32 v1, v11;
	_ =	sdelay $0x1  }
0x81: {  	s29 =	simm.s32 $0x4500  }
0x82: {  	[tilespmem:s29], [sflag:$0x1] =	stream.indirect_vreg.gather [hbm4b:s1+s18], $0x80, v12, vm3, $0xb8;
	[tilespmem:$0x1B880] =	vst v63  }
0x83: {  	s30 =	simm.s32 $0x4D00  }
0x84: {  	[tilespmem:s30], [sflag:$0x1] =	stream.indirect_vreg.gather [hbm4b:s1+s18], $0x80, v11, vm3, $0xb8;
	[tilespmem:$0x1B880] =	vst v63  }
0x85: {  	v11 =	vld [tilespmem:$0x3420];
	_ =	sdelay $0x4  }
0x86: {  	v12 =	vshll.u32 v11, $0x1  }
0x87: {  	v11 =	vand.u32 $0x7, v11;
	v12 =	vand.u32 $0xFFFFFFF0, v12  }
0x88: {  	v11 =	vor.u32 v11, v12  }
0x89: {  	v12 =	vperm.xlane v11, v0;
	_ =	sdelay $0x1  }
0x8a: {  	v11 =	vperm.xlane v11, v2;
	v12 =	vadd.s32 v1, v12;
	_ =	sdelay $0x1  }
0x8b: {  	v11 =	vadd.s32 v1, v11;
	_ =	sdelay $0x1  }
0x8c: {  	s31 =	simm.s32 $0x5500  }
0x8d: {  	[tilespmem:s31], [sflag:$0x1] =	stream.indirect_vreg.gather [hbm4b:s1+s18], $0x80, v12, vm3, $0xb8;
	[tilespmem:$0x1B880] =	vst v63  }
0x8e: {  	s14 =	simm.s32 $0x5D00  }
0x8f: {  	[tilespmem:s14], [sflag:$0x1] =	stream.indirect_vreg.gather [hbm4b:s1+s18], $0x80, v11, vm3, $0xb8;
	[tilespmem:$0x1B880] =	vst v63  }
0x90: {  	v11 =	vld [tilespmem:$0x3430];
	_ =	sdelay $0x4  }
0x91: {  	v12 =	vshll.u32 v11, $0x1  }
0x92: {  	v11 =	vand.u32 $0x7, v11;
	v12 =	vand.u32 $0xFFFFFFF0, v12  }
0x93: {  	v11 =	vor.u32 v11, v12  }
0x94: {  	v12 =	vperm.xlane v11, v0;
	_ =	sdelay $0x1  }
0x95: {  	v11 =	vperm.xlane v11, v2;
	v12 =	vadd.s32 v1, v12;
	_ =	sdelay $0x1  }
0x96: {  	v11 =	vadd.s32 v1, v11;
	_ =	sdelay $0x1  }
0x97: {  	s15 =	simm.s32 $0x6500  }
0x98: {  	[tilespmem:s15], [sflag:$0x1] =	stream.indirect_vreg.gather [hbm4b:s1+s18], $0x80, v12, vm3, $0xb8;
	[tilespmem:$0x1B880] =	vst v63  }
0x99: {  	s16 =	simm.s32 $0x6D00  }
0x9a: {  	[tilespmem:s16], [sflag:$0x1] =	stream.indirect_vreg.gather [hbm4b:s1+s18], $0x80, v11, vm3, $0xb8;
	[tilespmem:$0x1B880] =	vst v63  }
0x9b: {  	v11 =	vld [tilespmem:$0x3440];
	_ =	sdelay $0x4  }
0x9c: {  	v12 =	vshll.u32 v11, $0x1  }
0x9d: {  	v11 =	vand.u32 $0x7, v11;
	v12 =	vand.u32 $0xFFFFFFF0, v12  }
0x9e: {  	v11 =	vor.u32 v11, v12  }
0x9f: {  	v12 =	vperm.xlane v11, v0;
	_ =	sdelay $0x1  }
0xa0: {  	v11 =	vperm.xlane v11, v2;
	v12 =	vadd.s32 v1, v12;
	_ =	sdelay $0x1  }
0xa1: {  	v11 =	vadd.s32 v1, v11;
	_ =	sdelay $0x1  }
0xa2: {  	s19 =	simm.s32 $0x7500  }
0xa3: {  	[tilespmem:s19], [sflag:$0x1] =	stream.indirect_vreg.gather [hbm4b:s1+s18], $0x80, v12, vm3, $0xb8;
	[tilespmem:$0x1B880] =	vst v63  }
0xa4: {  	s21 =	simm.s32 $0x7D00  }
0xa5: {  	[tilespmem:s21], [sflag:$0x1] =	stream.indirect_vreg.gather [hbm4b:s1+s18], $0x80, v11, vm3, $0xb8;
	[tilespmem:$0x1B880] =	vst v63  }
0xa6: {  	v11 =	vld [tilespmem:$0x3450];
	_ =	sdelay $0x4  }
0xa7: {  	v12 =	vshll.u32 v11, $0x1  }
0xa8: {  	v11 =	vand.u32 $0x7, v11;
	v12 =	vand.u32 $0xFFFFFFF0, v12  }
0xa9: {  	v11 =	vor.u32 v11, v12  }
0xaa: {  	v12 =	vperm.xlane v11, v0;
	_ =	sdelay $0x1  }
0xab: {  	v11 =	vperm.xlane v11, v2;
	v12 =	vadd.s32 v1, v12;
	_ =	sdelay $0x1  }
0xac: {  	v11 =	vadd.s32 v1, v11;
	_ =	sdelay $0x1  }
0xad: {  	s22 =	simm.s32 $0x8500  }
0xae: {  	[tilespmem:s22], [sflag:$0x1] =	stream.indirect_vreg.gather [hbm4b:s1+s18], $0x80, v12, vm3, $0xb8;
	[tilespmem:$0x1B880] =	vst v63  }
0xaf: {  	s23 =	simm.s32 $0x8D00  }
0xb0: {  	[tilespmem:s23], [sflag:$0x1] =	stream.indirect_vreg.gather [hbm4b:s1+s18], $0x80, v11, vm3, $0xb8;
	[tilespmem:$0x1B880] =	vst v63  }
0xb1: {  	v11 =	vld [tilespmem:$0x3460];
	_ =	sdelay $0x4  }
0xb2: {  	v12 =	vshll.u32 v11, $0x1  }
0xb3: {  	v11 =	vand.u32 $0x7, v11;
	v12 =	vand.u32 $0xFFFFFFF0, v12  }
0xb4: {  	v11 =	vor.u32 v11, v12  }
0xb5: {  	v12 =	vperm.xlane v11, v0;
	_ =	sdelay $0x1  }
0xb6: {  	v11 =	vperm.xlane v11, v2;
	v12 =	vadd.s32 v1, v12;
	_ =	sdelay $0x1  }
0xb7: {  	v11 =	vadd.s32 v1, v11;
	_ =	sdelay $0x1  }
0xb8: {  	s24 =	simm.s32 $0x9500  }
0xb9: {  	[tilespmem:s24], [sflag:$0x1] =	stream.indirect_vreg.gather [hbm4b:s1+s18], $0x80, v12, vm3, $0xb8;
	[tilespmem:$0x1B880] =	vst v63  }
0xba: {  	s25 =	simm.s32 $0x9D00  }
0xbb: {  	[tilespmem:s25], [sflag:$0x1] =	stream.indirect_vreg.gather [hbm4b:s1+s18], $0x80, v11, vm3, $0xb8;
	[tilespmem:$0x1B880] =	vst v63  }
0xbc: {  	v11 =	vld [tilespmem:$0x3470];
	_ =	sdelay $0x4  }
0xbd: {  	v12 =	vshll.u32 v11, $0x1  }
0xbe: {  	v11 =	vand.u32 $0x7, v11;
	v12 =	vand.u32 $0xFFFFFFF0, v12  }
0xbf: {  	v11 =	vor.u32 v11, v12  }
0xc0: {  	v12 =	vperm.xlane v11, v0;
	_ =	sdelay $0x1  }
0xc1: {  	v11 =	vperm.xlane v11, v2;
	v12 =	vadd.s32 v1, v12;
	_ =	sdelay $0x1  }
0xc2: {  	v11 =	vadd.s32 v1, v11;
	_ =	sdelay $0x1  }
0xc3: {  	s26 =	simm.s32 $0xA500  }
0xc4: {  	[tilespmem:s26], [sflag:$0x1] =	stream.indirect_vreg.gather [hbm4b:s1+s18], $0x80, v12, vm3, $0xb8;
	[tilespmem:$0x1B880] =	vst v63  }
0xc5: {  	s28 =	simm.s32 $0xAD00  }
0xc6: {  	[tilespmem:s28], [sflag:$0x1] =	stream.indirect_vreg.gather [hbm4b:s1+s18], $0x80, v11, vm3, $0xb8;
	[tilespmem:$0x1B880] =	vst v63  }
0xc7: {  	s29 =	rddreg [dreg:$0xb];
	s30 =	simm.s32 $0x3480  }
0xc8: {  	[tilespmem:s30], [sflag:$0x9] =	stream.linear.gather [hbm4b:s29+s18], $0x80, $0x38;
	[tilespmem:$0x1B880] =	vst v63  }
0xc9: {  	_ =	swait.ge [sflag:s13], $0x80  }
0xca: {  	[sflag:s13] =	ssyncset.done $0x0  }
0xcb: {  	[sflag:s13] =	ssyncadd.s32 $0xFFFFFF80  }
0xcc: {  	v11 =	vld [tilespmem:$0x3480];
	_ =	sdelay $0x4  }
0xcd: {  	v12 =	vshll.u32 v11, $0x1  }
0xce: {  	v11 =	vand.u32 $0x7, v11;
	v12 =	vand.u32 $0xFFFFFFF0, v12  }
0xcf: {  	v11 =	vor.u32 v11, v12  }
0xd0: {  	v12 =	vperm.xlane v11, v0;
	_ =	sdelay $0x1  }
0xd1: {  	v11 =	vperm.xlane v11, v2;
	v12 =	vadd.s32 v1, v12;
	_ =	sdelay $0x1  }
0xd2: {  	v11 =	vadd.s32 v1, v11;
	_ =	sdelay $0x1  }
0xd3: {  	s31 =	simm.s32 $0xB500  }
0xd4: {  	[tilespmem:s31], [sflag:$0x2] =	stream.indirect_vreg.gather [hbm4b:s1+s18], $0x80, v12, vm3, $0xb8;
	[tilespmem:$0x1B880] =	vst v63  }
0xd5: {  	s13 =	simm.s32 $0xBD00  }
0xd6: {  	[tilespmem:s13], [sflag:$0x2] =	stream.indirect_vreg.gather [hbm4b:s1+s18], $0x80, v11, vm3, $0xb8;
	[tilespmem:$0x1B880] =	vst v63  }
0xd7: {  	v11 =	vld [tilespmem:$0x3490];
	_ =	sdelay $0x4  }
0xd8: {  	v12 =	vshll.u32 v11, $0x1  }
0xd9: {  	v11 =	vand.u32 $0x7, v11;
	v12 =	vand.u32 $0xFFFFFFF0, v12  }
0xda: {  	v11 =	vor.u32 v11, v12  }
0xdb: {  	v12 =	vperm.xlane v11, v0;
	_ =	sdelay $0x1  }
0xdc: {  	v11 =	vperm.xlane v11, v2;
	v12 =	vadd.s32 v1, v12;
	_ =	sdelay $0x1  }
0xdd: {  	v11 =	vadd.s32 v1, v11;
	_ =	sdelay $0x1  }
0xde: {  	s14 =	simm.s32 $0xC500  }
0xdf: {  	[tilespmem:s14], [sflag:$0x2] =	stream.indirect_vreg.gather [hbm4b:s1+s18], $0x80, v12, vm3, $0xb8;
	[tilespmem:$0x1B880] =	vst v63  }
0xe0: {  	s15 =	simm.s32 $0xCD00  }
0xe1: {  	[tilespmem:s15], [sflag:$0x2] =	stream.indirect_vreg.gather [hbm4b:s1+s18], $0x80, v11, vm3, $0xb8;
	[tilespmem:$0x1B880] =	vst v63  }
0xe2: {  	v11 =	vld [tilespmem:$0x34A0];
	_ =	sdelay $0x4  }
0xe3: {  	v12 =	vshll.u32 v11, $0x1  }
0xe4: {  	v11 =	vand.u32 $0x7, v11;
	v12 =	vand.u32 $0xFFFFFFF0, v12  }
0xe5: {  	v11 =	vor.u32 v11, v12  }
0xe6: {  	v12 =	vperm.xlane v11, v0;
	_ =	sdelay $0x1  }
0xe7: {  	v11 =	vperm.xlane v11, v2;
	v12 =	vadd.s32 v1, v12;
	_ =	sdelay $0x1  }
0xe8: {  	v11 =	vadd.s32 v1, v11;
	_ =	sdelay $0x1  }
0xe9: {  	s16 =	simm.s32 $0xD500  }
0xea: {  	[tilespmem:s16], [sflag:$0x2] =	stream.indirect_vreg.gather [hbm4b:s1+s18], $0x80, v12, vm3, $0xb8;
	[tilespmem:$0x1B880] =	vst v63  }
0xeb: {  	s19 =	simm.s32 $0xDD00  }
0xec: {  	[tilespmem:s19], [sflag:$0x2] =	stream.indirect_vreg.gather [hbm4b:s1+s18], $0x80, v11, vm3, $0xb8;
	[tilespmem:$0x1B880] =	vst v63  }
0xed: {  	v11 =	vld [tilespmem:$0x34B0];
	_ =	sdelay $0x4  }
0xee: {  	v12 =	vshll.u32 v11, $0x1  }
0xef: {  	v11 =	vand.u32 $0x7, v11;
	v12 =	vand.u32 $0xFFFFFFF0, v12  }
0xf0: {  	v11 =	vor.u32 v11, v12  }
0xf1: {  	v12 =	vperm.xlane v11, v0;
	_ =	sdelay $0x1  }
0xf2: {  	v11 =	vperm.xlane v11, v2;
	v12 =	vadd.s32 v1, v12;
	_ =	sdelay $0x1  }
0xf3: {  	v11 =	vadd.s32 v1, v11;
	_ =	sdelay $0x1  }
0xf4: {  	s21 =	simm.s32 $0xE500  }
0xf5: {  	[tilespmem:s21], [sflag:$0x2] =	stream.indirect_vreg.gather [hbm4b:s1+s18], $0x80, v12, vm3, $0xb8;
	[tilespmem:$0x1B880] =	vst v63  }
0xf6: {  	s22 =	simm.s32 $0xED00  }
0xf7: {  	[tilespmem:s22], [sflag:$0x2] =	stream.indirect_vreg.gather [hbm4b:s1+s18], $0x80, v11, vm3, $0xb8;
	[tilespmem:$0x1B880] =	vst v63  }
0xf8: {  	v11 =	vld [tilespmem:$0x34C0];
	_ =	sdelay $0x4  }
0xf9: {  	v12 =	vshll.u32 v11, $0x1  }
0xfa: {  	v11 =	vand.u32 $0x7, v11;
	v12 =	vand.u32 $0xFFFFFFF0, v12  }
0xfb: {  	v11 =	vor.u32 v11, v12  }
0xfc: {  	v12 =	vperm.xlane v11, v0;
	_ =	sdelay $0x1  }
0xfd: {  	v11 =	vperm.xlane v11, v2;
	v12 =	vadd.s32 v1, v12;
	_ =	sdelay $0x1  }
0xfe: {  	v11 =	vadd.s32 v1, v11;
	_ =	sdelay $0x1  }
0xff: {  	s23 =	simm.s32 $0xF500  }
0x100: {  	[tilespmem:s23], [sflag:$0x2] =	stream.indirect_vreg.gather [hbm4b:s1+s18], $0x80, v12, vm3, $0xb8;
	[tilespmem:$0x1B880] =	vst v63  }
0x101: {  	s24 =	simm.s32 $0xFD00  }
0x102: {  	[tilespmem:s24], [sflag:$0x2] =	stream.indirect_vreg.gather [hbm4b:s1+s18], $0x80, v11, vm3, $0xb8;
	[tilespmem:$0x1B880] =	vst v63  }
0x103: {  	v11 =	vld [tilespmem:$0x34D0];
	_ =	sdelay $0x4  }
0x104: {  	v12 =	vshll.u32 v11, $0x1  }
0x105: {  	v11 =	vand.u32 $0x7, v11;
	v12 =	vand.u32 $0xFFFFFFF0, v12  }
0x106: {  	v11 =	vor.u32 v11, v12  }
0x107: {  	v12 =	vperm.xlane v11, v0;
	_ =	sdelay $0x1  }
0x108: {  	v11 =	vperm.xlane v11, v2;
	v12 =	vadd.s32 v1, v12;
	_ =	sdelay $0x1  }
0x109: {  	v11 =	vadd.s32 v1, v11;
	_ =	sdelay $0x1  }
0x10a: {  	s25 =	simm.s32 $0x10500  }
0x10b: {  	[tilespmem:s25], [sflag:$0x2] =	stream.indirect_vreg.gather [hbm4b:s1+s18], $0x80, v12, vm3, $0xb8;
	[tilespmem:$0x1B880] =	vst v63  }
0x10c: {  	s26 =	simm.s32 $0x10D00  }
0x10d: {  	[tilespmem:s26], [sflag:$0x2] =	stream.indirect_vreg.gather [hbm4b:s1+s18], $0x80, v11, vm3, $0xb8;
	[tilespmem:$0x1B880] =	vst v63  }
0x10e: {  	v11 =	vld [tilespmem:$0x34E0];
	_ =	sdelay $0x4  }
0x10f: {  	v12 =	vshll.u32 v11, $0x1  }
0x110: {  	v11 =	vand.u32 $0x7, v11;
	v12 =	vand.u32 $0xFFFFFFF0, v12  }
0x111: {  	v11 =	vor.u32 v11, v12  }
0x112: {  	v12 =	vperm.xlane v11, v0;
	_ =	sdelay $0x1  }
0x113: {  	v11 =	vperm.xlane v11, v2;
	v12 =	vadd.s32 v1, v12;
	_ =	sdelay $0x1  }
0x114: {  	v11 =	vadd.s32 v1, v11;
	_ =	sdelay $0x1  }
0x115: {  	s28 =	simm.s32 $0x11500  }
0x116: {  	[tilespmem:s28], [sflag:$0x2] =	stream.indirect_vreg.gather [hbm4b:s1+s18], $0x80, v12, vm3, $0xb8;
	[tilespmem:$0x1B880] =	vst v63  }
0x117: {  	s29 =	simm.s32 $0x11D00  }
0x118: {  	[tilespmem:s29], [sflag:$0x2] =	stream.indirect_vreg.gather [hbm4b:s1+s18], $0x80, v11, vm3, $0xb8;
	[tilespmem:$0x1B880] =	vst v63  }
0x119: {  	v11 =	vld [tilespmem:$0x34F0];
	_ =	sdelay $0x4  }
0x11a: {  	v12 =	vshll.u32 v11, $0x1  }
0x11b: {  	v11 =	vand.u32 $0x7, v11;
	v12 =	vand.u32 $0xFFFFFFF0, v12  }
0x11c: {  	v11 =	vor.u32 v11, v12  }
0x11d: {  	v12 =	vperm.xlane v11, v0;
	_ =	sdelay $0x1  }
0x11e: {  	v11 =	vperm.xlane v11, v2;
	v12 =	vadd.s32 v1, v12  }
0x11f: {  	s3 =	smul.f32 $2.500000000e-01, s3  }
0x120: {  	s0 =	smul.f32 $2.500000000e-01, s0;
	v11 =	vadd.s32 v1, v11  }
0x121: {  	s2 =	smul.f32 $2.500000000e-01, s2;
	v13 =	vmov s3;
	s3 =	rddreg [dreg:$0xf]  }
0x122: {  	s8 =	smul.f32 $2.500000000e-01, s8;
	s30 =	simm.s32 $0x12500;
	s21 =	rddreg [dreg:$0xe]  }
0x123: {  	[tilespmem:s30], [sflag:$0x2] =	stream.indirect_vreg.gather [hbm4b:s1+s18], $0x80, v12, vm3, $0xb8;
	[tilespmem:$0x1B880] =	vst v63  }
0x124: {  	s31 =	simm.s32 $0x12D00;
	s22 =	rddreg [dreg:$0xd]  }
0x125: {  	v14 =	vmov s8;
	v12 =	vmov s2;
	[tilespmem:s31], [sflag:$0x2] =	stream.indirect_vreg.gather [hbm4b:s1+s18], $0x80, v11, vm3, $0xb8;
	v11 =	vmov s0;
	[tilespmem:$0x1B880] =	vst v63  }
.LBB2_4:
0x126: {  	p0 =	seq.s32 s18, $0x63  }
0x127: {  	p1 =	seq.s32 @!p0 s18, $0x0  }
0x128: {  	s28 =	sshll.u32 s18, $0x8;
	p1 =	por p0, !p1  }
.Ltmp3:
0x129: {  	s2 =	simm.s32 $0x1;
	s29 =	sadd.s32 s10, s28;
	(pc) =	sbr.rel @!p1 .LBB2_5-.Ltmp3, $4  }
0x12a: {  	_ =	swait.ge [sflag:s2], $0x8000;
	s0 =	sshrl.u32 @!p0 s29, $0x3  }
0x12b: {  	s8 =	simm.s32 @!p0 $0x3400;
	[sflag:s2] =	ssyncset.done $0x0;
	s0 =	sadd.s32 @!p0 s17, s0  }
0x12c: {  	[sflag:s2] =	ssyncadd.s32 $0xFFFF8000;
	s2 =	simm.s32 @!p0 $0x0;
	s0 =	sadd.s32 @!p0 $0x20, s0  }
0x12d: {  	[tilespmem:s8], [sflag:$0x3] =	stream.linear.gather @!p0 [hbm4b:s0+s2], $0x80, $0x38;
	[tilespmem:$0x1B880] =	vst v63  }
0x12e: {  	s0 =	simm.s32 $0x5  }
0x12f: {  	_ =	swait.ge [sflag:s0], $0x4000  }
.Ltmp4:
0x130: {  	[sflag:s0] =	ssyncset.done $0x0;
	(pc) =	sbr.rel .LBB2_7-.Ltmp4, $4  }
0x131: {  	s31 =	simm.s32 $0x7;
	[sflag:s0] =	ssyncadd.s32 $0xFFFFC000  }
0x132: {  	_ =	swait.ge [sflag:s31], $0x80  }
0x133: {  	[sflag:s31] =	ssyncset.done $0x0  }
0x134: {  	p1 =	por $0x0, $0x0;
	[sflag:s31] =	ssyncadd.s32 $0xFFFFFF80  }
.LBB2_5:
0x135: {  	p1 =	por @!p0 $0x1, $0x1  }
.LBB2_7:
0x136: {  	s30 =	simm.s32 $0x0;
	s31 =	simm.s32 $0x3900;
	s8 =	simm.s32 $0x13700  }
0x137: {  	s13 =	smov.u32 s3;
	s25 =	smov.u32 s21;
	s26 =	smov.u32 s22  }
.LBB2_8:
0x138: {  	v15 =	vld [tilespmem:s31+$0xFFFFFC00]  }
0x139: {  	v16 =	vld [tilespmem:s31+$0xFFFFFC40]  }
0x13a: {  	s0 =	smulhi.u32 $0x51EB851F, s25  }
0x13b: {  	v17 =	vld [tilespmem:s31+$0x0]  }
0x13c: {  	s0 =	sshrl.u32 s0, $0x6  }
0x13d: {  	v18 =	vld [tilespmem:s31+$0x40];
	s2 =	smul.u32 $0xFFFF3800, s0  }
0x13e: {  	v19 =	vmul.f32 v15, v11;
	v20 =	vmul.f32 v16, v12  }
0x13f: {  	s2 =	sshra.s32 s2, $0x2  }
0x140: {  	v33 =	vmul.f32 v17, v13;
	s24 =	sadd.s32 s2, s26;
	v19 =	vadd.f32 v20, v19  }
0x141: {  	v21 =	vld [tilespmem:s24+$0x0]  }
0x142: {  	v34 =	vmul.f32 v18, v14;
	v19 =	vadd.f32 v33, v19;
	_ =	sdelay $0x1  }
0x143: {  	v19 =	vadd.f32 v34, v19;
	_ =	sdelay $0x1  }
0x144: {  	v19 =	vadd.f32 v19, v21;
	_ =	sdelay $0x1  }
0x145: {  	[tilespmem:s8+$0xFFFFFE00] =	vst v19  }
0x146: {  	v35 =	vld [tilespmem:s31+$0xFFFFFC10]  }
0x147: {  	v36 =	vld [tilespmem:s31+$0xFFFFFC50];
	_ =	sdelay $0x1  }
0x148: {  	v22 =	vld [tilespmem:s31+$0x10];
	_ =	sdelay $0x1  }
0x149: {  	v23 =	vld [tilespmem:s31+$0x50]  }
0x14a: {  	v24 =	vmul.f32 v35, v11;
	v25 =	vmul.f32 v36, v12  }
0x14b: {  	v28 =	vld [tilespmem:s31+$0xFFFFFC80];
	v39 =	vmul.f32 v15, v15  }
0x14c: {  	v31 =	vld [tilespmem:s31+$0xC0];
	v15 =	vadd.f32 v16, v15;
	v37 =	vmul.f32 v22, v13;
	v24 =	vadd.f32 v25, v24  }
0x14d: {  	v41 =	vmul.f32 v17, v17;
	v26 =	vld [tilespmem:s24+$0x10]  }
0x14e: {  	v15 =	vadd.f32 v17, v15;
	v17 =	vld [tilespmem:s31+$0xFFFFFCC0];
	v38 =	vmul.f32 v23, v14;
	v24 =	vadd.f32 v37, v24;
	_ =	sdelay $0x1  }
0x14f: {  	v40 =	vmul.f32 v16, v16;
	v15 =	vadd.f32 v18, v15;
	v24 =	vadd.f32 v38, v24  }
0x150: {  	v43 =	vmul.f32 v18, v18;
	v52 =	vmul.f32 v31, v14  }
0x151: {  	v15 =	vmul.f32 v15, v15;
	v21 =	vld [tilespmem:s31+$0x80];
	v25 =	vadd.f32 v40, v39;
	v24 =	vadd.f32 v24, v26  }
0x152: {  	v33 =	vmul.f32 v28, v11;
	v34 =	vmul.f32 v17, v12  }
0x153: {  	v15 =	vmul.f32 $8.333333580e-02, v15;
	v44 =	vadd.f32 v36, v35;
	v25 =	vadd.f32 v41, v25;
	[tilespmem:s8+$0xFFFFFE10] =	vst v24  }
0x154: {  	v48 =	vadd.f32 v34, v33;
	v45 =	vmul.f32 v35, v35;
	v46 =	vmul.f32 v36, v36;
	v27 =	vld [tilespmem:s31+$0xFFFFFC20]  }
0x155: {  	v62 =	vmul.f32 v19, v19;
	v25 =	vadd.f32 v43, v25;
	v26 =	vadd.f32 v22, v44;
	v42 =	vld [tilespmem:s31+$0xFFFFFC60]  }
0x156: {  	v49 =	vmul.f32 v21, v13;
	v18 =	vadd.f32 v46, v45;
	v22 =	vmul.f32 v22, v22  }
0x157: {  	v19 =	vadd.f32 $0.0e+00, v19;
	v25 =	vmul.f32 $3.333333430e-01, v25;
	v26 =	vadd.f32 v23, v26;
	v29 =	vld [tilespmem:s31+$0x20]  }
0x158: {  	v35 =	vld [tilespmem:s24+$0x40];
	v18 =	vadd.f32 v22, v18;
	v22 =	vadd.f32 v49, v48;
	v23 =	vmul.f32 v23, v23  }
0x159: {  	v15 =	vsub.f32 v25, v15;
	v37 =	vmul.f32 v24, v24;
	v32 =	vld [tilespmem:s31+$0x60];
	v47 =	vmul.f32 v27, v11  }
0x15a: {  	v51 =	vadd.f32 v42, v27;
	v27 =	vmul.f32 v27, v27;
	v16 =	vmul.f32 v42, v42  }
0x15b: {  	v19 =	vadd.f32 v24, v19;
	v22 =	vadd.f32 v52, v22;
	v30 =	vmul.f32 v42, v12  }
0x15c: {  	v18 =	vadd.f32 v23, v18;
	v54 =	vmul.f32 v29, v29;
	v16 =	vadd.f32 v16, v27  }
0x15d: {  	v50 =	vmul.f32 v29, v13;
	v20 =	vadd.f32 v30, v47;
	v34 =	vadd.f32 v29, v51  }
0x15e: {  	v36 =	vld [tilespmem:s24+$0x20];
	v53 =	vmul.f32 v32, v14;
	v27 =	vadd.f32 v54, v16;
	v16 =	vadd.f32 v22, v35  }
0x15f: {  	v56 =	vmul.f32 v32, v32;
	v20 =	vadd.f32 v50, v20;
	v55 =	vadd.f32 v32, v34  }
0x160: {  	v57 =	vmul.f32 v26, v26;
	v54 =	vmul.f32 v17, v17;
	v17 =	vadd.f32 v17, v28;
	[tilespmem:s8+$0xFFFFFE80] =	vst v16  }
0x161: {  	v20 =	vadd.f32 v53, v20;
	v58 =	vadd.f32 v56, v27;
	v59 =	vmul.f32 v55, v55;
	v27 =	vld [tilespmem:s31+$0xFFFFFC90]  }
0x162: {  	v18 =	vmul.f32 $3.333333430e-01, v18;
	v22 =	vmul.f32 $8.333333580e-02, v57;
	v17 =	vadd.f32 v21, v17;
	v26 =	vld [tilespmem:s31+$0xFFFFFCD0]  }
0x163: {  	v25 =	vld [tilespmem:s31+$0x90];
	v20 =	vadd.f32 v20, v36;
	v23 =	vmul.f32 $3.333333430e-01, v58;
	v60 =	vmul.f32 $8.333333580e-02, v59  }
0x164: {  	v15 =	vmul.f32 v15, v15;
	v18 =	vsub.f32 v18, v22;
	v53 =	vmul.f32 v28, v28;
	v33 =	vld [tilespmem:s31+$0xD0]  }
0x165: {  	v58 =	vmul.f32 v21, v21;
	v21 =	vld [tilespmem:s31+$0xFFFFFD00];
	v17 =	vadd.f32 v31, v17;
	[tilespmem:s8+$0xFFFFFE20] =	vst v20;
	v23 =	vsub.f32 v23, v60  }
0x166: {  	s0 =	smul.u32 $0xFFFFCE00, s0;
	v40 =	vadd.f32 v37, v62;
	v18 =	vmul.f32 v18, v18;
	v41 =	vmul.f32 v20, v20;
	v61 =	vld [tilespmem:s31+$0xFFFFFC30]  }
0x167: {  	v57 =	vadd.f32 v54, v53;
	v17 =	vmul.f32 v17, v17;
	v63 =	vld [tilespmem:s31+$0xFFFFFC70];
	v23 =	vmul.f32 v23, v23  }
0x168: {  	s23 =	sadd.s32 s0, s13;
	v15 =	vadd.f32 v18, v15;
	v38 =	vmul.f32 v27, v11;
	v39 =	vmul.f32 v26, v12  }
0x169: {  	s0 =	sadd.s32 $0x40, s23;
	v42 =	vld [tilespmem:s31+$0x30];
	v43 =	vmul.f32 v25, v13;
	v24 =	vadd.f32 v41, v40;
	v48 =	vmul.f32 v33, v14  }
0x16a: {  	s0 =	sand.u32 $0x3E00, s0;
	v46 =	vld [tilespmem:s31+$0x70];
	v41 =	vmul.f32 v27, v27;
	v23 =	vadd.f32 v23, v15;
	v15 =	vadd.f32 v39, v38  }
0x16b: {  	v45 =	vld [tilespmem:s0+$0x50];
	v34 =	vadd.f32 v20, v19;
	v17 =	vmul.f32 $8.333333580e-02, v17;
	v39 =	vmul.f32 v21, v11  }
0x16c: {  	v44 =	vmul.f32 v61, v11;
	v47 =	vmul.f32 v63, v12;
	v15 =	vadd.f32 v43, v15  }
0x16d: {  	v49 =	vadd.f32 v63, v61;
	v22 =	vmul.f32 v61, v61;
	v30 =	vmul.f32 v63, v63  }
0x16e: {  	v50 =	vmul.f32 v42, v13;
	v52 =	vmul.f32 v42, v42;
	v15 =	vadd.f32 v48, v15  }
0x16f: {  	v56 =	vmul.f32 v46, v46;
	v19 =	vadd.f32 v47, v44;
	v51 =	vadd.f32 v42, v49  }
0x170: {  	v29 =	vld [tilespmem:s31+$0x100];
	v60 =	vmul.f32 v46, v14;
	v22 =	vadd.f32 v30, v22;
	v37 =	vadd.f32 v15, v45  }
0x171: {  	v35 =	vld [tilespmem:s31+$0xFFFFFD40];
	v42 =	vmul.f32 v26, v26;
	v26 =	vadd.f32 v26, v27;
	v15 =	vadd.f32 v50, v19  }
0x172: {  	v38 =	vld [tilespmem:s31+$0x140];
	v61 =	vmul.f32 v31, v31;
	v55 =	vadd.f32 v52, v22;
	v18 =	vadd.f32 v46, v51;
	[tilespmem:s8+$0xFFFFFE90] =	vst v37  }
0x173: {  	v44 =	vmul.f32 v25, v25;
	v22 =	vadd.f32 v58, v57;
	v43 =	vadd.f32 v42, v41;
	v59 =	vld [tilespmem:s31+$0xFFFFFCA0]  }
0x174: {  	v25 =	vadd.f32 v25, v26;
	v45 =	vmul.f32 v33, v33;
	v19 =	vadd.f32 v56, v55;
	v62 =	vld [tilespmem:s31+$0xFFFFFCE0]  }
0x175: {  	v52 =	vmul.f32 v29, v13;
	v18 =	vmul.f32 v18, v18;
	v40 =	vadd.f32 v61, v22  }
0x176: {  	v15 =	vadd.f32 v60, v15;
	v46 =	vld [tilespmem:s31+$0xA0];
	v63 =	vmul.f32 $3.333333430e-01, v19;
	v19 =	vadd.f32 v44, v43  }
0x177: {  	v25 =	vadd.f32 v33, v25;
	v27 =	vmul.f32 $3.333333430e-01, v40;
	v40 =	vmul.f32 v35, v12  }
0x178: {  	v56 =	vmul.f32 v38, v14;
	v49 =	vld [tilespmem:s31+$0xE0];
	v18 =	vmul.f32 $8.333333580e-02, v18;
	v26 =	vadd.f32 v45, v19  }
0x179: {  	v51 =	vadd.f32 v40, v39;
	v47 =	vmul.f32 v59, v11;
	v48 =	vmul.f32 v62, v12  }
0x17a: {  	v55 =	vld [tilespmem:s24+$0x80];
	v54 =	vadd.f32 v62, v59;
	v20 =	vmul.f32 v59, v59;
	v30 =	vmul.f32 v62, v62  }
0x17b: {  	v42 =	vld [tilespmem:s24+$0x30];
	v53 =	vmul.f32 v46, v13;
	v22 =	vadd.f32 v52, v51;
	v50 =	vadd.f32 v48, v47  }
0x17c: {  	v58 =	vmul.f32 v46, v46;
	v39 =	vadd.f32 v46, v54;
	v20 =	vadd.f32 v30, v20  }
0x17d: {  	v57 =	vmul.f32 v49, v14;
	v22 =	vadd.f32 v56, v22;
	v19 =	vadd.f32 v53, v50  }
0x17e: {  	v41 =	vld [tilespmem:s0+$0x60];
	v25 =	vmul.f32 v25, v25;
	v60 =	vadd.f32 v49, v39;
	v20 =	vadd.f32 v58, v20  }
0x17f: {  	v28 =	vmul.f32 v49, v49;
	v59 =	vadd.f32 v57, v19;
	v19 =	vadd.f32 v22, v55  }
0x180: {  	v15 =	vadd.f32 v15, v42;
	v18 =	vsub.f32 v63, v18;
	v25 =	vmul.f32 $8.333333580e-02, v25  }
0x181: {  	v27 =	vsub.f32 v27, v17;
	v20 =	vadd.f32 v28, v20;
	v62 =	vmul.f32 v60, v60;
	[tilespmem:s8+$0xFFFFFF00] =	vst v19  }
0x182: {  	v17 =	vadd.f32 v15, v34;
	v45 =	vmul.f32 v15, v15;
	v61 =	vmul.f32 $3.333333430e-01, v26;
	v32 =	vld [tilespmem:s31+$0xFFFFFD10]  }
0x183: {  	v63 =	vadd.f32 v59, v41;
	v44 =	vmul.f32 $3.333333430e-01, v20;
	v26 =	vmul.f32 $8.333333580e-02, v62;
	v33 =	vld [tilespmem:s31+$0xFFFFFD50]  }
0x184: {  	v18 =	vmul.f32 v18, v18;
	v47 =	vadd.f32 $0.0e+00, v16;
	v22 =	vsub.f32 v61, v25;
	v34 =	vld [tilespmem:s31+$0x150]  }
0x185: {  	v16 =	vmul.f32 v16, v16;
	v49 =	vmul.f32 v37, v37;
	[tilespmem:s8+$0xFFFFFEA0] =	vst v63;
	v25 =	vsub.f32 v44, v26;
	v26 =	vld [tilespmem:s31+$0x110]  }
0x186: {  	v27 =	vmul.f32 v27, v27;
	v30 =	vadd.f32 v45, v24;
	v22 =	vmul.f32 v22, v22;
	v46 =	vld [tilespmem:s31+$0xFFFFFCB0]  }
0x187: {  	v16 =	vadd.f32 v49, v16;
	v49 =	vmul.f32 v29, v29;
	v28 =	vmul.f32 v63, v63;
	v48 =	vld [tilespmem:s31+$0xFFFFFCF0]  }
0x188: {  	v20 =	vadd.f32 v18, v23;
	v22 =	vadd.f32 v22, v27;
	v50 =	vld [tilespmem:s31+$0xB0];
	v25 =	vmul.f32 v25, v25  }
0x189: {  	v18 =	vadd.f32 v37, v47;
	v47 =	vmul.f32 v35, v35;
	v28 =	vadd.f32 v28, v16  }
0x18a: {  	v51 =	vmul.f32 v32, v11;
	v52 =	vmul.f32 v33, v12;
	v22 =	vadd.f32 v25, v22  }
0x18b: {  	v53 =	vld [tilespmem:s31+$0xF0];
	v25 =	vadd.f32 v63, v18;
	v60 =	vmul.f32 v34, v14;
	v55 =	vmul.f32 v26, v13  }
0x18c: {  	v54 =	vadd.f32 v52, v51;
	v57 =	vmul.f32 v46, v46;
	v58 =	vmul.f32 v48, v48  }
0x18d: {  	v56 =	vadd.f32 v48, v46;
	v61 =	vmul.f32 v50, v50;
	v23 =	vmul.f32 v46, v11  }
0x18e: {  	v59 =	vld [tilespmem:s24+$0x90];
	v46 =	vmul.f32 v21, v21;
	v21 =	vadd.f32 v35, v21;
	v27 =	vadd.f32 v55, v54  }
0x18f: {  	v24 =	vmul.f32 v48, v12;
	v37 =	vadd.f32 v50, v56;
	v39 =	vadd.f32 v58, v57  }
0x190: {  	v45 =	vmul.f32 v53, v53;
	v48 =	vadd.f32 v47, v46;
	v27 =	vadd.f32 v60, v27  }
0x191: {  	v31 =	vmul.f32 v50, v13;
	v62 =	vadd.f32 v53, v37;
	v63 =	vadd.f32 v61, v39  }
0x192: {  	v52 =	vmul.f32 v38, v38;
	v23 =	vadd.f32 v24, v23;
	v21 =	vadd.f32 v29, v21  }
0x193: {  	v27 =	vadd.f32 v27, v59;
	v37 =	vadd.f32 v45, v63;
	v36 =	vmul.f32 v62, v62  }
0x194: {  	v18 =	vmul.f32 v53, v14;
	v51 =	vadd.f32 v49, v48;
	v39 =	vld [tilespmem:s31+$0xFFFFFD80];
	v21 =	vadd.f32 v38, v21  }
0x195: {  	v55 =	vadd.f32 v33, v32;
	v38 =	vld [tilespmem:s31+$0x180];
	[tilespmem:s8+$0xFFFFFF10] =	vst v27;
	v50 =	vmul.f32 $3.333333430e-01, v37;
	v36 =	vmul.f32 $8.333333580e-02, v36  }
0x196: {  	v23 =	vadd.f32 v31, v23;
	v29 =	vadd.f32 v52, v51;
	v21 =	vmul.f32 v21, v21;
	v37 =	vld [tilespmem:s31+$0xFFFFFD20]  }
0x197: {  	v57 =	vmul.f32 v32, v32;
	v58 =	vmul.f32 v33, v33;
	v53 =	vld [tilespmem:s31+$0xFFFFFD60];
	v24 =	vsub.f32 v50, v36  }
0x198: {  	v16 =	vadd.f32 v18, v23;
	v23 =	vmul.f32 $3.333333430e-01, v29;
	v21 =	vmul.f32 $8.333333580e-02, v21;
	v56 =	vld [tilespmem:s31+$0x120]  }
0x199: {  	v60 =	vmul.f32 v39, v11;
	v36 =	vld [tilespmem:s31+$0xFFFFFDC0];
	v54 =	vmul.f32 v24, v24  }
0x19a: {  	v63 =	vmul.f32 v38, v13;
	v21 =	vsub.f32 v23, v21;
	v24 =	vadd.f32 v26, v55  }
0x19b: {  	v59 =	vld [tilespmem:s31+$0x160];
	v26 =	vmul.f32 v26, v26;
	v18 =	vadd.f32 v54, v22;
	v22 =	vadd.f32 v58, v57  }
0x19c: {  	v62 =	vmul.f32 v37, v11;
	v43 =	vmul.f32 v53, v12;
	v44 =	vadd.f32 v34, v24  }
0x19d: {  	v33 =	vld [tilespmem:s31+$0x1C0];
	v47 =	vmul.f32 v56, v13;
	v52 =	vadd.f32 v53, v37;
	v37 =	vmul.f32 v37, v37  }
0x19e: {  	v35 =	vmul.f32 v53, v53;
	v61 =	vmul.f32 v36, v12;
	v46 =	vadd.f32 v43, v62  }
0x19f: {  	v45 =	vld [tilespmem:s24+$0xA0];
	v34 =	vmul.f32 v34, v34;
	v22 =	vadd.f32 v26, v22;
	v53 =	vadd.f32 v56, v52  }
0x1a0: {  	v51 =	vmul.f32 v59, v14;
	v41 =	vadd.f32 v61, v60;
	v24 =	vadd.f32 v47, v46  }
0x1a1: {  	v48 =	vld [tilespmem:s24+$0xC0];
	v29 =	vmul.f32 v56, v56;
	v35 =	vadd.f32 v35, v37;
	v22 =	vadd.f32 v34, v22  }
0x1a2: {  	v50 =	vmul.f32 v33, v14;
	v46 =	vld [tilespmem:s0+$0x70];
	v49 =	vadd.f32 v63, v41;
	v32 =	vadd.f32 v51, v24  }
0x1a3: {  	v56 =	vmul.f32 v59, v59;
	v55 =	vadd.f32 v59, v53;
	v29 =	vadd.f32 v29, v35  }
0x1a4: {  	v54 =	vmul.f32 v44, v44;
	v26 =	vadd.f32 v50, v49;
	v32 =	vadd.f32 v32, v45  }
0x1a5: {  	v62 =	vadd.f32 $0.0e+00, v19;
	v29 =	vadd.f32 v56, v29;
	v34 =	vmul.f32 v55, v55  }
0x1a6: {  	v57 =	vmul.f32 $3.333333430e-01, v22;
	v24 =	vadd.f32 v26, v48;
	v26 =	vmul.f32 $8.333333580e-02, v54;
	[tilespmem:s8+$0xFFFFFF20] =	vst v32  }
0x1a7: {  	v60 =	vmul.f32 $3.333333430e-01, v29;
	v61 =	vmul.f32 $8.333333580e-02, v34;
	v16 =	vadd.f32 v16, v46;
	v41 =	vld [tilespmem:s31+$0xFFFFFD30]  }
0x1a8: {  	v19 =	vmul.f32 v19, v19;
	v49 =	vmul.f32 v27, v27;
	v59 =	vsub.f32 v57, v26;
	v63 =	vld [tilespmem:s31+$0xFFFFFD70]  }
0x1a9: {  	v27 =	vadd.f32 v27, v62;
	v58 =	vmul.f32 v16, v16;
	v26 =	vsub.f32 v60, v61;
	v50 =	vld [tilespmem:s31+$0x130]  }
0x1aa: {  	v21 =	vmul.f32 v21, v21;
	v19 =	vadd.f32 v49, v19;
	[tilespmem:s8+$0xFFFFFF80] =	vst v24;
	v53 =	vld [tilespmem:s31+$0x170];
	v48 =	vmul.f32 v59, v59  }
0x1ab: {  	v27 =	vadd.f32 v32, v27;
	v40 =	vld [tilespmem:s31+$0xFFFFFD90];
	v23 =	vadd.f32 v58, v28;
	v26 =	vmul.f32 v26, v26  }
0x1ac: {  	v35 =	vld [tilespmem:s31+$0xFFFFFDD0];
	v21 =	vadd.f32 v48, v21;
	v48 =	vmul.f32 v36, v36;
	v56 =	vmul.f32 v41, v41  }
0x1ad: {  	v34 =	vld [tilespmem:s31+$0x190];
	v55 =	vadd.f32 v63, v41;
	v58 =	vmul.f32 v63, v63;
	v41 =	vmul.f32 v41, v11  }
0x1ae: {  	v22 =	vadd.f32 v16, v25;
	v42 =	vmul.f32 v63, v12;
	v60 =	vmul.f32 v50, v50  }
0x1af: {  	v36 =	vadd.f32 v36, v39;
	v25 =	vmul.f32 v50, v13;
	v61 =	vmul.f32 v53, v53  }
0x1b0: {  	v29 =	vld [tilespmem:s31+$0x1D0];
	v63 =	vmul.f32 v39, v39;
	v51 =	vmul.f32 v40, v11;
	v26 =	vadd.f32 v26, v21  }
0x1b1: {  	(xrf2) =	vadd.scan.msk.f32 $0xffff, v17;
	v52 =	vmul.f32 v35, v12;
	v36 =	vadd.f32 v38, v36;
	v17 =	vadd.f32 v50, v55  }
0x1b2: {  	s14 =	sadd.s32 $0xC0, s23;
	v54 =	vmul.f32 v34, v13;
	v21 =	vadd.f32 v58, v56;
	v41 =	vadd.f32 v42, v41  }
0x1b3: {  	s0 =	sand.u32 $0x3E80, s14;
	v49 =	vadd.f32 v48, v63;
	v50 =	vmul.f32 v38, v38;
	v28 =	vadd.f32 v52, v51  }
0x1b4: {  	v57 =	vld [tilespmem:s0+$0x50];
	v55 =	vmul.f32 v32, v32;
	v17 =	vadd.f32 v53, v17;
	v21 =	vadd.f32 v60, v21  }
0x1b5: {  	v59 =	vmul.f32 v29, v14;
	v25 =	vadd.f32 v25, v41;
	v28 =	vadd.f32 v54, v28  }
0x1b6: {  	v44 =	vld [tilespmem:s31+$0xFFFFFE00];
	v37 =	vmul.f32 v53, v14;
	v53 =	vadd.f32 v50, v49;
	v41 =	vadd.f32 v55, v19  }
0x1b7: {  	v62 =	vld [tilespmem:s24+$0xB0];
	v49 =	vadd.f32 v35, v40;
	v40 =	vmul.f32 v40, v40;
	v28 =	vadd.f32 v59, v28  }
0x1b8: {  	v42 =	vld [tilespmem:s31+$0xFFFFFE40];
	v35 =	vmul.f32 v35, v35;
	v54 =	vmul.f32 v33, v33;
	v33 =	vadd.f32 v33, v36  }
0x1b9: {  	v45 =	vld [tilespmem:s31+$0x240];
	v21 =	vadd.f32 v61, v21;
	v17 =	vmul.f32 v17, v17;
	v28 =	vadd.f32 v28, v57  }
0x1ba: {  	v38 =	vld [tilespmem:s31+$0x200];
	v25 =	vadd.f32 v37, v25;
	v49 =	vadd.f32 v34, v49;
	v34 =	vmul.f32 v34, v34  }
0x1bb: {  	v35 =	vadd.f32 v35, v40;
	v51 =	vmul.f32 $3.333333430e-01, v21;
	v17 =	vmul.f32 $8.333333580e-02, v17;
	[tilespmem:s8+$0xFFFFFF90] =	vst v28  }
0x1bc: {  	v56 =	vadd.f32 v54, v53;
	v33 =	vmul.f32 v33, v33;
	v59 =	vmul.f32 v44, v11;
	v43 =	vld [tilespmem:s31+$0xFFFFFDA0]  }
0x1bd: {  	v52, _, _ =	vpop (xrf2);
	v60 =	vmul.f32 v42, v12;
	v37 =	vsub.f32 v51, v17;
	v17 =	vadd.f32 v25, v62;
	v25 =	vld [tilespmem:s31+$0xFFFFFDE0]  }
0x1be: {  	v63 =	vld [tilespmem:s24+$0x100];
	v21 =	vbroadcast v52, $0xF;
	v52 =	vmul.f32 v45, v14;
	v55 =	vadd.f32 v29, v49  }
0x1bf: {  	v29 =	vmul.f32 v29, v29;
	v32 =	vadd.f32 v60, v59;
	v62 =	vmul.f32 v38, v13;
	v58 =	vld [tilespmem:s31+$0x1A0]  }
0x1c0: {  	v34 =	vadd.f32 v34, v35;
	v36 =	vmul.f32 $3.333333430e-01, v56;
	v33 =	vmul.f32 $8.333333580e-02, v33;
	v47 =	vld [tilespmem:s31+$0x1E0]  }
0x1c1: {  	v60 =	vadd.f32 $0.0e+00, v24;
	v57 =	vmul.f32 v37, v37;
	v32 =	vadd.f32 v62, v32  }
0x1c2: {  	v29 =	vadd.f32 v29, v34;
	v61 =	vmul.f32 v43, v11;
	v48 =	vmul.f32 v25, v12  }
0x1c3: {  	v24 =	vmul.f32 v24, v24;
	v19 =	vadd.f32 v57, v26;
	v32 =	vadd.f32 v52, v32  }
0x1c4: {  	v26 =	vadd.f32 v17, v27;
	v50 =	vmul.f32 v58, v13;
	v27 =	vadd.f32 v48, v61  }
0x1c5: {  	v53 =	vld [tilespmem:s0+$0x60];
	v32 =	vadd.f32 v32, v63;
	v54 =	vmul.f32 v47, v14;
	v57 =	vadd.f32 v25, v43  }
0x1c6: {  	v43 =	vmul.f32 v43, v43;
	v25 =	vmul.f32 v25, v25;
	v27 =	vadd.f32 v50, v27  }
0x1c7: {  	v56 =	vmul.f32 v55, v55;
	v37 =	vmul.f32 v17, v17;
	v35 =	vadd.f32 v58, v57  }
0x1c8: {  	[tilespmem:s8+$0x0] =	vst v32;
	v25 =	vadd.f32 v25, v43;
	v58 =	vmul.f32 v58, v58;
	v27 =	vadd.f32 v54, v27  }
0x1c9: {  	v29 =	vmul.f32 $3.333333430e-01, v29;
	v34 =	vmul.f32 $8.333333580e-02, v56;
	v46 =	vld [tilespmem:s31+$0xFFFFFE10];
	v35 =	vadd.f32 v47, v35  }
0x1ca: {  	v59 =	vmul.f32 v47, v47;
	v39 =	vld [tilespmem:s31+$0xFFFFFE50];
	v25 =	vadd.f32 v58, v25;
	v40 =	vadd.f32 v27, v53  }
0x1cb: {  	v33 =	vsub.f32 v36, v33;
	v62 =	vmul.f32 v28, v28;
	v29 =	vsub.f32 v29, v34;
	v48 =	vld [tilespmem:s31+$0x250]  }
0x1cc: {  	v25 =	vadd.f32 v59, v25;
	v35 =	vmul.f32 v35, v35;
	v27 =	vadd.f32 v37, v41;
	v41 =	vld [tilespmem:s31+$0x210];
	[tilespmem:s8+$0xFFFFFFA0] =	vst v40  }
0x1cd: {  	v33 =	vmul.f32 v33, v33;
	v29 =	vmul.f32 v29, v29;
	v34 =	vld [tilespmem:s31+$0xFFFFFDB0]  }
0x1ce: {  	v28 =	vadd.f32 v28, v60;
	v25 =	vmul.f32 $3.333333430e-01, v25;
	v35 =	vmul.f32 $8.333333580e-02, v35;
	v61 =	vld [tilespmem:s31+$0xFFFFFDF0]  }
0x1cf: {  	v29 =	vadd.f32 v29, v33;
	v54 =	vmul.f32 v39, v12;
	v53 =	vmul.f32 v46, v11  }
0x1d0: {  	v47 =	vadd.f32 v62, v24;
	v60 =	vmul.f32 v48, v14;
	v25 =	vsub.f32 v25, v35;
	v63 =	vld [tilespmem:s31+$0x1B0]  }
0x1d1: {  	v36 =	vadd.f32 v54, v53;
	v53 =	vmul.f32 v44, v44;
	v54 =	vmul.f32 v42, v42  }
0x1d2: {  	v42 =	vadd.f32 v42, v44;
	v55 =	vld [tilespmem:s31+$0x1F0];
	v25 =	vmul.f32 v25, v25;
	v56 =	vmul.f32 v41, v13  }
0x1d3: {  	v57 =	vadd.f32 v61, v34;
	v58 =	vmul.f32 v34, v34;
	v51 =	vmul.f32 v61, v61  }
0x1d4: {  	v59 =	vld [tilespmem:s24+$0x110];
	v28 =	vadd.f32 v40, v28;
	v34 =	vmul.f32 v34, v11;
	v43 =	vmul.f32 v61, v12  }
0x1d5: {  	v36 =	vadd.f32 v56, v36;
	v61 =	vmul.f32 v63, v63;
	v35 =	vadd.f32 v63, v57  }
0x1d6: {  	v33 =	vmul.f32 v63, v13;
	v49 =	vadd.f32 v51, v58;
	v34 =	vadd.f32 v43, v34  }
0x1d7: {  	v24 =	vmul.f32 v55, v14;
	v36 =	vadd.f32 v60, v36;
	v35 =	vadd.f32 v55, v35  }
0x1d8: {  	v63 =	vmul.f32 v55, v55;
	v62 =	vadd.f32 v61, v49;
	v33 =	vadd.f32 v33, v34  }
0x1d9: {  	v52 =	vld [tilespmem:s0+$0x70];
	v49 =	vadd.f32 v36, v59;
	v36 =	vadd.f32 v54, v53;
	v55 =	vmul.f32 v38, v38  }
0x1da: {  	v25 =	vadd.f32 v25, v29;
	v24 =	vadd.f32 v24, v33;
	v33 =	vld [tilespmem:s31+$0xFFFFFE80]  }
0x1db: {  	v57 =	vmul.f32 v45, v45;
	v38 =	vadd.f32 v38, v42;
	[tilespmem:s8+$0x10] =	vst v49;
	v56 =	vadd.f32 v55, v36;
	v36 =	vld [tilespmem:s31+$0xFFFFFEC0]  }
0x1dc: {  	v53 =	vadd.f32 v39, v46;
	v37 =	vadd.f32 v63, v62;
	v35 =	vmul.f32 v35, v35;
	v44 =	vld [tilespmem:s31+$0xFFFFFE20]  }
0x1dd: {  	v46 =	vmul.f32 v46, v46;
	v39 =	vmul.f32 v39, v39;
	v38 =	vadd.f32 v45, v38;
	v34 =	vld [tilespmem:s31+$0xFFFFFE60]  }
0x1de: {  	v45 =	vld [tilespmem:s31+$0x220];
	v37 =	vmul.f32 $3.333333430e-01, v37;
	v35 =	vmul.f32 $8.333333580e-02, v35;
	v24 =	vadd.f32 v24, v52  }
0x1df: {  	v58 =	vmul.f32 v40, v40;
	v53 =	vadd.f32 v41, v53;
	v39 =	vadd.f32 v39, v46;
	v51 =	vld [tilespmem:s31+$0x260]  }
0x1e0: {  	v41 =	vmul.f32 v41, v41;
	v35 =	vsub.f32 v37, v35;
	v37 =	vld [tilespmem:s31+$0x280];
	v43 =	vmul.f32 v24, v24  }
0x1e1: {  	v42 =	vadd.f32 v57, v56;
	v60 =	vmul.f32 v33, v11;
	v61 =	vmul.f32 v36, v12  }
0x1e2: {  	v39 =	vadd.f32 v41, v39;
	v59 =	vmul.f32 v35, v35;
	v35 =	vmul.f32 v38, v38;
	v38 =	vld [tilespmem:s31+$0x2C0]  }
0x1e3: {  	v40 =	vmul.f32 $3.333333430e-01, v42;
	v42 =	vadd.f32 v58, v47;
	v62 =	vmul.f32 v44, v11  }
0x1e4: {  	v52 =	vmul.f32 v34, v12;
	v54 =	vmul.f32 v45, v13;
	v47 =	vadd.f32 v61, v60  }
0x1e5: {  	v60 =	vmul.f32 v51, v14;
	v61 =	vadd.f32 v48, v53;
	v63 =	vmul.f32 v37, v13  }
0x1e6: {  	v57 =	vld [tilespmem:s24+$0x140];
	v25 =	vadd.f32 v59, v25;
	v29 =	vadd.f32 v52, v62;
	v62 =	vmul.f32 v48, v48  }
0x1e7: {  	v52 =	vadd.f32 v34, v44;
	v47 =	vadd.f32 v63, v47;
	v58 =	vmul.f32 v38, v14  }
0x1e8: {  	v59 =	vld [tilespmem:s24+$0x120];
	v44 =	vmul.f32 v44, v44;
	v34 =	vmul.f32 v34, v34;
	v29 =	vadd.f32 v54, v29  }
0x1e9: {  	v50 =	vmul.f32 v61, v61;
	v39 =	vadd.f32 v62, v39;
	v47 =	vadd.f32 v58, v47  }
0x1ea: {  	v53 =	vadd.f32 v45, v52;
	v34 =	vadd.f32 v34, v44;
	v54 =	vmul.f32 v45, v45  }
0x1eb: {  	v63 =	vmul.f32 $8.333333580e-02, v35;
	v29 =	vadd.f32 v60, v29;
	v35 =	vadd.f32 v47, v57  }
0x1ec: {  	v41 =	vmul.f32 $8.333333580e-02, v50;
	v56 =	vadd.f32 v51, v53;
	v34 =	vadd.f32 v54, v34  }
0x1ed: {  	v39 =	vmul.f32 $3.333333430e-01, v39;
	v55 =	vsub.f32 v40, v63;
	v46 =	vadd.f32 v29, v59;
	[tilespmem:s8+$0x80] =	vst v35  }
0x1ee: {  	v31 =	vmov s30;
	v58 =	vadd.f32 $0.0e+00, v32;
	v29 =	vadd.f32 v43, v42;
	v43 =	vld [tilespmem:s31+$0xFFFFFE90]  }
0x1ef: {  	v32 =	vmul.f32 v32, v32;
	v39 =	vsub.f32 v39, v41;
	v57 =	vmul.f32 v51, v51;
	[tilespmem:s8+$0x20] =	vst v46;
	v45 =	vld [tilespmem:s31+$0xFFFFFED0]  }
0x1f0: {  	v41 =	vmul.f32 v56, v56;
	v47 =	vand.u32 $0xFFFFFFF8, v31;
	v31 =	vmul.f32 v55, v55;
	v40 =	vld [tilespmem:s31+$0xFFFFFE30]  }
0x1f1: {  	v48 =	vadd.f32 v49, v58;
	v49 =	vmul.f32 v49, v49;
	v34 =	vadd.f32 v57, v34;
	v44 =	vld [tilespmem:s31+$0x290]  }
0x1f2: {  	v39 =	vmul.f32 v39, v39;
	v41 =	vmul.f32 $8.333333580e-02, v41;
	v50 =	vld [tilespmem:s31+$0xFFFFFE70]  }
0x1f3: {  	v57 =	vmul.f32 v33, v33;
	v33 =	vadd.f32 v36, v33;
	v51 =	vld [tilespmem:s31+$0x2D0];
	v34 =	vmul.f32 $3.333333430e-01, v34  }
0x1f4: {  	v31 =	vadd.f32 v39, v31;
	v39 =	vld [tilespmem:s31+$0x230];
	v59 =	vmul.f32 v43, v11;
	v60 =	vmul.f32 v45, v12  }
0x1f5: {  	s15 =	sadd.s32 $0x140, s23;
	(xrf2) =	vadd.scan.msk.f32 $0xffff, v30;
	v58 =	vmul.f32 v36, v36;
	v53 =	vld [tilespmem:s31+$0x270];
	v30 =	vadd.f32 v49, v32;
	v33 =	vadd.f32 v37, v33  }
0x1f6: {  	s0 =	sand.u32 $0x3F00, s15;
	v34 =	vsub.f32 v34, v41;
	v61 =	vmul.f32 v44, v13;
	v42 =	vadd.f32 v60, v59  }
0x1f7: {  	v55 =	vld [tilespmem:s0+$0x50];
	v62 =	vadd.f32 v50, v40;
	v63 =	vmul.f32 v40, v40;
	v56 =	vmul.f32 v50, v50  }
0x1f8: {  	v40 =	vmul.f32 v40, v11;
	v60 =	vmul.f32 v51, v14;
	v42 =	vadd.f32 v61, v42  }
0x1f9: {  	v54 =	vmul.f32 v39, v39;
	v62 =	vadd.f32 v39, v62;
	v63 =	vadd.f32 v56, v63  }
0x1fa: {  	v50 =	vmul.f32 v50, v12;
	v56 =	vmul.f32 v53, v53;
	v42 =	vadd.f32 v60, v42  }
0x1fb: {  	v41 =	vadd.f32 v54, v63;
	v61 =	vmul.f32 v34, v34;
	v34 =	vadd.f32 v53, v62  }
0x1fc: {  	v33 =	vadd.f32 v38, v33;
	v39 =	vmul.f32 v39, v13;
	v52 =	vadd.f32 v42, v55  }
0x1fd: {  	v49 =	vld [tilespmem:s24+$0x130];
	v50 =	vadd.f32 v50, v40;
	v41 =	vadd.f32 v56, v41;
	v34 =	vmul.f32 v34, v34  }
0x1fe: {  	v33 =	vmul.f32 v33, v33;
	v40 =	vld [tilespmem:s31+$0xFFFFFF00];
	v59 =	vmul.f32 v37, v37;
	v42 =	vadd.f32 v58, v57;
	[tilespmem:s8+$0x90] =	vst v52  }
0x1ff: {  	v39 =	vadd.f32 v39, v50;
	v41 =	vmul.f32 $3.333333430e-01, v41;
	v34 =	vmul.f32 $8.333333580e-02, v34;
	v54 =	vld [tilespmem:s31+$0xFFFFFEA0]  }
0x200: {  	v32 =	vadd.f32 v61, v31;
	v60 =	vmul.f32 v38, v38;
	v42 =	vadd.f32 v59, v42;
	v55 =	vld [tilespmem:s31+$0xFFFFFEE0]  }
0x201: {  	v63, _, _ =	vpop (xrf2);
	v31 =	vadd.f32 v46, v48;
	v46 =	vmul.f32 v46, v46;
	v62 =	vsub.f32 v41, v34;
	v41 =	vld [tilespmem:s31+$0xFFFFFF40]  }
0x202: {  	v61 =	vmul.f32 v53, v14;
	v36 =	vbroadcast v63, $0xF;
	v56 =	vld [tilespmem:s31+$0x2A0];
	v48 =	vadd.f32 v60, v42  }
0x203: {  	v63 =	vmul.f32 v40, v11;
	v57 =	vadd.f32 v45, v43;
	v34 =	vbroadcast v47, $0x0;
	v42 =	vld [tilespmem:s31+$0x300]  }
0x204: {  	v60 =	vadd.f32 v61, v39;
	v50 =	vmul.f32 v62, v62;
	v37 =	vmul.f32 $3.333333430e-01, v48;
	v48 =	vld [tilespmem:s31+$0x2E0]  }
0x205: {  	v47 =	vadd.f32 v46, v30;
	v46 =	vld [tilespmem:s31+$0x340];
	v61 =	vmul.f32 v54, v11;
	v62 =	vmul.f32 v55, v12  }
0x206: {  	v43 =	vmul.f32 v43, v43;
	v30 =	vadd.f32 v60, v49;
	v60 =	vmul.f32 v41, v12  }
0x207: {  	v45 =	vmul.f32 v45, v45;
	v39 =	vadd.f32 v62, v61;
	v61 =	vmul.f32 v56, v13  }
0x208: {  	v57 =	vadd.f32 v44, v57;
	v58 =	vld [tilespmem:s0+$0x60];
	v38 =	vadd.f32 v60, v63;
	v62 =	vmul.f32 v42, v13  }
0x209: {  	v59 =	vld [tilespmem:s24+$0x180];
	v43 =	vadd.f32 v45, v43;
	v63 =	vmul.f32 v48, v14;
	v39 =	vadd.f32 v61, v39  }
0x20a: {  	v44 =	vmul.f32 v44, v44;
	v60 =	vmul.f32 v46, v14;
	v38 =	vadd.f32 v62, v38  }
0x20b: {  	v39 =	vadd.f32 v63, v39  }
0x20c: {  	v33 =	vmul.f32 $8.333333580e-02, v33;
	v43 =	vadd.f32 v44, v43;
	v38 =	vadd.f32 v60, v38  }
0x20d: {  	v61 =	vadd.f32 v51, v57;
	v62 =	vmul.f32 v51, v51;
	v49 =	vadd.f32 v39, v58  }
0x20e: {  	v57 =	vmul.f32 v55, v55;
	v63 =	vmul.f32 v54, v54;
	v39 =	vadd.f32 v38, v59  }
0x20f: {  	v45 =	vmul.f32 v35, v35;
	v58 =	vadd.f32 v62, v43;
	v59 =	vmul.f32 v61, v61;
	[tilespmem:s8+$0xA0] =	vst v49  }
0x210: {  	v60 =	vadd.f32 v55, v54;
	v61 =	vadd.f32 v57, v63;
	v62 =	vmul.f32 v56, v56;
	[tilespmem:s8+$0x100] =	vst v39;
	v53 =	vld [tilespmem:s31+$0xFFFFFEB0]  }
0x211: {  	v35 =	vadd.f32 $0.0e+00, v35;
	v63 =	vmul.f32 $3.333333430e-01, v58;
	v57 =	vmul.f32 $8.333333580e-02, v59;
	v54 =	vld [tilespmem:s31+$0xFFFFFF10]  }
0x212: {  	v58 =	vadd.f32 v56, v60;
	v59 =	vadd.f32 v62, v61;
	v60 =	vmul.f32 v48, v48;
	v51 =	vld [tilespmem:s31+$0xFFFFFF50]  }
0x213: {  	v32 =	vadd.f32 v50, v32;
	v33 =	vsub.f32 v37, v33;
	v38 =	vld [tilespmem:s31+$0xFFFFFEF0]  }
0x214: {  	v61 =	vmul.f32 v30, v30;
	v50 =	vld [tilespmem:s31+$0x350];
	v37 =	vsub.f32 v63, v57;
	v44 =	vadd.f32 v60, v59  }
0x215: {  	v35 =	vadd.f32 v52, v35;
	v62 =	vmul.f32 v33, v33;
	v43 =	vadd.f32 v48, v58;
	v48 =	vld [tilespmem:s31+$0x310]  }
0x216: {  	v33 =	vadd.f32 v61, v47;
	v47 =	vld [tilespmem:s31+$0x2B0];
	v37 =	vmul.f32 v37, v37;
	v44 =	vmul.f32 $3.333333430e-01, v44  }
0x217: {  	v35 =	vadd.f32 v49, v35;
	v43 =	vmul.f32 v43, v43;
	v56 =	vmul.f32 v54, v11  }
0x218: {  	v55 =	vld [tilespmem:s31+$0x2F0];
	v37 =	vadd.f32 v37, v62;
	v57 =	vmul.f32 v51, v12;
	v59 =	vmul.f32 v53, v53  }
0x219: {  	v58 =	vadd.f32 v38, v53;
	v60 =	vmul.f32 v38, v38;
	v43 =	vmul.f32 $8.333333580e-02, v43  }
0x21a: {  	v63 =	vmul.f32 v50, v14;
	v53 =	vmul.f32 v53, v11;
	v56 =	vadd.f32 v57, v56  }
0x21b: {  	v57 =	vmul.f32 v48, v13;
	v59 =	vadd.f32 v60, v59;
	v60 =	vmul.f32 v47, v47  }
0x21c: {  	(xrf2) =	vadd.scan.msk.f32 $0xffff, v20;
	v61 =	vld [tilespmem:s24+$0x190];
	v38 =	vmul.f32 v38, v12;
	v58 =	vadd.f32 v47, v58;
	v20 =	vsub.f32 v44, v43  }
0x21d: {  	v62 =	vmul.f32 v55, v55;
	v43 =	vadd.f32 v57, v56;
	v60 =	vadd.f32 v60, v59  }
0x21e: {  	v52 =	vmul.f32 v52, v52;
	v38 =	vadd.f32 v38, v53;
	v56 =	vadd.f32 v55, v58  }
0x21f: {  	v47 =	vmul.f32 v47, v13;
	v43 =	vadd.f32 v63, v43;
	v63 =	vadd.f32 v62, v60  }
0x220: {  	v20 =	vmul.f32 v20, v20;
	v59 =	vadd.f32 v52, v45;
	v56 =	vmul.f32 v56, v56  }
0x221: {  	v38 =	vadd.f32 v47, v38;
	v57 =	vadd.f32 v43, v61;
	v44 =	vmul.f32 $3.333333430e-01, v63  }
0x222: {  	v20 =	vadd.f32 v20, v37;
	v60 =	vmul.f32 $8.333333580e-02, v56;
	v61 =	vmul.f32 v49, v49  }
0x223: {  	v62 =	vmul.f32 v40, v40;
	v49 =	vld [tilespmem:s0+$0x70];
	v63 =	vmul.f32 v41, v41;
	v41 =	vadd.f32 v41, v40;
	[tilespmem:s8+$0x110] =	vst v57  }
0x224: {  	v44 =	vsub.f32 v44, v60;
	v53 =	vadd.f32 v61, v59;
	v60 =	vmul.f32 v55, v14;
	v52 =	vld [tilespmem:s31+$0xFFFFFF20]  }
0x225: {  	v62 =	vadd.f32 v63, v62;
	v63 =	vmul.f32 v42, v42;
	v41 =	vadd.f32 v42, v41;
	v56 =	vld [tilespmem:s31+$0xFFFFFF60]  }
0x226: {  	v43 =	vld [tilespmem:s31+$0xFFFFFF80];
	v59 =	vmul.f32 v51, v51;
	v51 =	vadd.f32 v51, v54;
	v44 =	vmul.f32 v44, v44  }
0x227: {  	v47 =	vld [tilespmem:s31+$0x320];
	v38 =	vadd.f32 v60, v38;
	v60 =	vadd.f32 v63, v62  }
0x228: {  	v55 =	vmul.f32 v54, v54;
	v61, _, _ =	vpop (xrf2);
	v41 =	vadd.f32 v46, v41;
	v37 =	vadd.f32 v44, v20;
	v44 =	vld [tilespmem:s31+$0xFFFFFFC0]  }
0x229: {  	v58 =	vld [tilespmem:s31+$0x360];
	v51 =	vadd.f32 v48, v51;
	v48 =	vmul.f32 v48, v48;
	v40 =	vbroadcast v61, $0xF  }
0x22a: {  	v45 =	vld [tilespmem:s31+$0x380];
	v55 =	vadd.f32 v59, v55;
	v62 =	vmul.f32 v52, v11;
	v63 =	vmul.f32 v56, v12  }
0x22b: {  	v61 =	vmul.f32 v46, v46;
	v54 =	vmul.f32 v43, v11;
	v20 =	vadd.f32 v38, v49  }
0x22c: {  	v42 =	vld [tilespmem:s31+$0x3C0];
	v41 =	vmul.f32 v41, v41;
	v49 =	vmul.f32 v47, v13;
	v38 =	vadd.f32 v63, v62  }
0x22d: {  	v51 =	vadd.f32 v50, v51;
	v46 =	vadd.f32 v61, v60;
	v60 =	vmul.f32 v44, v12  }
0x22e: {  	v59 =	vld [tilespmem:s24+$0x1A0];
	v48 =	vadd.f32 v48, v55;
	v38 =	vadd.f32 v49, v38;
	v49 =	vmul.f32 v58, v14  }
0x22f: {  	s9 =	sadd.s32 $0x2, s30;
	[tilespmem:s8+$0xFFFFFE30] =	vst v15;
	v50 =	vmul.f32 v50, v50;
	v54 =	vadd.f32 v60, v54;
	v60 =	vmul.f32 v45, v13  }
0x230: {  	[tilespmem:v34+s4+$0x0] =	vst.idx.msk $0x1, v21;
	v21 =	vmov s9;
	v61 =	vmul.f32 $8.333333580e-02, v41;
	v38 =	vadd.f32 v49, v38;
	v49 =	vld [tilespmem:s24+$0x1C0]  }
0x231: {  	(xrf2) =	vadd.scan.msk.f32 $0xffff, v22;
	v48 =	vadd.f32 v50, v48;
	v54 =	vadd.f32 v60, v54;
	v60 =	vmul.f32 v42, v14  }
0x232: {  	v46 =	vmul.f32 $3.333333430e-01, v46;
	v62 =	vadd.f32 v56, v52;
	v52 =	vmul.f32 v52, v52  }
0x233: {  	v41 =	vadd.f32 v38, v59;
	v59 =	vmul.f32 v51, v51;
	v60 =	vadd.f32 v60, v54  }
0x234: {  	(xrf2) =	vadd.scan.msk.f32 $0xffff, v23;
	v31 =	vadd.f32 v30, v31;
	v63 =	vmul.f32 v56, v56;
	v48 =	vmul.f32 $3.333333430e-01, v48  }
0x235: {  	(xrf2) =	vadd.scan.msk.f32 $0xffff, v18;
	v46 =	vsub.f32 v46, v61;
	v50 =	vmul.f32 $8.333333580e-02, v59;
	v38 =	vadd.f32 v60, v49  }
0x236: {  	[tilespmem:s8+$0x120] =	vst v41;
	v60 =	vadd.f32 v47, v62;
	v62 =	vadd.f32 v63, v52;
	v47 =	vmul.f32 v47, v47  }
0x237: {  	v56 =	vmul.f32 v39, v39;
	v52 =	vld [tilespmem:s31+$0xFFFFFF30];
	v63 =	vmul.f32 v58, v58;
	v48 =	vsub.f32 v48, v50  }
0x238: {  	v46 =	vmul.f32 v46, v46;
	v54 =	vld [tilespmem:s31+$0xFFFFFF70];
	[tilespmem:s8+$0x180] =	vst v38;
	v49 =	vadd.f32 v58, v60;
	v47 =	vadd.f32 v47, v62  }
0x239: {  	v60 =	vmul.f32 v20, v20;
	v62 =	vadd.f32 $0.0e+00, v39;
	v55 =	vld [tilespmem:s31+$0xFFFFFF90];
	v61 =	vmul.f32 v48, v48  }
0x23a: {  	s16 =	sadd.s32 $0x1, s30;
	v50 =	vld [tilespmem:s31+$0xFFFFFFD0];
	v48 =	vmul.f32 v57, v57;
	v47 =	vadd.f32 v63, v47;
	v49 =	vmul.f32 v49, v49  }
0x23b: {  	v51 =	vld [tilespmem:s31+$0x390];
	v22 =	vadd.f32 v60, v53;
	v18 =	vadd.f32 v57, v62;
	v60 =	vmov s16;
	v63, _, _ =	vpop (xrf2)  }
0x23c: {  	(xrf2) =	vadd.scan.msk.f32 $0xffff, v26;
	v23 =	vadd.f32 v61, v46;
	v46 =	vmul.f32 v52, v11;
	v26 =	vbroadcast v63, $0xF  }
0x23d: {  	v53 =	vld [tilespmem:s31+$0x3D0];
	v60 =	vand.u32 $0xFFFFFFF9, v60;
	v39 =	vmul.f32 $3.333333430e-01, v47;
	v47 =	vmul.f32 $8.333333580e-02, v49  }
0x23e: {  	v57 =	vld [tilespmem:s31+$0x330];
	v48 =	vadd.f32 v48, v56;
	v49 =	vmul.f32 v54, v12;
	v60 =	vbroadcast v60, $0x0  }
0x23f: {  	v61, _, _ =	vpop (xrf2);
	v58 =	vmul.f32 v55, v11;
	v59 =	vmul.f32 v50, v12;
	v39 =	vsub.f32 v39, v47  }
0x240: {  	v47 =	vld [tilespmem:s31+$0x370];
	v46 =	vadd.f32 v49, v46;
	v56 =	vmul.f32 v51, v13;
	v63, _, _ =	vpop (xrf2);
	(xrf2) =	vadd.scan.msk.f32 $0xffff, v27;
	v27 =	vmul.f32 v45, v45  }
0x241: {  	s19 =	sadd.s32 $0x1C0, s23;
	v49 =	vadd.f32 v59, v58;
	v58 =	vadd.f32 v54, v52;
	v52 =	vmul.f32 v52, v52  }
0x242: {  	s23 =	sor.u32 $0x50, s19;
	v18 =	vadd.f32 v41, v18;
	v54 =	vmul.f32 v54, v54;
	v39 =	vmul.f32 v39, v39  }
0x243: {  	v59 =	vld [tilespmem:s23+$0x0];
	v49 =	vadd.f32 v56, v49;
	v56 =	vmul.f32 v53, v14;
	v58 =	vadd.f32 v57, v58  }
0x244: {  	v52 =	vadd.f32 v54, v52;
	v54 =	vmul.f32 v57, v57;
	v57 =	vmul.f32 v57, v13  }
0x245: {  	[tilespmem:s8+$0xFFFFFEB0] =	vst v16;
	v23 =	vadd.f32 v39, v23;
	v62 =	vmul.f32 v47, v47;
	v49 =	vadd.f32 v56, v49  }
0x246: {  	[tilespmem:v34+s5+$0x0] =	vst.idx.msk $0x1, v36;
	v58 =	vadd.f32 v47, v58;
	v52 =	vadd.f32 v54, v52;
	v56 =	vbroadcast v61, $0xF  }
0x247: {  	[tilespmem:v60+s4+$0x0] =	vst.idx.msk $0x1, v26;
	v54 =	vbroadcast v63, $0xF;
	v46 =	vadd.f32 v57, v46;
	v47 =	vmul.f32 v47, v14  }
0x248: {  	v61 =	vadd.f32 v44, v43;
	v63 =	vmul.f32 v44, v44;
	v49 =	vadd.f32 v49, v59  }
0x249: {  	v52 =	vadd.f32 v62, v52;
	v58 =	vmul.f32 v58, v58;
	v62 =	vmul.f32 v43, v43  }
0x24a: {  	v21 =	vand.u32 $0xFFFFFFFA, v21;
	v44 =	vadd.f32 v47, v46;
	v59 =	vadd.f32 v45, v61;
	[tilespmem:v60+s5+$0x0] =	vst.idx.msk $0x1, v56  }
0x24b: {  	v56 =	vadd.f32 v24, v28;
	[tilespmem:s8+$0x190] =	vst v49;
	v15 =	vmul.f32 $3.333333430e-01, v52;
	v52 =	vmul.f32 $8.333333580e-02, v58  }
0x24c: {  	v21 =	vbroadcast v21, $0x0;
	[tilespmem:v60+s6+$0x0] =	vst.idx.msk $0x1, v54;
	v60 =	vmul.f32 v41, v41;
	v46 =	vadd.f32 v42, v59;
	v58 =	vld [tilespmem:s31+$0xFFFFFFA0]  }
0x24d: {  	v59 =	vadd.f32 v50, v55;
	v42 =	vmul.f32 v42, v42;
	v43 =	vld [tilespmem:s31+$0xFFFFFFE0];
	v47 =	vsub.f32 v15, v52  }
0x24e: {  	v61, _, _ =	vpop (xrf2);
	v39 =	vld [tilespmem:s31+$0x3A0];
	v15 =	vadd.f32 v63, v62;
	v62 =	vmul.f32 v55, v55;
	v63 =	vmul.f32 v50, v50  }
0x24f: {  	(xrf2) =	vadd.scan.msk.f32 $0xffff, v19;
	v36 =	vbroadcast v61, $0xF;
	v45 =	vld [tilespmem:s31+$0x3E0];
	v19 =	vadd.f32 v60, v48;
	v46 =	vmul.f32 v46, v46  }
0x250: {  	v50 =	vmul.f32 v38, v38;
	v15 =	vadd.f32 v27, v15;
	v61 =	vadd.f32 v63, v62  }
0x251: {  	v27 =	vadd.f32 v51, v59;
	v51 =	vmul.f32 v51, v51;
	v59 =	vmul.f32 v53, v53  }
0x252: {  	[tilespmem:v34+s6+$0x0] =	vst.idx.msk $0x1, v40;
	v48 =	vadd.f32 $0.0e+00, v38;
	v62 =	vmul.f32 v58, v11;
	v63 =	vmul.f32 v43, v12  }
0x253: {  	v55 =	vmul.f32 v39, v13;
	v15 =	vadd.f32 v42, v15;
	v57 =	vadd.f32 v51, v61  }
0x254: {  	s14 =	sor.u32 $0x60, s19;
	v52 =	vmul.f32 v45, v14;
	v54 =	vadd.f32 v43, v58;
	v34 =	vadd.f32 v63, v62  }
0x255: {  	v61 =	vld [tilespmem:s14+$0x0];
	v51 =	vmul.f32 v49, v49;
	v62 =	vadd.f32 v53, v27;
	v53 =	vadd.f32 v59, v57  }
0x256: {  	(xrf2) =	vadd.scan.msk.f32 $0xffff, v56;
	v57 =	vmul.f32 $3.333333430e-01, v15;
	v59 =	vmul.f32 $8.333333580e-02, v46;
	v34 =	vadd.f32 v55, v34  }
0x257: {  	s15 =	sadd.s32 $0x3, s30;
	(xrf2) =	vadd.scan.msk.f32 $0xffff, v29;
	v63 =	vld [tilespmem:s24+$0x1B0];
	v29 =	vadd.f32 v39, v54;
	v16 =	vmul.f32 v62, v62;
	v26 =	vmul.f32 $3.333333430e-01, v53  }
0x258: {  	v55, _, _ =	vpop (xrf2);
	v62 =	vmov s15;
	v53 =	vmul.f32 v43, v43;
	v34 =	vadd.f32 v52, v34  }
0x259: {  	v29 =	vadd.f32 v45, v29;
	v40 =	vbroadcast v55, $0xF;
	v28 =	vand.u32 $0xFFFFFFFB, v62  }
0x25a: {  	s0 =	sor.u32 $0x70, s19;
	s19 =	sadd.s32 $0x5, s30;
	v55 =	vmul.f32 v39, v39;
	v16 =	vmul.f32 $8.333333580e-02, v16;
	v34 =	vadd.f32 v34, v61  }
0x25b: {  	v39 =	vmov s19;
	v52 =	vmul.f32 v58, v58;
	v28 =	vbroadcast v28, $0x0  }
0x25c: {  	v29 =	vmul.f32 v29, v29;
	v43 =	vand.u32 $0xFFFFFFFD, v39;
	v15 =	vadd.f32 v44, v63;
	[tilespmem:s8+$0x1A0] =	vst v34  }
0x25d: {  	[tilespmem:s8+$0xFFFFFF30] =	vst v17;
	v56, _, _ =	vpop (xrf2);
	v63 =	vmul.f32 v47, v47;
	v61 =	vsub.f32 v57, v59;
	v16 =	vsub.f32 v26, v16;
	v27 =	vld [tilespmem:s31+$0xFFFFFFF0]  }
0x25e: {  	[tilespmem:v21+s4+$0x0] =	vst.idx.msk $0x1, v36;
	v26 =	vadd.f32 v49, v48;
	v38 =	vadd.f32 v53, v52;
	v59 =	vbroadcast v56, $0xF;
	v41 =	vld [tilespmem:s31+$0xFFFFFFB0]  }
0x25f: {  	[tilespmem:v21+s5+$0x0] =	vst.idx.msk $0x1, v40;
	v29 =	vmul.f32 $8.333333580e-02, v29;
	v46 =	vmul.f32 v15, v15;
	v17 =	vadd.f32 v63, v23  }
0x260: {  	v60, _, _ =	vpop (xrf2);
	v23 =	vadd.f32 v51, v50;
	v18 =	vadd.f32 v15, v18;
	v47 =	vmul.f32 v61, v61;
	v36 =	vld [tilespmem:s31+$0x3B0]  }
0x261: {  	v63 =	vbroadcast v60, $0xF;
	v16 =	vmul.f32 v16, v16;
	v38 =	vadd.f32 v55, v38;
	[tilespmem:v21+s6+$0x0] =	vst.idx.msk $0x1, v59  }
0x262: {  	(xrf2) =	vadd.scan.msk.f32 $0xffff, v25;
	v59 =	vadd.f32 v20, v35;
	v26 =	vadd.f32 v34, v26;
	v42 =	vld [tilespmem:s31+$0x3F0];
	v58 =	vmul.f32 v27, v12  }
0x263: {  	v48 =	vmul.f32 v41, v41;
	v49 =	vmul.f32 v27, v27;
	v27 =	vadd.f32 v27, v41  }
0x264: {  	(xrf2) =	vadd.scan.msk.f32 $0xffff, v31;
	v19 =	vadd.f32 v46, v19;
	v46 =	vmul.f32 v45, v45;
	v57 =	vmul.f32 v41, v11  }
0x265: {  	(xrf2) =	vadd.scan.msk.f32 $0xffff, v33;
	v53 =	vmul.f32 v36, v36;
	v52 =	vadd.f32 v49, v48;
	v55 =	vadd.f32 v36, v27  }
0x266: {  	(xrf2) =	vadd.scan.msk.f32 $0xffff, v32;
	v51 =	vadd.f32 v46, v38;
	v62 =	vmul.f32 v36, v13;
	v61 =	vadd.f32 v58, v57  }
0x267: {  	(xrf2) =	vadd.scan.msk.f32 $0xffff, v59;
	v60 =	vmul.f32 v42, v42;
	v58 =	vld [tilespmem:s0+$0x0];
	v57 =	vadd.f32 v53, v52;
	v25 =	vadd.f32 v42, v55  }
0x268: {  	[tilespmem:s8+$0xFFFFFFB0] =	vst v24;
	v16 =	vadd.f32 v16, v47;
	v50 =	vmul.f32 v42, v14;
	v47 =	vadd.f32 v62, v61  }
0x269: {  	v56, _, _ =	vpop (xrf2);
	(xrf2) =	vadd.scan.msk.f32 $0xffff, v22;
	v24 =	vmul.f32 $3.333333430e-01, v51;
	v31 =	vadd.f32 v60, v57;
	v25 =	vmul.f32 v25, v25  }
0x26a: {  	(xrf2) =	vadd.scan.msk.f32 $0xffff, v37;
	v37 =	vmul.f32 v34, v34;
	v27 =	vbroadcast v56, $0xF;
	v54 =	vadd.f32 v50, v47  }
0x26b: {  	(xrf2) =	vadd.scan.msk.f32 $0xffff, v18;
	v62 =	vsub.f32 v24, v29;
	v35 =	vmul.f32 $3.333333430e-01, v31;
	v25 =	vmul.f32 $8.333333580e-02, v25  }
0x26c: {  	s16 =	sadd.s32 $0x4, s30;
	[tilespmem:v28+s4+$0x0] =	vst.idx.msk $0x1, v63;
	v40 =	vadd.f32 v37, v23;
	v36, _, _ =	vpop (xrf2);
	(xrf2) =	vadd.scan.msk.f32 $0xffff, v19;
	v21 =	vadd.f32 v54, v58  }
0x26d: {  	[tilespmem:v28+s5+$0x0] =	vst.idx.msk $0x1, v27;
	v61 =	vmov s16;
	v22 =	vmul.f32 v62, v62;
	v25 =	vsub.f32 v35, v25  }
0x26e: {  	v42, _, _ =	vpop (xrf2);
	(xrf2) =	vadd.scan.msk.f32 $0xffff, v17;
	v17 =	vbroadcast v43, $0x0;
	v27 =	vand.u32 $0xFFFFFFFC, v61;
	v41 =	vmul.f32 v21, v21  }
0x26f: {  	v45, _, _ =	vpop (xrf2);
	v16 =	vadd.f32 v22, v16;
	v26 =	vadd.f32 v21, v26;
	v25 =	vmul.f32 v25, v25  }
0x270: {  	[tilespmem:s8+$0x30] =	vst v30;
	v63 =	vbroadcast v27, $0x0;
	v46, _, _ =	vpop (xrf2);
	v19 =	vadd.f32 v41, v40  }
0x271: {  	[tilespmem:s8+$0xB0] =	vst v20;
	v38 =	vbroadcast v36, $0xF;
	v49, _, _ =	vpop (xrf2);
	(xrf2) =	vadd.scan.msk.f32 $0xffff, v26;
	v16 =	vadd.f32 v25, v16  }
0x272: {  	s23 =	sadd.s32 $0x6, s30;
	[tilespmem:s8+$0x130] =	vst v15;
	v51 =	vbroadcast v49, $0xF;
	(xrf2) =	vadd.scan.msk.f32 $0xffff, v19  }
0x273: {  	v48 =	vmov s23;
	[tilespmem:v28+s6+$0x0] =	vst.idx.msk $0x1, v38;
	(xrf2) =	vadd.scan.msk.f32 $0xffff, v16  }
0x274: {  	v44 =	vbroadcast v42, $0xF;
	v50, _, _ =	vpop (xrf2);
	[tilespmem:v17+s4+$0x0] =	vst.idx.msk $0x1, v51;
	v19 =	vand.u32 $0xFFFFFFFE, v48  }
0x275: {  	v22 =	vbroadcast v45, $0xF;
	v52, _, _ =	vpop (xrf2);
	[tilespmem:s8+$0x1B0] =	vst v21;
	v19 =	vbroadcast v19, $0x0  }
0x276: {  	v47 =	vbroadcast v46, $0xF;
	v54, _, _ =	vpop (xrf2);
	[tilespmem:v63+s4+$0x0] =	vst.idx.msk $0x1, v44  }
0x277: {  	v55, _, _ =	vpop (xrf2);
	[tilespmem:v63+s5+$0x0] =	vst.idx.msk $0x1, v22;
	v16 =	vbroadcast v50, $0xF  }
0x278: {  	s24 =	sadd.s32 $0x7, s30;
	v53 =	vbroadcast v52, $0xF;
	v15 =	vbroadcast v55, $0xF;
	[tilespmem:v63+s6+$0x0] =	vst.idx.msk $0x1, v47  }
0x279: {  	v58 =	vmov s24;
	v56 =	vbroadcast v54, $0xF;
	[tilespmem:v17+s5+$0x0] =	vst.idx.msk $0x1, v16  }
0x27a: {  	v57, _, _ =	vpop (xrf2);
	[tilespmem:v17+s6+$0x0] =	vst.idx.msk $0x1, v53  }
0x27b: {  	p2 =	slt.u32 s30, $0x78;
	v59 =	vbroadcast v57, $0xF;
	[tilespmem:v19+s4+$0x0] =	vst.idx.msk $0x1, v56;
	v60, _, _ =	vpop (xrf2)  }
.Ltmp5:
0x27c: {  	[tilespmem:v19+s5+$0x0] =	vst.idx.msk $0x1, v15;
	v61 =	vbroadcast v60, $0xF;
	v15, _, _ =	vpop (xrf2);
	(pc) =	sbr.rel @p2 .LBB2_8-.Ltmp5, $4  }
0x27d: {  	s25 =	sadd.s32 $0x8, s25;
	s13 =	sadd.s32 $0x200, s13;
	s26 =	sadd.s32 $0x200, s26;
	[tilespmem:v19+s6+$0x0] =	vst.idx.msk $0x1, v59;
	v15 =	vbroadcast v15, $0xF;
	v62, _, _ =	vpop (xrf2)  }
0x27e: {  	s2 =	simm.s32 $0x1B510;
	s9 =	simm.s32 $0x1B810;
	s14 =	simm.s32 $0x1B790;
	[tilespmem:v58+s4+$0x0] =	vst.idx.msk $0x1, v61;
	v63 =	vbroadcast v62, $0xF  }
0x27f: {  	s30 =	sadd.s32 $0x8, s30;
	s15 =	simm.s32 $0x1B710;
	s31 =	sadd.s32 $0x800, s31;
	[tilespmem:v58+s5+$0x0] =	vst.idx.msk $0x1, v15  }
0x280: {  	s0 =	simm.s32 $0x1B590;
	s16 =	simm.s32 $0x1B690;
	s8 =	sadd.s32 $0x400, s8;
	[tilespmem:v58+s6+$0x0] =	vst.idx.msk $0x1, v63  }
0x281: {  	v15 =	vld [tilespmem:s16+$0x0];
	_ =	sdelay $0x1  }
0x282: {  	v16 =	vld [tilespmem:s15+$0x0];
	_ =	sdelay $0x2  }
0x283: {  	v17 =	vld [tilespmem:s16+$0xFFFFFFF0];
	v15 =	vmul.f32 $1.562500000e-02, v15;
	_ =	sdelay $0x1  }
0x284: {  	v18 =	vld [tilespmem:s15+$0xFFFFFFF0];
	v16 =	vmul.f32 $1.562500000e-02, v16;
	v19 =	vmul.f32 v15, v15;
	_ =	sdelay $0x1  }
0x285: {  	v16 =	vsub.f32 v16, v19  }
0x286: {  	v17 =	vmul.f32 $1.562500000e-02, v17  }
0x287: {  	v16 =	vmax.f32 v16, $0.0e+00  }
0x288: {  	v18 =	vmul.f32 $1.562500000e-02, v18;
	v19 =	vmul.f32 v17, v17;
	v16 =	vadd.f32 $9.999999960e-13, v16;
	_ =	sdelay $0x1  }
0x289: {  	v18 =	vsub.f32 v18, v19;
	v19 =	vshrl.u32 v16, $0x1;
	v16 =	vmul.f32 $5.000000000e-01, v16  }
0x28a: {  	v19 =	vsub.s32 $0x5F3759DF, v19  }
0x28b: {  	v18 =	vmax.f32 v18, $0.0e+00;
	v20 =	vmul.f32 v19, v16  }
0x28c: {  	v18 =	vadd.f32 $9.999999960e-13, v18  }
0x28d: {  	v20 =	vmul.f32 v19, v20  }
0x28e: {  	v21 =	vshrl.u32 v18, $0x1;
	v18 =	vmul.f32 $5.000000000e-01, v18  }
0x28f: {  	v21 =	vsub.s32 $0x5F3759DF, v21;
	v20 =	vsub.f32 $1.500000000e+00, v20  }
0x290: {  	v22 =	vmul.f32 v21, v18  }
0x291: {  	s8 =	simm.s32 $0x1B6B0;
	v19 =	vmul.f32 v19, v20  }
0x292: {  	s13 =	simm.s32 $0x1B730;
	v20 =	vmul.f32 v21, v22;
	v22 =	vld [tilespmem:s8+$0x0]  }
0x293: {  	v23 =	vld [tilespmem:s13+$0x0];
	v16 =	vmul.f32 v19, v16  }
0x294: {  	v20 =	vsub.f32 $1.500000000e+00, v20  }
0x295: {  	v24 =	vld [tilespmem:s8+$0xFFFFFFF0];
	v16 =	vmul.f32 v16, v19  }
0x296: {  	v20 =	vmul.f32 v21, v20  }
0x297: {  	v21 =	vld [tilespmem:s13+$0xFFFFFFF0];
	v22 =	vmul.f32 $1.562500000e-02, v22;
	v16 =	vsub.f32 $1.500000000e+00, v16  }
0x298: {  	v23 =	vmul.f32 $1.562500000e-02, v23;
	v18 =	vmul.f32 v20, v18  }
0x299: {  	v25 =	vmul.f32 v22, v22;
	v16 =	vmul.f32 v16, v19  }
0x29a: {  	[tilespmem:s14+$0x0] =	vst v15;
	v19 =	vmul.f32 $1.562500000e-02, v24  }
0x29b: {  	v15 =	vmul.f32 v18, v20;
	v18 =	vsub.f32 v23, v25;
	[tilespmem:s9+$0x0] =	vst v16  }
0x29c: {  	v16 =	vmul.f32 $1.562500000e-02, v21;
	v21 =	vmul.f32 v19, v19;
	v23 =	vld [tilespmem:s2+$0x0]  }
0x29d: {  	v15 =	vsub.f32 $1.500000000e+00, v15;
	v18 =	vmax.f32 v18, $0.0e+00  }
0x29e: {  	v16 =	vsub.f32 v16, v21;
	v18 =	vadd.f32 $9.999999960e-13, v18  }
0x29f: {  	v15 =	vmul.f32 v15, v20  }
0x2a0: {  	[tilespmem:s14+$0xFFFFFFF0] =	vst v17;
	v16 =	vmax.f32 v16, $0.0e+00;
	v17 =	vshrl.u32 v18, $0x1;
	v18 =	vmul.f32 $5.000000000e-01, v18  }
0x2a1: {  	v16 =	vadd.f32 $9.999999960e-13, v16;
	v17 =	vsub.s32 $0x5F3759DF, v17;
	v20 =	vmax.f32 v23, $1.000000000e-30  }
0x2a2: {  	[tilespmem:s9+$0xFFFFFFF0] =	vst v15;
	v21 =	vmul.f32 v17, v18;
	v24 =	vshrl.u32 v20, $0x1;
	v20 =	vmul.f32 $5.000000000e-01, v20  }
0x2a3: {  	v15 =	vld [tilespmem:s2+$0xFFFFFFF0];
	v25 =	vshrl.u32 v16, $0x1;
	v16 =	vmul.f32 $5.000000000e-01, v16;
	v24 =	vsub.s32 $0x5F3759DF, v24  }
0x2a4: {  	v25 =	vsub.s32 $0x5F3759DF, v25;
	v21 =	vmul.f32 v17, v21;
	v26 =	vmul.f32 v24, v20  }
0x2a5: {  	v27 =	vmul.f32 v25, v16  }
0x2a6: {  	v21 =	vsub.f32 $1.500000000e+00, v21;
	v26 =	vmul.f32 v24, v26  }
0x2a7: {  	s31 =	simm.s32 $0x1B6D0;
	v27 =	vmul.f32 v25, v27  }
0x2a8: {  	v29 =	vld [tilespmem:s31+$0x0];
	s2 =	simm.s32 $0x1B750;
	v28 =	vmax.f32 v15, $1.000000000e-30;
	v21 =	vmul.f32 v17, v21;
	v17 =	vsub.f32 $1.500000000e+00, v26  }
0x2a9: {  	v30 =	vld [tilespmem:s2+$0x0];
	v26 =	vshrl.u32 v28, $0x1;
	v28 =	vmul.f32 $5.000000000e-01, v28;
	v27 =	vsub.f32 $1.500000000e+00, v27  }
0x2aa: {  	v26 =	vsub.s32 $0x5F3759DF, v26;
	v18 =	vmul.f32 v21, v18;
	v24 =	vmul.f32 v24, v17  }
0x2ab: {  	v31 =	vld [tilespmem:s31+$0xFFFFFFF0];
	v17 =	vmul.f32 v26, v28;
	v25 =	vmul.f32 v25, v27  }
0x2ac: {  	v27 =	vld [tilespmem:s2+$0xFFFFFFF0];
	v18 =	vmul.f32 v18, v21;
	v20 =	vmul.f32 v24, v20  }
0x2ad: {  	v32 =	vmul.f32 v26, v17;
	v16 =	vmul.f32 v25, v16  }
0x2ae: {  	v17 =	vmul.f32 $1.562500000e-02, v29;
	v29 =	vmul.f32 $1.562500000e-02, v30;
	v18 =	vsub.f32 $1.500000000e+00, v18  }
0x2af: {  	v20 =	vmul.f32 v20, v24;
	v16 =	vmul.f32 v16, v25  }
0x2b0: {  	s8 =	simm.s32 $0x1B7B0;
	v30 =	vsub.f32 $1.500000000e+00, v32;
	v62 =	vmul.f32 v17, v17;
	v21 =	vmul.f32 v18, v21  }
0x2b1: {  	[tilespmem:s8+$0x0] =	vst v22;
	s9 =	simm.s32 $0x1B830;
	v18 =	vmul.f32 $1.562500000e-02, v31;
	v27 =	vmul.f32 $1.562500000e-02, v27;
	v20 =	vsub.f32 $1.500000000e+00, v20  }
0x2b2: {  	s13 =	simm.s32 $0x1B530;
	v22 =	vsub.f32 $1.500000000e+00, v16;
	v29 =	vsub.f32 v29, v62;
	v31 =	vmul.f32 v26, v30;
	[tilespmem:s9+$0x0] =	vst v21  }
0x2b3: {  	v21 =	vmul.f32 v18, v18;
	v20 =	vmul.f32 v20, v24;
	v16 =	vld [tilespmem:s13+$0x0]  }
0x2b4: {  	v22 =	vmul.f32 v22, v25;
	v24 =	vmax.f32 v29, $0.0e+00;
	v25 =	vmul.f32 v31, v28  }
0x2b5: {  	[tilespmem:s8+$0xFFFFFFF0] =	vst v19;
	v21 =	vsub.f32 v27, v21;
	v24 =	vadd.f32 $9.999999960e-13, v24  }
0x2b6: {  	v28 =	vmul.f32 v20, v23;
	[tilespmem:s9+$0xFFFFFFF0] =	vst v22;
	v20 =	vmul.f32 v25, v31  }
0x2b7: {  	v19 =	vld [tilespmem:s13+$0xFFFFFFF0];
	v21 =	vmax.f32 v21, $0.0e+00;
	v22 =	vshrl.u32 v24, $0x1;
	v25 =	vmul.f32 $5.000000000e-01, v24  }
0x2b8: {  	v23 =	vadd.f32 $9.999999960e-13, v21;
	v24 =	vsub.s32 $0x5F3759DF, v22;
	v21 =	vmax.f32 v16, $1.000000000e-30  }
0x2b9: {  	v22 =	vmul.f32 v24, v25;
	v27 =	vshrl.u32 v21, $0x1;
	v21 =	vmul.f32 $5.000000000e-01, v21  }
0x2ba: {  	v29 =	vshrl.u32 v23, $0x1;
	v26 =	vmul.f32 $5.000000000e-01, v23;
	v23 =	vsub.s32 $0x5F3759DF, v27  }
0x2bb: {  	v27 =	vsub.s32 $0x5F3759DF, v29;
	v22 =	vmul.f32 v24, v22;
	v29 =	vmul.f32 v23, v21  }
0x2bc: {  	v33 =	vsub.f32 $1.500000000e+00, v20;
	v30 =	vmul.f32 v27, v26;
	v63 =	vmax.f32 v19, $1.000000000e-30  }
0x2bd: {  	v34 =	vsub.f32 $1.500000000e+00, v22;
	v20 =	vshrl.u32 v63, $0x1;
	v29 =	vmul.f32 v23, v29  }
0x2be: {  	v30 =	vmul.f32 v27, v30;
	v22 =	vsub.s32 $0x5F3759DF, v20;
	v20 =	vmul.f32 $5.000000000e-01, v63  }
0x2bf: {  	s15 =	simm.s32 $0x1B6F0;
	s14 =	simm.s32 $0x4;
	[tilespmem:s0+$0x0] =	vst v28;
	v28 =	vmul.f32 v24, v34;
	v24 =	vmul.f32 v33, v31;
	v29 =	vsub.f32 $1.500000000e+00, v29  }
.LBB2_10:
0x2c0: {  	v31 =	vld [tilespmem:s15+$0x0];
	s14 =	sadd.s32 $0x2, s14;
	v30 =	vsub.f32 $1.500000000e+00, v30;
	s2 =	sadd.s32 $0x20, s2;
	v32 =	vmul.f32 v22, v20  }
0x2c1: {  	v33 =	vld [tilespmem:s2+$0x0];
	p2 =	slt.u32 s14, $0x6;
	v25 =	vmul.f32 v28, v25;
	v23 =	vmul.f32 v23, v29  }
0x2c2: {  	v29 =	vld [tilespmem:s15+$0xFFFFFFF0];
	v27 =	vmul.f32 v27, v30;
	v30 =	vmul.f32 v22, v32  }
0x2c3: {  	v32 =	vld [tilespmem:s2+$0xFFFFFFF0];
	v25 =	vmul.f32 v25, v28;
	v21 =	vmul.f32 v23, v21  }
0x2c4: {  	v24 =	vmul.f32 v24, v15;
	v15 =	vmovc v19;
	v26 =	vmul.f32 v27, v26;
	v30 =	vsub.f32 $1.500000000e+00, v30  }
0x2c5: {  	v19 =	vmul.f32 $1.562500000e-02, v31;
	v25 =	vsub.f32 $1.500000000e+00, v25;
	v21 =	vmul.f32 v21, v23  }
0x2c6: {  	v31 =	vmul.f32 $1.562500000e-02, v33;
	v26 =	vmul.f32 v26, v27;
	[tilespmem:s0+$0xFFFFFFF0] =	vst v24  }
0x2c7: {  	s8 =	sadd.s32 $0x20, s8;
	v24 =	vmul.f32 v19, v19;
	v25 =	vmul.f32 v25, v28;
	v21 =	vsub.f32 $1.500000000e+00, v21  }
0x2c8: {  	s9 =	sadd.s32 $0x20, s9;
	v28 =	vmul.f32 $1.562500000e-02, v29;
	v29 =	vmul.f32 $1.562500000e-02, v32;
	v26 =	vsub.f32 $1.500000000e+00, v26;
	[tilespmem:s8+$0x0] =	vst v17;
	v17 =	vmovc v19  }
0x2c9: {  	s13 =	sadd.s32 $0x20, s13;
	v19 =	vsub.f32 v31, v24;
	[tilespmem:s9+$0x0] =	vst v25;
	v24 =	vmul.f32 v22, v30;
	v21 =	vmul.f32 v21, v23  }
0x2ca: {  	v22 =	vmul.f32 v28, v28;
	[tilespmem:s8+$0xFFFFFFF0] =	vst v18;
	v23 =	vmul.f32 v26, v27;
	v26 =	vld [tilespmem:s13+$0x0];
	v18 =	vmov v28  }
0x2cb: {  	v19 =	vmax.f32 v19, $0.0e+00;
	v20 =	vmul.f32 v24, v20;
	v16 =	vmul.f32 v21, v16  }
0x2cc: {  	s0 =	sadd.s32 $0x20, s0;
	v21 =	vsub.f32 v29, v22;
	v22 =	vadd.f32 $9.999999960e-13, v19;
	[tilespmem:s9+$0xFFFFFFF0] =	vst v23  }
0x2cd: {  	v19 =	vld [tilespmem:s13+$0xFFFFFFF0];
	v20 =	vmul.f32 v20, v24;
	[tilespmem:s0+$0x0] =	vst v16  }
0x2ce: {  	v0 =	vmax.f32 v21, $0.0e+00;
	v21 =	vshrl.u32 v22, $0x1;
	v25 =	vmul.f32 $5.000000000e-01, v22  }
0x2cf: {  	v22 =	vadd.f32 $9.999999960e-13, v0;
	v28 =	vsub.s32 $0x5F3759DF, v21;
	v21 =	vmax.f32 v26, $1.000000000e-30;
	v16 =	vmovc v26  }
0x2d0: {  	v29 =	vmul.f32 v28, v25;
	v23 =	vshrl.u32 v21, $0x1;
	v21 =	vmul.f32 $5.000000000e-01, v21  }
0x2d1: {  	v27 =	vshrl.u32 v22, $0x1;
	v26 =	vmul.f32 $5.000000000e-01, v22;
	v23 =	vsub.s32 $0x5F3759DF, v23  }
.Ltmp6:
0x2d2: {  	v27 =	vsub.s32 $0x5F3759DF, v27;
	v22 =	vmul.f32 v28, v29;
	v29 =	vmul.f32 v23, v21;
	(pc) =	sbr.rel @p2 .LBB2_10-.Ltmp6, $4  }
0x2d3: {  	v32 =	vsub.f32 $1.500000000e+00, v20;
	v30 =	vmul.f32 v27, v26;
	v31 =	vmax.f32 v19, $1.000000000e-30  }
0x2d4: {  	v20 =	vshrl.u32 v31, $0x1;
	v33 =	vsub.f32 $1.500000000e+00, v22;
	v29 =	vmul.f32 v23, v29  }
0x2d5: {  	v30 =	vmul.f32 v27, v30;
	v22 =	vsub.s32 $0x5F3759DF, v20;
	v20 =	vmul.f32 $5.000000000e-01, v31  }
0x2d6: {  	s15 =	sadd.s32 $0x20, s15;
	v24 =	vmul.f32 v32, v24;
	v28 =	vmul.f32 v28, v33;
	v29 =	vsub.f32 $1.500000000e+00, v29  }
0x2d7: {  	v30 =	vsub.f32 $1.500000000e+00, v30;
	_ =	sdelay $0x1  }
0x2d8: {  	v27 =	vmul.f32 v27, v30  }
0x2d9: {  	v25 =	vmul.f32 v28, v25  }
0x2da: {  	v26 =	vmul.f32 v27, v26  }
0x2db: {  	v25 =	vmul.f32 v25, v28  }
0x2dc: {  	v26 =	vmul.f32 v26, v27  }
0x2dd: {  	v25 =	vsub.f32 $1.500000000e+00, v25  }
0x2de: {  	s2 =	sadd.s32 $0x20, s8;
	v26 =	vsub.f32 $1.500000000e+00, v26  }
0x2df: {  	[tilespmem:s2+$0x0] =	vst v17;
	v25 =	vmul.f32 v25, v28  }
0x2e0: {  	s9 =	sadd.s32 $0x20, s9;
	[tilespmem:s2+$0xFFFFFFF0] =	vst v18;
	v17 =	vmul.f32 v26, v27  }
0x2e1: {  	s14 =	sadd.s32 $0x20, s13;
	[tilespmem:s9+$0x0] =	vst v25  }
0x2e2: {  	v18 =	vld [tilespmem:s14+$0x0];
	[tilespmem:s9+$0xFFFFFFF0] =	vst v17  }
0x2e3: {  	v17 =	vld [tilespmem:s14+$0xFFFFFFF0];
	_ =	sdelay $0x3  }
0x2e4: {  	v25 =	vmul.f32 v22, v20;
	v26 =	vmax.f32 v18, $1.000000000e-30  }
0x2e5: {  	v27 =	vshrl.u32 v26, $0x1;
	v26 =	vmul.f32 $5.000000000e-01, v26;
	v28 =	vmax.f32 v17, $1.000000000e-30  }
0x2e6: {  	v27 =	vsub.s32 $0x5F3759DF, v27;
	v30 =	vshrl.u32 v28, $0x1;
	v28 =	vmul.f32 $5.000000000e-01, v28  }
0x2e7: {  	v31 =	vmul.f32 v27, v26;
	v30 =	vsub.s32 $0x5F3759DF, v30  }
0x2e8: {  	v25 =	vmul.f32 v22, v25;
	v32 =	vmul.f32 v30, v28  }
0x2e9: {  	v31 =	vmul.f32 v27, v31  }
0x2ea: {  	v25 =	vsub.f32 $1.500000000e+00, v25;
	v32 =	vmul.f32 v30, v32  }
0x2eb: {  	v23 =	vmul.f32 v23, v29;
	v29 =	vsub.f32 $1.500000000e+00, v31  }
0x2ec: {  	v22 =	vmul.f32 v22, v25;
	v25 =	vsub.f32 $1.500000000e+00, v32  }
0x2ed: {  	v21 =	vmul.f32 v23, v21;
	v27 =	vmul.f32 v27, v29  }
0x2ee: {  	v20 =	vmul.f32 v22, v20;
	v25 =	vmul.f32 v30, v25  }
0x2ef: {  	v21 =	vmul.f32 v21, v23;
	v26 =	vmul.f32 v27, v26  }
0x2f0: {  	v20 =	vmul.f32 v20, v22;
	v28 =	vmul.f32 v25, v28  }
0x2f1: {  	v21 =	vsub.f32 $1.500000000e+00, v21;
	v26 =	vmul.f32 v26, v27  }
0x2f2: {  	v20 =	vsub.f32 $1.500000000e+00, v20;
	v28 =	vmul.f32 v28, v25  }
0x2f3: {  	v21 =	vmul.f32 v21, v23;
	v23 =	vsub.f32 $1.500000000e+00, v26  }
0x2f4: {  	v15 =	vmul.f32 v24, v15;
	v20 =	vmul.f32 v20, v22;
	v22 =	vsub.f32 $1.500000000e+00, v28  }
0x2f5: {  	v16 =	vmul.f32 v21, v16;
	v21 =	vmul.f32 v23, v27  }
0x2f6: {  	s15 =	sadd.s32 $0x20, s0;
	[tilespmem:s0+$0xFFFFFFF0] =	vst v15;
	v15 =	vmul.f32 v20, v19;
	v19 =	vmul.f32 v22, v25  }
0x2f7: {  	[tilespmem:s15+$0x0] =	vst v16;
	v16 =	vmul.f32 v21, v18  }
0x2f8: {  	s0 =	sadd.s32 $0x20, s15;
	[tilespmem:s15+$0xFFFFFFF0] =	vst v15;
	v15 =	vmul.f32 v19, v17  }
0x2f9: {  	[tilespmem:s0+$0x0] =	vst v16  }
0x2fa: {  	s8 =	simm.s32 $0x13700;
	[tilespmem:s0+$0xFFFFFFF0] =	vst v15  }
0x2fb: {  	v16 =	vld [tilespmem:s8+$0x20]  }
0x2fc: {  	v21 =	vld [tilespmem:s8+$0x110]  }
0x2fd: {  	v22 =	vld [tilespmem:s8+$0x100]  }
0x2fe: {  	v19 =	vld [tilespmem:s8+$0x120]  }
0x2ff: {  	v18 =	vld [tilespmem:s8+$0x190]  }
0x300: {  	v33 =	vld [tilespmem:s8+$0xFFFFFE00]  }
0x301: {  	v23 =	vld [tilespmem:s8+$0x90]  }
0x302: {  	s24 =	simm.s32 $0x6;
	v20 =	vld [tilespmem:s8+$0x1B0]  }
0x303: {  	s19 =	simm.s32 $0x7;
	v25 =	vmov s24;
	v24 =	vld [tilespmem:s8+$0x180]  }
0x304: {  	s23 =	simm.s32 $0x2;
	v27 =	vmov s19;
	v25 =	vand.u32 $0xFFFFFFFE, v25;
	v28 =	vld [tilespmem:s8+$0x80]  }
0x305: {  	v17 =	vmov s23;
	v35 =	vbroadcast v25, $0x0;
	v32 =	vld [tilespmem:s8+$0xFFFFFEB0]  }
0x306: {  	s16 =	simm.s32 $0x4;
	v17 =	vand.u32 $0xFFFFFFFA, v17;
	v34 =	vld [tilespmem:s8+$0xFFFFFE20]  }
0x307: {  	v15 =	vmov s16;
	v17 =	vbroadcast v17, $0x0;
	v26 =	vld [tilespmem:s8+$0xFFFFFF00]  }
0x308: {  	s25 =	simm.s32 $0x5;
	v15 =	vand.u32 $0xFFFFFFFC, v15;
	v31 =	vld [tilespmem:s8+$0x0]  }
0x309: {  	v29 =	vmov s25;
	v37 =	vld.idx.msk [tilespmem:v27+s7+$0x0], $0xffff;
	v15 =	vbroadcast v15, $0x0  }
0x30a: {  	v29 =	vand.u32 $0xFFFFFFFD, v29;
	v45 =	vld [tilespmem:s8+$0x130]  }
0x30b: {  	v25 =	vbroadcast v29, $0x0;
	v29 =	vld.idx.msk [tilespmem:v35+s7+$0x0], $0xffff  }
0x30c: {  	v35 =	vld.idx.msk [tilespmem:v35+s20+$0x0], $0xffff  }
0x30d: {  	s31 =	simm.s32 $0x3;
	v40 =	vld.idx.msk [tilespmem:v17+s20+$0x0], $0xffff  }
0x30e: {  	v43 =	vmov s31;
	v41 =	vld.idx.msk [tilespmem:v17+s7+$0x0], $0xffff  }
0x30f: {  	s26 =	simm.s32 $0x0;
	s30 =	simm.s32 $0x1;
	v43 =	vand.u32 $0xFFFFFFFB, v43;
	v38 =	vld.idx.msk [tilespmem:v15+s20+$0x0], $0xffff  }
0x310: {  	v43 =	vbroadcast v43, $0x0;
	v17 =	vmov s30;
	v39 =	vld.idx.msk [tilespmem:v15+s7+$0x0], $0xffff;
	v15 =	vmov s26  }
0x311: {  	v36 =	vld [tilespmem:s8+$0xFFFFFE10];
	v46 =	vsub.f32 v20, v37;
	v15 =	vand.u32 $0xFFFFFFF8, v15;
	v22 =	vsub.f32 v22, v29  }
0x312: {  	v49 =	vld [tilespmem:s8+$0xFFFFFF20];
	v53 =	vmul.f32 v35, v3;
	v54 =	vsub.f32 v21, v29;
	v55 =	vmul.f32 v35, v4  }
0x313: {  	v45 =	vsub.f32 v45, v29;
	v42 =	vbroadcast v15, $0x0;
	v15 =	vand.u32 $0xFFFFFFF9, v17;
	v17 =	vld.idx.msk [tilespmem:v25+s7+$0x0], $0xffff  }
0x314: {  	v44 =	vbroadcast v15, $0x0;
	v15 =	vld.idx.msk [tilespmem:v25+s20+$0x0], $0xffff;
	v25 =	vsub.f32 v18, v37;
	v18 =	vsub.f32 v24, v37  }
0x315: {  	v52 =	vld [tilespmem:s8+$0xFFFFFF30];
	v20 =	vmul.f32 v40, v3;
	v24 =	vsub.f32 v26, v41;
	v61 =	vmul.f32 v40, v5  }
0x316: {  	v51 =	vld [tilespmem:s8+$0x10];
	v62 =	vmul.f32 v40, v6;
	v40 =	vmul.f32 v40, v4;
	v47 =	vsub.f32 v16, v39  }
0x317: {  	v56 =	vld [tilespmem:s8+$0xFFFFFF10];
	v16 =	vmul.f32 v24, v20;
	v31 =	vsub.f32 v31, v39;
	v57 =	vmul.f32 v38, v3  }
0x318: {  	v58 =	vld [tilespmem:s8+$0x30];
	v24 =	vsub.f32 v19, v29;
	v29 =	vmul.f32 v22, v53;
	v22 =	vmul.f32 v35, v6  }
0x319: {  	v21 =	vld.idx.msk [tilespmem:v43+s20+$0x0], $0xffff;
	v49 =	vsub.f32 v49, v41;
	v60 =	vmul.f32 v54, v55;
	v48 =	vmul.f32 v38, v4  }
0x31a: {  	v52 =	vsub.f32 v52, v41;
	v53 =	vmul.f32 v31, v57;
	v31 =	vmul.f32 v45, v22;
	v22 =	vld.idx.msk [tilespmem:v27+s20+$0x0], $0xffff  }
0x31b: {  	v51 =	vsub.f32 v51, v39;
	v19 =	vsub.f32 v28, v17;
	v28 =	vmul.f32 v35, v5;
	v50 =	vld.idx.msk [tilespmem:v42+s7+$0x0], $0xffff  }
0x31c: {  	v23 =	vsub.f32 v23, v17;
	v35 =	vmul.f32 v49, v61;
	v27 =	vsub.f32 v56, v41;
	v57 =	vld.idx.msk [tilespmem:v42+s20+$0x0], $0xffff  }
0x31d: {  	v63 =	vld [tilespmem:s8+$0xFFFFFE30];
	v48 =	vmul.f32 v51, v48;
	v56 =	vadd.f32 v60, v8;
	v42 =	vmul.f32 v52, v62  }
0x31e: {  	v26 =	vmul.f32 v38, v6;
	v49 =	vld [tilespmem:s8+$0x1A0];
	v41 =	vadd.f32 v31, v10;
	v35 =	vadd.f32 v35, v9  }
0x31f: {  	v55 =	vmul.f32 v21, v4;
	v31 =	vld.idx.msk [tilespmem:v44+s20+$0x0], $0xffff;
	v60 =	vadd.f32 v48, v8;
	v42 =	vadd.f32 v42, v10  }
0x320: {  	v20 =	vmul.f32 v15, v3;
	v51 =	vld.idx.msk [tilespmem:v44+s7+$0x0], $0xffff;
	v59 =	vsub.f32 v36, v50;
	v36 =	vsub.f32 v58, v39  }
0x321: {  	v39 =	vsub.f32 v34, v50;
	v58 =	vmul.f32 v27, v40;
	v52 =	vmul.f32 v57, v5  }
0x322: {  	v30 =	vld [tilespmem:s8+$0xFFFFFFB0];
	v61 =	vsub.f32 v63, v50;
	v62 =	vmul.f32 v57, v6;
	v63 =	vmul.f32 v38, v5  }
0x323: {  	v54 =	vld [tilespmem:s8+$0xFFFFFE80];
	[tilespmem:s8+$0x130] =	vst v41;
	v40 =	vmul.f32 v21, v6;
	v34 =	vsub.f32 v49, v37;
	v49 =	vmul.f32 v57, v3  }
0x324: {  	v41 =	vld [tilespmem:s8+$0xFFFFFF90];
	[tilespmem:s8+$0xFFFFFF30] =	vst v42;
	v33 =	vsub.f32 v33, v50;
	v38 =	vmul.f32 v31, v4;
	v44 =	vmul.f32 v31, v3  }
0x325: {  	v27 =	vld.idx.msk [tilespmem:v43+s7+$0x0], $0xffff;
	v42 =	vsub.f32 v32, v51;
	v43 =	vmul.f32 v61, v62;
	v47 =	vmul.f32 v47, v63  }
0x326: {  	[tilespmem:s8+$0x110] =	vst v56;
	v50 =	vld [tilespmem:s8+$0xFFFFFE90];
	v45 =	vadd.f32 v58, v8;
	v63 =	vmul.f32 v22, v6;
	v33 =	vmul.f32 v33, v49  }
0x327: {  	p2 =	por $0x1, $0x1;
	[tilespmem:s8+$0xFFFFFF20] =	vst v35;
	v58 =	vld [tilespmem:s8+$0xFFFFFEA0];
	v32 =	vmul.f32 v39, v52;
	v52 =	vadd.f32 v53, v7;
	v53 =	vmul.f32 v22, v4  }
.Ltmp7:
0x328: {  	[tilespmem:s8+$0x10] =	vst v60;
	v35 =	vadd.f32 v43, v10;
	v43 =	vmul.f32 v22, v5;
	v61 =	vadd.f32 v47, v9;
	(pc) =	sbr.rel @!p2 .LBB2_13-.Ltmp7, $4  }
0x329: {  	v37 =	vld [tilespmem:s8+$0xFFFFFFA0];
	[tilespmem:s8+$0xFFFFFF10] =	vst v45;
	v45 =	vsub.f32 v54, v51;
	v46 =	vmul.f32 v46, v63;
	v62 =	vadd.f32 v33, v7  }
0x32a: {  	v39 =	vld [tilespmem:s8+$0xB0];
	v63 =	vmul.f32 v57, v4;
	v48 =	vsub.f32 v30, v27;
	v30 =	vsub.f32 v41, v27;
	[tilespmem:s8+$0xFFFFFE30] =	vst v35  }
0x32b: {  	v47 =	vmul.f32 v31, v5;
	v49 =	vsub.f32 v50, v51;
	v41 =	vld [tilespmem:s8+$0xFFFFFF80];
	[tilespmem:s8+$0x20] =	vst v61;
	v33 =	vadd.f32 v46, v10  }
0x32c: {  	s9 =	simm.s32 $0x13B00;
	s0 =	simm.s32 $0x8;
	v50 =	vld [tilespmem:s8+$0xA0];
	[tilespmem:s8+$0xFFFFFE00] =	vst v62;
	v35 =	vsub.f32 v58, v51;
	v30 =	vmul.f32 v30, v55;
	v51 =	vmul.f32 v59, v63  }
.LBB2_12:
0x32d: {  	s2 =	sadd.s32 $0x1, s0;
	s14 =	sadd.s32 $0x2, s0;
	s13 =	sadd.s32 $0x3, s0;
	v46 =	vld [tilespmem:s9+$0x20];
	v32 =	vadd.f32 v32, v9;
	v54 =	vmul.f32 v45, v44;
	v45 =	vmul.f32 v48, v40  }
0x32e: {  	s15 =	sadd.s32 $0x6, s0;
	v48 =	vmov s2;
	v55 =	vmov s14;
	s2 =	sadd.s32 $0x4, s0;
	s14 =	sadd.s32 $0x5, s0;
	v40 =	vld [tilespmem:s9+$0x110];
	v25 =	vmul.f32 v25, v53  }
0x32f: {  	p2 =	slt.u32 s0, $0x78;
	v34 =	vmul.f32 v34, v43;
	v53 =	vmov s2;
	v56 =	vmov s14;
	v44 =	vld [tilespmem:s9+$0x100];
	s2 =	smov.u32 s0;
	s0 =	sadd.s32 $0x8, s0  }
0x330: {  	v26 =	vmul.f32 v36, v26;
	v43 =	vand.u32 $0xFFFFFFF9, v48;
	v55 =	vand.u32 $0xFFFFFFFA, v55;
	v48 =	vld [tilespmem:s9+$0x120];
	[tilespmem:s8+$0xFFFFFE20] =	vst v32  }
0x331: {  	v53 =	vand.u32 $0xFFFFFFFC, v53;
	v56 =	vand.u32 $0xFFFFFFFD, v56;
	v25 =	vadd.f32 v25, v8;
	v32 =	vld [tilespmem:s9+$0xFFFFFFB0]  }
0x332: {  	v58 =	vadd.f32 v34, v9;
	v36 =	vbroadcast v43, $0x0;
	v56 =	vbroadcast v56, $0x0;
	v57 =	vld [tilespmem:s9+$0x190]  }
0x333: {  	v59 =	vadd.f32 v45, v10;
	v55 =	vbroadcast v55, $0x0;
	s14 =	sadd.s32 $0x7, s2;
	v53 =	vbroadcast v53, $0x0;
	v34 =	vld [tilespmem:s9+$0xFFFFFE00];
	[tilespmem:s8+$0x190] =	vst v25  }
0x334: {  	v24 =	vmul.f32 v24, v28;
	v43 =	vmov s14;
	v25 =	vmov s15;
	v45 =	vld [tilespmem:s9+$0x90];
	[tilespmem:s8+$0x0] =	vst v52  }
0x335: {  	v29 =	vadd.f32 v29, v7;
	v51 =	vadd.f32 v51, v8;
	v25 =	vand.u32 $0xFFFFFFFE, v25;
	v28 =	vld [tilespmem:s9+$0x1B0];
	[tilespmem:s8+$0x1A0] =	vst v58  }
0x336: {  	v47 =	vmul.f32 v35, v47;
	v24 =	vadd.f32 v24, v9;
	v58 =	vmul.f32 v15, v4;
	v52 =	vld [tilespmem:s9+$0x180];
	[tilespmem:s8+$0xFFFFFFB0] =	vst v59  }
0x337: {  	v49 =	vmul.f32 v49, v38;
	v31 =	vmul.f32 v31, v6;
	v26 =	vadd.f32 v26, v10;
	v59 =	vld [tilespmem:s9+$0x80];
	[tilespmem:s8+$0x100] =	vst v29  }
0x338: {  	v47 =	vadd.f32 v47, v9;
	v29 =	vbroadcast v25, $0x0;
	v25 =	vadd.f32 v54, v7;
	v35 =	vld [tilespmem:s9+$0xFFFFFEB0];
	[tilespmem:s8+$0xFFFFFE10] =	vst v51  }
0x339: {  	v49 =	vadd.f32 v49, v8;
	v31 =	vmul.f32 v42, v31;
	v50 =	vsub.f32 v50, v17;
	v38 =	vld [tilespmem:s9+$0xFFFFFE20];
	[tilespmem:s8+$0x120] =	vst v24  }
0x33a: {  	v42 =	vmov s13;
	v23 =	vmul.f32 v23, v58;
	v51 =	vmul.f32 v15, v5;
	v24 =	vld [tilespmem:s9+$0xFFFFFF00]  }
0x33b: {  	v42 =	vand.u32 $0xFFFFFFFB, v42;
	v54 =	vld [tilespmem:s9+$0x0];
	[tilespmem:s8+$0xFFFFFE80] =	vst v25;
	v25 =	vadd.f32 v31, v10;
	v31 =	vsub.f32 v39, v17  }
0x33c: {  	v42 =	vbroadcast v42, $0x0;
	v17 =	vsub.f32 v41, v27;
	v41 =	vmul.f32 v21, v3;
	v39 =	vld.idx.msk [tilespmem:v43+s7+$0x0], $0xffff;
	[tilespmem:s8+$0xFFFFFE90] =	vst v49  }
0x33d: {  	v22 =	vmul.f32 v22, v3;
	v27 =	vsub.f32 v37, v27;
	v21 =	vmul.f32 v21, v5;
	v49 =	vld [tilespmem:s9+$0xFFFFFE10];
	[tilespmem:s8+$0xFFFFFEA0] =	vst v47  }
0x33e: {  	v23 =	vadd.f32 v23, v8;
	v17 =	vmul.f32 v17, v41;
	v37 =	vld.idx.msk [tilespmem:v53+s20+$0x0], $0xffff;
	[tilespmem:s8+$0x30] =	vst v26  }
0x33f: {  	v18 =	vmul.f32 v18, v22;
	v21 =	vmul.f32 v27, v21;
	v26 =	vmov s2;
	v41 =	vld.idx.msk [tilespmem:v53+s7+$0x0], $0xffff;
	[tilespmem:s8+$0xFFFFFEB0] =	vst v25  }
0x340: {  	v22 =	vand.u32 $0xFFFFFFF8, v26;
	v17 =	vadd.f32 v17, v7;
	v27 =	vld.idx.msk [tilespmem:v55+s20+$0x0], $0xffff;
	[tilespmem:s8+$0x90] =	vst v23;
	v23 =	vmul.f32 v50, v51  }
0x341: {  	v21 =	vadd.f32 v21, v9;
	v26 =	vmul.f32 v15, v6;
	v22 =	vbroadcast v22, $0x0;
	v47 =	vld.idx.msk [tilespmem:v55+s7+$0x0], $0xffff;
	[tilespmem:s8+$0x1B0] =	vst v33  }
0x342: {  	v18 =	vadd.f32 v18, v7;
	v33 =	vsub.f32 v28, v39;
	v50 =	vld.idx.msk [tilespmem:v29+s7+$0x0], $0xffff;
	[tilespmem:s8+$0xFFFFFF80] =	vst v17  }
0x343: {  	v25 =	vsub.f32 v57, v39;
	v17 =	vld.idx.msk [tilespmem:v56+s7+$0x0], $0xffff;
	[tilespmem:s8+$0xFFFFFFA0] =	vst v21;
	v21 =	vadd.f32 v23, v9  }
0x344: {  	v19 =	vmul.f32 v19, v20;
	v20 =	vmul.f32 v31, v26;
	v15 =	vld.idx.msk [tilespmem:v56+s20+$0x0], $0xffff;
	[tilespmem:s8+$0x180] =	vst v18  }
0x345: {  	v16 =	vadd.f32 v16, v7;
	v18 =	vsub.f32 v52, v39;
	v23 =	vld.idx.msk [tilespmem:v29+s20+$0x0], $0xffff;
	[tilespmem:s8+$0xA0] =	vst v21  }
0x346: {  	v19 =	vadd.f32 v19, v7;
	v46 =	vsub.f32 v46, v41;
	v28 =	vmul.f32 v27, v3;
	v21 =	vld.idx.msk [tilespmem:v42+s20+$0x0], $0xffff  }
0x347: {  	v51 =	vmul.f32 v37, v4;
	v31 =	vadd.f32 v20, v10;
	v24 =	vsub.f32 v24, v47;
	v29 =	vld [tilespmem:s9+$0x130];
	[tilespmem:s8+$0xFFFFFF00] =	vst v16  }
0x348: {  	v30 =	vadd.f32 v30, v8;
	v26 =	vmul.f32 v37, v6;
	v52 =	vld [tilespmem:s9+$0xFFFFFF20];
	[tilespmem:s8+$0x80] =	vst v19  }
0x349: {  	v54 =	vsub.f32 v54, v41;
	v16 =	vmul.f32 v24, v28;
	v24 =	vsub.f32 v48, v50;
	v53 =	vld.idx.msk [tilespmem:v22+s7+$0x0], $0xffff  }
0x34a: {  	v44 =	vsub.f32 v44, v50;
	v19 =	vsub.f32 v59, v17;
	v20 =	vmul.f32 v15, v3;
	v48 =	vld [tilespmem:s9+$0x10];
	[tilespmem:s8+$0xB0] =	vst v31  }
0x34b: {  	v40 =	vsub.f32 v40, v50;
	v55 =	vmul.f32 v23, v3;
	v56 =	vmul.f32 v23, v4;
	v31 =	vld [tilespmem:s9+$0xFFFFFF30];
	[tilespmem:s8+$0xFFFFFF90] =	vst v30;
	s8 =	smov.u32 s9  }
0x34c: {  	v57 =	vmul.f32 v37, v3;
	v28 =	vmul.f32 v23, v5;
	v30 =	vld [tilespmem:s9+$0xFFFFFF10];
	v50 =	vsub.f32 v29, v50  }
0x34d: {  	v29 =	vmul.f32 v44, v55;
	v44 =	vmul.f32 v23, v6;
	v52 =	vsub.f32 v52, v47;
	v58 =	vld [tilespmem:s9+$0x30]  }
0x34e: {  	v54 =	vmul.f32 v54, v57;
	v23 =	vsub.f32 v45, v17;
	v55 =	vld.idx.msk [tilespmem:v22+s20+$0x0], $0xffff;
	v22 =	vmul.f32 v27, v5  }
0x34f: {  	v57 =	vmul.f32 v27, v6;
	v44 =	vmul.f32 v50, v44;
	v45 =	vld [tilespmem:s9+$0xFFFFFE30];
	v48 =	vsub.f32 v48, v41  }
0x350: {  	v50 =	vsub.f32 v49, v53;
	v49 =	vmul.f32 v52, v22;
	v52 =	vsub.f32 v31, v47;
	v22 =	vld.idx.msk [tilespmem:v43+s20+$0x0], $0xffff  }
0x351: {  	v27 =	vmul.f32 v27, v4;
	v43 =	vadd.f32 v44, v10;
	v59 =	vld.idx.msk [tilespmem:v36+s7+$0x0], $0xffff;
	v30 =	vsub.f32 v30, v47  }
0x352: {  	v31 =	vld.idx.msk [tilespmem:v36+s20+$0x0], $0xffff;
	v44 =	vadd.f32 v49, v9;
	v47 =	vmul.f32 v52, v57;
	v36 =	vsub.f32 v58, v41  }
0x353: {  	v52 =	vsub.f32 v38, v53;
	v41 =	vmul.f32 v48, v51;
	v30 =	vmul.f32 v30, v27;
	[tilespmem:s9+$0x130] =	vst v43;
	v43 =	vld [tilespmem:s9+$0x1A0]  }
0x354: {  	v40 =	vmul.f32 v40, v56;
	v51 =	vmul.f32 v55, v5;
	v38 =	vadd.f32 v47, v10;
	v27 =	vld.idx.msk [tilespmem:v42+s7+$0x0], $0xffff  }
0x355: {  	v42 =	vsub.f32 v45, v53;
	v45 =	vmul.f32 v55, v6;
	v56 =	vld [tilespmem:s9+$0xFFFFFEA0];
	v30 =	vadd.f32 v30, v8;
	[tilespmem:s9+$0xFFFFFF20] =	vst v44  }
0x356: {  	v37 =	vmul.f32 v37, v5;
	v57 =	vmul.f32 v21, v4;
	v44 =	vadd.f32 v40, v8;
	v47 =	vld [tilespmem:s9+$0xFFFFFE80];
	[tilespmem:s9+$0xFFFFFF30] =	vst v38  }
0x357: {  	v48 =	vsub.f32 v34, v53;
	v40 =	vmul.f32 v21, v6;
	v42 =	vmul.f32 v42, v45;
	v49 =	vld [tilespmem:s9+$0xFFFFFE90];
	[tilespmem:s9+$0xFFFFFF10] =	vst v30  }
0x358: {  	v37 =	vmul.f32 v46, v37;
	v38 =	vmul.f32 v31, v4;
	v30 =	vld [tilespmem:s9+$0xFFFFFF90];
	[tilespmem:s9+$0x110] =	vst v44;
	v34 =	vsub.f32 v43, v39  }
0x359: {  	v41 =	vadd.f32 v41, v8;
	v39 =	vadd.f32 v42, v10;
	v43 =	vmul.f32 v22, v5  }
0x35a: {  	v37 =	vadd.f32 v37, v9;
	v42 =	vmul.f32 v55, v3;
	v44 =	vmul.f32 v31, v3  }
0x35b: {  	[tilespmem:s9+$0xFFFFFE30] =	vst v39;
	v45 =	vsub.f32 v47, v59;
	v47 =	vmul.f32 v31, v5;
	v39 =	vmul.f32 v22, v6  }
.Ltmp8:
0x35c: {  	v46 =	vmul.f32 v48, v42;
	v48 =	vsub.f32 v32, v27;
	v49 =	vsub.f32 v49, v59;
	[tilespmem:s9+$0x20] =	vst v37;
	(pc) =	sbr.rel @p2 .LBB2_12-.Ltmp8, $4  }
0x35d: {  	v42 =	vsub.f32 v35, v59;
	v30 =	vsub.f32 v30, v27;
	v37 =	vld [tilespmem:s9+$0xFFFFFFA0];
	[tilespmem:s9+$0x10] =	vst v41;
	v33 =	vmul.f32 v33, v39  }
0x35e: {  	v53 =	vmul.f32 v55, v4;
	v35 =	vsub.f32 v56, v59;
	v46 =	vadd.f32 v46, v7;
	v41 =	vld [tilespmem:s9+$0xFFFFFF80]  }
0x35f: {  	v32 =	vmul.f32 v52, v51;
	v30 =	vmul.f32 v30, v57;
	v39 =	vld [tilespmem:s9+$0xB0];
	v33 =	vadd.f32 v33, v10  }
0x360: {  	v51 =	vmul.f32 v50, v53;
	v52 =	vadd.f32 v54, v7;
	v53 =	vmul.f32 v22, v4;
	s9 =	sadd.s32 $0x400, s9;
	[tilespmem:s8+$0xFFFFFE00] =	vst v46;
	v50 =	vld [tilespmem:s8+$0xA0]  }
.LBB2_13:
0x361: {  	v32 =	vadd.f32 v32, v9;
	[tilespmem:s8+$0x1B0] =	vst v33  }
0x362: {  	v63 =	vadd.f32 v29, v7;
	[tilespmem:s8+$0x0] =	vst v52  }
0x363: {  	v34 =	vmul.f32 v34, v43;
	v16 =	vadd.f32 v16, v7;
	[tilespmem:s8+$0xFFFFFE20] =	vst v32  }
0x364: {  	v40 =	vmul.f32 v48, v40;
	v43 =	vadd.f32 v51, v8;
	[tilespmem:s8+$0x100] =	vst v63  }
0x365: {  	v24 =	vmul.f32 v24, v28;
	v61 =	vadd.f32 v34, v9;
	[tilespmem:s8+$0xFFFFFF00] =	vst v16  }
0x366: {  	v62 =	vadd.f32 v40, v10;
	[tilespmem:s8+$0xFFFFFE10] =	vst v43  }
0x367: {  	v31 =	vmul.f32 v31, v6;
	v25 =	vmul.f32 v25, v53;
	v24 =	vadd.f32 v24, v9;
	[tilespmem:s8+$0x1A0] =	vst v61  }
0x368: {  	v55 =	vmul.f32 v21, v5;
	v46 =	vmul.f32 v35, v47;
	v63 =	vadd.f32 v30, v8;
	[tilespmem:s8+$0xFFFFFFB0] =	vst v62  }
0x369: {  	v22 =	vmul.f32 v22, v3;
	v40 =	vmul.f32 v45, v44;
	v25 =	vadd.f32 v25, v8;
	[tilespmem:s8+$0x120] =	vst v24  }
0x36a: {  	v57 =	vmul.f32 v15, v5;
	v45 =	vmul.f32 v49, v38;
	v49 =	vadd.f32 v46, v9;
	[tilespmem:s8+$0xFFFFFF90] =	vst v63  }
0x36b: {  	v19 =	vmul.f32 v19, v20;
	v44 =	vmul.f32 v36, v26;
	v29 =	vadd.f32 v40, v7;
	[tilespmem:s8+$0x190] =	vst v25  }
0x36c: {  	v47 =	vmul.f32 v15, v4;
	v51 =	vmul.f32 v42, v31;
	v26 =	vadd.f32 v45, v8;
	[tilespmem:s8+$0xFFFFFEA0] =	vst v49  }
0x36d: {  	v53 =	vmul.f32 v21, v3;
	v18 =	vmul.f32 v18, v22;
	v48 =	vadd.f32 v44, v10;
	[tilespmem:s8+$0xFFFFFE80] =	vst v29  }
0x36e: {  	v54 =	vsub.f32 v37, v27;
	v15 =	vmul.f32 v15, v6;
	v28 =	vadd.f32 v51, v10;
	[tilespmem:s8+$0xFFFFFE90] =	vst v26  }
0x36f: {  	v23 =	vmul.f32 v23, v47;
	v60 =	vsub.f32 v39, v17;
	v18 =	vadd.f32 v18, v7;
	[tilespmem:s8+$0x30] =	vst v48  }
0x370: {  	v52 =	vsub.f32 v41, v27;
	v21 =	vmul.f32 v54, v55;
	v62 =	vadd.f32 v19, v7;
	[tilespmem:s8+$0xFFFFFEB0] =	vst v28  }
0x371: {  	v56 =	vsub.f32 v50, v17;
	v23 =	vadd.f32 v23, v8;
	v15 =	vmul.f32 v60, v15;
	[tilespmem:s8+$0x180] =	vst v18  }
0x372: {  	v21 =	vadd.f32 v21, v9;
	v26 =	vmul.f32 v52, v53;
	[tilespmem:s8+$0x80] =	vst v62  }
0x373: {  	v59 =	vmul.f32 v56, v57;
	[tilespmem:s8+$0x90] =	vst v23;
	v15 =	vadd.f32 v15, v10  }
0x374: {  	[tilespmem:s8+$0xFFFFFFA0] =	vst v21;
	v58 =	vadd.f32 v26, v7  }
0x375: {  	v61 =	vadd.f32 v59, v9;
	[tilespmem:s8+$0xB0] =	vst v15  }
.Ltmp9:
0x376: {  	s0 =	sshll.u32 s29, $0x4;
	s2 =	simm.s32 $0x13500;
	[tilespmem:s8+$0xFFFFFF80] =	vst v58;
	(pc) =	sbr.rel @p0 .LBB2_15-.Ltmp9, $4  }
0x377: {  	s29 =	sshrl.u32 s29, $0x3;
	s30 =	rddreg [dreg:$0x8];
	s0 =	sadd.s32 s12, s0;
	[tilespmem:s8+$0xA0] =	vst v61  }
0x378: {  	[hbm4b:s0+s11] =	stream.linear.scatter [tilespmem:s2], [sflag:$0x5], $0x4000, $0x38;
	[tilespmem:$0x1B880] =	vst v63  }
0x379: {  	s31 =	simm.s32 $0x1B580;
	s0 =	sadd.s32 s30, s29  }
0x37a: {  	[hbm4b:s0+s11] =	stream.linear.scatter [tilespmem:s31], [sflag:$0x7], $0x80, $0x38;
	[tilespmem:$0x1B880] =	vst v63  }
0x37b: {  	s0 =	simm.s32 $0x3  }
0x37c: {  	_ =	swait.ge [sflag:s0], $0x80  }
0x37d: {  	[sflag:s0] =	ssyncset.done $0x0  }
0x37e: {  	[sflag:s0] =	ssyncadd.s32 $0xFFFFFF80  }
0x37f: {  	v15 =	vld [tilespmem:$0x3400];
	_ =	sdelay $0x2  }
0x380: {  	v0 =	vld [tilespmem:$0x1FFD0]  }
0x381: {  	v1 =	vld [tilespmem:$0x1FFE0]  }
0x382: {  	v2 =	vld [tilespmem:$0x1FFF0];
	v16 =	vshll.u32 v15, $0x1  }
0x383: {  	v15 =	vand.u32 $0x7, v15;
	v16 =	vand.u32 $0xFFFFFFF0, v16  }
0x384: {  	v15 =	vor.u32 v15, v16  }
0x385: {  	v16 =	vperm.xlane v15, v0;
	_ =	sdelay $0x1  }
0x386: {  	v15 =	vperm.xlane v15, v2;
	v16 =	vadd.s32 v1, v16;
	_ =	sdelay $0x1  }
0x387: {  	v15 =	vadd.s32 v1, v15;
	_ =	sdelay $0x1  }
0x388: {  	s31 =	simm.s32 $0x3500  }
0x389: {  	[tilespmem:s31], [sflag:$0x1] =	stream.indirect_vreg.gather [hbm4b:s1+s11], $0x80, v16, vm3, $0xb8;
	[tilespmem:$0x1B880] =	vst v63  }
0x38a: {  	s2 =	simm.s32 $0x3D00  }
0x38b: {  	[tilespmem:s2], [sflag:$0x1] =	stream.indirect_vreg.gather [hbm4b:s1+s11], $0x80, v15, vm3, $0xb8;
	[tilespmem:$0x1B880] =	vst v63  }
0x38c: {  	v15 =	vld [tilespmem:$0x3410];
	_ =	sdelay $0x4  }
0x38d: {  	v57 =	vshll.u32 v15, $0x1  }
0x38e: {  	v15 =	vand.u32 $0x7, v15;
	v16 =	vand.u32 $0xFFFFFFF0, v57  }
0x38f: {  	v15 =	vor.u32 v15, v16  }
0x390: {  	v16 =	vperm.xlane v15, v0;
	_ =	sdelay $0x1  }
0x391: {  	v15 =	vperm.xlane v15, v2;
	v16 =	vadd.s32 v1, v16;
	_ =	sdelay $0x1  }
0x392: {  	v15 =	vadd.s32 v1, v15;
	_ =	sdelay $0x1  }
0x393: {  	s8 =	simm.s32 $0x4500  }
0x394: {  	[tilespmem:s8], [sflag:$0x1] =	stream.indirect_vreg.gather [hbm4b:s1+s11], $0x80, v16, vm3, $0xb8;
	[tilespmem:$0x1B880] =	vst v63  }
0x395: {  	s9 =	simm.s32 $0x4D00  }
0x396: {  	[tilespmem:s9], [sflag:$0x1] =	stream.indirect_vreg.gather [hbm4b:s1+s11], $0x80, v15, vm3, $0xb8;
	[tilespmem:$0x1B880] =	vst v63  }
0x397: {  	v15 =	vld [tilespmem:$0x3420];
	_ =	sdelay $0x4  }
0x398: {  	v58 =	vshll.u32 v15, $0x1  }
0x399: {  	v15 =	vand.u32 $0x7, v15;
	v16 =	vand.u32 $0xFFFFFFF0, v58  }
0x39a: {  	v15 =	vor.u32 v15, v16  }
0x39b: {  	v16 =	vperm.xlane v15, v0;
	_ =	sdelay $0x1  }
0x39c: {  	v15 =	vperm.xlane v15, v2;
	v16 =	vadd.s32 v1, v16;
	_ =	sdelay $0x1  }
0x39d: {  	v15 =	vadd.s32 v1, v15;
	_ =	sdelay $0x1  }
0x39e: {  	s13 =	simm.s32 $0x5500  }
0x39f: {  	[tilespmem:s13], [sflag:$0x1] =	stream.indirect_vreg.gather [hbm4b:s1+s11], $0x80, v16, vm3, $0xb8;
	[tilespmem:$0x1B880] =	vst v63  }
0x3a0: {  	s14 =	simm.s32 $0x5D00  }
0x3a1: {  	[tilespmem:s14], [sflag:$0x1] =	stream.indirect_vreg.gather [hbm4b:s1+s11], $0x80, v15, vm3, $0xb8;
	[tilespmem:$0x1B880] =	vst v63  }
0x3a2: {  	v15 =	vld [tilespmem:$0x3430];
	_ =	sdelay $0x4  }
0x3a3: {  	v59 =	vshll.u32 v15, $0x1  }
0x3a4: {  	v15 =	vand.u32 $0x7, v15;
	v16 =	vand.u32 $0xFFFFFFF0, v59  }
0x3a5: {  	v15 =	vor.u32 v15, v16  }
0x3a6: {  	v16 =	vperm.xlane v15, v0;
	_ =	sdelay $0x1  }
0x3a7: {  	v15 =	vperm.xlane v15, v2;
	v16 =	vadd.s32 v1, v16;
	_ =	sdelay $0x1  }
0x3a8: {  	v15 =	vadd.s32 v1, v15;
	_ =	sdelay $0x1  }
0x3a9: {  	s15 =	simm.s32 $0x6500  }
0x3aa: {  	[tilespmem:s15], [sflag:$0x1] =	stream.indirect_vreg.gather [hbm4b:s1+s11], $0x80, v16, vm3, $0xb8;
	[tilespmem:$0x1B880] =	vst v63  }
0x3ab: {  	s16 =	simm.s32 $0x6D00  }
0x3ac: {  	[tilespmem:s16], [sflag:$0x1] =	stream.indirect_vreg.gather [hbm4b:s1+s11], $0x80, v15, vm3, $0xb8;
	[tilespmem:$0x1B880] =	vst v63  }
0x3ad: {  	v15 =	vld [tilespmem:$0x3440];
	_ =	sdelay $0x4  }
0x3ae: {  	v60 =	vshll.u32 v15, $0x1  }
0x3af: {  	v15 =	vand.u32 $0x7, v15;
	v16 =	vand.u32 $0xFFFFFFF0, v60  }
0x3b0: {  	v15 =	vor.u32 v15, v16  }
0x3b1: {  	v16 =	vperm.xlane v15, v0;
	_ =	sdelay $0x1  }
0x3b2: {  	v15 =	vperm.xlane v15, v2;
	v16 =	vadd.s32 v1, v16;
	_ =	sdelay $0x1  }
0x3b3: {  	v15 =	vadd.s32 v1, v15;
	_ =	sdelay $0x1  }
0x3b4: {  	s19 =	simm.s32 $0x7500  }
0x3b5: {  	[tilespmem:s19], [sflag:$0x1] =	stream.indirect_vreg.gather [hbm4b:s1+s11], $0x80, v16, vm3, $0xb8;
	[tilespmem:$0x1B880] =	vst v63  }
0x3b6: {  	s23 =	simm.s32 $0x7D00  }
0x3b7: {  	[tilespmem:s23], [sflag:$0x1] =	stream.indirect_vreg.gather [hbm4b:s1+s11], $0x80, v15, vm3, $0xb8;
	[tilespmem:$0x1B880] =	vst v63  }
0x3b8: {  	v15 =	vld [tilespmem:$0x3450];
	_ =	sdelay $0x4  }
0x3b9: {  	v61 =	vshll.u32 v15, $0x1  }
0x3ba: {  	v15 =	vand.u32 $0x7, v15;
	v16 =	vand.u32 $0xFFFFFFF0, v61  }
0x3bb: {  	v15 =	vor.u32 v15, v16  }
0x3bc: {  	v16 =	vperm.xlane v15, v0;
	_ =	sdelay $0x1  }
0x3bd: {  	v15 =	vperm.xlane v15, v2;
	v16 =	vadd.s32 v1, v16;
	_ =	sdelay $0x1  }
0x3be: {  	v15 =	vadd.s32 v1, v15;
	_ =	sdelay $0x1  }
0x3bf: {  	s24 =	simm.s32 $0x8500  }
0x3c0: {  	[tilespmem:s24], [sflag:$0x1] =	stream.indirect_vreg.gather [hbm4b:s1+s11], $0x80, v16, vm3, $0xb8;
	[tilespmem:$0x1B880] =	vst v63  }
0x3c1: {  	s25 =	simm.s32 $0x8D00  }
0x3c2: {  	[tilespmem:s25], [sflag:$0x1] =	stream.indirect_vreg.gather [hbm4b:s1+s11], $0x80, v15, vm3, $0xb8;
	[tilespmem:$0x1B880] =	vst v63  }
0x3c3: {  	v15 =	vld [tilespmem:$0x3460];
	_ =	sdelay $0x4  }
0x3c4: {  	v62 =	vshll.u32 v15, $0x1  }
0x3c5: {  	v15 =	vand.u32 $0x7, v15;
	v16 =	vand.u32 $0xFFFFFFF0, v62  }
0x3c6: {  	v15 =	vor.u32 v15, v16  }
0x3c7: {  	v16 =	vperm.xlane v15, v0;
	_ =	sdelay $0x1  }
0x3c8: {  	v15 =	vperm.xlane v15, v2;
	v16 =	vadd.s32 v1, v16;
	_ =	sdelay $0x1  }
0x3c9: {  	v15 =	vadd.s32 v1, v15;
	_ =	sdelay $0x1  }
0x3ca: {  	s26 =	simm.s32 $0x9500  }
0x3cb: {  	[tilespmem:s26], [sflag:$0x1] =	stream.indirect_vreg.gather [hbm4b:s1+s11], $0x80, v16, vm3, $0xb8;
	[tilespmem:$0x1B880] =	vst v63  }
0x3cc: {  	s29 =	simm.s32 $0x9D00  }
0x3cd: {  	[tilespmem:s29], [sflag:$0x1] =	stream.indirect_vreg.gather [hbm4b:s1+s11], $0x80, v15, vm3, $0xb8;
	[tilespmem:$0x1B880] =	vst v63  }
0x3ce: {  	v15 =	vld [tilespmem:$0x3470];
	_ =	sdelay $0x4  }
0x3cf: {  	v63 =	vshll.u32 v15, $0x1  }
0x3d0: {  	v15 =	vand.u32 $0x7, v15;
	v16 =	vand.u32 $0xFFFFFFF0, v63  }
0x3d1: {  	v15 =	vor.u32 v15, v16  }
0x3d2: {  	v16 =	vperm.xlane v15, v0;
	_ =	sdelay $0x1  }
0x3d3: {  	v15 =	vperm.xlane v15, v2;
	v16 =	vadd.s32 v1, v16;
	_ =	sdelay $0x1  }
0x3d4: {  	v15 =	vadd.s32 v1, v15;
	_ =	sdelay $0x1  }
0x3d5: {  	s30 =	simm.s32 $0xA500  }
0x3d6: {  	[tilespmem:s30], [sflag:$0x1] =	stream.indirect_vreg.gather [hbm4b:s1+s11], $0x80, v16, vm3, $0xb8;
	[tilespmem:$0x1B880] =	vst v63  }
0x3d7: {  	s31 =	simm.s32 $0xAD00  }
0x3d8: {  	[tilespmem:s31], [sflag:$0x1] =	stream.indirect_vreg.gather [hbm4b:s1+s11], $0x80, v15, vm3, $0xb8;
	[tilespmem:$0x1B880] =	vst v63  }
.LBB2_15:
0x3d9: {  	s0 =	sadd.s32 s28, s10  }
0x3da: {  	s2 =	simm.s32 $0x2;
	s28 =	sadd.s32 $0x80, s0  }
0x3db: {  	_ =	swait.ge [sflag:s2], $0x8000;
	s0 =	sshrl.u32 @!p0 s28, $0x3  }
0x3dc: {  	s8 =	simm.s32 @!p0 $0x3480;
	[sflag:s2] =	ssyncset.done $0x0;
	s0 =	sadd.s32 @!p0 s17, s0  }
0x3dd: {  	[sflag:s2] =	ssyncadd.s32 $0xFFFF8000;
	s2 =	simm.s32 @!p0 $0x0;
	s0 =	sadd.s32 @!p0 $0x20, s0  }
0x3de: {  	[tilespmem:s8], [sflag:$0x4] =	stream.linear.gather @!p0 [hbm4b:s0+s2], $0x80, $0x38;
	[tilespmem:$0x1B880] =	vst v63  }
0x3df: {  	s0 =	simm.s32 @!p1 $0x6  }
0x3e0: {  	_ =	swait.ge @!p1 [sflag:s0], $0x4000  }
0x3e1: {  	[sflag:s0] =	ssyncset.done @!p1 $0x0  }
0x3e2: {  	[sflag:s0] =	ssyncadd.s32 @!p1 $0xFFFFC000;
	s0 =	simm.s32 @!p1 $0x8  }
0x3e3: {  	_ =	swait.ge @!p1 [sflag:s0], $0x80  }
0x3e4: {  	[sflag:s0] =	ssyncset.done @!p1 $0x0  }
0x3e5: {  	s19 =	smov.u32 s17;
	s29 =	simm.s32 $0x0;
	[sflag:s0] =	ssyncadd.s32 @!p1 $0xFFFFFF80  }
.LBB2_16:
0x3e6: {  	s0 =	sshll.u32 s29, $0x8  }
0x3e7: {  	s8 =	sand.u32 $0x3FFFFF00, s0  }
0x3e8: {  	v15 =	vld [tilespmem:s8+$0xB500]  }
0x3e9: {  	s13 =	sor.u32 s28, s29;
	v16 =	vld [tilespmem:s8+$0xB540]  }
0x3ea: {  	s2 =	smulhi.u32 $0x51EB851F, s13  }
0x3eb: {  	v17 =	vld [tilespmem:s8+$0xB900]  }
0x3ec: {  	s2 =	sshrl.u32 s2, $0x6  }
0x3ed: {  	v18 =	vld [tilespmem:s8+$0xB940];
	s2 =	smul.u32 $0xC8, s2  }
0x3ee: {  	v19 =	vmul.f32 v15, v11;
	v20 =	vmul.f32 v16, v12  }
0x3ef: {  	s0 =	ssub.s32 s13, s2  }
0x3f0: {  	v53 =	vmul.f32 v17, v13;
	s2 =	sshll.u32 s0, $0x6;
	v19 =	vadd.f32 v20, v19  }
0x3f1: {  	v21 =	vld [tilespmem:s2+$0x0]  }
0x3f2: {  	v54 =	vmul.f32 v18, v14;
	v19 =	vadd.f32 v53, v19;
	_ =	sdelay $0x1  }
0x3f3: {  	v19 =	vadd.f32 v54, v19;
	_ =	sdelay $0x1  }
0x3f4: {  	s14 =	sshll.u32 s29, $0x7;
	v19 =	vadd.f32 v19, v21  }
0x3f5: {  	s13 =	sand.u32 $0x3FFFFF80, s14  }
0x3f6: {  	[tilespmem:s13+$0x17500] =	vst v19  }
0x3f7: {  	v55 =	vld [tilespmem:s8+$0xB510]  }
0x3f8: {  	v56 =	vld [tilespmem:s8+$0xB550];
	_ =	sdelay $0x1  }
0x3f9: {  	v22 =	vld [tilespmem:s8+$0xB910];
	_ =	sdelay $0x1  }
0x3fa: {  	v23 =	vld [tilespmem:s8+$0xB950]  }
0x3fb: {  	v24 =	vmul.f32 v55, v11;
	v25 =	vmul.f32 v56, v12;
	_ =	sdelay $0x1  }
0x3fc: {  	v57 =	vmul.f32 v22, v13;
	v24 =	vadd.f32 v25, v24  }
0x3fd: {  	v59 =	vmul.f32 v15, v15;
	v26 =	vld [tilespmem:s2+$0x10]  }
0x3fe: {  	v15 =	vadd.f32 v16, v15;
	v58 =	vmul.f32 v23, v14;
	v24 =	vadd.f32 v57, v24  }
0x3ff: {  	v27 =	vmul.f32 v16, v16  }
0x400: {  	v29 =	vld [tilespmem:s8+$0xB980];
	v15 =	vadd.f32 v17, v15;
	v24 =	vadd.f32 v58, v24  }
0x401: {  	v34 =	vld [tilespmem:s8+$0xB9C0];
	v60 =	vmul.f32 v17, v17;
	v25 =	vadd.f32 v27, v59  }
0x402: {  	s30 =	sor.u32 $0x1, s29;
	v62 =	vmul.f32 v18, v18;
	v15 =	vadd.f32 v18, v15;
	v18 =	vld [tilespmem:s8+$0xB5C0];
	v24 =	vadd.f32 v24, v26  }
0x403: {  	s15 =	sor.u32 s28, s30;
	v61 =	vadd.f32 v60, v25;
	v25 =	vld [tilespmem:s8+$0xB580]  }
0x404: {  	s9 =	smulhi.u32 $0x51EB851F, s15;
	[tilespmem:s13+$0x17510] =	vst v24  }
0x405: {  	v28 =	vmul.f32 v55, v55;
	v30 =	vmul.f32 v56, v56;
	v63 =	vld [tilespmem:s8+$0xB520]  }
0x406: {  	s9 =	sshrl.u32 s9, $0x6;
	v46 =	vmul.f32 v29, v13;
	v20 =	vadd.f32 v56, v55;
	v40 =	vld [tilespmem:s8+$0xB560]  }
0x407: {  	s9 =	smul.u32 $0xC8, s9;
	v50 =	vmul.f32 v34, v14;
	v31 =	vmul.f32 v22, v22;
	v28 =	vadd.f32 v30, v28  }
0x408: {  	v35 =	vmul.f32 v18, v12;
	v20 =	vadd.f32 v22, v20;
	v43 =	vmul.f32 v25, v11;
	v41 =	vld [tilespmem:s8+$0xB920]  }
0x409: {  	s0 =	ssub.s32 s15, s9;
	v15 =	vmul.f32 v15, v15;
	v59 =	vadd.f32 $0.0e+00, v19;
	v28 =	vadd.f32 v31, v28;
	v32 =	vld [tilespmem:s8+$0xB960]  }
0x40a: {  	s0 =	sshll.u32 s0, $0x6;
	v47 =	vmul.f32 v23, v23;
	v20 =	vadd.f32 v23, v20;
	v30 =	vadd.f32 v35, v43  }
0x40b: {  	v36 =	vld [tilespmem:s0+$0x0];
	v16 =	vadd.f32 v62, v61;
	v42 =	vmul.f32 v63, v11;
	v33 =	vmul.f32 v40, v12  }
0x40c: {  	v15 =	vmul.f32 $8.333333580e-02, v15;
	v28 =	vadd.f32 v47, v28;
	v49 =	vadd.f32 v46, v30  }
0x40d: {  	v20 =	vmul.f32 v20, v20;
	v44 =	vmul.f32 v41, v13;
	v21 =	vadd.f32 v33, v42  }
0x40e: {  	v45 =	vld [tilespmem:s2+$0x20];
	v23 =	vadd.f32 v50, v49;
	v48 =	vmul.f32 v32, v14;
	v51 =	vadd.f32 v40, v63  }
0x40f: {  	v26 =	vmul.f32 v63, v63;
	v52 =	vmul.f32 v40, v40;
	v21 =	vadd.f32 v44, v21  }
0x410: {  	s16 =	sshll.u32 s30, $0x7;
	v16 =	vmul.f32 $3.333333430e-01, v16;
	v17 =	vadd.f32 v23, v36;
	v22 =	vadd.f32 v41, v51  }
0x411: {  	s24 =	sand.u32 $0x3FFFFF80, s16;
	v54 =	vmul.f32 v41, v41;
	v53 =	vadd.f32 v52, v26;
	v21 =	vadd.f32 v48, v21  }
0x412: {  	v28 =	vmul.f32 $3.333333430e-01, v28;
	v20 =	vmul.f32 $8.333333580e-02, v20;
	[tilespmem:s24+$0x17500] =	vst v17;
	v22 =	vadd.f32 v32, v22  }
0x413: {  	v57 =	vmul.f32 v32, v32;
	v23 =	vadd.f32 v54, v53;
	v27 =	vld [tilespmem:s8+$0xB590];
	v21 =	vadd.f32 v21, v45  }
0x414: {  	v19 =	vmul.f32 v19, v19;
	v15 =	vsub.f32 v16, v15;
	v55 =	vsub.f32 v28, v20;
	v28 =	vld [tilespmem:s8+$0xB5D0]  }
0x415: {  	v60 =	vmul.f32 v24, v24;
	v32 =	vld [tilespmem:s8+$0xB990];
	v23 =	vadd.f32 v57, v23;
	v22 =	vmul.f32 v22, v22;
	[tilespmem:s13+$0x17520] =	vst v21  }
0x416: {  	v24 =	vadd.f32 v24, v59;
	v15 =	vmul.f32 v15, v15;
	v16 =	vmul.f32 v55, v55;
	v56 =	vld [tilespmem:s8+$0xB530]  }
0x417: {  	v19 =	vadd.f32 v60, v19;
	v61 =	vmul.f32 $3.333333430e-01, v23;
	v22 =	vmul.f32 $8.333333580e-02, v22;
	v58 =	vld [tilespmem:s8+$0xB570]  }
0x418: {  	v55 =	vmul.f32 v25, v25;
	v60 =	vmul.f32 v34, v34;
	v15 =	vadd.f32 v16, v15;
	v30 =	vld [tilespmem:s8+$0xB9D0]  }
0x419: {  	v40 =	vmul.f32 v27, v11;
	v41 =	vmul.f32 v28, v12;
	v16 =	vsub.f32 v61, v22;
	v62 =	vld [tilespmem:s8+$0xB930]  }
0x41a: {  	v57 =	vadd.f32 v18, v25;
	v44 =	vmul.f32 v32, v13;
	v61 =	vmul.f32 v27, v27  }
0x41b: {  	v27 =	vadd.f32 v28, v27;
	v63 =	vld [tilespmem:s8+$0xB970];
	v31 =	vadd.f32 v41, v40;
	v16 =	vmul.f32 v16, v16  }
0x41c: {  	v38 =	vld [tilespmem:s0+$0x10];
	v42 =	vadd.f32 v58, v56;
	v43 =	vmul.f32 v56, v56;
	v37 =	vmul.f32 v58, v58  }
0x41d: {  	v46 =	vmul.f32 v30, v14;
	v16 =	vadd.f32 v16, v15;
	v15 =	vadd.f32 v44, v31  }
0x41e: {  	v45 =	vmul.f32 v62, v62;
	v35 =	vadd.f32 v62, v42;
	v36 =	vadd.f32 v37, v43  }
0x41f: {  	v20 =	vmul.f32 v56, v11;
	v26 =	vmul.f32 v58, v12;
	v15 =	vadd.f32 v46, v15  }
0x420: {  	v49 =	vmul.f32 v63, v63;
	v47 =	vadd.f32 v63, v35;
	v48 =	vadd.f32 v45, v36  }
0x421: {  	v50 =	vmul.f32 v21, v21;
	v20 =	vadd.f32 v26, v20;
	v26 =	vadd.f32 v15, v38  }
0x422: {  	v23 =	vmul.f32 v62, v13;
	v35 =	vadd.f32 v49, v48;
	v33 =	vmul.f32 v47, v47  }
0x423: {  	v21 =	vadd.f32 v21, v24;
	v52 =	vld [tilespmem:s2+$0x30];
	v27 =	vadd.f32 v32, v27;
	v54 =	vmul.f32 v63, v14;
	[tilespmem:s24+$0x17510] =	vst v26  }
0x424: {  	v53 =	vadd.f32 v23, v20;
	v25 =	vld [tilespmem:s8+$0xB5E0];
	v15 =	vmul.f32 $3.333333430e-01, v35;
	v51 =	vmul.f32 $8.333333580e-02, v33  }
0x425: {  	v31 =	vadd.f32 v50, v19;
	v50 =	vmul.f32 v30, v30;
	v27 =	vadd.f32 v30, v27;
	v35 =	vld [tilespmem:s8+$0xB5A0]  }
0x426: {  	v56 =	vmul.f32 v18, v18;
	v18 =	vld [tilespmem:s8+$0xB600];
	v19 =	vadd.f32 v54, v53;
	v15 =	vsub.f32 v15, v51  }
0x427: {  	s31 =	sor.u32 $0x2, s29;
	v58 =	vmul.f32 v29, v29;
	v29 =	vadd.f32 v29, v57;
	v27 =	vmul.f32 v27, v27;
	v33 =	vld [tilespmem:s8+$0xB9A0]  }
0x428: {  	s17 =	sor.u32 s28, s31;
	v22 =	vadd.f32 v56, v55;
	v24 =	vmul.f32 v15, v15;
	v15 =	vadd.f32 v19, v52;
	v19 =	vld [tilespmem:s8+$0xB640]  }
0x429: {  	s23 =	smulhi.u32 $0x51EB851F, s17;
	v29 =	vadd.f32 v34, v29;
	v62 =	vmul.f32 v28, v28;
	v27 =	vmul.f32 $8.333333580e-02, v27;
	v42 =	vld [tilespmem:s8+$0xB9E0]  }
0x42a: {  	v59 =	vadd.f32 v58, v22;
	v23 =	vld [tilespmem:s8+$0xBA00];
	v44 =	vmul.f32 v25, v12;
	v43 =	vmul.f32 v35, v11  }
0x42b: {  	s9 =	sshrl.u32 s23, $0x6;
	v63 =	vmul.f32 v32, v32;
	v22 =	vadd.f32 v62, v61;
	v29 =	vmul.f32 v29, v29  }
0x42c: {  	s9 =	smul.u32 $0xC8, s9;
	v46 =	vmul.f32 v33, v13;
	v20 =	vadd.f32 v24, v16;
	v24 =	vld [tilespmem:s8+$0xBA40];
	v28 =	vadd.f32 v44, v43  }
0x42d: {  	v45 =	vmul.f32 v18, v11;
	v47 =	vadd.f32 v63, v22;
	v48 =	vld [tilespmem:s0+$0x20];
	v39 =	vmul.f32 v19, v12  }
0x42e: {  	s2 =	ssub.s32 s17, s9;
	v29 =	vmul.f32 $8.333333580e-02, v29;
	v51 =	vmul.f32 v42, v14;
	v28 =	vadd.f32 v46, v28  }
0x42f: {  	s9 =	sshll.u32 s2, $0x6;
	v49 =	vmul.f32 v23, v13;
	v58 =	vmul.f32 v25, v25;
	v34 =	vadd.f32 v39, v45  }
0x430: {  	v62 =	vmul.f32 v42, v42;
	v52 =	vld [tilespmem:s9+$0x0];
	v57 =	vmul.f32 v35, v35;
	v28 =	vadd.f32 v51, v28  }
0x431: {  	v25 =	vadd.f32 v25, v35;
	v54 =	vmul.f32 v24, v14;
	v53 =	vadd.f32 v49, v34  }
0x432: {  	v35 =	vmov s29;
	v21 =	vadd.f32 v15, v21;
	v28 =	vadd.f32 v28, v48  }
0x433: {  	v16 =	vadd.f32 v60, v59;
	v55 =	vmul.f32 v15, v15;
	v30 =	vadd.f32 v54, v53  }
0x434: {  	v60 =	vmul.f32 v33, v33;
	v59 =	vadd.f32 v58, v57;
	v25 =	vadd.f32 v33, v25;
	[tilespmem:s24+$0x17520] =	vst v28  }
0x435: {  	s25 =	sshll.u32 s31, $0x7;
	(xrf2) =	vadd.scan.msk.f32 $0xffff, v21;
	v21 =	vadd.f32 v50, v47;
	v16 =	vmul.f32 $3.333333430e-01, v16;
	v34 =	vld [tilespmem:s8+$0xB5B0];
	v22 =	vadd.f32 v30, v52  }
0x436: {  	s25 =	sand.u32 $0x3FFFFF80, s25;
	v35 =	vand.u32 $0xFFFFFFF8, v35;
	v47 =	vadd.f32 $0.0e+00, v17;
	v25 =	vadd.f32 v42, v25;
	v63 =	vld [tilespmem:s8+$0xB5F0]  }
0x437: {  	v56 =	vmul.f32 $3.333333430e-01, v21;
	v29 =	vsub.f32 v16, v29;
	v49 =	vld [tilespmem:s8+$0xB9B0];
	v30 =	vadd.f32 v60, v59;
	[tilespmem:s25+$0x17500] =	vst v22  }
0x438: {  	v17 =	vmul.f32 v17, v17;
	v21 =	vadd.f32 v55, v31;
	v25 =	vmul.f32 v25, v25;
	v32 =	vld [tilespmem:s8+$0xB610]  }
0x439: {  	v27 =	vsub.f32 v56, v27;
	v29 =	vmul.f32 v29, v29;
	v30 =	vadd.f32 v62, v30;
	v33 =	vld [tilespmem:s8+$0xB650]  }
0x43a: {  	v48 =	vmul.f32 v26, v26;
	v26 =	vadd.f32 v26, v47;
	v25 =	vmul.f32 $8.333333580e-02, v25;
	v51 =	vld [tilespmem:s8+$0xB9F0]  }
0x43b: {  	v27 =	vmul.f32 v27, v27;
	v31 =	vld [tilespmem:s8+$0xBA10];
	v50 =	vmul.f32 $3.333333430e-01, v30;
	v42 =	vadd.f32 v63, v34  }
0x43c: {  	v17 =	vadd.f32 v48, v17;
	v30 =	vld [tilespmem:s8+$0xBA50];
	v43 =	vmul.f32 v34, v34;
	v44 =	vmul.f32 v63, v63  }
0x43d: {  	v27 =	vadd.f32 v27, v29;
	v53 =	vmul.f32 v49, v49;
	v42 =	vadd.f32 v49, v42  }
0x43e: {  	v43 =	vadd.f32 v44, v43;
	v40 =	vmul.f32 v32, v11;
	v41 =	vmul.f32 v33, v12  }
0x43f: {  	v59 =	vmul.f32 v28, v28;
	v58 =	vmul.f32 v51, v51;
	v56 =	vadd.f32 v51, v42  }
0x440: {  	v61, _, _ =	vpop (xrf2);
	v52 =	vmul.f32 v31, v13;
	v57 =	vadd.f32 v53, v43;
	v40 =	vadd.f32 v41, v40  }
0x441: {  	v16 =	vbroadcast v61, $0xF;
	v45 =	vld [tilespmem:s9+$0x10];
	v25 =	vsub.f32 v50, v25;
	v55 =	vmul.f32 v30, v14  }
0x442: {  	v60 =	vadd.f32 v58, v57;
	v41 =	vmul.f32 v56, v56;
	v54 =	vadd.f32 v52, v40  }
0x443: {  	v38 =	vadd.f32 v59, v17;
	v36 =	vmul.f32 v63, v12;
	v25 =	vmul.f32 v25, v25  }
0x444: {  	v62 =	vmul.f32 $3.333333430e-01, v60;
	v63 =	vmul.f32 $8.333333580e-02, v41;
	v29 =	vadd.f32 v55, v54  }
0x445: {  	v17 =	vbroadcast v35, $0x0;
	v34 =	vmul.f32 v34, v11;
	v61 =	vadd.f32 v25, v27  }
0x446: {  	v46 =	vmul.f32 v51, v14;
	v27 =	vld [tilespmem:s8+$0xB6C0];
	v25 =	vsub.f32 v62, v63;
	v42 =	vadd.f32 v29, v45  }
0x447: {  	v44 =	vmul.f32 v49, v13;
	v49 =	vmul.f32 v24, v24;
	v40 =	vadd.f32 v28, v26;
	v28 =	vld [tilespmem:s8+$0xBA80]  }
0x448: {  	s17 =	sor.u32 $0x3, s29;
	v43 =	vadd.f32 v36, v34;
	v50 =	vadd.f32 v33, v32;
	v47 =	vmul.f32 v25, v25;
	v25 =	vld [tilespmem:s8+$0xB680];
	[tilespmem:s25+$0x17510] =	vst v42  }
0x449: {  	s26 =	sor.u32 s28, s17;
	v45 =	vadd.f32 v19, v18;
	v18 =	vmul.f32 v18, v18;
	v19 =	vmul.f32 v19, v19;
	v34 =	vld [tilespmem:s8+$0xB620]  }
0x44a: {  	s14 =	smulhi.u32 $0x51EB851F, s26;
	v32 =	vmul.f32 v32, v32;
	v33 =	vmul.f32 v33, v33;
	v26 =	vadd.f32 v44, v43;
	v36 =	vld [tilespmem:s8+$0xB660]  }
0x44b: {  	v29 =	vld [tilespmem:s8+$0xBAC0];
	v48 =	vadd.f32 v23, v45;
	v19 =	vadd.f32 v19, v18;
	v23 =	vmul.f32 v23, v23  }
0x44c: {  	s14 =	sshrl.u32 s14, $0x6;
	v32 =	vadd.f32 v33, v32;
	v35 =	vadd.f32 v46, v26;
	v54 =	vmul.f32 v27, v12;
	v26 =	vld [tilespmem:s8+$0xBA20]  }
0x44d: {  	s14 =	smul.u32 $0xC8, s14;
	v57 =	vmul.f32 v28, v13;
	v39 =	vld [tilespmem:s8+$0xBA60];
	v37 =	vadd.f32 v24, v48;
	v19 =	vadd.f32 v23, v19  }
0x44e: {  	v24 =	vadd.f32 v31, v50;
	v31 =	vmul.f32 v31, v31;
	v53 =	vmul.f32 v25, v11  }
0x44f: {  	s2 =	ssub.s32 s26, s14;
	v18 =	vadd.f32 v47, v61;
	v51 =	vmul.f32 v34, v11;
	v52 =	vmul.f32 v36, v12  }
0x450: {  	s14 =	sshll.u32 s2, $0x6;
	v61 =	vmul.f32 v29, v14;
	v19 =	vadd.f32 v49, v19;
	v43 =	vadd.f32 v54, v53  }
0x451: {  	v59 =	vld [tilespmem:s14+$0x0];
	v24 =	vadd.f32 v30, v24;
	v55 =	vmul.f32 v26, v13;
	v23 =	vadd.f32 v52, v51  }
0x452: {  	v58 =	vmul.f32 v39, v14;
	v46 =	vadd.f32 v36, v34;
	v60 =	vadd.f32 v57, v43  }
0x453: {  	v34 =	vmul.f32 v34, v34;
	v36 =	vmul.f32 v36, v36;
	v23 =	vadd.f32 v55, v23  }
0x454: {  	v47 =	vld [tilespmem:s0+$0x30];
	v31 =	vadd.f32 v31, v32;
	v30 =	vmul.f32 v30, v30;
	v32 =	vadd.f32 v61, v60  }
0x455: {  	v56 =	vld [tilespmem:s9+$0x20];
	v49 =	vmul.f32 v26, v26;
	v48 =	vadd.f32 v36, v34;
	v63 =	vadd.f32 v58, v23  }
0x456: {  	s15 =	sshll.u32 s17, $0x7;
	v50 =	vmul.f32 v37, v37;
	v23 =	vadd.f32 v26, v46;
	v26 =	vadd.f32 v32, v59  }
0x457: {  	s23 =	sand.u32 $0x3FFFFF80, s15;
	v30 =	vadd.f32 v30, v31;
	v52 =	vmul.f32 v39, v39;
	v51 =	vadd.f32 v49, v48  }
0x458: {  	v62 =	vmul.f32 $3.333333430e-01, v19;
	v24 =	vmul.f32 v24, v24;
	[tilespmem:s23+$0x17500] =	vst v26  }
0x459: {  	v19 =	vadd.f32 v35, v47;
	v30 =	vmul.f32 $3.333333430e-01, v30;
	v31 =	vadd.f32 v52, v51;
	v33 =	vld [tilespmem:s8+$0xB690]  }
0x45a: {  	v24 =	vmul.f32 $8.333333580e-02, v24;
	v41 =	vadd.f32 v63, v56;
	v23 =	vadd.f32 v39, v23;
	v35 =	vld [tilespmem:s8+$0xB6D0]  }
0x45b: {  	v57 =	vadd.f32 $0.0e+00, v22;
	v54 =	vmul.f32 v19, v19;
	v32 =	vmul.f32 $8.333333580e-02, v50;
	v34 =	vld [tilespmem:s8+$0xBA90]  }
0x45c: {  	v24 =	vsub.f32 v30, v24;
	v55 =	vmul.f32 $3.333333430e-01, v31;
	v31 =	vld [tilespmem:s8+$0xBAD0];
	[tilespmem:s25+$0x17520] =	vst v41;
	v53 =	vmul.f32 v23, v23  }
0x45d: {  	v22 =	vmul.f32 v22, v22;
	v59 =	vmul.f32 v42, v42;
	v32 =	vsub.f32 v62, v32;
	v36 =	vld [tilespmem:s8+$0xB630]  }
0x45e: {  	v58 =	vmul.f32 v24, v24;
	v24 =	vadd.f32 v54, v38;
	v39 =	vld [tilespmem:s8+$0xB670];
	v56 =	vmul.f32 $8.333333580e-02, v53  }
0x45f: {  	(xrf2) =	vadd.scan.msk.f32 $0xffff, v21;
	v63 =	vadd.f32 v42, v57;
	v22 =	vadd.f32 v59, v22;
	v32 =	vmul.f32 v32, v32;
	v43 =	vld [tilespmem:s8+$0xBA30]  }
0x460: {  	v30 =	vsub.f32 v55, v56;
	v60 =	vmul.f32 v33, v11;
	v61 =	vmul.f32 v35, v12  }
0x461: {  	(xrf2) =	vadd.scan.msk.f32 $0xffff, v20;
	v23 =	vadd.f32 v19, v40;
	v48 =	vmul.f32 v34, v13;
	v53 =	vmul.f32 v31, v14  }
0x462: {  	v62 =	vadd.f32 v58, v32;
	v32 =	vld [tilespmem:s8+$0xBA70];
	v55 =	vmul.f32 v41, v41;
	v30 =	vmul.f32 v30, v30  }
0x463: {  	v20 =	vadd.f32 v41, v63;
	v49 =	vmul.f32 v36, v11;
	v50 =	vmul.f32 v39, v12  }
0x464: {  	v37 =	vadd.f32 v61, v60;
	v52 =	vmul.f32 v43, v13;
	v54 =	vmul.f32 v36, v36  }
0x465: {  	v46 =	vmul.f32 v39, v39;
	v36 =	vadd.f32 v39, v36;
	v42 =	vadd.f32 v55, v22  }
0x466: {  	v51 =	vld [tilespmem:s14+$0x10];
	v58 =	vmul.f32 v43, v43;
	v55 =	vadd.f32 v35, v33;
	v30 =	vadd.f32 v30, v62  }
0x467: {  	v59 =	vmul.f32 v32, v14;
	v37 =	vadd.f32 v48, v37;
	v40 =	vadd.f32 v50, v49  }
0x468: {  	v57 =	vadd.f32 v46, v54;
	v62 =	vmul.f32 v32, v32;
	v36 =	vadd.f32 v43, v36  }
0x469: {  	v60, _, _ =	vpop (xrf2);
	v48 =	vmul.f32 v25, v25;
	v49 =	vmul.f32 v27, v27;
	v37 =	vadd.f32 v53, v37  }
0x46a: {  	v25 =	vadd.f32 v27, v25;
	v54 =	vmul.f32 v35, v35;
	v21 =	vbroadcast v60, $0xF  }
0x46b: {  	v43 =	vld [tilespmem:s8+$0xB700];
	v63, _, _ =	vpop (xrf2);
	v60 =	vmul.f32 v31, v31;
	v56 =	vadd.f32 v52, v40;
	v37 =	vadd.f32 v37, v51  }
0x46c: {  	v46 =	vld [tilespmem:s8+$0xB740];
	v61 =	vadd.f32 v58, v57;
	v22 =	vbroadcast v63, $0xF;
	v32 =	vadd.f32 v32, v36  }
0x46d: {  	v35 =	vld [tilespmem:s8+$0xBB00];
	v50 =	vadd.f32 v49, v48;
	v25 =	vadd.f32 v28, v25;
	v52 =	vmul.f32 v29, v29;
	[tilespmem:s23+$0x17510] =	vst v37  }
0x46e: {  	v53 =	vmul.f32 v33, v33;
	v57 =	vmul.f32 v34, v34;
	v38 =	vadd.f32 v59, v56;
	v44 =	vld [tilespmem:s8+$0xB6A0]  }
0x46f: {  	s0 =	sor.u32 $0x4, s29;
	v40 =	vadd.f32 v62, v61;
	v51 =	vmul.f32 v28, v28;
	v32 =	vmul.f32 v32, v32;
	v27 =	vld [tilespmem:s8+$0xB6E0]  }
0x470: {  	s16 =	sor.u32 s28, s0;
	v25 =	vadd.f32 v29, v25;
	v56 =	vadd.f32 v54, v53;
	v62 =	vmul.f32 v43, v11  }
0x471: {  	s15 =	smulhi.u32 $0x51EB851F, s16;
	v29 =	vadd.f32 v34, v55;
	v49 =	vmul.f32 v46, v12;
	v36 =	vmul.f32 $3.333333430e-01, v40;
	v41 =	vld [tilespmem:s8+$0xBAA0]  }
0x472: {  	v39 =	vadd.f32 v51, v50;
	v47 =	vmul.f32 $8.333333580e-02, v32;
	v32 =	vadd.f32 v57, v56  }
0x473: {  	s15 =	sshrl.u32 s15, $0x6;
	v25 =	vmul.f32 v25, v25;
	v29 =	vadd.f32 v31, v29;
	v56 =	vmul.f32 v35, v13;
	v34 =	vld [tilespmem:s8+$0xBAE0]  }
0x474: {  	s15 =	smul.u32 $0xC8, s15;
	v48 =	vld [tilespmem:s8+$0xBB40];
	v28 =	vadd.f32 v52, v39;
	v58 =	vmul.f32 v44, v11;
	v59 =	vmul.f32 v27, v12  }
0x475: {  	v55 =	vadd.f32 v49, v62;
	v31 =	vadd.f32 v60, v32;
	v51 =	vmul.f32 $8.333333580e-02, v25  }
0x476: {  	s2 =	ssub.s32 s16, s15;
	v28 =	vmul.f32 $3.333333430e-01, v28;
	v61 =	vmul.f32 v41, v13;
	v39 =	vadd.f32 v59, v58  }
0x477: {  	s2 =	sshll.u32 s2, $0x6;
	v54 =	vld [tilespmem:s14+$0x20];
	v29 =	vmul.f32 v29, v29;
	v49 =	vsub.f32 v36, v47;
	v31 =	vmul.f32 $3.333333430e-01, v31  }
0x478: {  	v50 =	vld [tilespmem:s2+$0x0];
	v57 =	vmul.f32 v34, v14;
	v28 =	vsub.f32 v28, v51;
	v63 =	vadd.f32 v61, v39  }
0x479: {  	v58 =	vadd.f32 v27, v44;
	v59 =	vmul.f32 v48, v14;
	v39 =	vadd.f32 v56, v55  }
0x47a: {  	v62 =	vld [tilespmem:s9+$0x30];
	v44 =	vmul.f32 v44, v44;
	v27 =	vmul.f32 v27, v27;
	v60 =	vadd.f32 v57, v63  }
0x47b: {  	v29 =	vmul.f32 $8.333333580e-02, v29;
	v61 =	vadd.f32 v41, v58;
	v39 =	vadd.f32 v59, v39  }
0x47c: {  	v27 =	vadd.f32 v27, v44;
	v41 =	vmul.f32 v41, v41;
	v33 =	vadd.f32 v60, v54  }
0x47d: {  	s26 =	sshll.u32 s0, $0x7;
	v29 =	vsub.f32 v31, v29;
	v32 =	vadd.f32 v39, v50  }
0x47e: {  	s26 =	sand.u32 $0x3FFFFF80, s26;
	v44 =	vmul.f32 v34, v34;
	v63 =	vadd.f32 v34, v61;
	v41 =	vadd.f32 v41, v27;
	[tilespmem:s23+$0x17520] =	vst v33  }
0x47f: {  	v25 =	vadd.f32 v38, v62;
	v29 =	vmul.f32 v29, v29;
	v55 =	vmul.f32 v28, v28;
	[tilespmem:s26+$0x17500] =	vst v32;
	v52 =	vld [tilespmem:s8+$0xB6B0]  }
0x480: {  	v58 =	vmul.f32 v37, v37;
	v27 =	vadd.f32 v44, v41;
	v50 =	vmul.f32 v63, v63;
	v38 =	vld [tilespmem:s8+$0xB710]  }
0x481: {  	v34 =	vmul.f32 v49, v49;
	v54 =	vmul.f32 v25, v25;
	v40 =	vld [tilespmem:s8+$0xB750]  }
0x482: {  	v57 =	vadd.f32 $0.0e+00, v26;
	v53 =	vmul.f32 $3.333333430e-01, v27;
	v36 =	vmul.f32 $8.333333580e-02, v50;
	v56 =	vld [tilespmem:s8+$0xB6F0]  }
0x483: {  	v26 =	vmul.f32 v26, v26;
	v27 =	vadd.f32 v34, v30;
	v28 =	vadd.f32 v54, v42;
	v42 =	vld [tilespmem:s8+$0xBAB0]  }
0x484: {  	v34 =	vadd.f32 v37, v57;
	v37 =	vld [tilespmem:s8+$0xBB50];
	v31 =	vsub.f32 v53, v36  }
0x485: {  	v29 =	vadd.f32 v29, v55;
	v26 =	vadd.f32 v58, v26;
	v36 =	vld [tilespmem:s8+$0xBB10]  }
0x486: {  	v58 =	vmov s30;
	v31 =	vmul.f32 v31, v31;
	v59 =	vmul.f32 v38, v11  }
0x487: {  	v51 =	vand.u32 $0xFFFFFFF9, v58;
	v60 =	vmul.f32 v40, v12;
	v61 =	vmul.f32 v52, v52  }
0x488: {  	v45 =	vld [tilespmem:s8+$0xBAF0];
	v31 =	vadd.f32 v31, v29;
	v62 =	vmul.f32 v56, v56;
	v63 =	vmul.f32 v52, v11  }
0x489: {  	v54 =	vmul.f32 v56, v12;
	v39 =	vadd.f32 v56, v52;
	v56 =	vmul.f32 v42, v42  }
0x48a: {  	v57 =	vmul.f32 v37, v14;
	v53 =	vmul.f32 v36, v13;
	v30 =	vadd.f32 v60, v59  }
0x48b: {  	v55 =	vld [tilespmem:s2+$0x10];
	v52 =	vmul.f32 v35, v35;
	v29 =	vadd.f32 v62, v61;
	v39 =	vadd.f32 v42, v39  }
0x48c: {  	v58 =	vmul.f32 v36, v36;
	v49 =	vadd.f32 v54, v63;
	v30 =	vadd.f32 v53, v30  }
0x48d: {  	v59 =	vmul.f32 v45, v45;
	v29 =	vadd.f32 v56, v29;
	v39 =	vadd.f32 v45, v39  }
0x48e: {  	v60 =	vmul.f32 v43, v43;
	v61 =	vmul.f32 v46, v46;
	v30 =	vadd.f32 v57, v30  }
0x48f: {  	v42 =	vmul.f32 v42, v13;
	v29 =	vadd.f32 v59, v29;
	v62 =	vmul.f32 v39, v39  }
0x490: {  	v44 =	vld [tilespmem:s8+$0xB7C0];
	v43 =	vadd.f32 v46, v43;
	v54 =	vmul.f32 v48, v48;
	v41 =	vadd.f32 v30, v55  }
0x491: {  	v63 =	vadd.f32 v61, v60;
	v53 =	vld [tilespmem:s14+$0x30];
	v47 =	vmul.f32 $3.333333430e-01, v29;
	v30 =	vmul.f32 $8.333333580e-02, v62  }
0x492: {  	v42 =	vadd.f32 v42, v49;
	v35 =	vadd.f32 v35, v43;
	s14 =	sor.u32 $0x5, s29;
	v43 =	vld [tilespmem:s8+$0xB780];
	v45 =	vmul.f32 v45, v14;
	[tilespmem:s26+$0x17510] =	vst v41  }
0x493: {  	v56 =	vmul.f32 v38, v38;
	v38 =	vadd.f32 v40, v38;
	s30 =	sor.u32 s28, s14;
	v47 =	vsub.f32 v47, v30;
	v46 =	vld [tilespmem:s8+$0xB720]  }
0x494: {  	v39 =	vadd.f32 v52, v63;
	s16 =	smulhi.u32 $0x51EB851F, s30;
	v57 =	vmul.f32 v40, v40;
	v55 =	vadd.f32 v48, v35;
	v35 =	vld [tilespmem:s8+$0xB760]  }
0x495: {  	v42 =	vadd.f32 v45, v42;
	v52 =	vmul.f32 v44, v12;
	v45 =	vmul.f32 v47, v47;
	v47 =	vld [tilespmem:s8+$0xBB80]  }
0x496: {  	v29 =	vbroadcast v51, $0x0;
	s15 =	sshrl.u32 s16, $0x6;
	v51 =	vld [tilespmem:s8+$0xBBC0];
	v30 =	vadd.f32 v33, v34;
	v33 =	vmul.f32 v33, v33  }
0x497: {  	v36 =	vadd.f32 v36, v38;
	v39 =	vadd.f32 v54, v39;
	v62 =	vmul.f32 v37, v37;
	s15 =	smul.u32 $0xC8, s15;
	v49 =	vld [tilespmem:s8+$0xBB20]  }
0x498: {  	v59 =	vmul.f32 v43, v11;
	v33 =	vadd.f32 v33, v26;
	v26 =	vadd.f32 v42, v53  }
0x499: {  	v48 =	vld [tilespmem:s8+$0xBB60];
	s9 =	ssub.s32 s30, s15;
	v42 =	vadd.f32 v57, v56;
	v53 =	vmul.f32 v46, v11;
	v54 =	vmul.f32 v35, v12  }
0x49a: {  	v36 =	vadd.f32 v37, v36;
	v60 =	vadd.f32 v52, v59;
	s16 =	sshll.u32 s9, $0x6;
	v61 =	vmul.f32 v47, v13  }
0x49b: {  	v39 =	vmul.f32 $3.333333430e-01, v39;
	v42 =	vadd.f32 v58, v42;
	v63 =	vadd.f32 v54, v53;
	v53 =	vld [tilespmem:s16+$0x0]  }
0x49c: {  	v58 =	vmul.f32 v51, v14;
	v57 =	vmul.f32 v49, v13;
	v38 =	vadd.f32 v61, v60  }
0x49d: {  	v34 =	vmul.f32 v55, v55;
	v36 =	vmul.f32 v36, v36;
	v59 =	vadd.f32 v62, v42;
	v60 =	vld [tilespmem:s2+$0x20]  }
0x49e: {  	v62 =	vmul.f32 v48, v14;
	v61 =	vadd.f32 v57, v63;
	v38 =	vadd.f32 v58, v38  }
0x49f: {  	v63 =	vadd.f32 v35, v46;
	v46 =	vmul.f32 v46, v46;
	v35 =	vmul.f32 v35, v35  }
0x4a0: {  	s30 =	sshll.u32 s14, $0x7;
	v34 =	vmul.f32 $8.333333580e-02, v34;
	v50 =	vadd.f32 v62, v61;
	v38 =	vadd.f32 v38, v53  }
0x4a1: {  	s30 =	sand.u32 $0x3FFFFF80, s30;
	v54 =	vmul.f32 v49, v49;
	v40 =	vadd.f32 v49, v63;
	v35 =	vadd.f32 v35, v46  }
0x4a2: {  	v36 =	vmul.f32 $8.333333580e-02, v36;
	v37 =	vmul.f32 $3.333333430e-01, v59;
	v42 =	vadd.f32 v50, v60;
	[tilespmem:s30+$0x17500] =	vst v38  }
0x4a3: {  	v55 =	vmul.f32 v48, v48;
	v40 =	vadd.f32 v48, v40;
	v35 =	vadd.f32 v54, v35;
	v48 =	vld [tilespmem:s8+$0xB790]  }
0x4a4: {  	v56 =	vmul.f32 v26, v26;
	v34 =	vsub.f32 v39, v34;
	v36 =	vsub.f32 v37, v36;
	v37 =	vld [tilespmem:s8+$0xB7D0]  }
0x4a5: {  	v31 =	vadd.f32 v45, v31;
	[tilespmem:s26+$0x17520] =	vst v42;
	v35 =	vadd.f32 v55, v35;
	v57 =	vmul.f32 v40, v40;
	v45 =	vld [tilespmem:s8+$0xBB90]  }
0x4a6: {  	v34 =	vmul.f32 v34, v34;
	v59 =	vmul.f32 v41, v41;
	v40 =	vld [tilespmem:s8+$0xB730]  }
0x4a7: {  	v58 =	vadd.f32 $0.0e+00, v32;
	v49 =	vld [tilespmem:s8+$0xB770];
	v35 =	vmul.f32 $3.333333430e-01, v35;
	v39 =	vmul.f32 $8.333333580e-02, v57  }
0x4a8: {  	v33 =	vadd.f32 v56, v33;
	v32 =	vmul.f32 v32, v32;
	v36 =	vmul.f32 v36, v36;
	v52 =	vld [tilespmem:s8+$0xBBD0]  }
0x4a9: {  	v41 =	vadd.f32 v41, v58;
	v35 =	vsub.f32 v35, v39;
	v39 =	vld [tilespmem:s8+$0xBB30];
	v60 =	vmul.f32 v48, v11  }
0x4aa: {  	v32 =	vadd.f32 v59, v32;
	v61 =	vmul.f32 v37, v12;
	v63 =	vmul.f32 v45, v13  }
0x4ab: {  	v34 =	vadd.f32 v36, v34;
	v46 =	vld [tilespmem:s8+$0xBB70];
	v35 =	vmul.f32 v35, v35;
	v55 =	vmul.f32 v40, v40  }
0x4ac: {  	v56 =	vmul.f32 v49, v49;
	v62 =	vadd.f32 v61, v60;
	v60 =	vadd.f32 v49, v40  }
0x4ad: {  	v40 =	vmul.f32 v40, v11;
	v49 =	vmul.f32 v49, v12;
	v34 =	vadd.f32 v35, v34  }
0x4ae: {  	v57 =	vld [tilespmem:s16+$0x10];
	v61 =	vadd.f32 v63, v62;
	v62 =	vmul.f32 v52, v14;
	v63 =	vadd.f32 v39, v60  }
0x4af: {  	v58 =	vadd.f32 v56, v55;
	v59 =	vmul.f32 v39, v39;
	v40 =	vadd.f32 v49, v40  }
0x4b0: {  	v36 =	vmov s31;
	v35 =	vadd.f32 v62, v61;
	v50 =	vadd.f32 v46, v63  }
0x4b1: {  	v60 =	vadd.f32 v59, v58;
	v61 =	vmul.f32 v46, v46;
	v62 =	vmul.f32 v43, v43  }
0x4b2: {  	v63 =	vmul.f32 v44, v44;
	v58 =	vmul.f32 v39, v13;
	v43 =	vadd.f32 v44, v43  }
0x4b3: {  	v46 =	vmul.f32 v46, v14;
	v57 =	vadd.f32 v35, v57;
	v59 =	vadd.f32 v61, v60  }
0x4b4: {  	v50 =	vmul.f32 v50, v50;
	v60 =	vadd.f32 v63, v62;
	v61 =	vmul.f32 v47, v47  }
0x4b5: {  	v39 =	vld [tilespmem:s8+$0xB800];
	v43 =	vadd.f32 v47, v43;
	v63 =	vmul.f32 v51, v51;
	v35 =	vadd.f32 v42, v41  }
0x4b6: {  	v53 =	vld [tilespmem:s2+$0x30];
	v62 =	vmul.f32 $3.333333430e-01, v59;
	v50 =	vmul.f32 $8.333333580e-02, v50;
	v44 =	vadd.f32 v61, v60  }
0x4b7: {  	s31 =	sor.u32 $0x6, s29;
	[tilespmem:s30+$0x17510] =	vst v57;
	v60 =	vmul.f32 v42, v42;
	v61 =	vadd.f32 v58, v40;
	v40 =	vld [tilespmem:s8+$0xB840];
	v43 =	vadd.f32 v51, v43  }
0x4b8: {  	s2 =	sor.u32 s28, s31;
	v51 =	vmul.f32 v37, v37;
	v37 =	vadd.f32 v37, v48;
	v55 =	vld [tilespmem:s8+$0xB7A0];
	v49 =	vsub.f32 v62, v50  }
0x4b9: {  	s15 =	smulhi.u32 $0x51EB851F, s2;
	v47 =	vld [tilespmem:s8+$0xB7E0];
	v44 =	vadd.f32 v63, v44;
	v46 =	vadd.f32 v46, v61;
	v43 =	vmul.f32 v43, v43  }
0x4ba: {  	v41 =	vld [tilespmem:s8+$0xBC00];
	v63 =	vmul.f32 v39, v11;
	v37 =	vadd.f32 v45, v37;
	v45 =	vmul.f32 v45, v45  }
0x4bb: {  	v54 =	vld [tilespmem:s8+$0xBC40];
	s9 =	sshrl.u32 s15, $0x6;
	v42 =	vadd.f32 v60, v32;
	v62 =	vmul.f32 v49, v49;
	v49 =	vmul.f32 $3.333333430e-01, v44  }
0x4bc: {  	s9 =	smul.u32 $0xC8, s9;
	v50 =	vld [tilespmem:s8+$0xBBA0];
	v44 =	vmul.f32 v48, v48;
	v32 =	vadd.f32 v46, v53;
	v37 =	vadd.f32 v52, v37  }
0x4bd: {  	v43 =	vmul.f32 $8.333333580e-02, v43;
	v58 =	vmul.f32 v40, v12;
	v34 =	vadd.f32 v62, v34  }
0x4be: {  	s2 =	ssub.s32 s2, s9;
	v60 =	vmul.f32 v55, v11;
	v61 =	vmul.f32 v47, v12;
	v44 =	vadd.f32 v51, v44  }
0x4bf: {  	s15 =	sshll.u32 s2, $0x6;
	v48 =	vld [tilespmem:s8+$0xBBE0];
	v62 =	vmul.f32 v41, v13;
	v56 =	vadd.f32 v58, v63;
	v58 =	vadd.f32 v47, v55  }
0x4c0: {  	v55 =	vmul.f32 v55, v55;
	v47 =	vmul.f32 v47, v47;
	v46 =	vadd.f32 v61, v60;
	v60 =	vld [tilespmem:s15+$0x0]  }
0x4c1: {  	v63 =	vmul.f32 v50, v13;
	v61 =	vmul.f32 v54, v14;
	v56 =	vadd.f32 v62, v56  }
0x4c2: {  	v52 =	vmul.f32 v52, v52;
	v51 =	vadd.f32 v50, v58;
	v47 =	vadd.f32 v47, v55  }
0x4c3: {  	v59 =	vld [tilespmem:s16+$0x20];
	v50 =	vmul.f32 v50, v50;
	v46 =	vadd.f32 v63, v46;
	v63 =	vadd.f32 v61, v56  }
0x4c4: {  	v45 =	vadd.f32 v45, v44;
	v62 =	vmul.f32 v48, v14;
	v51 =	vadd.f32 v48, v51  }
0x4c5: {  	s9 =	sshll.u32 s31, $0x7;
	v47 =	vadd.f32 v50, v47;
	v48 =	vmul.f32 v48, v48;
	v44 =	vadd.f32 v63, v60  }
0x4c6: {  	s9 =	sand.u32 $0x3FFFFF80, s9;
	v37 =	vmul.f32 v37, v37;
	v45 =	vadd.f32 v52, v45;
	v46 =	vadd.f32 v62, v46  }
0x4c7: {  	v43 =	vsub.f32 v49, v43;
	v47 =	vadd.f32 v48, v47;
	v60 =	vmul.f32 v51, v51;
	[tilespmem:s9+$0x17500] =	vst v44  }
0x4c8: {  	v37 =	vmul.f32 $8.333333580e-02, v37;
	v45 =	vmul.f32 $3.333333430e-01, v45;
	v46 =	vadd.f32 v46, v59;
	v49 =	vld [tilespmem:s8+$0xB810]  }
0x4c9: {  	v47 =	vmul.f32 $3.333333430e-01, v47;
	v48 =	vmul.f32 $8.333333580e-02, v60;
	v50 =	vld [tilespmem:s8+$0xB850]  }
0x4ca: {  	v55 =	vmul.f32 v38, v38;
	v38 =	vadd.f32 $0.0e+00, v38;
	v45 =	vsub.f32 v45, v37;
	[tilespmem:s30+$0x17520] =	vst v46;
	v51 =	vld [tilespmem:s8+$0xBC10]  }
0x4cb: {  	v20 =	vadd.f32 v25, v20;
	v59 =	vmul.f32 v32, v32;
	v53 =	vld [tilespmem:s8+$0xB7B0];
	v47 =	vsub.f32 v47, v48  }
0x4cc: {  	v43 =	vmul.f32 v43, v43;
	v38 =	vadd.f32 v57, v38;
	v61 =	vmul.f32 v45, v45;
	v52 =	vld [tilespmem:s8+$0xB7F0]  }
0x4cd: {  	v37 =	vadd.f32 v59, v42;
	v45 =	vmul.f32 v57, v57;
	v56 =	vld [tilespmem:s8+$0xBC50];
	v47 =	vmul.f32 v47, v47  }
0x4ce: {  	v58 =	vld [tilespmem:s8+$0xBBB0];
	v43 =	vadd.f32 v61, v43;
	v59 =	vmul.f32 v49, v11;
	v60 =	vmul.f32 v50, v12  }
0x4cf: {  	v38 =	vadd.f32 v46, v38;
	v45 =	vadd.f32 v45, v55  }
0x4d0: {  	v48 =	vld [tilespmem:s8+$0xBBF0];
	v57 =	vmul.f32 v51, v13;
	v63 =	vadd.f32 v47, v43;
	v55 =	vadd.f32 v60, v59  }
0x4d1: {  	v62 =	vmul.f32 v52, v52;
	v59 =	vadd.f32 v52, v53;
	v60 =	vmul.f32 v53, v53  }
0x4d2: {  	v61 =	vld [tilespmem:s15+$0x10];
	v43 =	vmul.f32 v46, v46;
	v55 =	vadd.f32 v57, v55;
	v57 =	vmul.f32 v56, v14  }
0x4d3: {  	v47 =	vadd.f32 v58, v59;
	v59 =	vadd.f32 v62, v60;
	v60 =	vmul.f32 v58, v58  }
0x4d4: {  	v53 =	vmul.f32 v53, v11;
	v52 =	vmul.f32 v52, v12;
	v55 =	vadd.f32 v57, v55  }
0x4d5: {  	v42 =	vmov s17;
	v47 =	vadd.f32 v48, v47;
	v57 =	vadd.f32 v60, v59  }
0x4d6: {  	v62 =	vmul.f32 v48, v48;
	v60 =	vadd.f32 v52, v53;
	v53 =	vadd.f32 v43, v45  }
0x4d7: {  	v48 =	vmul.f32 v48, v14;
	v55 =	vadd.f32 v55, v61;
	v61 =	vmul.f32 v58, v13  }
0x4d8: {  	v59 =	vmul.f32 v41, v41;
	v62 =	vadd.f32 v62, v57;
	v47 =	vmul.f32 v47, v47  }
0x4d9: {  	v46 =	vld [tilespmem:s8+$0xB8C0];
	v52 =	vadd.f32 v61, v60;
	v60 =	vmul.f32 v39, v39;
	v61 =	vmul.f32 v40, v40  }
0x4da: {  	s17 =	sor.u32 $0x7, s29;
	v45 =	vld [tilespmem:s8+$0xB880];
	v43 =	vmul.f32 $3.333333430e-01, v62;
	v39 =	vadd.f32 v40, v39;
	v47 =	vmul.f32 $8.333333580e-02, v47  }
0x4db: {  	s2 =	sor.u32 s28, s17;
	[tilespmem:s9+$0x17510] =	vst v55;
	v40 =	vmov s0;
	v57 =	vadd.f32 v61, v60;
	v52 =	vadd.f32 v48, v52  }
0x4dc: {  	s0 =	smulhi.u32 $0x51EB851F, s2;
	v62 =	vmul.f32 v54, v54;
	v58 =	vld [tilespmem:s8+$0xB820];
	v39 =	vadd.f32 v41, v39;
	v41 =	vsub.f32 v43, v47  }
0x4dd: {  	v47 =	vld [tilespmem:s8+$0xBC80];
	v61 =	vadd.f32 v50, v49;
	v49 =	vmul.f32 v49, v49;
	v50 =	vmul.f32 v50, v50  }
0x4de: {  	v60 =	vld [tilespmem:s8+$0xB860];
	s0 =	sshrl.u32 s0, $0x6;
	v43 =	vadd.f32 v59, v57;
	v39 =	vadd.f32 v54, v39;
	v59 =	vmul.f32 v51, v51  }
0x4df: {  	v48 =	vld [tilespmem:s8+$0xBCC0];
	s0 =	smul.u32 $0xC8, s0;
	v51 =	vadd.f32 v51, v61;
	v54 =	vmul.f32 v45, v11;
	v61 =	vmul.f32 v46, v12  }
0x4e0: {  	v30 =	vadd.f32 v26, v30;
	v57 =	vld [tilespmem:s8+$0xBC20];
	v49 =	vadd.f32 v50, v49  }
0x4e1: {  	v1 =	vmul.f32 v41, v41;
	s0 =	ssub.s32 s2, s0;
	v51 =	vadd.f32 v56, v51;
	v54 =	vadd.f32 v61, v54  }
0x4e2: {  	v50 =	vld [tilespmem:s8+$0xBC60];
	s2 =	sshll.u32 s0, $0x6;
	v49 =	vadd.f32 v59, v49;
	v56 =	vmul.f32 v56, v56;
	v61 =	vmul.f32 v47, v13  }
0x4e3: {  	v43 =	vadd.f32 v62, v43;
	v62 =	vmul.f32 v58, v11;
	v0 =	vmul.f32 v60, v12;
	v59 =	vld [tilespmem:s2+$0x0]  }
0x4e4: {  	v49 =	vadd.f32 v56, v49;
	v54 =	vadd.f32 v61, v54;
	v61 =	vmul.f32 v48, v14  }
0x4e5: {  	v51 =	vmul.f32 v51, v51;
	v0 =	vadd.f32 v0, v62;
	v62 =	vld [tilespmem:s16+$0x30];
	v2 =	vmul.f32 v57, v13  }
0x4e6: {  	v39 =	vmul.f32 v39, v39;
	v56 =	vld [tilespmem:s15+$0x20];
	v49 =	vmul.f32 $3.333333430e-01, v49;
	v54 =	vadd.f32 v61, v54  }
0x4e7: {  	[tilespmem:s13+$0x17530] =	vst v15;
	v51 =	vmul.f32 $8.333333580e-02, v51;
	v0 =	vadd.f32 v2, v0;
	v2 =	vmul.f32 v50, v14  }
0x4e8: {  	(xrf2) =	vadd.scan.msk.f32 $0xffff, v23;
	v23 =	vadd.f32 v1, v63;
	s16 =	sshll.u32 s17, $0x7;
	v61 =	vmul.f32 $3.333333430e-01, v43;
	v43 =	vadd.f32 v54, v59  }
0x4e9: {  	[tilespmem:v17+s4+$0x0] =	vst.idx.msk $0x1, v16;
	v39 =	vmul.f32 $8.333333580e-02, v39;
	s0 =	sand.u32 $0x3FFFFF80, s16;
	v49 =	vsub.f32 v49, v51;
	v2 =	vadd.f32 v2, v0  }
0x4ea: {  	v0 =	vadd.f32 v52, v62;
	v52 =	vmul.f32 v58, v58;
	v62 =	vmul.f32 v60, v60;
	[tilespmem:s0+$0x17500] =	vst v43  }
0x4eb: {  	(xrf2) =	vadd.scan.msk.f32 $0xffff, v24;
	[tilespmem:v17+s5+$0x0] =	vst.idx.msk $0x1, v21;
	v39 =	vsub.f32 v61, v39;
	v2 =	vadd.f32 v2, v56;
	v56 =	vld [tilespmem:s8+$0xB890]  }
0x4ec: {  	(xrf2) =	vadd.scan.msk.f32 $0xffff, v18;
	v61 =	vmul.f32 v57, v57;
	v1 =	vmul.f32 v0, v0;
	v59 =	vadd.f32 v62, v52;
	v54 =	vld [tilespmem:s8+$0xB8D0]  }
0x4ed: {  	v18 =	vmul.f32 v55, v55;
	v62 =	vadd.f32 v60, v58;
	v52 =	vld [tilespmem:s8+$0xBC90];
	v58 =	vadd.f32 $0.0e+00, v44;
	[tilespmem:s9+$0x17520] =	vst v2  }
0x4ee: {  	v24 =	vadd.f32 v1, v53;
	v53 =	vld [tilespmem:s8+$0xB830];
	v60 =	vadd.f32 v61, v59;
	v61 =	vmul.f32 v50, v50  }
0x4ef: {  	v63 =	vmul.f32 v49, v49;
	v1 =	vmul.f32 v39, v39;
	v39 =	vadd.f32 v57, v62;
	v57 =	vld [tilespmem:s8+$0xB870]  }
0x4f0: {  	v44 =	vmul.f32 v44, v44;
	v51 =	vld [tilespmem:s8+$0xBCD0];
	v55 =	vadd.f32 v55, v58;
	v49 =	vadd.f32 v61, v60  }
0x4f1: {  	v39 =	vadd.f32 v50, v39;
	v50 =	vld [tilespmem:s8+$0xBC30];
	v59 =	vmul.f32 v56, v11;
	v60 =	vmul.f32 v54, v12  }
0x4f2: {  	[tilespmem:v17+s6+$0x0] =	vst.idx.msk $0x1, v22;
	v18 =	vadd.f32 v18, v44;
	v1 =	vadd.f32 v63, v1;
	v44 =	vmul.f32 $3.333333430e-01, v49  }
0x4f3: {  	v39 =	vmul.f32 v39, v39;
	v49 =	vld [tilespmem:s8+$0xBC70];
	v58 =	vadd.f32 v60, v59;
	v59 =	vmul.f32 v52, v13  }
0x4f4: {  	v17 =	vadd.f32 v2, v55;
	v60 =	vmul.f32 v53, v53;
	v61 =	vmul.f32 v57, v57  }
0x4f5: {  	v62 =	vld [tilespmem:s2+$0x10];
	v15 =	vadd.f32 v57, v53;
	v16 =	vmul.f32 $8.333333580e-02, v39;
	v39 =	vadd.f32 v59, v58  }
0x4f6: {  	v58 =	vmul.f32 v51, v14;
	v60 =	vadd.f32 v61, v60;
	v61 =	vmul.f32 v50, v50  }
0x4f7: {  	v15 =	vadd.f32 v50, v15;
	v50 =	vmul.f32 v50, v13;
	v16 =	vsub.f32 v44, v16  }
0x4f8: {  	v59, _, _ =	vpop (xrf2);
	v39 =	vadd.f32 v58, v39;
	v60 =	vadd.f32 v61, v60;
	v61 =	vmul.f32 v49, v49  }
0x4f9: {  	v55 =	vmul.f32 v49, v14;
	v21 =	vbroadcast v59, $0xF;
	v44, _, _ =	vpop (xrf2);
	v59 =	vadd.f32 v49, v15  }
0x4fa: {  	v16 =	vmul.f32 v16, v16;
	v58, _, _ =	vpop (xrf2);
	v15 =	vadd.f32 v39, v62;
	v22 =	vbroadcast v44, $0xF  }
0x4fb: {  	[tilespmem:s24+$0x17530] =	vst v19;
	v62 =	vadd.f32 v61, v60;
	v39 =	vbroadcast v58, $0xF;
	v63 =	vmul.f32 v59, v59  }
0x4fc: {  	(xrf2) =	vadd.scan.msk.f32 $0xffff, v20;
	v58 =	vmul.f32 v53, v11;
	v59 =	vmul.f32 v57, v12;
	[tilespmem:v29+s4+$0x0] =	vst.idx.msk $0x1, v21  }
0x4fd: {  	v1 =	vadd.f32 v16, v1;
	v53 =	vmul.f32 v2, v2;
	v57 =	vadd.f32 v46, v45;
	[tilespmem:s0+$0x17510] =	vst v15  }
0x4fe: {  	(xrf2) =	vadd.scan.msk.f32 $0xffff, v28;
	v60 =	vmul.f32 $3.333333430e-01, v62;
	v62 =	vand.u32 $0xFFFFFFFA, v36;
	v61 =	vmul.f32 $8.333333580e-02, v63;
	v19 =	vld [tilespmem:s8+$0xB8A0]  }
0x4ff: {  	[tilespmem:v29+s5+$0x0] =	vst.idx.msk $0x1, v22;
	v63 =	vadd.f32 v59, v58;
	v44 =	vld [tilespmem:s8+$0xB8E0];
	v20 =	vbroadcast v62, $0x0;
	v18 =	vadd.f32 v53, v18  }
0x500: {  	(xrf2) =	vadd.scan.msk.f32 $0xffff, v27;
	v27 =	vld [tilespmem:s8+$0xBCA0];
	v58 =	vmul.f32 v45, v45;
	v59 =	vmul.f32 v46, v46;
	v28 =	vadd.f32 v47, v57  }
0x501: {  	v45 =	vld [tilespmem:s8+$0xBCE0];
	v62 =	vmul.f32 v47, v47;
	v16 =	vsub.f32 v60, v61;
	v2 =	vadd.f32 v50, v63  }
0x502: {  	v57 =	vmul.f32 v54, v54;
	v28 =	vadd.f32 v48, v28;
	v48 =	vmul.f32 v48, v48  }
0x503: {  	v16 =	vmul.f32 v16, v16;
	v2 =	vadd.f32 v55, v2;
	v55 =	vmul.f32 v56, v56  }
0x504: {  	v41 =	vmov s14;
	[tilespmem:v29+s6+$0x0] =	vst.idx.msk $0x1, v39;
	v28 =	vmul.f32 v28, v28;
	v60 =	vmul.f32 v19, v11  }
0x505: {  	v39 =	vadd.f32 v0, v38;
	v61 =	vmul.f32 v44, v12;
	v53 =	vmul.f32 v27, v13  }
0x506: {  	v49 =	vmul.f32 v45, v45;
	v16 =	vadd.f32 v16, v1;
	v1 =	vadd.f32 v59, v58  }
0x507: {  	v59 =	vmul.f32 v45, v14;
	v63 =	vadd.f32 v61, v60;
	v60 =	vadd.f32 v54, v56  }
0x508: {  	v58 =	vld [tilespmem:s2+$0x20];
	v21 =	vadd.f32 v57, v55;
	v28 =	vmul.f32 $8.333333580e-02, v28;
	v1 =	vadd.f32 v62, v1  }
0x509: {  	[tilespmem:s25+$0x17530] =	vst v25;
	v62 =	vmul.f32 v52, v52;
	v36 =	vadd.f32 v53, v63;
	v25 =	vadd.f32 v52, v60  }
0x50a: {  	v61, _, _ =	vpop (xrf2);
	v60 =	vadd.f32 v44, v19;
	v19 =	vmul.f32 v19, v19;
	v1 =	vadd.f32 v48, v1  }
0x50b: {  	v54 =	vld [tilespmem:s15+$0x30];
	v63 =	vbroadcast v61, $0xF;
	v53, _, _ =	vpop (xrf2);
	v21 =	vadd.f32 v62, v21;
	v36 =	vadd.f32 v59, v36  }
0x50c: {  	v61 =	vmul.f32 v44, v44;
	v44 =	vadd.f32 $0.0e+00, v43;
	v55 =	vbroadcast v53, $0xF  }
0x50d: {  	v25 =	vadd.f32 v51, v25;
	v22 =	vadd.f32 v36, v58;
	v58 =	vmul.f32 v51, v51  }
0x50e: {  	v59 =	vand.u32 $0xFFFFFFFB, v42;
	[tilespmem:v20+s4+$0x0] =	vst.idx.msk $0x1, v63;
	v63 =	vadd.f32 v27, v60;
	v19 =	vadd.f32 v61, v19  }
0x50f: {  	v56, _, _ =	vpop (xrf2);
	v27 =	vmul.f32 v27, v27;
	v25 =	vmul.f32 v25, v25;
	v21 =	vadd.f32 v58, v21;
	[tilespmem:s0+$0x17520] =	vst v22  }
0x510: {  	(xrf2) =	vadd.scan.msk.f32 $0xffff, v30;
	v57 =	vbroadcast v56, $0xF;
	v1 =	vmul.f32 $3.333333430e-01, v1;
	v2 =	vadd.f32 v2, v54;
	v62 =	vld [tilespmem:s8+$0xB8B0]  }
0x511: {  	[tilespmem:v20+s5+$0x0] =	vst.idx.msk $0x1, v55;
	v19 =	vadd.f32 v27, v19;
	v25 =	vmul.f32 $8.333333580e-02, v25;
	v46 =	vld [tilespmem:s8+$0xB8F0];
	v21 =	vmul.f32 $3.333333430e-01, v21  }
0x512: {  	v1 =	vsub.f32 v1, v28;
	v47 =	vmul.f32 v2, v2;
	v48 =	vadd.f32 v45, v63  }
0x513: {  	[tilespmem:v20+s6+$0x0] =	vst.idx.msk $0x1, v57;
	v57 =	vbroadcast v59, $0x0;
	v50 =	vld [tilespmem:s8+$0xBCB0];
	v19 =	vadd.f32 v49, v19;
	v21 =	vsub.f32 v21, v25  }
0x514: {  	v59 =	vadd.f32 v32, v35;
	v45 =	vand.u32 $0xFFFFFFFC, v40;
	v1 =	vmul.f32 v1, v1  }
0x515: {  	v17 =	vadd.f32 v2, v17;
	v51 =	vld [tilespmem:s8+$0xBCF0];
	v19 =	vmul.f32 $3.333333430e-01, v19;
	v21 =	vmul.f32 v21, v21  }
0x516: {  	v54 =	vmul.f32 v62, v62;
	v55 =	vmul.f32 v46, v46;
	v60 =	vadd.f32 v46, v62  }
0x517: {  	(xrf2) =	vadd.scan.msk.f32 $0xffff, v33;
	v25 =	vmul.f32 v48, v48;
	v52 =	vmul.f32 v62, v11;
	v1 =	vadd.f32 v21, v1  }
0x518: {  	[tilespmem:s23+$0x17530] =	vst v26;
	v58 =	vmul.f32 v50, v50;
	v21 =	vadd.f32 v55, v54;
	v35 =	vadd.f32 v50, v60  }
0x519: {  	(xrf2) =	vadd.scan.msk.f32 $0xffff, v31;
	v18 =	vadd.f32 v47, v18;
	v53 =	vmul.f32 v46, v12;
	v25 =	vmul.f32 $8.333333580e-02, v25  }
0x51a: {  	(xrf2) =	vadd.scan.msk.f32 $0xffff, v59;
	v63 =	vmul.f32 v51, v51;
	v21 =	vadd.f32 v58, v21;
	v29 =	vadd.f32 v51, v35  }
0x51b: {  	(xrf2) =	vadd.scan.msk.f32 $0xffff, v37;
	v61 =	vmul.f32 v50, v13;
	v62, _, _ =	vpop (xrf2);
	v56 =	vadd.f32 v53, v52;
	v19 =	vsub.f32 v19, v25  }
0x51c: {  	v42 =	vld [tilespmem:s2+$0x30];
	(xrf2) =	vadd.scan.msk.f32 $0xffff, v34;
	v25 =	vbroadcast v62, $0xF;
	v21 =	vadd.f32 v63, v21;
	v29 =	vmul.f32 v29, v29  }
0x51d: {  	(xrf2) =	vadd.scan.msk.f32 $0xffff, v39;
	v46 =	vmul.f32 v43, v43;
	v28 =	vmul.f32 v51, v14;
	v20 =	vadd.f32 v61, v56  }
0x51e: {  	(xrf2) =	vadd.scan.msk.f32 $0xffff, v24;
	[tilespmem:v57+s4+$0x0] =	vst.idx.msk $0x1, v25;
	v21 =	vmul.f32 $3.333333430e-01, v21;
	v48 =	vmul.f32 $8.333333580e-02, v29  }
0x51f: {  	v25 =	vadd.f32 v15, v44;
	v15 =	vmul.f32 v15, v15;
	v20 =	vadd.f32 v28, v20  }
0x520: {  	v47 =	vbroadcast v45, $0x0;
	v19 =	vmul.f32 v19, v19;
	v21 =	vsub.f32 v21, v48  }
0x521: {  	v36, _, _ =	vpop (xrf2);
	(xrf2) =	vadd.scan.msk.f32 $0xffff, v23;
	v50 =	vmul.f32 v22, v22;
	v15 =	vadd.f32 v15, v46;
	v20 =	vadd.f32 v20, v42  }
0x522: {  	(xrf2) =	vadd.scan.msk.f32 $0xffff, v17;
	v51 =	vadd.f32 v22, v25;
	v1 =	vadd.f32 v19, v1;
	v21 =	vmul.f32 v21, v21  }
0x523: {  	v30 =	vbroadcast v36, $0xF;
	v49, _, _ =	vpop (xrf2);
	(xrf2) =	vadd.scan.msk.f32 $0xffff, v18;
	v15 =	vadd.f32 v50, v15;
	v53 =	vmul.f32 v20, v20  }
0x524: {  	v52 =	vbroadcast v49, $0xF;
	v54, _, _ =	vpop (xrf2);
	v17 =	vadd.f32 v20, v51;
	v1 =	vadd.f32 v21, v1  }
0x525: {  	v55 =	vand.u32 $0xFFFFFFFD, v41;
	[tilespmem:v57+s5+$0x0] =	vst.idx.msk $0x1, v30;
	(xrf2) =	vadd.scan.msk.f32 $0xffff, v16;
	v56, _, _ =	vpop (xrf2);
	v15 =	vadd.f32 v53, v15  }
0x526: {  	v16 =	vbroadcast v55, $0x0;
	[tilespmem:v57+s6+$0x0] =	vst.idx.msk $0x1, v52;
	v57, _, _ =	vpop (xrf2);
	(xrf2) =	vadd.scan.msk.f32 $0xffff, v17  }
0x527: {  	[tilespmem:s26+$0x17530] =	vst v32;
	v58, _, _ =	vpop (xrf2);
	(xrf2) =	vadd.scan.msk.f32 $0xffff, v15  }
0x528: {  	[tilespmem:s30+$0x17530] =	vst v0;
	v19 =	vbroadcast v54, $0xF;
	v15 =	vmov s31;
	(xrf2) =	vadd.scan.msk.f32 $0xffff, v1;
	v1, _, _ =	vpop (xrf2)  }
0x529: {  	[tilespmem:s9+$0x17530] =	vst v2;
	v18 =	vbroadcast v56, $0xF;
	v15 =	vand.u32 $0xFFFFFFFE, v15;
	v0 =	vbroadcast v1, $0xF  }
0x52a: {  	[tilespmem:v47+s4+$0x0] =	vst.idx.msk $0x1, v19;
	v59 =	vbroadcast v58, $0xF;
	v15 =	vbroadcast v15, $0x0  }
0x52b: {  	[tilespmem:v47+s5+$0x0] =	vst.idx.msk $0x1, v18;
	v60, _, _ =	vpop (xrf2)  }
0x52c: {  	[tilespmem:v16+s4+$0x0] =	vst.idx.msk $0x1, v59;
	v1 =	vbroadcast v60, $0xF;
	v61, _, _ =	vpop (xrf2)  }
0x52d: {  	[tilespmem:v16+s5+$0x0] =	vst.idx.msk $0x1, v0;
	v0, _, _ =	vpop (xrf2)  }
0x52e: {  	[tilespmem:v16+s6+$0x0] =	vst.idx.msk $0x1, v1;
	v1 =	vbroadcast v61, $0xF;
	v0 =	vbroadcast v0, $0xF  }
0x52f: {  	v2 =	vmov s17;
	[tilespmem:s0+$0x17530] =	vst v20;
	v62, _, _ =	vpop (xrf2)  }
0x530: {  	[tilespmem:v15+s4+$0x0] =	vst.idx.msk $0x1, v1;
	v1 =	vbroadcast v62, $0xF  }
0x531: {  	p1 =	slt.u32 s29, $0x78;
	v17 =	vbroadcast v57, $0xF;
	v63, _, _ =	vpop (xrf2);
	[tilespmem:v15+s5+$0x0] =	vst.idx.msk $0x1, v0  }
.Ltmp10:
0x532: {  	[tilespmem:v15+s6+$0x0] =	vst.idx.msk $0x1, v1;
	v1 =	vbroadcast v63, $0xF;
	v0, _, _ =	vpop (xrf2);
	(pc) =	sbr.rel @p1 .LBB2_16-.Ltmp10, $4  }
0x533: {  	[tilespmem:v47+s6+$0x0] =	vst.idx.msk $0x1, v17;
	v0 =	vbroadcast v0, $0xF;
	v15, _, _ =	vpop (xrf2)  }
0x534: {  	s13 =	simm.s32 $0x1B710;
	s14 =	simm.s32 $0x1B690;
	[tilespmem:v2+s4+$0x0] =	vst.idx.msk $0x1, v1;
	v1 =	vbroadcast v15, $0xF  }
0x535: {  	s9 =	simm.s32 $0x1B790;
	s2 =	simm.s32 $0x1B510;
	s31 =	sadd.s32 $0x8, s29;
	[tilespmem:v2+s5+$0x0] =	vst.idx.msk $0x1, v0  }
0x536: {  	s8 =	simm.s32 $0x1B810;
	s0 =	simm.s32 $0x1B610;
	s29 =	smov.u32 s31;
	[tilespmem:v2+s6+$0x0] =	vst.idx.msk $0x1, v1  }
0x537: {  	v0 =	vld [tilespmem:s14+$0x0];
	_ =	sdelay $0x1  }
0x538: {  	v1 =	vld [tilespmem:s13+$0x0];
	_ =	sdelay $0x2  }
0x539: {  	v2 =	vld [tilespmem:s14+$0xFFFFFFF0];
	v0 =	vmul.f32 $1.562500000e-02, v0;
	_ =	sdelay $0x1  }
0x53a: {  	v15 =	vld [tilespmem:s13+$0xFFFFFFF0];
	v1 =	vmul.f32 $1.562500000e-02, v1;
	v16 =	vmul.f32 v0, v0;
	_ =	sdelay $0x1  }
0x53b: {  	v1 =	vsub.f32 v1, v16  }
0x53c: {  	v2 =	vmul.f32 $1.562500000e-02, v2  }
0x53d: {  	v1 =	vmax.f32 v1, $0.0e+00  }
0x53e: {  	v15 =	vmul.f32 $1.562500000e-02, v15;
	v16 =	vmul.f32 v2, v2;
	v1 =	vadd.f32 $9.999999960e-13, v1;
	_ =	sdelay $0x1  }
0x53f: {  	v15 =	vsub.f32 v15, v16;
	v16 =	vshrl.u32 v1, $0x1;
	v1 =	vmul.f32 $5.000000000e-01, v1  }
0x540: {  	v16 =	vsub.s32 $0x5F3759DF, v16  }
0x541: {  	v15 =	vmax.f32 v15, $0.0e+00;
	v17 =	vmul.f32 v16, v1  }
0x542: {  	v15 =	vadd.f32 $9.999999960e-13, v15  }
0x543: {  	v17 =	vmul.f32 v16, v17  }
0x544: {  	v18 =	vshrl.u32 v15, $0x1;
	v15 =	vmul.f32 $5.000000000e-01, v15  }
0x545: {  	v18 =	vsub.s32 $0x5F3759DF, v18;
	v17 =	vsub.f32 $1.500000000e+00, v17  }
0x546: {  	v19 =	vmul.f32 v18, v15  }
0x547: {  	s29 =	simm.s32 $0x1B6B0;
	v16 =	vmul.f32 v16, v17  }
0x548: {  	s30 =	simm.s32 $0x1B730;
	v17 =	vmul.f32 v18, v19;
	v19 =	vld [tilespmem:s29+$0x0]  }
0x549: {  	v20 =	vld [tilespmem:s30+$0x0];
	v1 =	vmul.f32 v16, v1  }
0x54a: {  	v17 =	vsub.f32 $1.500000000e+00, v17  }
0x54b: {  	v21 =	vld [tilespmem:s29+$0xFFFFFFF0];
	v1 =	vmul.f32 v1, v16  }
0x54c: {  	v17 =	vmul.f32 v18, v17  }
0x54d: {  	v18 =	vld [tilespmem:s30+$0xFFFFFFF0];
	v19 =	vmul.f32 $1.562500000e-02, v19;
	v1 =	vsub.f32 $1.500000000e+00, v1  }
0x54e: {  	v20 =	vmul.f32 $1.562500000e-02, v20;
	v15 =	vmul.f32 v17, v15  }
0x54f: {  	v22 =	vmul.f32 v19, v19;
	v1 =	vmul.f32 v1, v16  }
0x550: {  	v21 =	vmul.f32 $1.562500000e-02, v21;
	[tilespmem:s9+$0x0] =	vst v0  }
0x551: {  	v0 =	vmul.f32 v15, v17;
	v15 =	vsub.f32 v20, v22;
	[tilespmem:s8+$0x0] =	vst v1  }
0x552: {  	v16 =	vmul.f32 v21, v21;
	v1 =	vmul.f32 $1.562500000e-02, v18;
	v20 =	vld [tilespmem:s2+$0x0]  }
0x553: {  	v0 =	vsub.f32 $1.500000000e+00, v0;
	v15 =	vmax.f32 v15, $0.0e+00  }
0x554: {  	v1 =	vsub.f32 v1, v16;
	v15 =	vadd.f32 $9.999999960e-13, v15  }
0x555: {  	v0 =	vmul.f32 v0, v17  }
0x556: {  	[tilespmem:s9+$0xFFFFFFF0] =	vst v2;
	v1 =	vmax.f32 v1, $0.0e+00;
	v2 =	vshrl.u32 v15, $0x1;
	v16 =	vmul.f32 $5.000000000e-01, v15  }
0x557: {  	v1 =	vadd.f32 $9.999999960e-13, v1;
	v2 =	vsub.s32 $0x5F3759DF, v2;
	v15 =	vmax.f32 v20, $1.000000000e-30  }
0x558: {  	[tilespmem:s8+$0xFFFFFFF0] =	vst v0;
	v0 =	vmul.f32 v2, v16;
	v17 =	vshrl.u32 v15, $0x1;
	v18 =	vmul.f32 $5.000000000e-01, v15  }
0x559: {  	v15 =	vld [tilespmem:s2+$0xFFFFFFF0];
	v22 =	vshrl.u32 v1, $0x1;
	v1 =	vmul.f32 $5.000000000e-01, v1;
	v17 =	vsub.s32 $0x5F3759DF, v17  }
0x55a: {  	v22 =	vsub.s32 $0x5F3759DF, v22;
	v0 =	vmul.f32 v2, v0;
	v23 =	vmul.f32 v17, v18  }
0x55b: {  	v24 =	vmul.f32 v22, v1  }
0x55c: {  	v0 =	vsub.f32 $1.500000000e+00, v0;
	v23 =	vmul.f32 v17, v23  }
0x55d: {  	s31 =	simm.s32 $0x1B6D0;
	v24 =	vmul.f32 v22, v24  }
0x55e: {  	v26 =	vld [tilespmem:s31+$0x0];
	s2 =	simm.s32 $0x1B750;
	v25 =	vmax.f32 v15, $1.000000000e-30;
	v0 =	vmul.f32 v2, v0;
	v2 =	vsub.f32 $1.500000000e+00, v23  }
0x55f: {  	v27 =	vld [tilespmem:s2+$0x0];
	v23 =	vshrl.u32 v25, $0x1;
	v25 =	vmul.f32 $5.000000000e-01, v25;
	v24 =	vsub.f32 $1.500000000e+00, v24  }
0x560: {  	v23 =	vsub.s32 $0x5F3759DF, v23;
	v16 =	vmul.f32 v0, v16;
	v2 =	vmul.f32 v17, v2  }
0x561: {  	v28 =	vld [tilespmem:s31+$0xFFFFFFF0];
	v17 =	vmul.f32 v23, v25;
	v22 =	vmul.f32 v22, v24  }
0x562: {  	v24 =	vld [tilespmem:s2+$0xFFFFFFF0];
	v16 =	vmul.f32 v16, v0;
	v18 =	vmul.f32 v2, v18  }
0x563: {  	v29 =	vmul.f32 v23, v17;
	v1 =	vmul.f32 v22, v1  }
0x564: {  	v17 =	vmul.f32 $1.562500000e-02, v26;
	v26 =	vmul.f32 $1.562500000e-02, v27;
	v16 =	vsub.f32 $1.500000000e+00, v16  }
0x565: {  	v18 =	vmul.f32 v18, v2;
	v1 =	vmul.f32 v1, v22  }
0x566: {  	s8 =	simm.s32 $0x1B7B0;
	v27 =	vsub.f32 $1.500000000e+00, v29;
	v29 =	vmul.f32 v17, v17;
	v0 =	vmul.f32 v16, v0  }
0x567: {  	s9 =	simm.s32 $0x1B830;
	[tilespmem:s8+$0x0] =	vst v19;
	v24 =	vmul.f32 $1.562500000e-02, v24;
	v16 =	vsub.f32 $1.500000000e+00, v18;
	v18 =	vmul.f32 $1.562500000e-02, v28  }
0x568: {  	s13 =	simm.s32 $0x1B530;
	v1 =	vsub.f32 $1.500000000e+00, v1;
	v19 =	vsub.f32 v26, v29;
	[tilespmem:s9+$0x0] =	vst v0;
	v0 =	vmul.f32 v23, v27  }
0x569: {  	v2 =	vmul.f32 v16, v2;
	v23 =	vmul.f32 v18, v18;
	v16 =	vld [tilespmem:s13+$0x0]  }
0x56a: {  	v1 =	vmul.f32 v1, v22;
	v19 =	vmax.f32 v19, $0.0e+00;
	v22 =	vmul.f32 v0, v25  }
0x56b: {  	[tilespmem:s8+$0xFFFFFFF0] =	vst v21;
	v21 =	vsub.f32 v24, v23;
	v23 =	vadd.f32 $9.999999960e-13, v19  }
0x56c: {  	v2 =	vmul.f32 v2, v20;
	[tilespmem:s9+$0xFFFFFFF0] =	vst v1;
	v1 =	vmul.f32 v22, v0  }
0x56d: {  	v19 =	vld [tilespmem:s13+$0xFFFFFFF0];
	v20 =	vmax.f32 v21, $0.0e+00;
	v21 =	vshrl.u32 v23, $0x1;
	v25 =	vmul.f32 $5.000000000e-01, v23  }
0x56e: {  	v20 =	vadd.f32 $9.999999960e-13, v20;
	v24 =	vsub.s32 $0x5F3759DF, v21;
	v21 =	vmax.f32 v16, $1.000000000e-30  }
0x56f: {  	v22 =	vmul.f32 v24, v25;
	v23 =	vshrl.u32 v21, $0x1;
	v21 =	vmul.f32 $5.000000000e-01, v21  }
0x570: {  	v27 =	vshrl.u32 v20, $0x1;
	v26 =	vmul.f32 $5.000000000e-01, v20;
	v23 =	vsub.s32 $0x5F3759DF, v23  }
0x571: {  	v27 =	vsub.s32 $0x5F3759DF, v27;
	v20 =	vmul.f32 v24, v22;
	v22 =	vmul.f32 v23, v21  }
0x572: {  	v1 =	vsub.f32 $1.500000000e+00, v1;
	v29 =	vmax.f32 v19, $1.000000000e-30;
	v28 =	vmul.f32 v27, v26  }
0x573: {  	v31 =	vsub.f32 $1.500000000e+00, v20;
	v20 =	vshrl.u32 v29, $0x1;
	v32 =	vmul.f32 v23, v22  }
0x574: {  	v30 =	vmul.f32 v27, v28;
	v22 =	vsub.s32 $0x5F3759DF, v20;
	v20 =	vmul.f32 $5.000000000e-01, v29  }
0x575: {  	s14 =	simm.s32 $0x4;
	s15 =	simm.s32 $0x1B6F0;
	[tilespmem:s0+$0x0] =	vst v2;
	v28 =	vmul.f32 v24, v31;
	v29 =	vsub.f32 $1.500000000e+00, v32;
	v24 =	vmul.f32 v1, v0  }
.LBB2_18:
0x576: {  	v0 =	vld [tilespmem:s15+$0x0];
	s14 =	sadd.s32 $0x2, s14;
	v1 =	vsub.f32 $1.500000000e+00, v30;
	s2 =	sadd.s32 $0x20, s2;
	v2 =	vmul.f32 v22, v20  }
0x577: {  	v30 =	vld [tilespmem:s2+$0x0];
	p1 =	slt.u32 s14, $0x6;
	v25 =	vmul.f32 v28, v25;
	v23 =	vmul.f32 v23, v29  }
0x578: {  	v29 =	vld [tilespmem:s15+$0xFFFFFFF0];
	v1 =	vmul.f32 v27, v1;
	v2 =	vmul.f32 v22, v2  }
0x579: {  	v27 =	vld [tilespmem:s2+$0xFFFFFFF0];
	v25 =	vmul.f32 v25, v28;
	v21 =	vmul.f32 v23, v21  }
0x57a: {  	v24 =	vmul.f32 v24, v15;
	v15 =	vmovc v19;
	v26 =	vmul.f32 v1, v26;
	v2 =	vsub.f32 $1.500000000e+00, v2  }
0x57b: {  	v0 =	vmul.f32 $1.562500000e-02, v0;
	v19 =	vsub.f32 $1.500000000e+00, v25;
	v21 =	vmul.f32 v21, v23  }
0x57c: {  	v25 =	vmul.f32 $1.562500000e-02, v30;
	v26 =	vmul.f32 v26, v1;
	[tilespmem:s0+$0xFFFFFFF0] =	vst v24  }
0x57d: {  	s8 =	sadd.s32 $0x20, s8;
	v24 =	vmul.f32 v0, v0;
	v19 =	vmul.f32 v19, v28;
	v21 =	vsub.f32 $1.500000000e+00, v21  }
0x57e: {  	s9 =	sadd.s32 $0x20, s9;
	v28 =	vmul.f32 $1.562500000e-02, v29;
	v27 =	vmul.f32 $1.562500000e-02, v27;
	v26 =	vsub.f32 $1.500000000e+00, v26;
	[tilespmem:s8+$0x0] =	vst v17;
	v17 =	vmovc v0  }
0x57f: {  	s13 =	sadd.s32 $0x20, s13;
	v2 =	vmul.f32 v22, v2;
	v0 =	vsub.f32 v25, v24;
	[tilespmem:s9+$0x0] =	vst v19;
	v19 =	vmul.f32 v21, v23  }
0x580: {  	v21 =	vmul.f32 v28, v28;
	[tilespmem:s8+$0xFFFFFFF0] =	vst v18;
	v1 =	vmul.f32 v26, v1;
	v22 =	vld [tilespmem:s13+$0x0];
	v18 =	vmov v28  }
0x581: {  	v20 =	vmul.f32 v2, v20;
	v0 =	vmax.f32 v0, $0.0e+00;
	v16 =	vmul.f32 v19, v16  }
0x582: {  	s0 =	sadd.s32 $0x20, s0;
	v21 =	vsub.f32 v27, v21;
	v0 =	vadd.f32 $9.999999960e-13, v0;
	[tilespmem:s9+$0xFFFFFFF0] =	vst v1  }
0x583: {  	v1 =	vmul.f32 v20, v2;
	v19 =	vld [tilespmem:s13+$0xFFFFFFF0];
	[tilespmem:s0+$0x0] =	vst v16  }
0x584: {  	v21 =	vmax.f32 v21, $0.0e+00;
	v20 =	vshrl.u32 v0, $0x1;
	v25 =	vmul.f32 $5.000000000e-01, v0  }
0x585: {  	v0 =	vadd.f32 $9.999999960e-13, v21;
	v24 =	vsub.s32 $0x5F3759DF, v20;
	v20 =	vmax.f32 v22, $1.000000000e-30;
	v16 =	vmovc v22  }
0x586: {  	v22 =	vmul.f32 v24, v25;
	v23 =	vshrl.u32 v20, $0x1;
	v21 =	vmul.f32 $5.000000000e-01, v20  }
0x587: {  	v20 =	vshrl.u32 v0, $0x1;
	v26 =	vmul.f32 $5.000000000e-01, v0;
	v23 =	vsub.s32 $0x5F3759DF, v23  }
.Ltmp11:
0x588: {  	v27 =	vsub.s32 $0x5F3759DF, v20;
	v0 =	vmul.f32 v24, v22;
	v20 =	vmul.f32 v23, v21;
	(pc) =	sbr.rel @p1 .LBB2_18-.Ltmp11, $4  }
0x589: {  	v1 =	vsub.f32 $1.500000000e+00, v1;
	v22 =	vmul.f32 v27, v26;
	v28 =	vmax.f32 v19, $1.000000000e-30  }
0x58a: {  	v29 =	vshrl.u32 v28, $0x1;
	v0 =	vsub.f32 $1.500000000e+00, v0;
	v31 =	vmul.f32 v23, v20  }
0x58b: {  	v30 =	vmul.f32 v27, v22;
	v22 =	vsub.s32 $0x5F3759DF, v29;
	v20 =	vmul.f32 $5.000000000e-01, v28  }
0x58c: {  	s15 =	sadd.s32 $0x20, s15;
	v28 =	vmul.f32 v24, v0;
	v29 =	vsub.f32 $1.500000000e+00, v31;
	v24 =	vmul.f32 v1, v2  }
0x58d: {  	v0 =	vsub.f32 $1.500000000e+00, v30;
	_ =	sdelay $0x1  }
0x58e: {  	v0 =	vmul.f32 v27, v0  }
0x58f: {  	v1 =	vmul.f32 v28, v25  }
0x590: {  	v2 =	vmul.f32 v0, v26  }
0x591: {  	v1 =	vmul.f32 v1, v28  }
0x592: {  	v2 =	vmul.f32 v2, v0  }
0x593: {  	v1 =	vsub.f32 $1.500000000e+00, v1  }
0x594: {  	s2 =	sadd.s32 $0x20, s8;
	v2 =	vsub.f32 $1.500000000e+00, v2  }
0x595: {  	[tilespmem:s2+$0x0] =	vst v17;
	v1 =	vmul.f32 v1, v28  }
0x596: {  	s14 =	sadd.s32 $0x20, s9;
	[tilespmem:s2+$0xFFFFFFF0] =	vst v18;
	v0 =	vmul.f32 v2, v0  }
0x597: {  	s15 =	sadd.s32 $0x20, s13;
	[tilespmem:s14+$0x0] =	vst v1  }
0x598: {  	v1 =	vld [tilespmem:s15+$0x0];
	[tilespmem:s14+$0xFFFFFFF0] =	vst v0  }
0x599: {  	v0 =	vld [tilespmem:s15+$0xFFFFFFF0];
	_ =	sdelay $0x3  }
0x59a: {  	v2 =	vmul.f32 v22, v20;
	v17 =	vmax.f32 v1, $1.000000000e-30  }
0x59b: {  	v18 =	vshrl.u32 v17, $0x1;
	v17 =	vmul.f32 $5.000000000e-01, v17;
	v25 =	vmax.f32 v0, $1.000000000e-30  }
0x59c: {  	v18 =	vsub.s32 $0x5F3759DF, v18;
	v26 =	vshrl.u32 v25, $0x1;
	v25 =	vmul.f32 $5.000000000e-01, v25  }
0x59d: {  	v27 =	vmul.f32 v18, v17;
	v26 =	vsub.s32 $0x5F3759DF, v26  }
0x59e: {  	v2 =	vmul.f32 v22, v2;
	v28 =	vmul.f32 v26, v25  }
0x59f: {  	v27 =	vmul.f32 v18, v27  }
0x5a0: {  	v2 =	vsub.f32 $1.500000000e+00, v2;
	v28 =	vmul.f32 v26, v28  }
0x5a1: {  	v23 =	vmul.f32 v23, v29;
	v27 =	vsub.f32 $1.500000000e+00, v27  }
0x5a2: {  	v2 =	vmul.f32 v22, v2;
	v22 =	vsub.f32 $1.500000000e+00, v28  }
0x5a3: {  	v21 =	vmul.f32 v23, v21;
	v18 =	vmul.f32 v18, v27  }
0x5a4: {  	v20 =	vmul.f32 v2, v20;
	v22 =	vmul.f32 v26, v22  }
0x5a5: {  	v21 =	vmul.f32 v21, v23;
	v17 =	vmul.f32 v18, v17  }
0x5a6: {  	v20 =	vmul.f32 v20, v2;
	v25 =	vmul.f32 v22, v25  }
0x5a7: {  	v21 =	vsub.f32 $1.500000000e+00, v21;
	v17 =	vmul.f32 v17, v18  }
0x5a8: {  	v20 =	vsub.f32 $1.500000000e+00, v20;
	v25 =	vmul.f32 v25, v22  }
0x5a9: {  	v21 =	vmul.f32 v21, v23;
	v17 =	vsub.f32 $1.500000000e+00, v17  }
0x5aa: {  	v15 =	vmul.f32 v24, v15;
	v2 =	vmul.f32 v20, v2;
	v20 =	vsub.f32 $1.500000000e+00, v25  }
0x5ab: {  	v16 =	vmul.f32 v21, v16;
	v17 =	vmul.f32 v17, v18  }
0x5ac: {  	s16 =	sadd.s32 $0x20, s0;
	[tilespmem:s0+$0xFFFFFFF0] =	vst v15;
	v2 =	vmul.f32 v2, v19;
	v15 =	vmul.f32 v20, v22  }
0x5ad: {  	[tilespmem:s16+$0x0] =	vst v16;
	v1 =	vmul.f32 v17, v1  }
0x5ae: {  	s0 =	sadd.s32 $0x20, s16;
	[tilespmem:s16+$0xFFFFFFF0] =	vst v2;
	v0 =	vmul.f32 v15, v0  }
0x5af: {  	[tilespmem:s0+$0x0] =	vst v1  }
0x5b0: {  	s8 =	simm.s32 $0x17700;
	[tilespmem:s0+$0xFFFFFFF0] =	vst v0  }
0x5b1: {  	v0 =	vld [tilespmem:s8+$0x20]  }
0x5b2: {  	v1 =	vld [tilespmem:s8+$0x110]  }
0x5b3: {  	v2 =	vld [tilespmem:s8+$0x100]  }
0x5b4: {  	v19 =	vld [tilespmem:s8+$0x120]  }
0x5b5: {  	v30 =	vld [tilespmem:s8+$0xFFFFFFB0]  }
0x5b6: {  	v16 =	vld [tilespmem:s8+$0x190]  }
0x5b7: {  	v33 =	vld [tilespmem:s8+$0xFFFFFE00]  }
0x5b8: {  	s25 =	simm.s32 $0x6;
	v22 =	vld [tilespmem:s8+$0x90]  }
0x5b9: {  	v23 =	vmov s25;
	v18 =	vld [tilespmem:s8+$0x1B0]  }
0x5ba: {  	s23 =	simm.s32 $0x7;
	v23 =	vand.u32 $0xFFFFFFFE, v23;
	v20 =	vld [tilespmem:s8+$0x180]  }
0x5bb: {  	v23 =	vbroadcast v23, $0x0;
	v27 =	vmov s23;
	v21 =	vld [tilespmem:s8+$0x80]  }
0x5bc: {  	s24 =	simm.s32 $0x2;
	v32 =	vld [tilespmem:s8+$0xFFFFFEB0]  }
0x5bd: {  	v17 =	vmov s24;
	v34 =	vld [tilespmem:s8+$0xFFFFFE20]  }
0x5be: {  	s17 =	simm.s32 $0x4;
	v17 =	vand.u32 $0xFFFFFFFA, v17;
	v24 =	vld [tilespmem:s8+$0xFFFFFF00]  }
0x5bf: {  	v17 =	vbroadcast v17, $0x0;
	v15 =	vmov s17;
	v28 =	vld [tilespmem:s8+$0x0]  }
0x5c0: {  	v15 =	vand.u32 $0xFFFFFFFC, v15;
	v35 =	vld.idx.msk [tilespmem:v27+s7+$0x0], $0xffff  }
0x5c1: {  	v15 =	vbroadcast v15, $0x0;
	v29 =	vld.idx.msk [tilespmem:v23+s7+$0x0], $0xffff  }
0x5c2: {  	v23 =	vld.idx.msk [tilespmem:v23+s20+$0x0], $0xffff  }
0x5c3: {  	s26 =	simm.s32 $0x5;
	v43 =	vld [tilespmem:s8+$0x130]  }
0x5c4: {  	s31 =	simm.s32 $0x3;
	v25 =	vmov s26;
	v45 =	vld [tilespmem:s8+$0xFFFFFF20]  }
0x5c5: {  	v26 =	vmov s31;
	v25 =	vand.u32 $0xFFFFFFFD, v25;
	v38 =	vld.idx.msk [tilespmem:v17+s20+$0x0], $0xffff  }
0x5c6: {  	s30 =	simm.s32 $0x1;
	v26 =	vand.u32 $0xFFFFFFFB, v26;
	v25 =	vbroadcast v25, $0x0;
	v39 =	vld.idx.msk [tilespmem:v17+s7+$0x0], $0xffff  }
0x5c7: {  	s29 =	simm.s32 $0x0;
	v42 =	vbroadcast v26, $0x0;
	v17 =	vmov s30;
	v37 =	vld.idx.msk [tilespmem:v15+s20+$0x0], $0xffff;
	v46 =	vsub.f32 v18, v35  }
0x5c8: {  	v36 =	vld.idx.msk [tilespmem:v15+s7+$0x0], $0xffff;
	v15 =	vmov s29;
	v18 =	vsub.f32 v20, v35;
	v2 =	vsub.f32 v2, v29  }
0x5c9: {  	v50 =	vld [tilespmem:s8+$0xFFFFFF30];
	v1 =	vsub.f32 v1, v29;
	v51 =	vmul.f32 v23, v4;
	v15 =	vand.u32 $0xFFFFFFF8, v15  }
0x5ca: {  	v31 =	vld [tilespmem:s8+$0xFFFFFE10];
	v43 =	vsub.f32 v43, v29;
	v40 =	vbroadcast v15, $0x0;
	v15 =	vand.u32 $0xFFFFFFF9, v17  }
0x5cb: {  	v49 =	vld [tilespmem:s8+$0x10];
	v20 =	vsub.f32 v24, v39;
	v24 =	vsub.f32 v19, v29;
	v55 =	vmul.f32 v38, v5  }
0x5cc: {  	v17 =	vld.idx.msk [tilespmem:v25+s7+$0x0], $0xffff;
	v45 =	vsub.f32 v45, v39;
	v61 =	vmul.f32 v38, v6;
	v1 =	vmul.f32 v1, v51  }
0x5cd: {  	v41 =	vbroadcast v15, $0x0;
	v15 =	vld.idx.msk [tilespmem:v25+s20+$0x0], $0xffff;
	v25 =	vsub.f32 v16, v35;
	v16 =	vmul.f32 v38, v3  }
0x5ce: {  	v54 =	vld [tilespmem:s8+$0x30];
	v38 =	vmul.f32 v38, v4;
	v45 =	vmul.f32 v45, v55;
	v55 =	vsub.f32 v50, v39  }
0x5cf: {  	v52 =	vld [tilespmem:s8+$0xFFFFFF10];
	v1 =	vadd.f32 v1, v8;
	v0 =	vsub.f32 v0, v36;
	v44 =	vmul.f32 v37, v4  }
0x5d0: {  	v63 =	vld [tilespmem:s8+$0xFFFFFE30];
	v26 =	vmul.f32 v37, v6;
	v48 =	vsub.f32 v28, v36;
	v53 =	vmul.f32 v37, v3  }
0x5d1: {  	v16 =	vmul.f32 v20, v16;
	v19 =	vsub.f32 v21, v17;
	v21 =	vmul.f32 v23, v3;
	v47 =	vld.idx.msk [tilespmem:v40+s7+$0x0], $0xffff  }
0x5d2: {  	v59 =	vld [tilespmem:s8+$0x1A0];
	v28 =	vmul.f32 v23, v5;
	v62 =	vsub.f32 v49, v36;
	v53 =	vmul.f32 v48, v53  }
0x5d3: {  	v36 =	vsub.f32 v54, v36;
	v56 =	vld.idx.msk [tilespmem:v40+s20+$0x0], $0xffff;
	v29 =	vmul.f32 v2, v21;
	v2 =	vmul.f32 v23, v6  }
0x5d4: {  	v44 =	vmul.f32 v62, v44;
	v40 =	vmul.f32 v55, v61;
	v21 =	vld.idx.msk [tilespmem:v42+s20+$0x0], $0xffff;
	v23 =	vsub.f32 v22, v17  }
0x5d5: {  	v22 =	vld.idx.msk [tilespmem:v27+s20+$0x0], $0xffff;
	v27 =	vsub.f32 v52, v39;
	v39 =	vadd.f32 v45, v9;
	v2 =	vmul.f32 v43, v2  }
0x5d6: {  	v62 =	vld [tilespmem:s8+$0xFFFFFE80];
	v20 =	vmul.f32 v15, v3;
	v48 =	vadd.f32 v40, v10;
	v57 =	vsub.f32 v31, v47  }
0x5d7: {  	v58 =	vmul.f32 v27, v38;
	v27 =	vld.idx.msk [tilespmem:v42+s7+$0x0], $0xffff;
	v2 =	vadd.f32 v2, v10;
	v50 =	vsub.f32 v34, v47  }
0x5d8: {  	v31 =	vld.idx.msk [tilespmem:v41+s20+$0x0], $0xffff;
	v52 =	vmul.f32 v56, v5;
	v60 =	vsub.f32 v63, v47;
	v61 =	vmul.f32 v56, v6  }
0x5d9: {  	v41 =	vld.idx.msk [tilespmem:v41+s7+$0x0], $0xffff;
	v42 =	vadd.f32 v58, v8;
	v63 =	vmul.f32 v37, v5;
	v51 =	vmul.f32 v21, v4  }
0x5da: {  	v33 =	vsub.f32 v33, v47;
	v58 =	vld [tilespmem:s8+$0xFFFFFE90];
	v40 =	vmul.f32 v21, v6;
	v47 =	vmul.f32 v60, v61  }
0x5db: {  	[tilespmem:s8+$0xFFFFFF30] =	vst v48;
	v34 =	vsub.f32 v59, v35;
	v59 =	vld [tilespmem:s8+$0xFFFFFEA0];
	v0 =	vmul.f32 v0, v63;
	v61 =	vmul.f32 v56, v3  }
0x5dc: {  	v43 =	vmul.f32 v22, v5;
	[tilespmem:s8+$0x130] =	vst v2;
	v2 =	vld [tilespmem:s8+$0xFFFFFF90];
	v60 =	vadd.f32 v44, v8;
	v48 =	vsub.f32 v30, v27  }
0x5dd: {  	[tilespmem:s8+$0x110] =	vst v1;
	v37 =	vadd.f32 v47, v10;
	v0 =	vadd.f32 v0, v9;
	v1 =	vmul.f32 v33, v61  }
0x5de: {  	p1 =	por $0x1, $0x1;
	[tilespmem:s8+$0xFFFFFF20] =	vst v39;
	v38 =	vmul.f32 v31, v4;
	v44 =	vmul.f32 v31, v3;
	v45 =	vsub.f32 v62, v41  }
.Ltmp12:
0x5df: {  	[tilespmem:s8+$0xFFFFFF10] =	vst v42;
	v62 =	vmul.f32 v22, v6;
	v49 =	vsub.f32 v58, v41;
	v42 =	vsub.f32 v32, v41;
	(pc) =	sbr.rel @!p1 .LBB2_21-.Ltmp12, $4  }
0x5e0: {  	v39 =	vld [tilespmem:s8+$0xB0];
	v47 =	vmul.f32 v31, v5;
	v35 =	vsub.f32 v59, v41;
	[tilespmem:s8+$0x20] =	vst v0;
	v0 =	vadd.f32 v1, v7  }
0x5e1: {  	[tilespmem:s8+$0x10] =	vst v60;
	v41 =	vld [tilespmem:s8+$0xFFFFFF80];
	v1 =	vmul.f32 v56, v4;
	v2 =	vsub.f32 v2, v27;
	v63 =	vmul.f32 v46, v62  }
0x5e2: {  	v32 =	vmul.f32 v50, v52;
	v52 =	vadd.f32 v53, v7;
	v50 =	vld [tilespmem:s8+$0xA0];
	v53 =	vmul.f32 v22, v4;
	[tilespmem:s8+$0xFFFFFE30] =	vst v37  }
0x5e3: {  	s9 =	simm.s32 $0x17B00;
	s0 =	simm.s32 $0x8;
	v37 =	vld [tilespmem:s8+$0xFFFFFFA0];
	[tilespmem:s8+$0xFFFFFE00] =	vst v0;
	v30 =	vmul.f32 v2, v51;
	v33 =	vadd.f32 v63, v10;
	v51 =	vmul.f32 v57, v1  }
.LBB2_20:
0x5e4: {  	s2 =	sadd.s32 $0x1, s0;
	s14 =	sadd.s32 $0x2, s0;
	s13 =	sadd.s32 $0x3, s0;
	v46 =	vld [tilespmem:s9+$0x20];
	v0 =	vadd.f32 v32, v9;
	v1 =	vmul.f32 v45, v44;
	v2 =	vmul.f32 v48, v40  }
0x5e5: {  	s15 =	sadd.s32 $0x6, s0;
	v32 =	vmov s2;
	v45 =	vmov s14;
	s2 =	sadd.s32 $0x4, s0;
	s14 =	sadd.s32 $0x5, s0;
	v40 =	vld [tilespmem:s9+$0x110];
	v25 =	vmul.f32 v25, v53  }
0x5e6: {  	p1 =	slt.u32 s0, $0x78;
	v34 =	vmul.f32 v34, v43;
	v53 =	vmov s2;
	v54 =	vmov s14;
	v44 =	vld [tilespmem:s9+$0x100];
	s2 =	smov.u32 s0;
	s0 =	sadd.s32 $0x8, s0  }
0x5e7: {  	v43 =	vand.u32 $0xFFFFFFF9, v32;
	v45 =	vand.u32 $0xFFFFFFFA, v45;
	v48 =	vld [tilespmem:s9+$0x120];
	[tilespmem:s8+$0xFFFFFE20] =	vst v0;
	v0 =	vmul.f32 v36, v26  }
0x5e8: {  	v26 =	vand.u32 $0xFFFFFFFC, v53;
	v53 =	vand.u32 $0xFFFFFFFD, v54;
	v25 =	vadd.f32 v25, v8;
	v32 =	vld [tilespmem:s9+$0xFFFFFFB0]  }
0x5e9: {  	v55 =	vadd.f32 v34, v9;
	v36 =	vbroadcast v43, $0x0;
	v53 =	vbroadcast v53, $0x0;
	v54 =	vld [tilespmem:s9+$0x190]  }
0x5ea: {  	v2 =	vadd.f32 v2, v10;
	v56 =	vbroadcast v45, $0x0;
	s14 =	sadd.s32 $0x7, s2;
	v26 =	vbroadcast v26, $0x0;
	v34 =	vld [tilespmem:s9+$0xFFFFFE00];
	[tilespmem:s8+$0x190] =	vst v25  }
0x5eb: {  	v24 =	vmul.f32 v24, v28;
	v43 =	vmov s14;
	v25 =	vmov s15;
	v45 =	vld [tilespmem:s9+$0x90];
	[tilespmem:s8+$0x0] =	vst v52  }
0x5ec: {  	v29 =	vadd.f32 v29, v7;
	v51 =	vadd.f32 v51, v8;
	v25 =	vand.u32 $0xFFFFFFFE, v25;
	v28 =	vld [tilespmem:s9+$0x1B0];
	[tilespmem:s8+$0x1A0] =	vst v55  }
0x5ed: {  	v47 =	vmul.f32 v35, v47;
	v24 =	vadd.f32 v24, v9;
	v52 =	vld [tilespmem:s9+$0x180];
	[tilespmem:s8+$0xFFFFFFB0] =	vst v2;
	v2 =	vmul.f32 v15, v4  }
0x5ee: {  	v49 =	vmul.f32 v49, v38;
	v31 =	vmul.f32 v31, v6;
	v0 =	vadd.f32 v0, v10;
	v55 =	vld [tilespmem:s9+$0x80];
	[tilespmem:s8+$0x100] =	vst v29  }
0x5ef: {  	v1 =	vadd.f32 v1, v7;
	v29 =	vbroadcast v25, $0x0;
	v25 =	vadd.f32 v47, v9;
	v35 =	vld [tilespmem:s9+$0xFFFFFEB0];
	[tilespmem:s8+$0xFFFFFE10] =	vst v51  }
0x5f0: {  	v31 =	vmul.f32 v42, v31;
	v47 =	vadd.f32 v49, v8;
	v49 =	vsub.f32 v50, v17;
	v38 =	vld [tilespmem:s9+$0xFFFFFE20];
	[tilespmem:s8+$0x120] =	vst v24  }
0x5f1: {  	v42 =	vmov s13;
	v2 =	vmul.f32 v23, v2;
	v23 =	vmul.f32 v15, v5;
	v24 =	vld [tilespmem:s9+$0xFFFFFF00]  }
0x5f2: {  	v42 =	vand.u32 $0xFFFFFFFB, v42;
	v50 =	vld [tilespmem:s9+$0x0];
	[tilespmem:s8+$0xFFFFFE80] =	vst v1;
	v1 =	vadd.f32 v31, v10;
	v31 =	vsub.f32 v39, v17  }
0x5f3: {  	v42 =	vbroadcast v42, $0x0;
	v17 =	vsub.f32 v41, v27;
	v41 =	vmul.f32 v21, v3;
	v39 =	vld.idx.msk [tilespmem:v43+s7+$0x0], $0xffff;
	[tilespmem:s8+$0xFFFFFE90] =	vst v47  }
0x5f4: {  	v22 =	vmul.f32 v22, v3;
	v21 =	vmul.f32 v21, v5;
	v47 =	vld [tilespmem:s9+$0xFFFFFE10];
	[tilespmem:s8+$0xFFFFFEA0] =	vst v25;
	v25 =	vsub.f32 v37, v27  }
0x5f5: {  	v17 =	vmul.f32 v17, v41;
	v37 =	vld.idx.msk [tilespmem:v26+s20+$0x0], $0xffff;
	[tilespmem:s8+$0x30] =	vst v0;
	v0 =	vadd.f32 v2, v8  }
0x5f6: {  	v18 =	vmul.f32 v18, v22;
	v2 =	vmov s2;
	v27 =	vld.idx.msk [tilespmem:v26+s7+$0x0], $0xffff;
	[tilespmem:s8+$0xFFFFFEB0] =	vst v1;
	v1 =	vmul.f32 v25, v21  }
0x5f7: {  	v2 =	vand.u32 $0xFFFFFFF8, v2;
	v17 =	vadd.f32 v17, v7;
	v41 =	vld.idx.msk [tilespmem:v56+s20+$0x0], $0xffff;
	[tilespmem:s8+$0x90] =	vst v0;
	v0 =	vmul.f32 v49, v23  }
0x5f8: {  	v21 =	vmul.f32 v15, v6;
	v2 =	vbroadcast v2, $0x0;
	v49 =	vld.idx.msk [tilespmem:v56+s7+$0x0], $0xffff;
	v1 =	vadd.f32 v1, v9;
	[tilespmem:s8+$0x1B0] =	vst v33  }
0x5f9: {  	v18 =	vadd.f32 v18, v7;
	v33 =	vsub.f32 v28, v39;
	v22 =	vld.idx.msk [tilespmem:v29+s7+$0x0], $0xffff;
	[tilespmem:s8+$0xFFFFFF80] =	vst v17  }
0x5fa: {  	v25 =	vsub.f32 v54, v39;
	v0 =	vadd.f32 v0, v9;
	v17 =	vld.idx.msk [tilespmem:v53+s7+$0x0], $0xffff;
	[tilespmem:s8+$0xFFFFFFA0] =	vst v1  }
0x5fb: {  	v1 =	vmul.f32 v19, v20;
	v19 =	vmul.f32 v31, v21;
	v15 =	vld.idx.msk [tilespmem:v53+s20+$0x0], $0xffff;
	[tilespmem:s8+$0x180] =	vst v18  }
0x5fc: {  	v16 =	vadd.f32 v16, v7;
	v18 =	vsub.f32 v52, v39;
	v23 =	vld.idx.msk [tilespmem:v29+s20+$0x0], $0xffff;
	[tilespmem:s8+$0xA0] =	vst v0  }
0x5fd: {  	v46 =	vsub.f32 v46, v27;
	v0 =	vmul.f32 v41, v3;
	v1 =	vadd.f32 v1, v7;
	v21 =	vld.idx.msk [tilespmem:v42+s20+$0x0], $0xffff  }
0x5fe: {  	v51 =	vmul.f32 v37, v4;
	v28 =	vadd.f32 v19, v10;
	v20 =	vsub.f32 v24, v49;
	v29 =	vld [tilespmem:s9+$0x130];
	[tilespmem:s8+$0xFFFFFF00] =	vst v16  }
0x5ff: {  	v30 =	vadd.f32 v30, v8;
	v26 =	vmul.f32 v37, v6;
	v31 =	vld [tilespmem:s9+$0xFFFFFF20];
	[tilespmem:s8+$0x80] =	vst v1  }
0x600: {  	v24 =	vsub.f32 v48, v22;
	v16 =	vmul.f32 v20, v0;
	v0 =	vsub.f32 v50, v27;
	v1 =	vld.idx.msk [tilespmem:v2+s7+$0x0], $0xffff  }
0x601: {  	v44 =	vsub.f32 v44, v22;
	v19 =	vsub.f32 v55, v17;
	v20 =	vmul.f32 v15, v3;
	v48 =	vld [tilespmem:s9+$0x10];
	[tilespmem:s8+$0xB0] =	vst v28  }
0x602: {  	v40 =	vsub.f32 v40, v22;
	v52 =	vmul.f32 v23, v3;
	v53 =	vmul.f32 v23, v4;
	v50 =	vld [tilespmem:s9+$0xFFFFFF30];
	[tilespmem:s8+$0xFFFFFF90] =	vst v30;
	s8 =	smov.u32 s9  }
0x603: {  	v54 =	vmul.f32 v37, v3;
	v28 =	vmul.f32 v23, v5;
	v30 =	vld [tilespmem:s9+$0xFFFFFF10];
	v22 =	vsub.f32 v29, v22  }
0x604: {  	v29 =	vmul.f32 v44, v52;
	v44 =	vmul.f32 v23, v6;
	v31 =	vsub.f32 v31, v49;
	v55 =	vld [tilespmem:s9+$0x30]  }
0x605: {  	v0 =	vmul.f32 v0, v54;
	v52 =	vmul.f32 v41, v5;
	v23 =	vsub.f32 v45, v17;
	v2 =	vld.idx.msk [tilespmem:v2+s20+$0x0], $0xffff  }
0x606: {  	v54 =	vmul.f32 v41, v6;
	v44 =	vmul.f32 v22, v44;
	v45 =	vld [tilespmem:s9+$0xFFFFFE30];
	v48 =	vsub.f32 v48, v27  }
0x607: {  	v56 =	vsub.f32 v47, v1;
	v47 =	vmul.f32 v31, v52;
	v50 =	vsub.f32 v50, v49;
	v22 =	vld.idx.msk [tilespmem:v43+s20+$0x0], $0xffff  }
0x608: {  	v41 =	vmul.f32 v41, v4;
	v43 =	vadd.f32 v44, v10;
	v52 =	vld.idx.msk [tilespmem:v36+s7+$0x0], $0xffff;
	v30 =	vsub.f32 v30, v49  }
0x609: {  	v44 =	vadd.f32 v47, v9;
	v31 =	vld.idx.msk [tilespmem:v36+s20+$0x0], $0xffff;
	v47 =	vmul.f32 v50, v54;
	v36 =	vsub.f32 v55, v27  }
0x60a: {  	v50 =	vsub.f32 v38, v1;
	v30 =	vmul.f32 v30, v41;
	v41 =	vmul.f32 v48, v51;
	[tilespmem:s9+$0x130] =	vst v43;
	v43 =	vld [tilespmem:s9+$0x1A0]  }
0x60b: {  	v40 =	vmul.f32 v40, v53;
	v51 =	vmul.f32 v2, v5;
	v38 =	vadd.f32 v47, v10;
	v27 =	vld.idx.msk [tilespmem:v42+s7+$0x0], $0xffff  }
0x60c: {  	v42 =	vsub.f32 v45, v1;
	v45 =	vmul.f32 v2, v6;
	v53 =	vld [tilespmem:s9+$0xFFFFFEA0];
	v30 =	vadd.f32 v30, v8;
	[tilespmem:s9+$0xFFFFFF20] =	vst v44  }
0x60d: {  	v37 =	vmul.f32 v37, v5;
	v54 =	vmul.f32 v21, v4;
	v44 =	vadd.f32 v40, v8;
	v47 =	vld [tilespmem:s9+$0xFFFFFE80];
	[tilespmem:s9+$0xFFFFFF30] =	vst v38  }
0x60e: {  	v1 =	vsub.f32 v34, v1;
	v40 =	vmul.f32 v21, v6;
	v42 =	vmul.f32 v42, v45;
	v48 =	vld [tilespmem:s9+$0xFFFFFE90];
	[tilespmem:s9+$0xFFFFFF10] =	vst v30  }
0x60f: {  	v37 =	vmul.f32 v46, v37;
	v38 =	vmul.f32 v31, v4;
	v30 =	vld [tilespmem:s9+$0xFFFFFF90];
	[tilespmem:s9+$0x110] =	vst v44;
	v34 =	vsub.f32 v43, v39  }
0x610: {  	v41 =	vadd.f32 v41, v8;
	v39 =	vadd.f32 v42, v10;
	v43 =	vmul.f32 v22, v5  }
0x611: {  	v37 =	vadd.f32 v37, v9;
	v42 =	vmul.f32 v2, v3;
	v44 =	vmul.f32 v31, v3  }
0x612: {  	[tilespmem:s9+$0xFFFFFE30] =	vst v39;
	v45 =	vsub.f32 v47, v52;
	v47 =	vmul.f32 v31, v5;
	v39 =	vmul.f32 v22, v6  }
.Ltmp13:
0x613: {  	v1 =	vmul.f32 v1, v42;
	v49 =	vsub.f32 v48, v52;
	v48 =	vsub.f32 v32, v27;
	[tilespmem:s9+$0x20] =	vst v37;
	(pc) =	sbr.rel @p1 .LBB2_20-.Ltmp13, $4  }
0x614: {  	v42 =	vsub.f32 v35, v52;
	v30 =	vsub.f32 v30, v27;
	v37 =	vld [tilespmem:s9+$0xFFFFFFA0];
	[tilespmem:s9+$0x10] =	vst v41;
	v33 =	vmul.f32 v33, v39  }
0x615: {  	v2 =	vmul.f32 v2, v4;
	v35 =	vsub.f32 v53, v52;
	v1 =	vadd.f32 v1, v7;
	v41 =	vld [tilespmem:s9+$0xFFFFFF80]  }
0x616: {  	v32 =	vmul.f32 v50, v51;
	v30 =	vmul.f32 v30, v54;
	v39 =	vld [tilespmem:s9+$0xB0];
	v33 =	vadd.f32 v33, v10  }
0x617: {  	v53 =	vmul.f32 v22, v4;
	v51 =	vmul.f32 v56, v2;
	v52 =	vadd.f32 v0, v7;
	s9 =	sadd.s32 $0x400, s9;
	[tilespmem:s8+$0xFFFFFE00] =	vst v1;
	v50 =	vld [tilespmem:s8+$0xA0]  }
.LBB2_21:
0x618: {  	_ = 	snop  }
0x619: {  	v1 =	vadd.f32 v32, v9;
	[tilespmem:s8+$0x0] =	vst v52  }
0x61a: {  	v2 =	vmul.f32 v34, v43;
	v46 =	vmul.f32 v48, v40;
	v48 =	vadd.f32 v29, v7;
	[tilespmem:s8+$0x1B0] =	vst v33  }
0x61b: {  	v0 =	vmul.f32 v25, v53;
	v52 =	vadd.f32 v51, v8;
	[tilespmem:s8+$0xFFFFFE20] =	vst v1  }
0x61c: {  	v1 =	vadd.f32 v2, v9;
	v2 =	vmul.f32 v24, v28;
	[tilespmem:s8+$0x100] =	vst v48  }
0x61d: {  	v54 =	vmul.f32 v35, v47;
	v0 =	vadd.f32 v0, v8;
	[tilespmem:s8+$0xFFFFFE10] =	vst v52  }
0x61e: {  	v55 =	vmul.f32 v31, v6;
	[tilespmem:s8+$0x1A0] =	vst v1;
	v1 =	vmul.f32 v45, v44;
	v2 =	vadd.f32 v2, v9  }
0x61f: {  	v56 =	vmul.f32 v15, v4;
	v59 =	vmul.f32 v21, v3;
	[tilespmem:s8+$0x190] =	vst v0;
	v0 =	vadd.f32 v46, v10  }
0x620: {  	v22 =	vmul.f32 v22, v3;
	v57 =	vmul.f32 v42, v55;
	v1 =	vadd.f32 v1, v7;
	[tilespmem:s8+$0x120] =	vst v2  }
0x621: {  	v60 =	vmul.f32 v21, v5;
	v2 =	vadd.f32 v54, v9;
	[tilespmem:s8+$0xFFFFFFB0] =	vst v0;
	v0 =	vmul.f32 v36, v26  }
0x622: {  	v61 =	vmul.f32 v15, v5;
	v18 =	vmul.f32 v18, v22;
	v24 =	vadd.f32 v57, v10;
	[tilespmem:s8+$0xFFFFFE80] =	vst v1  }
0x623: {  	v1 =	vmul.f32 v23, v56;
	[tilespmem:s8+$0xFFFFFEA0] =	vst v2;
	v2 =	vsub.f32 v37, v27;
	v0 =	vadd.f32 v0, v10  }
0x624: {  	v53 =	vmul.f32 v49, v38;
	v58 =	vsub.f32 v41, v27;
	v63 =	vadd.f32 v18, v7;
	[tilespmem:s8+$0xFFFFFEB0] =	vst v24  }
0x625: {  	v2 =	vmul.f32 v2, v60;
	[tilespmem:s8+$0x30] =	vst v0;
	v0 =	vadd.f32 v1, v8;
	v1 =	vsub.f32 v50, v17  }
0x626: {  	[tilespmem:s8+$0x180] =	vst v63;
	v26 =	vadd.f32 v53, v8;
	v23 =	vmul.f32 v58, v59  }
0x627: {  	[tilespmem:s8+$0x90] =	vst v0;
	v0 =	vmul.f32 v1, v61;
	v1 =	vadd.f32 v2, v9  }
0x628: {  	v15 =	vmul.f32 v15, v6;
	[tilespmem:s8+$0xFFFFFE90] =	vst v26;
	v62 =	vadd.f32 v23, v7;
	v2 =	vsub.f32 v39, v17  }
0x629: {  	[tilespmem:s8+$0xFFFFFFA0] =	vst v1;
	v0 =	vadd.f32 v0, v9;
	v1 =	vmul.f32 v19, v20  }
0x62a: {  	[tilespmem:s8+$0xFFFFFF80] =	vst v62;
	v2 =	vmul.f32 v2, v15;
	v15 =	vadd.f32 v16, v7  }
0x62b: {  	[tilespmem:s8+$0xA0] =	vst v0;
	v0 =	vadd.f32 v1, v7  }
0x62c: {  	[tilespmem:s8+$0xFFFFFF00] =	vst v15;
	v1 =	vadd.f32 v2, v10  }
0x62d: {  	v2 =	vadd.f32 v30, v8;
	[tilespmem:s8+$0x80] =	vst v0  }
.Ltmp14:
0x62e: {  	s0 =	sshll.u32 s28, $0x4;
	s2 =	simm.s32 $0x17500;
	[tilespmem:s8+$0xB0] =	vst v1;
	(pc) =	sbr.rel @p0 .LBB2_23-.Ltmp14, $4  }
0x62f: {  	s29 =	sshrl.u32 s28, $0x3;
	s30 =	rddreg [dreg:$0x8];
	s0 =	sadd.s32 s12, s0;
	[tilespmem:s8+$0xFFFFFF90] =	vst v2  }
0x630: {  	[hbm4b:s0+s11] =	stream.linear.scatter [tilespmem:s2], [sflag:$0x6], $0x4000, $0x38;
	[tilespmem:$0x1B880] =	vst v63  }
0x631: {  	s31 =	simm.s32 $0x1B600;
	s17 =	smov.u32 s19;
	s0 =	sadd.s32 s30, s29  }
0x632: {  	[hbm4b:s0+s11] =	stream.linear.scatter [tilespmem:s31], [sflag:$0x8], $0x80, $0x38;
	[tilespmem:$0x1B880] =	vst v63  }
0x633: {  	s0 =	simm.s32 $0x4  }
0x634: {  	_ =	swait.ge [sflag:s0], $0x80  }
0x635: {  	[sflag:s0] =	ssyncset.done $0x0  }
0x636: {  	[sflag:s0] =	ssyncadd.s32 $0xFFFFFF80  }
0x637: {  	v0 =	vld [tilespmem:$0x3480];
	_ =	sdelay $0x2  }
0x638: {  	v2 =	vld [tilespmem:$0x1FFD0]  }
0x639: {  	v15 =	vld [tilespmem:$0x1FFE0]  }
0x63a: {  	v16 =	vld [tilespmem:$0x1FFF0];
	v1 =	vshll.u32 v0, $0x1  }
0x63b: {  	v0 =	vand.u32 $0x7, v0;
	v1 =	vand.u32 $0xFFFFFFF0, v1  }
0x63c: {  	v0 =	vor.u32 v0, v1  }
0x63d: {  	v1 =	vperm.xlane v0, v2;
	_ =	sdelay $0x1  }
0x63e: {  	v0 =	vperm.xlane v0, v16;
	v1 =	vadd.s32 v15, v1;
	_ =	sdelay $0x1  }
0x63f: {  	v0 =	vadd.s32 v15, v0;
	_ =	sdelay $0x1  }
0x640: {  	s2 =	simm.s32 $0xB500  }
0x641: {  	[tilespmem:s2], [sflag:$0x2] =	stream.indirect_vreg.gather [hbm4b:s1+s11], $0x80, v1, vm3, $0xb8;
	[tilespmem:$0x1B880] =	vst v63  }
0x642: {  	s8 =	simm.s32 $0xBD00  }
0x643: {  	[tilespmem:s8], [sflag:$0x2] =	stream.indirect_vreg.gather [hbm4b:s1+s11], $0x80, v0, vm3, $0xb8;
	[tilespmem:$0x1B880] =	vst v63  }
0x644: {  	v0 =	vld [tilespmem:$0x3490];
	_ =	sdelay $0x4  }
0x645: {  	v1 =	vshll.u32 v0, $0x1  }
0x646: {  	v0 =	vand.u32 $0x7, v0;
	v1 =	vand.u32 $0xFFFFFFF0, v1  }
0x647: {  	v0 =	vor.u32 v0, v1  }
0x648: {  	v1 =	vperm.xlane v0, v2;
	_ =	sdelay $0x1  }
0x649: {  	v0 =	vperm.xlane v0, v16;
	v1 =	vadd.s32 v15, v1;
	_ =	sdelay $0x1  }
0x64a: {  	v0 =	vadd.s32 v15, v0;
	_ =	sdelay $0x1  }
0x64b: {  	s9 =	simm.s32 $0xC500  }
0x64c: {  	[tilespmem:s9], [sflag:$0x2] =	stream.indirect_vreg.gather [hbm4b:s1+s11], $0x80, v1, vm3, $0xb8;
	[tilespmem:$0x1B880] =	vst v63  }
0x64d: {  	s13 =	simm.s32 $0xCD00  }
0x64e: {  	[tilespmem:s13], [sflag:$0x2] =	stream.indirect_vreg.gather [hbm4b:s1+s11], $0x80, v0, vm3, $0xb8;
	[tilespmem:$0x1B880] =	vst v63  }
0x64f: {  	v0 =	vld [tilespmem:$0x34A0];
	_ =	sdelay $0x4  }
0x650: {  	v1 =	vshll.u32 v0, $0x1  }
0x651: {  	v0 =	vand.u32 $0x7, v0;
	v1 =	vand.u32 $0xFFFFFFF0, v1  }
0x652: {  	v0 =	vor.u32 v0, v1  }
0x653: {  	v1 =	vperm.xlane v0, v2;
	_ =	sdelay $0x1  }
0x654: {  	v0 =	vperm.xlane v0, v16;
	v1 =	vadd.s32 v15, v1;
	_ =	sdelay $0x1  }
0x655: {  	v0 =	vadd.s32 v15, v0;
	_ =	sdelay $0x1  }
0x656: {  	s14 =	simm.s32 $0xD500  }
0x657: {  	[tilespmem:s14], [sflag:$0x2] =	stream.indirect_vreg.gather [hbm4b:s1+s11], $0x80, v1, vm3, $0xb8;
	[tilespmem:$0x1B880] =	vst v63  }
0x658: {  	s15 =	simm.s32 $0xDD00  }
0x659: {  	[tilespmem:s15], [sflag:$0x2] =	stream.indirect_vreg.gather [hbm4b:s1+s11], $0x80, v0, vm3, $0xb8;
	[tilespmem:$0x1B880] =	vst v63  }
0x65a: {  	v0 =	vld [tilespmem:$0x34B0];
	_ =	sdelay $0x4  }
0x65b: {  	v1 =	vshll.u32 v0, $0x1  }
0x65c: {  	v0 =	vand.u32 $0x7, v0;
	v1 =	vand.u32 $0xFFFFFFF0, v1  }
0x65d: {  	v0 =	vor.u32 v0, v1  }
0x65e: {  	v1 =	vperm.xlane v0, v2;
	_ =	sdelay $0x1  }
0x65f: {  	v0 =	vperm.xlane v0, v16;
	v1 =	vadd.s32 v15, v1;
	_ =	sdelay $0x1  }
0x660: {  	v0 =	vadd.s32 v15, v0;
	_ =	sdelay $0x1  }
0x661: {  	s16 =	simm.s32 $0xE500  }
0x662: {  	[tilespmem:s16], [sflag:$0x2] =	stream.indirect_vreg.gather [hbm4b:s1+s11], $0x80, v1, vm3, $0xb8;
	[tilespmem:$0x1B880] =	vst v63  }
0x663: {  	s19 =	simm.s32 $0xED00  }
0x664: {  	[tilespmem:s19], [sflag:$0x2] =	stream.indirect_vreg.gather [hbm4b:s1+s11], $0x80, v0, vm3, $0xb8;
	[tilespmem:$0x1B880] =	vst v63  }
0x665: {  	v0 =	vld [tilespmem:$0x34C0];
	_ =	sdelay $0x4  }
0x666: {  	v1 =	vshll.u32 v0, $0x1  }
0x667: {  	v0 =	vand.u32 $0x7, v0;
	v1 =	vand.u32 $0xFFFFFFF0, v1  }
0x668: {  	v0 =	vor.u32 v0, v1  }
0x669: {  	v1 =	vperm.xlane v0, v2;
	_ =	sdelay $0x1  }
0x66a: {  	v0 =	vperm.xlane v0, v16;
	v1 =	vadd.s32 v15, v1;
	_ =	sdelay $0x1  }
0x66b: {  	v0 =	vadd.s32 v15, v0;
	_ =	sdelay $0x1  }
0x66c: {  	s23 =	simm.s32 $0xF500  }
0x66d: {  	[tilespmem:s23], [sflag:$0x2] =	stream.indirect_vreg.gather [hbm4b:s1+s11], $0x80, v1, vm3, $0xb8;
	[tilespmem:$0x1B880] =	vst v63  }
0x66e: {  	s24 =	simm.s32 $0xFD00  }
0x66f: {  	[tilespmem:s24], [sflag:$0x2] =	stream.indirect_vreg.gather [hbm4b:s1+s11], $0x80, v0, vm3, $0xb8;
	[tilespmem:$0x1B880] =	vst v63  }
0x670: {  	v0 =	vld [tilespmem:$0x34D0];
	_ =	sdelay $0x4  }
0x671: {  	v1 =	vshll.u32 v0, $0x1  }
0x672: {  	v0 =	vand.u32 $0x7, v0;
	v1 =	vand.u32 $0xFFFFFFF0, v1  }
0x673: {  	v0 =	vor.u32 v0, v1  }
0x674: {  	v1 =	vperm.xlane v0, v2;
	_ =	sdelay $0x1  }
0x675: {  	v0 =	vperm.xlane v0, v16;
	v1 =	vadd.s32 v15, v1;
	_ =	sdelay $0x1  }
0x676: {  	v0 =	vadd.s32 v15, v0;
	_ =	sdelay $0x1  }
0x677: {  	s25 =	simm.s32 $0x10500  }
0x678: {  	[tilespmem:s25], [sflag:$0x2] =	stream.indirect_vreg.gather [hbm4b:s1+s11], $0x80, v1, vm3, $0xb8;
	[tilespmem:$0x1B880] =	vst v63  }
0x679: {  	s26 =	simm.s32 $0x10D00  }
0x67a: {  	[tilespmem:s26], [sflag:$0x2] =	stream.indirect_vreg.gather [hbm4b:s1+s11], $0x80, v0, vm3, $0xb8;
	[tilespmem:$0x1B880] =	vst v63  }
0x67b: {  	v0 =	vld [tilespmem:$0x34E0];
	_ =	sdelay $0x4  }
0x67c: {  	v1 =	vshll.u32 v0, $0x1  }
0x67d: {  	v0 =	vand.u32 $0x7, v0;
	v1 =	vand.u32 $0xFFFFFFF0, v1  }
0x67e: {  	v0 =	vor.u32 v0, v1  }
0x67f: {  	v1 =	vperm.xlane v0, v2;
	_ =	sdelay $0x1  }
0x680: {  	v0 =	vperm.xlane v0, v16;
	v1 =	vadd.s32 v15, v1;
	_ =	sdelay $0x1  }
0x681: {  	v0 =	vadd.s32 v15, v0;
	_ =	sdelay $0x1  }
0x682: {  	s28 =	simm.s32 $0x11500  }
0x683: {  	[tilespmem:s28], [sflag:$0x2] =	stream.indirect_vreg.gather [hbm4b:s1+s11], $0x80, v1, vm3, $0xb8;
	[tilespmem:$0x1B880] =	vst v63  }
0x684: {  	s29 =	simm.s32 $0x11D00  }
0x685: {  	[tilespmem:s29], [sflag:$0x2] =	stream.indirect_vreg.gather [hbm4b:s1+s11], $0x80, v0, vm3, $0xb8;
	[tilespmem:$0x1B880] =	vst v63  }
0x686: {  	v0 =	vld [tilespmem:$0x34F0];
	_ =	sdelay $0x4  }
0x687: {  	v1 =	vshll.u32 v0, $0x1  }
0x688: {  	v0 =	vand.u32 $0x7, v0;
	v1 =	vand.u32 $0xFFFFFFF0, v1  }
0x689: {  	v0 =	vor.u32 v0, v1  }
0x68a: {  	v1 =	vperm.xlane v0, v2;
	_ =	sdelay $0x1  }
0x68b: {  	v0 =	vperm.xlane v0, v16;
	v1 =	vadd.s32 v15, v1;
	_ =	sdelay $0x1  }
0x68c: {  	v0 =	vadd.s32 v15, v0  }
.Ltmp15:
0x68d: {  	_ = 	snop;
	(pc) =	sbr.rel .LBB2_4-.Ltmp15, $4  }
0x68e: {  	s30 =	simm.s32 $0x12500;
	s31 =	simm.s32 $0x12D00;
	s18 =	sadd.s32 $0x1, s18  }
0x68f: {  	[tilespmem:s30], [sflag:$0x2] =	stream.indirect_vreg.gather [hbm4b:s1+s11], $0x80, v1, vm3, $0xb8;
	[tilespmem:$0x1B880] =	vst v63  }
0x690: {  	s22 =	sadd.s32 $0x4000, s22;
	s21 =	sadd.s32 $0x100, s21;
	s3 =	sadd.s32 $0x4000, s3  }
0x691: {  	[tilespmem:s31], [sflag:$0x2] =	stream.indirect_vreg.gather [hbm4b:s1+s11], $0x80, v0, vm3, $0xb8;
	[tilespmem:$0x1B880] =	vst v63  }
.LBB2_24:
0x692: {  	_ =	sfence.sel $0x180000  }
0x693: {  	[bflag:$0x0] =	sbarrier.arrive $0xFFFF  }
0x694: {  	_ =	strace $0x90000047  }
0x695: {  	s0 =	stileid.u32;
	[bflag:$0x2] =	sbarrier.arrive $0xFFFF  }
0x696: {  	p0 =	sne.s32 s0, $0x0;
	s0 =	rddreg [dreg:$0x9]  }
0x697: {  	s0 =	sadd.s32 @!p0 $0x100000, s0  }
0x698: {  	[sflag:s0] =	ssyncadd.tile.s32 @!p0 $0x1;
	_ =	shalt  }
.Lfunc_end2:
_tile_overlayer_lowered:
.L_overlay_start_2:
0x699: {  	(tag) =	ssettag $0x2  }
0x69a: {  	s0 =	rddreg [dreg:$0x0];
	s2 =	stileid.u32  }
0x69b: {  	s1 =	rddreg [dreg:$0x1];
	p0 =	sne.s32 s2, $0x0  }
0x69c: {  	s3 =	rddreg [dreg:$0x2];
	[bflag:$0x3] =	sbarrier.arrive $0xFFFF;
	s2 =	simm.s32 @!p0 $0x1C09  }
0x69d: {  	[timem:s3], [sflag:s2] =	dma.local @!p0 [hbm:s0], s1  }
0x69e: {  	s0 =	simm.s32 @!p0 $0x9  }
0x69f: {  	_ =	swait.ge @!p0 [sflag:s0], s1  }
0x6a0: {  	s1 =	ssub.s32 @!p0 $0x0, s1;
	[sflag:s0] =	ssyncset.done @!p0 $0x0  }
0x6a1: {  	[sflag:s0] =	ssyncadd.s32 @!p0 s1  }
0x6a2: {  	[bflag:$0x3] =	sbarrier.arrive $0xFFFF  }
0x6a3: {  	_ =	shalt  }

</sc_bundles>
